<compile_context>
chip_gen: v7x
topology: tpu7x:2x2x1
jax: 0.10.2.dev20260603
libtpu: 0.0.44.dev20260713+nightly
codegen_flags: <defaults>
</compile_context>

<pallas_src>
import functools

import jax
import jax.numpy as jnp
from jax import lax
from jax.experimental import pallas as pl
from jax.experimental.pallas import tpu as pltpu
from jax.experimental.pallas import tpu_sc as plsc

N = 4096
E = 65536
IN_CH = 256
HIDDEN = 64
OUT_CH = 256
BLK = 512
NB = N // BLK

_NTILES = 32
_EPT = E // _NTILES
_ROWS_PT = _EPT // 128



@functools.lru_cache(maxsize=None)
def _sc_kernels():
    mesh = plsc.VectorSubcoreMesh(core_axis_name="c", subcore_axis_name="s")

    @functools.partial(
        pl.kernel, mesh=mesh,
        out_type=jax.ShapeDtypeStruct((2, N, 16), jnp.float32),
        compiler_params=pltpu.CompilerParams(use_tc_tiling_on_sc=False),
        scratch_types=[
            pltpu.VMEM((_ROWS_PT, 128), jnp.int32),
            pltpu.VMEM((128, 16), jnp.float32),
            pltpu.VMEM_SHARED((N, 16), jnp.float32),
            pltpu.SemaphoreType.DMA,
        ],
    )
    def sc_deg(dst2d, zer16, ones16, out, idx_v, ones_v, hist_sh, sem):
        c = lax.axis_index("c")
        s = lax.axis_index("s")
        wid = s * 2 + c

        @pl.when(s == 0)
        def _():
            pltpu.sync_copy(zer16, hist_sh)

        plsc.subcore_barrier()
        pltpu.sync_copy(dst2d.at[pl.ds(wid * _ROWS_PT, _ROWS_PT)], idx_v)
        pltpu.sync_copy(ones16, ones_v)
        descs = [pltpu.async_copy(ones_v, hist_sh.at[idx_v.at[j]], sem,
                                  add=True)
                 for j in range(_ROWS_PT)]
        for d in descs:
            d.wait()
        plsc.subcore_barrier()
        pltpu.sync_copy(hist_sh.at[pl.ds(s * (N // 16), N // 16)],
                        out.at[c, pl.ds(s * (N // 16), N // 16)])

    @functools.partial(
        pl.kernel, mesh=mesh,
        out_type=jax.ShapeDtypeStruct((2, N, HIDDEN), jnp.float32),
        compiler_params=pltpu.CompilerParams(use_tc_tiling_on_sc=False),
        scratch_types=[
            pltpu.VMEM((_ROWS_PT, 128), jnp.int32),
            pltpu.VMEM((_ROWS_PT, 128), jnp.int32),
            pltpu.VMEM((128, HIDDEN), jnp.float32),
            pltpu.VMEM((128, HIDDEN), jnp.float32),
            pltpu.VMEM_SHARED((N, HIDDEN), jnp.float32),
            pltpu.SemaphoreType.DMA,
            pltpu.SemaphoreType.DMA,
        ],
    )
    def sc_agg(src2d, dst2d, y0, zer64, out,
               isrc, idst, rows_v, rows_v2, agg_sh, sem, sem2):
        c = lax.axis_index("c")
        s = lax.axis_index("s")
        wid = s * 2 + c

        @pl.when(s == 0)
        def _():
            pltpu.sync_copy(zer64, agg_sh)

        plsc.subcore_barrier()
        pltpu.sync_copy(src2d.at[pl.ds(wid * _ROWS_PT, _ROWS_PT)], isrc)
        pltpu.sync_copy(dst2d.at[pl.ds(wid * _ROWS_PT, _ROWS_PT)], idst)
        bufs = (rows_v, rows_v2)
        sems = (sem, sem2)
        descs = [None] * _ROWS_PT
        descs[0] = pltpu.async_copy(y0.at[isrc.at[0]], bufs[0], sems[0])
        for j in range(_ROWS_PT):
            descs[j].wait()
            if j + 1 < _ROWS_PT:
                descs[j + 1] = pltpu.async_copy(
                    y0.at[isrc.at[j + 1]], bufs[(j + 1) % 2], sems[(j + 1) % 2])
            pltpu.sync_copy(bufs[j % 2], agg_sh.at[idst.at[j]], add=True)
        plsc.subcore_barrier()
        pltpu.sync_copy(agg_sh.at[pl.ds(s * (N // 16), N // 16)],
                        out.at[c, pl.ds(s * (N // 16), N // 16)])

    @functools.partial(
        pl.kernel, mesh=mesh,
        out_type=jax.ShapeDtypeStruct((8,), jnp.float32),
        scratch_types=[
            pltpu.VMEM((_ROWS_PT, 128), jnp.int32),
            pltpu.VMEM((128,), jnp.float32),
            pltpu.SemaphoreType.DMA,
        ],
    )
    def sc_orig(flat2d, ones1d, adj_ref, dummy, idx_v, ones_v, sem):
        c = lax.axis_index("c")
        s = lax.axis_index("s")
        wid = s * 2 + c
        pltpu.sync_copy(flat2d.at[pl.ds(wid * _ROWS_PT, _ROWS_PT)], idx_v)
        pltpu.sync_copy(ones1d, ones_v)
        descs = [pltpu.async_copy(ones_v, adj_ref.at[idx_v.at[j]], sem)
                 for j in range(_ROWS_PT)]
        for d in descs:
            d.wait()

        @pl.when(jnp.logical_and(c == 0, s == 0))
        def _():
            pltpu.sync_copy(ones_v.at[pl.ds(0, 8)], dummy)

    return sc_deg, sc_agg, sc_orig



def _prep_body(x_ref, w0_ref, degp_ref, xw_ref, y0_ref):
    xw = jnp.dot(x_ref[...].astype(jnp.bfloat16),
                 w0_ref[...].astype(jnp.bfloat16),
                 preferred_element_type=jnp.float32)
    deg = degp_ref[0, :, 0:1] + degp_ref[1, :, 0:1] + 1.0
    dis = 1.0 / jnp.sqrt(deg)
    xw_ref[...] = xw
    y0_ref[...] = (dis * xw).astype(jnp.bfloat16).astype(jnp.float32)


def _h_body(aggp_ref, y0_ref, degp_ref, b0_ref, h_ref):
    deg = degp_ref[0, :, 0:1] + degp_ref[1, :, 0:1] + 1.0
    dis = 1.0 / jnp.sqrt(deg)
    agg = aggp_ref[0] + aggp_ref[1] + y0_ref[...]
    h_ref[...] = dis * agg + b0_ref[...]


def _logits_body(ha_ref, hb_ref, out_ref, mx_ref):
    i = pl.program_id(0)
    j = pl.program_id(1)
    t = lax.dot_general(ha_ref[...].astype(jnp.bfloat16),
                        hb_ref[...].astype(jnp.bfloat16),
                        (((1,), (1,)), ((), ())),
                        preferred_element_type=jnp.float32)
    out_ref[...] = t
    prev = jnp.where((i == 0) & (j == 0),
                     jnp.full((1, 1), -jnp.inf, jnp.float32), mx_ref[...])
    mx_ref[...] = jnp.maximum(prev, jnp.max(t).reshape(1, 1))


def _sample_body(ha_ref, hb_ref, orig_ref, u_ref, m_ref,
                 samp_ref, samp16_ref, rs_ref):
    i = pl.program_id(0)
    j = pl.program_id(1)
    m = m_ref[0, 0]
    logits = lax.dot_general(ha_ref[...].astype(jnp.bfloat16),
                             hb_ref[...].astype(jnp.bfloat16),
                             (((1,), (1,)), ((), ())),
                             preferred_element_type=jnp.float32)
    ep = 0.8 * (logits / m) + 0.2 * orig_ref[...]
    ep = jnp.where(ep < 0.0, 0.0, ep)
    p = jnp.clip(ep, 1e-6, 1.0 - 1e-6)
    r = (p + u_ref[...] > 1.0).astype(jnp.float32)
    rows = lax.broadcasted_iota(jnp.int32, (BLK, BLK), 0)
    cols = lax.broadcasted_iota(jnp.int32, (BLK, BLK), 1)
    tri = jnp.where(rows < cols, r, 0.0)
    sym = tri + tri.T + jnp.where(rows == cols, 1.0, 0.0)
    out = jnp.where(i < j, r, jnp.where(i > j, r.T, sym))
    samp_ref[...] = out
    samp16_ref[...] = out.astype(jnp.bfloat16)
    prev = jnp.where(j == 0, jnp.zeros((BLK, 1), jnp.float32), rs_ref[...])
    rs_ref[...] = prev + jnp.sum(out, axis=1, keepdims=True)


def _h1_body(a_ref, xwk_ref, csk_ref, xwi_ref, csi_ref, b0_ref, pa_ref,
             h1_ref, z_ref, sm_ref, sq_ref, acc_ref):
    i = pl.program_id(0)
    k = pl.program_id(1)
    dis_k = lax.rsqrt(csk_ref[...] + 1.0)
    y1_k = xwk_ref[...] * dis_k

    @pl.when(k == 0)
    def _():
        acc_ref[...] = jnp.zeros_like(acc_ref)

    acc_ref[...] += jnp.dot(a_ref[...], y1_k.astype(jnp.bfloat16),
                            preferred_element_type=jnp.float32)

    @pl.when(k == NB - 1)
    def _():
        dis_i = lax.rsqrt(csi_ref[...] + 1.0)
        y1_i = xwi_ref[...] * dis_i
        h1 = dis_i * (acc_ref[...] + y1_i) + b0_ref[...]
        h1_ref[...] = h1
        a = pa_ref[0, 0]
        z_ref[...] = jnp.where(h1 >= 0.0, h1, a * h1)
        pv_s = jnp.where(i == 0, jnp.zeros((1, HIDDEN), jnp.float32),
                         sm_ref[...])
        pv_q = jnp.where(i == 0, jnp.zeros((1, HIDDEN), jnp.float32),
                         sq_ref[...])
        sm_ref[...] = pv_s + jnp.sum(h1, axis=0, keepdims=True)
        sq_ref[...] = pv_q + jnp.sum(h1 * h1, axis=0, keepdims=True)


def _out_body(a_ref, h1k_ref, csk_ref, h1i_ref, csi_ref, sm_ref, sq_ref,
              gam_ref, bet_ref, w1_ref, b1_ref, out_ref, acc_ref, gself_ref):
    k = pl.program_id(1)
    mean = sm_ref[...] / N
    var = sq_ref[...] / N - mean * mean
    inv = lax.rsqrt(var + 1e-5)

    def bn_g(h1, cs):
        hbn = (h1 - mean) * inv * gam_ref[...] + bet_ref[...]
        h2 = jnp.maximum(hbn, 0.0)
        return lax.rsqrt(cs + 1.0) * h2

    g_k = bn_g(h1k_ref[...], csk_ref[...])

    @pl.when(k == 0)
    def _():
        acc_ref[...] = jnp.zeros_like(acc_ref)

    acc_ref[...] += jnp.dot(a_ref[...], g_k.astype(jnp.bfloat16),
                            preferred_element_type=jnp.float32)

    @pl.when(k == NB - 1)
    def _():
        g_i = bn_g(h1i_ref[...], csi_ref[...])
        s = acc_ref[...] + g_i
        dis_i = lax.rsqrt(csi_ref[...] + 1.0)
        out_ref[...] = dis_i * jnp.dot(s, w1_ref[...],
                                       preferred_element_type=jnp.float32) \
            + b1_ref[...]


def _vspec(shape, imap):
    return pl.BlockSpec(shape, imap)


_SMEM_SPEC = pl.BlockSpec(memory_space=pltpu.SMEM)


def kernel(x, edge_index, W0, b0, W1, b1, prelu_a, gamma, beta):
    src = edge_index[0].astype(jnp.int32)
    dst = edge_index[1].astype(jnp.int32)
    src2d = src.reshape(E // 128, 128)
    dst2d = dst.reshape(E // 128, 128)
    flat2d = (src * N + dst).reshape(E // 128, 128)
    u = jax.random.uniform(jax.random.key(42), (N, N),
                           minval=1e-6, maxval=1.0 - 1e-6)
    zer16 = jnp.zeros((N, 16), jnp.float32)
    ones16 = jnp.ones((128, 16), jnp.float32)
    zer64 = jnp.zeros((N, HIDDEN), jnp.float32)
    ones1d = jnp.ones((128,), jnp.float32)
    b0r = b0.reshape(1, HIDDEN)
    b1r = b1.reshape(1, OUT_CH)
    gam = gamma.reshape(1, HIDDEN)
    bet = beta.reshape(1, HIDDEN)
    pa = prelu_a.reshape(1, 1)

    sc_deg, sc_agg, sc_orig = _sc_kernels()

    degp = sc_deg(dst2d, zer16, ones16)

    xw0, y0 = pl.pallas_call(
        _prep_body,
        grid=(NB,),
        in_specs=[
            _vspec((BLK, IN_CH), lambda i: (i, 0)),
            _vspec((IN_CH, HIDDEN), lambda i: (0, 0)),
            _vspec((2, BLK, 16), lambda i: (0, i, 0)),
        ],
        out_specs=[
            _vspec((BLK, HIDDEN), lambda i: (i, 0)),
            _vspec((BLK, HIDDEN), lambda i: (i, 0)),
        ],
        out_shape=[
            jax.ShapeDtypeStruct((N, HIDDEN), jnp.float32),
            jax.ShapeDtypeStruct((N, HIDDEN), jnp.float32),
        ],
    )(x, W0, degp)

    aggp = sc_agg(src2d, dst2d, y0, zer64)

    h = pl.pallas_call(
        _h_body,
        grid=(NB,),
        in_specs=[
            _vspec((2, BLK, HIDDEN), lambda i: (0, i, 0)),
            _vspec((BLK, HIDDEN), lambda i: (i, 0)),
            _vspec((2, BLK, 16), lambda i: (0, i, 0)),
            _vspec((1, HIDDEN), lambda i: (0, 0)),
        ],
        out_specs=_vspec((BLK, HIDDEN), lambda i: (i, 0)),
        out_shape=jax.ShapeDtypeStruct((N, HIDDEN), jnp.float32),
    )(aggp, y0, degp, b0r)

    adj_logits, mx = pl.pallas_call(
        _logits_body,
        grid=(NB, NB),
        in_specs=[
            _vspec((BLK, HIDDEN), lambda i, j: (i, 0)),
            _vspec((BLK, HIDDEN), lambda i, j: (j, 0)),
        ],
        out_specs=[
            _vspec((BLK, BLK), lambda i, j: (i, j)),
            _vspec((1, 1), lambda i, j: (0, 0)),
        ],
        out_shape=[
            jax.ShapeDtypeStruct((N, N), jnp.float32),
            jax.ShapeDtypeStruct((1, 1), jnp.float32),
        ],
    )(h, h)

    adjr = jax.new_ref(jnp.zeros((N * N,), jnp.float32))
    sc_orig(flat2d, ones1d, adjr)
    adj_orig = adjr[...].reshape(N, N)

    adj_sampled, adj16, rowsum = pl.pallas_call(
        _sample_body,
        grid=(NB, NB),
        in_specs=[
            _vspec((BLK, HIDDEN), lambda i, j: (jnp.minimum(i, j), 0)),
            _vspec((BLK, HIDDEN), lambda i, j: (jnp.maximum(i, j), 0)),
            _vspec((BLK, BLK),
                   lambda i, j: (jnp.minimum(i, j), jnp.maximum(i, j))),
            _vspec((BLK, BLK),
                   lambda i, j: (jnp.minimum(i, j), jnp.maximum(i, j))),
            _SMEM_SPEC,
        ],
        out_specs=[
            _vspec((BLK, BLK), lambda i, j: (i, j)),
            _vspec((BLK, BLK), lambda i, j: (i, j)),
            _vspec((BLK, 1), lambda i, j: (i, 0)),
        ],
        out_shape=[
            jax.ShapeDtypeStruct((N, N), jnp.float32),
            jax.ShapeDtypeStruct((N, N), jnp.bfloat16),
            jax.ShapeDtypeStruct((N, 1), jnp.float32),
        ],
    )(h, h, adj_orig, u, mx)

    h1, z, sm, sq = pl.pallas_call(
        _h1_body,
        grid=(NB, NB),
        in_specs=[
            _vspec((BLK, BLK), lambda i, k: (i, k)),
            _vspec((BLK, HIDDEN), lambda i, k: (k, 0)),
            _vspec((BLK, 1), lambda i, k: (k, 0)),
            _vspec((BLK, HIDDEN), lambda i, k: (i, 0)),
            _vspec((BLK, 1), lambda i, k: (i, 0)),
            _vspec((1, HIDDEN), lambda i, k: (0, 0)),
            _SMEM_SPEC,
        ],
        out_specs=[
            _vspec((BLK, HIDDEN), lambda i, k: (i, 0)),
            _vspec((BLK, HIDDEN), lambda i, k: (i, 0)),
            _vspec((1, HIDDEN), lambda i, k: (0, 0)),
            _vspec((1, HIDDEN), lambda i, k: (0, 0)),
        ],
        out_shape=[
            jax.ShapeDtypeStruct((N, HIDDEN), jnp.float32),
            jax.ShapeDtypeStruct((N, HIDDEN), jnp.float32),
            jax.ShapeDtypeStruct((1, HIDDEN), jnp.float32),
            jax.ShapeDtypeStruct((1, HIDDEN), jnp.float32),
        ],
        scratch_shapes=[pltpu.VMEM((BLK, HIDDEN), jnp.float32)],
    )(adj16, xw0, rowsum, xw0, rowsum, b0r, pa)

    out = pl.pallas_call(
        _out_body,
        grid=(NB, NB),
        in_specs=[
            _vspec((BLK, BLK), lambda i, k: (i, k)),
            _vspec((BLK, HIDDEN), lambda i, k: (k, 0)),
            _vspec((BLK, 1), lambda i, k: (k, 0)),
            _vspec((BLK, HIDDEN), lambda i, k: (i, 0)),
            _vspec((BLK, 1), lambda i, k: (i, 0)),
            _vspec((1, HIDDEN), lambda i, k: (0, 0)),
            _vspec((1, HIDDEN), lambda i, k: (0, 0)),
            _vspec((1, HIDDEN), lambda i, k: (0, 0)),
            _vspec((1, HIDDEN), lambda i, k: (0, 0)),
            _vspec((HIDDEN, OUT_CH), lambda i, k: (0, 0)),
            _vspec((1, OUT_CH), lambda i, k: (0, 0)),
        ],
        out_specs=_vspec((BLK, OUT_CH), lambda i, k: (i, 0)),
        out_shape=jax.ShapeDtypeStruct((N, OUT_CH), jnp.float32),
        scratch_shapes=[pltpu.VMEM((BLK, HIDDEN), jnp.float32),
                        pltpu.VMEM((BLK, HIDDEN), jnp.float32)],
    )(adj16, h1, rowsum, h1, rowsum, sm, sq, gam, bet, W1, b1r)

    return (out, z, adj_sampled, adj_logits, adj_orig)

# --- scband reference (transcript-rebuilt; emitter-appended) ---
"""Pipeline reference for scband-gcn-aug-52527450030632 (READ-ONLY COPY).

The authoritative reference and input builder live on the scoring server;
editing this copy changes nothing except your own understanding.
"""

import jax, jax.numpy as jnp
import numpy as np

N = 4096
E = 65536
IN_CH = 256
HIDDEN = 64
OUT_CH = 256


def setup_inputs(seed: int = 0):
    key = jax.random.key(seed)
    ks = jax.random.split(key, 8)
    x = jax.random.normal(ks[0], (N, IN_CH), dtype=jnp.float32)
    edge_index = jax.random.randint(ks[1], (2, E), 0, N)
    W0 = jax.random.normal(ks[2], (IN_CH, HIDDEN), dtype=jnp.float32) * (2.0 / (IN_CH + HIDDEN)) ** 0.5
    b0 = jnp.zeros((HIDDEN,), jnp.float32)
    W1 = jax.random.normal(ks[3], (HIDDEN, OUT_CH), dtype=jnp.float32) * (2.0 / (HIDDEN + OUT_CH)) ** 0.5
    b1 = jnp.zeros((OUT_CH,), jnp.float32)
    prelu_a = jnp.asarray(0.25, jnp.float32)
    gamma = jnp.ones((HIDDEN,), jnp.float32)
    beta = jnp.zeros((HIDDEN,), jnp.float32)
    return {"x": x, "edge_index": edge_index, "W0": W0, "b0": b0, "W1": W1, "b1": b1, "prelu_a": prelu_a, "gamma": gamma, "beta": beta}


def _gcn_dense(x, A, W, b):
    # PyG GCNConv with add_self_loops=True, symmetric gcn_norm, in dense form.
    # A[s, d] = edge weight of edge s -> d (duplicates accumulated, as scatter-add would).
    n = A.shape[0]
    A_eff = A + jnp.eye(n, dtype=A.dtype)
    deg = A_eff.sum(axis=0)  # target-node degree (col in PyG gcn_norm)
    dis = jnp.where(deg > 0, 1.0 / jnp.sqrt(deg), 0.0)
    xw = x @ W
    return dis[:, None] * (A_eff.T @ (dis[:, None] * xw)) + b


def _forward(x, edge_index, W0, b0, W1, b1, prelu_a, gamma, beta):
    src = edge_index[0]
    dst = edge_index[1]
    # dense adjacency for the first conv (scatter-add for duplicate edges)
    A0 = jnp.zeros((N, N), jnp.float32).at[src, dst].add(1.0)
    # adj_orig: loop of adj_orig[i, j] = 1 -> scatter-set
    adj_orig = jnp.zeros((N, N), jnp.float32).at[src, dst].set(1.0)
    # sample(): first conv on original graph
    h = _gcn_dense(x, A0, W0, b0)
    adj_logits = h @ h.T
    edge_probs = adj_logits / jnp.max(adj_logits)
    edge_probs = 0.8 * edge_probs + 0.2 * adj_orig
    edge_probs = jnp.where(edge_probs < 0, jnp.zeros_like(edge_probs), edge_probs)
    # RelaxedBernoulliStraightThrough(temperature=1).rsample()
    p = jnp.clip(edge_probs, 1e-6, 1.0 - 1e-6)  # clip for numerical stability at p=0
    logits = jnp.log(p) - jnp.log1p(-p)
    u = jax.random.uniform(jax.random.key(42), (N, N), minval=1e-6, maxval=1.0 - 1e-6)
    noise = jnp.log(u) - jnp.log1p(-u)
    soft = jax.nn.sigmoid(logits + noise)  # temperature = 1
    adj_sampled = soft + jax.lax.stop_gradient(jnp.round(soft) - soft)  # straight-through
    adj_sampled = jnp.triu(adj_sampled, 1)
    adj_sampled = adj_sampled + adj_sampled.T
    eye = jnp.eye(N, dtype=jnp.float32)
    adj_sampled = adj_sampled * (1.0 - eye) + eye  # fill_diagonal_(1)
    # edge_index = adj_sampled.nonzero().t() detaches grads in torch -> stop_gradient here;
    # values are exactly {0,1} after straight-through so dense matmul == edge-list GCNConv.
    A = jax.lax.stop_gradient(adj_sampled)
    h1 = _gcn_dense(x, A, W0, b0)
    z = jnp.where(h1 >= 0, h1, prelu_a * h1)  # PReLU
    # BatchNorm1d in (default) training mode: batch statistics, biased variance
    mean = jnp.mean(h1, axis=0)
    var = jnp.var(h1, axis=0)
    hbn = (h1 - mean) / jnp.sqrt(var + 1e-5) * gamma + beta
    h2 = jax.nn.relu(hbn)  # dropout p=0.0 is identity
    out = _gcn_dense(h2, A, W1, b1)
    return (out, z, adj_sampled, adj_logits, adj_orig)


def reference(x, edge_index, W0, b0, W1, b1, prelu_a, gamma, beta):
    return _forward(x, edge_index, W0, b0, W1, b1, prelu_a, gamma, beta)

if __name__ == "__main__":
    import jax
    _d = setup_inputs()
    print(jax.jit(kernel)(*tuple(_d.values())))

</pallas_src>

<mosaic_0001>
#map = affine_map<(d0, d1) -> (0, 0)>
#map1 = affine_map<(d0, d1) -> (0, 0, 0)>
module attributes {stable_mosaic.version = 14 : i64} {
  func.func @sc_deg(%arg0: i32, %arg1: i32, %arg2: memref<512x128xi32, #tpu.memory_space<hbm>>, %arg3: memref<4096x16xf32, #tpu.memory_space<hbm>>, %arg4: memref<128x16xf32, #tpu.memory_space<hbm>>, %arg5: memref<2x4096x16xf32, #tpu.memory_space<hbm>>, %arg6: memref<16x128xi32, #tpu.memory_space<vmem>>, %arg7: memref<128x16xf32, #tpu.memory_space<vmem>>, %arg8: memref<4096x16xf32, #tpu.memory_space<vmem_shared>>, %arg9: memref<!tpu.dma_semaphore, #tpu.memory_space<semaphore_mem>>) attributes {dimension_semantics = [#tpu.dimension_semantics<core_parallel>, #tpu.dimension_semantics<subcore_parallel>], iteration_bounds = array<i64: 2, 16>, scalar_prefetch = 0 : i64, scratch_operands = 4 : i64, tpu.core_type = #tpu.core_type<sc_vector_subcore>, window_params = [{transform_indices = #map}, {transform_indices = #map}, {transform_indices = #map}, {transform_indices = #map1}]} {
    %mul3A = arith.constant 2 : i32
    %mul3A_0 = arith.muli %arg1, %mul3A : i32
    %add3A = arith.addi %mul3A_0, %arg0 : i32
    %eq3A = arith.constant 0 : i32
    %eq3A_1 = arith.cmpi eq, %arg1, %eq3A : i32
    %convert_element_type3A = arith.extui %eq3A_1 : i1 to i32
    %cond3A = arith.constant 0 : i32
    %cond3A_2 = arith.cmpi ne, %convert_element_type3A, %cond3A : i32
    scf.if %cond3A_2 {
      "tpu.region"() ({
        %run_scoped3A = tpu.sem_alloc : memref<!tpu.dma_semaphore, #tpu.memory_space<semaphore_mem>>
        tpu.enqueue_dma source(%arg3 : memref<4096x16xf32, #tpu.memory_space<hbm>>) target(%arg8 : memref<4096x16xf32, #tpu.memory_space<vmem_shared>>) target_semaphore(%run_scoped3A : memref<!tpu.dma_semaphore, #tpu.memory_space<semaphore_mem>>)
        tpu.wait_dma2 semaphore(%run_scoped3A : memref<!tpu.dma_semaphore, #tpu.memory_space<semaphore_mem>>) src(%arg3 : memref<4096x16xf32, #tpu.memory_space<hbm>>) dst(%arg8 : memref<4096x16xf32, #tpu.memory_space<vmem_shared>>)
        tpu.yield
      }) : () -> ()
    } else {
    }
    %barrier3A = arith.constant 0 : index
    tpu.barrier barrier_id(%barrier3A)
    %mul3A_3 = arith.constant 16 : i32
    %mul3A_4 = arith.muli %add3A, %mul3A_3 : i32
    "tpu.region"() ({
      %run_scoped3A = tpu.sem_alloc : memref<!tpu.dma_semaphore, #tpu.memory_space<semaphore_mem>>
      %dma_start3A_232 = arith.constant 0 : i32
      %dma_start3A_233 = tpu.memref_slice %arg2[%mul3A_4, %dma_start3A_232] : memref<512x128xi32, #tpu.memory_space<hbm>> -> memref<16x128xi32, #tpu.memory_space<hbm>>
      %dma_start3A_234 = arith.constant 0 : i32
      %dma_start3A_235 = tpu.memref_slice %arg2[%mul3A_4, %dma_start3A_234] : memref<512x128xi32, #tpu.memory_space<hbm>> -> memref<16x128xi32, #tpu.memory_space<hbm>>
      tpu.enqueue_dma source(%dma_start3A_235 : memref<16x128xi32, #tpu.memory_space<hbm>>) target(%arg6 : memref<16x128xi32, #tpu.memory_space<vmem>>) target_semaphore(%run_scoped3A : memref<!tpu.dma_semaphore, #tpu.memory_space<semaphore_mem>>)
      %dma_wait3A_236 = arith.constant 0 : i32
      %dma_wait3A_237 = tpu.memref_slice %arg2[%mul3A_4, %dma_wait3A_236] : memref<512x128xi32, #tpu.memory_space<hbm>> -> memref<16x128xi32, #tpu.memory_space<hbm>>
      %dma_wait3A_238 = arith.constant 0 : i32
      %dma_wait3A_239 = tpu.memref_slice %arg2[%mul3A_4, %dma_wait3A_238] : memref<512x128xi32, #tpu.memory_space<hbm>> -> memref<16x128xi32, #tpu.memory_space<hbm>>
      tpu.wait_dma2 semaphore(%run_scoped3A : memref<!tpu.dma_semaphore, #tpu.memory_space<semaphore_mem>>) src(%dma_wait3A_239 : memref<16x128xi32, #tpu.memory_space<hbm>>) dst(%arg6 : memref<16x128xi32, #tpu.memory_space<vmem>>)
      tpu.yield
    }) : () -> ()
    "tpu.region"() ({
      %run_scoped3A = tpu.sem_alloc : memref<!tpu.dma_semaphore, #tpu.memory_space<semaphore_mem>>
      tpu.enqueue_dma source(%arg4 : memref<128x16xf32, #tpu.memory_space<hbm>>) target(%arg7 : memref<128x16xf32, #tpu.memory_space<vmem>>) target_semaphore(%run_scoped3A : memref<!tpu.dma_semaphore, #tpu.memory_space<semaphore_mem>>)
      tpu.wait_dma2 semaphore(%run_scoped3A : memref<!tpu.dma_semaphore, #tpu.memory_space<semaphore_mem>>) src(%arg4 : memref<128x16xf32, #tpu.memory_space<hbm>>) dst(%arg7 : memref<128x16xf32, #tpu.memory_space<vmem>>)
      tpu.yield
    }) : () -> ()
    %dma_start3A = arith.constant 0 : i32
    %dma_start3A_5 = arith.constant 0 : i32
    %dma_start3A_6 = tpu.memref_slice %arg6[%dma_start3A, %dma_start3A_5] : memref<16x128xi32, #tpu.memory_space<vmem>> -> memref<1x128xi32, #tpu.memory_space<vmem>>
    %dma_start3A_7 = tpu.memref_squeeze %dma_start3A_6 : memref<1x128xi32, #tpu.memory_space<vmem>> -> memref<128xi32, #tpu.memory_space<vmem>>
    %dma_start3A_8 = arith.constant 0 : i32
    %dma_start3A_9 = arith.constant 0 : i32
    %dma_start3A_10 = tpu.memref_slice %arg8[%dma_start3A_8, %dma_start3A_9] : memref<4096x16xf32, #tpu.memory_space<vmem_shared>> -> memref<4096x16xf32, #tpu.memory_space<vmem_shared>>
    tpu.enqueue_indirect_dma source(%arg7 : memref<128x16xf32, #tpu.memory_space<vmem>>) target(%dma_start3A_10 : memref<4096x16xf32, #tpu.memory_space<vmem_shared>>) offsets(%dma_start3A_7 : memref<128xi32, #tpu.memory_space<vmem>>) semaphore(%arg9 : memref<!tpu.dma_semaphore, #tpu.memory_space<semaphore_mem>>) {add = true}
    %dma_start3A_11 = arith.constant 1 : i32
    %dma_start3A_12 = arith.constant 0 : i32
    %dma_start3A_13 = tpu.memref_slice %arg6[%dma_start3A_11, %dma_start3A_12] : memref<16x128xi32, #tpu.memory_space<vmem>> -> memref<1x128xi32, #tpu.memory_space<vmem>>
    %dma_start3A_14 = tpu.memref_squeeze %dma_start3A_13 : memref<1x128xi32, #tpu.memory_space<vmem>> -> memref<128xi32, #tpu.memory_space<vmem>>
    %dma_start3A_15 = arith.constant 0 : i32
    %dma_start3A_16 = arith.constant 0 : i32
    %dma_start3A_17 = tpu.memref_slice %arg8[%dma_start3A_15, %dma_start3A_16] : memref<4096x16xf32, #tpu.memory_space<vmem_shared>> -> memref<4096x16xf32, #tpu.memory_space<vmem_shared>>
    tpu.enqueue_indirect_dma source(%arg7 : memref<128x16xf32, #tpu.memory_space<vmem>>) target(%dma_start3A_17 : memref<4096x16xf32, #tpu.memory_space<vmem_shared>>) offsets(%dma_start3A_14 : memref<128xi32, #tpu.memory_space<vmem>>) semaphore(%arg9 : memref<!tpu.dma_semaphore, #tpu.memory_space<semaphore_mem>>) {add = true}
    %dma_start3A_18 = arith.constant 2 : i32
    %dma_start3A_19 = arith.constant 0 : i32
    %dma_start3A_20 = tpu.memref_slice %arg6[%dma_start3A_18, %dma_start3A_19] : memref<16x128xi32, #tpu.memory_space<vmem>> -> memref<1x128xi32, #tpu.memory_space<vmem>>
    %dma_start3A_21 = tpu.memref_squeeze %dma_start3A_20 : memref<1x128xi32, #tpu.memory_space<vmem>> -> memref<128xi32, #tpu.memory_space<vmem>>
    %dma_start3A_22 = arith.constant 0 : i32
    %dma_start3A_23 = arith.constant 0 : i32
    %dma_start3A_24 = tpu.memref_slice %arg8[%dma_start3A_22, %dma_start3A_23] : memref<4096x16xf32, #tpu.memory_space<vmem_shared>> -> memref<4096x16xf32, #tpu.memory_space<vmem_shared>>
    tpu.enqueue_indirect_dma source(%arg7 : memref<128x16xf32, #tpu.memory_space<vmem>>) target(%dma_start3A_24 : memref<4096x16xf32, #tpu.memory_space<vmem_shared>>) offsets(%dma_start3A_21 : memref<128xi32, #tpu.memory_space<vmem>>) semaphore(%arg9 : memref<!tpu.dma_semaphore, #tpu.memory_space<semaphore_mem>>) {add = true}
    %dma_start3A_25 = arith.constant 3 : i32
    %dma_start3A_26 = arith.constant 0 : i32
    %dma_start3A_27 = tpu.memref_slice %arg6[%dma_start3A_25, %dma_start3A_26] : memref<16x128xi32, #tpu.memory_space<vmem>> -> memref<1x128xi32, #tpu.memory_space<vmem>>
    %dma_start3A_28 = tpu.memref_squeeze %dma_start3A_27 : memref<1x128xi32, #tpu.memory_space<vmem>> -> memref<128xi32, #tpu.memory_space<vmem>>
    %dma_start3A_29 = arith.constant 0 : i32
    %dma_start3A_30 = arith.constant 0 : i32
    %dma_start3A_31 = tpu.memref_slice %arg8[%dma_start3A_29, %dma_start3A_30] : memref<4096x16xf32, #tpu.memory_space<vmem_shared>> -> memref<4096x16xf32, #tpu.memory_space<vmem_shared>>
    tpu.enqueue_indirect_dma source(%arg7 : memref<128x16xf32, #tpu.memory_space<vmem>>) target(%dma_start3A_31 : memref<4096x16xf32, #tpu.memory_space<vmem_shared>>) offsets(%dma_start3A_28 : memref<128xi32, #tpu.memory_space<vmem>>) semaphore(%arg9 : memref<!tpu.dma_semaphore, #tpu.memory_space<semaphore_mem>>) {add = true}
    %dma_start3A_32 = arith.constant 4 : i32
    %dma_start3A_33 = arith.constant 0 : i32
    %dma_start3A_34 = tpu.memref_slice %arg6[%dma_start3A_32, %dma_start3A_33] : memref<16x128xi32, #tpu.memory_space<vmem>> -> memref<1x128xi32, #tpu.memory_space<vmem>>
    %dma_start3A_35 = tpu.memref_squeeze %dma_start3A_34 : memref<1x128xi32, #tpu.memory_space<vmem>> -> memref<128xi32, #tpu.memory_space<vmem>>
    %dma_start3A_36 = arith.constant 0 : i32
    %dma_start3A_37 = arith.constant 0 : i32
    %dma_start3A_38 = tpu.memref_slice %arg8[%dma_start3A_36, %dma_start3A_37] : memref<4096x16xf32, #tpu.memory_space<vmem_shared>> -> memref<4096x16xf32, #tpu.memory_space<vmem_shared>>
    tpu.enqueue_indirect_dma source(%arg7 : memref<128x16xf32, #tpu.memory_space<vmem>>) target(%dma_start3A_38 : memref<4096x16xf32, #tpu.memory_space<vmem_shared>>) offsets(%dma_start3A_35 : memref<128xi32, #tpu.memory_space<vmem>>) semaphore(%arg9 : memref<!tpu.dma_semaphore, #tpu.memory_space<semaphore_mem>>) {add = true}
    %dma_start3A_39 = arith.constant 5 : i32
    %dma_start3A_40 = arith.constant 0 : i32
    %dma_start3A_41 = tpu.memref_slice %arg6[%dma_start3A_39, %dma_start3A_40] : memref<16x128xi32, #tpu.memory_space<vmem>> -> memref<1x128xi32, #tpu.memory_space<vmem>>
    %dma_start3A_42 = tpu.memref_squeeze %dma_start3A_41 : memref<1x128xi32, #tpu.memory_space<vmem>> -> memref<128xi32, #tpu.memory_space<vmem>>
    %dma_start3A_43 = arith.constant 0 : i32
    %dma_start3A_44 = arith.constant 0 : i32
    %dma_start3A_45 = tpu.memref_slice %arg8[%dma_start3A_43, %dma_start3A_44] : memref<4096x16xf32, #tpu.memory_space<vmem_shared>> -> memref<4096x16xf32, #tpu.memory_space<vmem_shared>>
    tpu.enqueue_indirect_dma source(%arg7 : memref<128x16xf32, #tpu.memory_space<vmem>>) target(%dma_start3A_45 : memref<4096x16xf32, #tpu.memory_space<vmem_shared>>) offsets(%dma_start3A_42 : memref<128xi32, #tpu.memory_space<vmem>>) semaphore(%arg9 : memref<!tpu.dma_semaphore, #tpu.memory_space<semaphore_mem>>) {add = true}
    %dma_start3A_46 = arith.constant 6 : i32
    %dma_start3A_47 = arith.constant 0 : i32
    %dma_start3A_48 = tpu.memref_slice %arg6[%dma_start3A_46, %dma_start3A_47] : memref<16x128xi32, #tpu.memory_space<vmem>> -> memref<1x128xi32, #tpu.memory_space<vmem>>
    %dma_start3A_49 = tpu.memref_squeeze %dma_start3A_48 : memref<1x128xi32, #tpu.memory_space<vmem>> -> memref<128xi32, #tpu.memory_space<vmem>>
    %dma_start3A_50 = arith.constant 0 : i32
    %dma_start3A_51 = arith.constant 0 : i32
    %dma_start3A_52 = tpu.memref_slice %arg8[%dma_start3A_50, %dma_start3A_51] : memref<4096x16xf32, #tpu.memory_space<vmem_shared>> -> memref<4096x16xf32, #tpu.memory_space<vmem_shared>>
    tpu.enqueue_indirect_dma source(%arg7 : memref<128x16xf32, #tpu.memory_space<vmem>>) target(%dma_start3A_52 : memref<4096x16xf32, #tpu.memory_space<vmem_shared>>) offsets(%dma_start3A_49 : memref<128xi32, #tpu.memory_space<vmem>>) semaphore(%arg9 : memref<!tpu.dma_semaphore, #tpu.memory_space<semaphore_mem>>) {add = true}
    %dma_start3A_53 = arith.constant 7 : i32
    %dma_start3A_54 = arith.constant 0 : i32
    %dma_start3A_55 = tpu.memref_slice %arg6[%dma_start3A_53, %dma_start3A_54] : memref<16x128xi32, #tpu.memory_space<vmem>> -> memref<1x128xi32, #tpu.memory_space<vmem>>
    %dma_start3A_56 = tpu.memref_squeeze %dma_start3A_55 : memref<1x128xi32, #tpu.memory_space<vmem>> -> memref<128xi32, #tpu.memory_space<vmem>>
    %dma_start3A_57 = arith.constant 0 : i32
    %dma_start3A_58 = arith.constant 0 : i32
    %dma_start3A_59 = tpu.memref_slice %arg8[%dma_start3A_57, %dma_start3A_58] : memref<4096x16xf32, #tpu.memory_space<vmem_shared>> -> memref<4096x16xf32, #tpu.memory_space<vmem_shared>>
    tpu.enqueue_indirect_dma source(%arg7 : memref<128x16xf32, #tpu.memory_space<vmem>>) target(%dma_start3A_59 : memref<4096x16xf32, #tpu.memory_space<vmem_shared>>) offsets(%dma_start3A_56 : memref<128xi32, #tpu.memory_space<vmem>>) semaphore(%arg9 : memref<!tpu.dma_semaphore, #tpu.memory_space<semaphore_mem>>) {add = true}
    %dma_start3A_60 = arith.constant 8 : i32
    %dma_start3A_61 = arith.constant 0 : i32
    %dma_start3A_62 = tpu.memref_slice %arg6[%dma_start3A_60, %dma_start3A_61] : memref<16x128xi32, #tpu.memory_space<vmem>> -> memref<1x128xi32, #tpu.memory_space<vmem>>
    %dma_start3A_63 = tpu.memref_squeeze %dma_start3A_62 : memref<1x128xi32, #tpu.memory_space<vmem>> -> memref<128xi32, #tpu.memory_space<vmem>>
    %dma_start3A_64 = arith.constant 0 : i32
    %dma_start3A_65 = arith.constant 0 : i32
    %dma_start3A_66 = tpu.memref_slice %arg8[%dma_start3A_64, %dma_start3A_65] : memref<4096x16xf32, #tpu.memory_space<vmem_shared>> -> memref<4096x16xf32, #tpu.memory_space<vmem_shared>>
    tpu.enqueue_indirect_dma source(%arg7 : memref<128x16xf32, #tpu.memory_space<vmem>>) target(%dma_start3A_66 : memref<4096x16xf32, #tpu.memory_space<vmem_shared>>) offsets(%dma_start3A_63 : memref<128xi32, #tpu.memory_space<vmem>>) semaphore(%arg9 : memref<!tpu.dma_semaphore, #tpu.memory_space<semaphore_mem>>) {add = true}
    %dma_start3A_67 = arith.constant 9 : i32
    %dma_start3A_68 = arith.constant 0 : i32
    %dma_start3A_69 = tpu.memref_slice %arg6[%dma_start3A_67, %dma_start3A_68] : memref<16x128xi32, #tpu.memory_space<vmem>> -> memref<1x128xi32, #tpu.memory_space<vmem>>
    %dma_start3A_70 = tpu.memref_squeeze %dma_start3A_69 : memref<1x128xi32, #tpu.memory_space<vmem>> -> memref<128xi32, #tpu.memory_space<vmem>>
    %dma_start3A_71 = arith.constant 0 : i32
    %dma_start3A_72 = arith.constant 0 : i32
    %dma_start3A_73 = tpu.memref_slice %arg8[%dma_start3A_71, %dma_start3A_72] : memref<4096x16xf32, #tpu.memory_space<vmem_shared>> -> memref<4096x16xf32, #tpu.memory_space<vmem_shared>>
    tpu.enqueue_indirect_dma source(%arg7 : memref<128x16xf32, #tpu.memory_space<vmem>>) target(%dma_start3A_73 : memref<4096x16xf32, #tpu.memory_space<vmem_shared>>) offsets(%dma_start3A_70 : memref<128xi32, #tpu.memory_space<vmem>>) semaphore(%arg9 : memref<!tpu.dma_semaphore, #tpu.memory_space<semaphore_mem>>) {add = true}
    %dma_start3A_74 = arith.constant 10 : i32
    %dma_start3A_75 = arith.constant 0 : i32
    %dma_start3A_76 = tpu.memref_slice %arg6[%dma_start3A_74, %dma_start3A_75] : memref<16x128xi32, #tpu.memory_space<vmem>> -> memref<1x128xi32, #tpu.memory_space<vmem>>
    %dma_start3A_77 = tpu.memref_squeeze %dma_start3A_76 : memref<1x128xi32, #tpu.memory_space<vmem>> -> memref<128xi32, #tpu.memory_space<vmem>>
    %dma_start3A_78 = arith.constant 0 : i32
    %dma_start3A_79 = arith.constant 0 : i32
    %dma_start3A_80 = tpu.memref_slice %arg8[%dma_start3A_78, %dma_start3A_79] : memref<4096x16xf32, #tpu.memory_space<vmem_shared>> -> memref<4096x16xf32, #tpu.memory_space<vmem_shared>>
    tpu.enqueue_indirect_dma source(%arg7 : memref<128x16xf32, #tpu.memory_space<vmem>>) target(%dma_start3A_80 : memref<4096x16xf32, #tpu.memory_space<vmem_shared>>) offsets(%dma_start3A_77 : memref<128xi32, #tpu.memory_space<vmem>>) semaphore(%arg9 : memref<!tpu.dma_semaphore, #tpu.memory_space<semaphore_mem>>) {add = true}
    %dma_start3A_81 = arith.constant 11 : i32
    %dma_start3A_82 = arith.constant 0 : i32
    %dma_start3A_83 = tpu.memref_slice %arg6[%dma_start3A_81, %dma_start3A_82] : memref<16x128xi32, #tpu.memory_space<vmem>> -> memref<1x128xi32, #tpu.memory_space<vmem>>
    %dma_start3A_84 = tpu.memref_squeeze %dma_start3A_83 : memref<1x128xi32, #tpu.memory_space<vmem>> -> memref<128xi32, #tpu.memory_space<vmem>>
    %dma_start3A_85 = arith.constant 0 : i32
    %dma_start3A_86 = arith.constant 0 : i32
    %dma_start3A_87 = tpu.memref_slice %arg8[%dma_start3A_85, %dma_start3A_86] : memref<4096x16xf32, #tpu.memory_space<vmem_shared>> -> memref<4096x16xf32, #tpu.memory_space<vmem_shared>>
    tpu.enqueue_indirect_dma source(%arg7 : memref<128x16xf32, #tpu.memory_space<vmem>>) target(%dma_start3A_87 : memref<4096x16xf32, #tpu.memory_space<vmem_shared>>) offsets(%dma_start3A_84 : memref<128xi32, #tpu.memory_space<vmem>>) semaphore(%arg9 : memref<!tpu.dma_semaphore, #tpu.memory_space<semaphore_mem>>) {add = true}
    %dma_start3A_88 = arith.constant 12 : i32
    %dma_start3A_89 = arith.constant 0 : i32
    %dma_start3A_90 = tpu.memref_slice %arg6[%dma_start3A_88, %dma_start3A_89] : memref<16x128xi32, #tpu.memory_space<vmem>> -> memref<1x128xi32, #tpu.memory_space<vmem>>
    %dma_start3A_91 = tpu.memref_squeeze %dma_start3A_90 : memref<1x128xi32, #tpu.memory_space<vmem>> -> memref<128xi32, #tpu.memory_space<vmem>>
    %dma_start3A_92 = arith.constant 0 : i32
    %dma_start3A_93 = arith.constant 0 : i32
    %dma_start3A_94 = tpu.memref_slice %arg8[%dma_start3A_92, %dma_start3A_93] : memref<4096x16xf32, #tpu.memory_space<vmem_shared>> -> memref<4096x16xf32, #tpu.memory_space<vmem_shared>>
    tpu.enqueue_indirect_dma source(%arg7 : memref<128x16xf32, #tpu.memory_space<vmem>>) target(%dma_start3A_94 : memref<4096x16xf32, #tpu.memory_space<vmem_shared>>) offsets(%dma_start3A_91 : memref<128xi32, #tpu.memory_space<vmem>>) semaphore(%arg9 : memref<!tpu.dma_semaphore, #tpu.memory_space<semaphore_mem>>) {add = true}
    %dma_start3A_95 = arith.constant 13 : i32
    %dma_start3A_96 = arith.constant 0 : i32
    %dma_start3A_97 = tpu.memref_slice %arg6[%dma_start3A_95, %dma_start3A_96] : memref<16x128xi32, #tpu.memory_space<vmem>> -> memref<1x128xi32, #tpu.memory_space<vmem>>
    %dma_start3A_98 = tpu.memref_squeeze %dma_start3A_97 : memref<1x128xi32, #tpu.memory_space<vmem>> -> memref<128xi32, #tpu.memory_space<vmem>>
    %dma_start3A_99 = arith.constant 0 : i32
    %dma_start3A_100 = arith.constant 0 : i32
    %dma_start3A_101 = tpu.memref_slice %arg8[%dma_start3A_99, %dma_start3A_100] : memref<4096x16xf32, #tpu.memory_space<vmem_shared>> -> memref<4096x16xf32, #tpu.memory_space<vmem_shared>>
    tpu.enqueue_indirect_dma source(%arg7 : memref<128x16xf32, #tpu.memory_space<vmem>>) target(%dma_start3A_101 : memref<4096x16xf32, #tpu.memory_space<vmem_shared>>) offsets(%dma_start3A_98 : memref<128xi32, #tpu.memory_space<vmem>>) semaphore(%arg9 : memref<!tpu.dma_semaphore, #tpu.memory_space<semaphore_mem>>) {add = true}
    %dma_start3A_102 = arith.constant 14 : i32
    %dma_start3A_103 = arith.constant 0 : i32
    %dma_start3A_104 = tpu.memref_slice %arg6[%dma_start3A_102, %dma_start3A_103] : memref<16x128xi32, #tpu.memory_space<vmem>> -> memref<1x128xi32, #tpu.memory_space<vmem>>
    %dma_start3A_105 = tpu.memref_squeeze %dma_start3A_104 : memref<1x128xi32, #tpu.memory_space<vmem>> -> memref<128xi32, #tpu.memory_space<vmem>>
    %dma_start3A_106 = arith.constant 0 : i32
    %dma_start3A_107 = arith.constant 0 : i32
    %dma_start3A_108 = tpu.memref_slice %arg8[%dma_start3A_106, %dma_start3A_107] : memref<4096x16xf32, #tpu.memory_space<vmem_shared>> -> memref<4096x16xf32, #tpu.memory_space<vmem_shared>>
    tpu.enqueue_indirect_dma source(%arg7 : memref<128x16xf32, #tpu.memory_space<vmem>>) target(%dma_start3A_108 : memref<4096x16xf32, #tpu.memory_space<vmem_shared>>) offsets(%dma_start3A_105 : memref<128xi32, #tpu.memory_space<vmem>>) semaphore(%arg9 : memref<!tpu.dma_semaphore, #tpu.memory_space<semaphore_mem>>) {add = true}
    %dma_start3A_109 = arith.constant 15 : i32
    %dma_start3A_110 = arith.constant 0 : i32
    %dma_start3A_111 = tpu.memref_slice %arg6[%dma_start3A_109, %dma_start3A_110] : memref<16x128xi32, #tpu.memory_space<vmem>> -> memref<1x128xi32, #tpu.memory_space<vmem>>
    %dma_start3A_112 = tpu.memref_squeeze %dma_start3A_111 : memref<1x128xi32, #tpu.memory_space<vmem>> -> memref<128xi32, #tpu.memory_space<vmem>>
    %dma_start3A_113 = arith.constant 0 : i32
    %dma_start3A_114 = arith.constant 0 : i32
    %dma_start3A_115 = tpu.memref_slice %arg8[%dma_start3A_113, %dma_start3A_114] : memref<4096x16xf32, #tpu.memory_space<vmem_shared>> -> memref<4096x16xf32, #tpu.memory_space<vmem_shared>>
    tpu.enqueue_indirect_dma source(%arg7 : memref<128x16xf32, #tpu.memory_space<vmem>>) target(%dma_start3A_115 : memref<4096x16xf32, #tpu.memory_space<vmem_shared>>) offsets(%dma_start3A_112 : memref<128xi32, #tpu.memory_space<vmem>>) semaphore(%arg9 : memref<!tpu.dma_semaphore, #tpu.memory_space<semaphore_mem>>) {add = true}
    %dma_wait3A = arith.constant 0 : i32
    %dma_wait3A_116 = arith.constant 0 : i32
    %dma_wait3A_117 = tpu.memref_slice %arg6[%dma_wait3A, %dma_wait3A_116] : memref<16x128xi32, #tpu.memory_space<vmem>> -> memref<1x128xi32, #tpu.memory_space<vmem>>
    %dma_wait3A_118 = tpu.memref_squeeze %dma_wait3A_117 : memref<1x128xi32, #tpu.memory_space<vmem>> -> memref<128xi32, #tpu.memory_space<vmem>>
    %dma_wait3A_119 = arith.constant 0 : i32
    %dma_wait3A_120 = arith.constant 0 : i32
    %dma_wait3A_121 = tpu.memref_slice %arg8[%dma_wait3A_119, %dma_wait3A_120] : memref<4096x16xf32, #tpu.memory_space<vmem_shared>> -> memref<4096x16xf32, #tpu.memory_space<vmem_shared>>
    tpu.wait_indirect_dma semaphore(%arg9 : memref<!tpu.dma_semaphore, #tpu.memory_space<semaphore_mem>>) src(%arg7 : memref<128x16xf32, #tpu.memory_space<vmem>>) dst(%dma_wait3A_121 : memref<4096x16xf32, #tpu.memory_space<vmem_shared>>)
    %dma_wait3A_122 = arith.constant 1 : i32
    %dma_wait3A_123 = arith.constant 0 : i32
    %dma_wait3A_124 = tpu.memref_slice %arg6[%dma_wait3A_122, %dma_wait3A_123] : memref<16x128xi32, #tpu.memory_space<vmem>> -> memref<1x128xi32, #tpu.memory_space<vmem>>
    %dma_wait3A_125 = tpu.memref_squeeze %dma_wait3A_124 : memref<1x128xi32, #tpu.memory_space<vmem>> -> memref<128xi32, #tpu.memory_space<vmem>>
    %dma_wait3A_126 = arith.constant 0 : i32
    %dma_wait3A_127 = arith.constant 0 : i32
    %dma_wait3A_128 = tpu.memref_slice %arg8[%dma_wait3A_126, %dma_wait3A_127] : memref<4096x16xf32, #tpu.memory_space<vmem_shared>> -> memref<4096x16xf32, #tpu.memory_space<vmem_shared>>
    tpu.wait_indirect_dma semaphore(%arg9 : memref<!tpu.dma_semaphore, #tpu.memory_space<semaphore_mem>>) src(%arg7 : memref<128x16xf32, #tpu.memory_space<vmem>>) dst(%dma_wait3A_128 : memref<4096x16xf32, #tpu.memory_space<vmem_shared>>)
    %dma_wait3A_129 = arith.constant 2 : i32
    %dma_wait3A_130 = arith.constant 0 : i32
    %dma_wait3A_131 = tpu.memref_slice %arg6[%dma_wait3A_129, %dma_wait3A_130] : memref<16x128xi32, #tpu.memory_space<vmem>> -> memref<1x128xi32, #tpu.memory_space<vmem>>
    %dma_wait3A_132 = tpu.memref_squeeze %dma_wait3A_131 : memref<1x128xi32, #tpu.memory_space<vmem>> -> memref<128xi32, #tpu.memory_space<vmem>>
    %dma_wait3A_133 = arith.constant 0 : i32
    %dma_wait3A_134 = arith.constant 0 : i32
    %dma_wait3A_135 = tpu.memref_slice %arg8[%dma_wait3A_133, %dma_wait3A_134] : memref<4096x16xf32, #tpu.memory_space<vmem_shared>> -> memref<4096x16xf32, #tpu.memory_space<vmem_shared>>
    tpu.wait_indirect_dma semaphore(%arg9 : memref<!tpu.dma_semaphore, #tpu.memory_space<semaphore_mem>>) src(%arg7 : memref<128x16xf32, #tpu.memory_space<vmem>>) dst(%dma_wait3A_135 : memref<4096x16xf32, #tpu.memory_space<vmem_shared>>)
    %dma_wait3A_136 = arith.constant 3 : i32
    %dma_wait3A_137 = arith.constant 0 : i32
    %dma_wait3A_138 = tpu.memref_slice %arg6[%dma_wait3A_136, %dma_wait3A_137] : memref<16x128xi32, #tpu.memory_space<vmem>> -> memref<1x128xi32, #tpu.memory_space<vmem>>
    %dma_wait3A_139 = tpu.memref_squeeze %dma_wait3A_138 : memref<1x128xi32, #tpu.memory_space<vmem>> -> memref<128xi32, #tpu.memory_space<vmem>>
    %dma_wait3A_140 = arith.constant 0 : i32
    %dma_wait3A_141 = arith.constant 0 : i32
    %dma_wait3A_142 = tpu.memref_slice %arg8[%dma_wait3A_140, %dma_wait3A_141] : memref<4096x16xf32, #tpu.memory_space<vmem_shared>> -> memref<4096x16xf32, #tpu.memory_space<vmem_shared>>
    tpu.wait_indirect_dma semaphore(%arg9 : memref<!tpu.dma_semaphore, #tpu.memory_space<semaphore_mem>>) src(%arg7 : memref<128x16xf32, #tpu.memory_space<vmem>>) dst(%dma_wait3A_142 : memref<4096x16xf32, #tpu.memory_space<vmem_shared>>)
    %dma_wait3A_143 = arith.constant 4 : i32
    %dma_wait3A_144 = arith.constant 0 : i32
    %dma_wait3A_145 = tpu.memref_slice %arg6[%dma_wait3A_143, %dma_wait3A_144] : memref<16x128xi32, #tpu.memory_space<vmem>> -> memref<1x128xi32, #tpu.memory_space<vmem>>
    %dma_wait3A_146 = tpu.memref_squeeze %dma_wait3A_145 : memref<1x128xi32, #tpu.memory_space<vmem>> -> memref<128xi32, #tpu.memory_space<vmem>>
    %dma_wait3A_147 = arith.constant 0 : i32
    %dma_wait3A_148 = arith.constant 0 : i32
    %dma_wait3A_149 = tpu.memref_slice %arg8[%dma_wait3A_147, %dma_wait3A_148] : memref<4096x16xf32, #tpu.memory_space<vmem_shared>> -> memref<4096x16xf32, #tpu.memory_space<vmem_shared>>
    tpu.wait_indirect_dma semaphore(%arg9 : memref<!tpu.dma_semaphore, #tpu.memory_space<semaphore_mem>>) src(%arg7 : memref<128x16xf32, #tpu.memory_space<vmem>>) dst(%dma_wait3A_149 : memref<4096x16xf32, #tpu.memory_space<vmem_shared>>)
    %dma_wait3A_150 = arith.constant 5 : i32
    %dma_wait3A_151 = arith.constant 0 : i32
    %dma_wait3A_152 = tpu.memref_slice %arg6[%dma_wait3A_150, %dma_wait3A_151] : memref<16x128xi32, #tpu.memory_space<vmem>> -> memref<1x128xi32, #tpu.memory_space<vmem>>
    %dma_wait3A_153 = tpu.memref_squeeze %dma_wait3A_152 : memref<1x128xi32, #tpu.memory_space<vmem>> -> memref<128xi32, #tpu.memory_space<vmem>>
    %dma_wait3A_154 = arith.constant 0 : i32
    %dma_wait3A_155 = arith.constant 0 : i32
    %dma_wait3A_156 = tpu.memref_slice %arg8[%dma_wait3A_154, %dma_wait3A_155] : memref<4096x16xf32, #tpu.memory_space<vmem_shared>> -> memref<4096x16xf32, #tpu.memory_space<vmem_shared>>
    tpu.wait_indirect_dma semaphore(%arg9 : memref<!tpu.dma_semaphore, #tpu.memory_space<semaphore_mem>>) src(%arg7 : memref<128x16xf32, #tpu.memory_space<vmem>>) dst(%dma_wait3A_156 : memref<4096x16xf32, #tpu.memory_space<vmem_shared>>)
    %dma_wait3A_157 = arith.constant 6 : i32
    %dma_wait3A_158 = arith.constant 0 : i32
    %dma_wait3A_159 = tpu.memref_slice %arg6[%dma_wait3A_157, %dma_wait3A_158] : memref<16x128xi32, #tpu.memory_space<vmem>> -> memref<1x128xi32, #tpu.memory_space<vmem>>
    %dma_wait3A_160 = tpu.memref_squeeze %dma_wait3A_159 : memref<1x128xi32, #tpu.memory_space<vmem>> -> memref<128xi32, #tpu.memory_space<vmem>>
    %dma_wait3A_161 = arith.constant 0 : i32
    %dma_wait3A_162 = arith.constant 0 : i32
    %dma_wait3A_163 = tpu.memref_slice %arg8[%dma_wait3A_161, %dma_wait3A_162] : memref<4096x16xf32, #tpu.memory_space<vmem_shared>> -> memref<4096x16xf32, #tpu.memory_space<vmem_shared>>
    tpu.wait_indirect_dma semaphore(%arg9 : memref<!tpu.dma_semaphore, #tpu.memory_space<semaphore_mem>>) src(%arg7 : memref<128x16xf32, #tpu.memory_space<vmem>>) dst(%dma_wait3A_163 : memref<4096x16xf32, #tpu.memory_space<vmem_shared>>)
    %dma_wait3A_164 = arith.constant 7 : i32
    %dma_wait3A_165 = arith.constant 0 : i32
    %dma_wait3A_166 = tpu.memref_slice %arg6[%dma_wait3A_164, %dma_wait3A_165] : memref<16x128xi32, #tpu.memory_space<vmem>> -> memref<1x128xi32, #tpu.memory_space<vmem>>
    %dma_wait3A_167 = tpu.memref_squeeze %dma_wait3A_166 : memref<1x128xi32, #tpu.memory_space<vmem>> -> memref<128xi32, #tpu.memory_space<vmem>>
    %dma_wait3A_168 = arith.constant 0 : i32
    %dma_wait3A_169 = arith.constant 0 : i32
    %dma_wait3A_170 = tpu.memref_slice %arg8[%dma_wait3A_168, %dma_wait3A_169] : memref<4096x16xf32, #tpu.memory_space<vmem_shared>> -> memref<4096x16xf32, #tpu.memory_space<vmem_shared>>
    tpu.wait_indirect_dma semaphore(%arg9 : memref<!tpu.dma_semaphore, #tpu.memory_space<semaphore_mem>>) src(%arg7 : memref<128x16xf32, #tpu.memory_space<vmem>>) dst(%dma_wait3A_170 : memref<4096x16xf32, #tpu.memory_space<vmem_shared>>)
    %dma_wait3A_171 = arith.constant 8 : i32
    %dma_wait3A_172 = arith.constant 0 : i32
    %dma_wait3A_173 = tpu.memref_slice %arg6[%dma_wait3A_171, %dma_wait3A_172] : memref<16x128xi32, #tpu.memory_space<vmem>> -> memref<1x128xi32, #tpu.memory_space<vmem>>
    %dma_wait3A_174 = tpu.memref_squeeze %dma_wait3A_173 : memref<1x128xi32, #tpu.memory_space<vmem>> -> memref<128xi32, #tpu.memory_space<vmem>>
    %dma_wait3A_175 = arith.constant 0 : i32
    %dma_wait3A_176 = arith.constant 0 : i32
    %dma_wait3A_177 = tpu.memref_slice %arg8[%dma_wait3A_175, %dma_wait3A_176] : memref<4096x16xf32, #tpu.memory_space<vmem_shared>> -> memref<4096x16xf32, #tpu.memory_space<vmem_shared>>
    tpu.wait_indirect_dma semaphore(%arg9 : memref<!tpu.dma_semaphore, #tpu.memory_space<semaphore_mem>>) src(%arg7 : memref<128x16xf32, #tpu.memory_space<vmem>>) dst(%dma_wait3A_177 : memref<4096x16xf32, #tpu.memory_space<vmem_shared>>)
    %dma_wait3A_178 = arith.constant 9 : i32
    %dma_wait3A_179 = arith.constant 0 : i32
    %dma_wait3A_180 = tpu.memref_slice %arg6[%dma_wait3A_178, %dma_wait3A_179] : memref<16x128xi32, #tpu.memory_space<vmem>> -> memref<1x128xi32, #tpu.memory_space<vmem>>
    %dma_wait3A_181 = tpu.memref_squeeze %dma_wait3A_180 : memref<1x128xi32, #tpu.memory_space<vmem>> -> memref<128xi32, #tpu.memory_space<vmem>>
    %dma_wait3A_182 = arith.constant 0 : i32
    %dma_wait3A_183 = arith.constant 0 : i32
    %dma_wait3A_184 = tpu.memref_slice %arg8[%dma_wait3A_182, %dma_wait3A_183] : memref<4096x16xf32, #tpu.memory_space<vmem_shared>> -> memref<4096x16xf32, #tpu.memory_space<vmem_shared>>
    tpu.wait_indirect_dma semaphore(%arg9 : memref<!tpu.dma_semaphore, #tpu.memory_space<semaphore_mem>>) src(%arg7 : memref<128x16xf32, #tpu.memory_space<vmem>>) dst(%dma_wait3A_184 : memref<4096x16xf32, #tpu.memory_space<vmem_shared>>)
    %dma_wait3A_185 = arith.constant 10 : i32
    %dma_wait3A_186 = arith.constant 0 : i32
    %dma_wait3A_187 = tpu.memref_slice %arg6[%dma_wait3A_185, %dma_wait3A_186] : memref<16x128xi32, #tpu.memory_space<vmem>> -> memref<1x128xi32, #tpu.memory_space<vmem>>
    %dma_wait3A_188 = tpu.memref_squeeze %dma_wait3A_187 : memref<1x128xi32, #tpu.memory_space<vmem>> -> memref<128xi32, #tpu.memory_space<vmem>>
    %dma_wait3A_189 = arith.constant 0 : i32
    %dma_wait3A_190 = arith.constant 0 : i32
    %dma_wait3A_191 = tpu.memref_slice %arg8[%dma_wait3A_189, %dma_wait3A_190] : memref<4096x16xf32, #tpu.memory_space<vmem_shared>> -> memref<4096x16xf32, #tpu.memory_space<vmem_shared>>
    tpu.wait_indirect_dma semaphore(%arg9 : memref<!tpu.dma_semaphore, #tpu.memory_space<semaphore_mem>>) src(%arg7 : memref<128x16xf32, #tpu.memory_space<vmem>>) dst(%dma_wait3A_191 : memref<4096x16xf32, #tpu.memory_space<vmem_shared>>)
    %dma_wait3A_192 = arith.constant 11 : i32
    %dma_wait3A_193 = arith.constant 0 : i32
    %dma_wait3A_194 = tpu.memref_slice %arg6[%dma_wait3A_192, %dma_wait3A_193] : memref<16x128xi32, #tpu.memory_space<vmem>> -> memref<1x128xi32, #tpu.memory_space<vmem>>
    %dma_wait3A_195 = tpu.memref_squeeze %dma_wait3A_194 : memref<1x128xi32, #tpu.memory_space<vmem>> -> memref<128xi32, #tpu.memory_space<vmem>>
    %dma_wait3A_196 = arith.constant 0 : i32
    %dma_wait3A_197 = arith.constant 0 : i32
    %dma_wait3A_198 = tpu.memref_slice %arg8[%dma_wait3A_196, %dma_wait3A_197] : memref<4096x16xf32, #tpu.memory_space<vmem_shared>> -> memref<4096x16xf32, #tpu.memory_space<vmem_shared>>
    tpu.wait_indirect_dma semaphore(%arg9 : memref<!tpu.dma_semaphore, #tpu.memory_space<semaphore_mem>>) src(%arg7 : memref<128x16xf32, #tpu.memory_space<vmem>>) dst(%dma_wait3A_198 : memref<4096x16xf32, #tpu.memory_space<vmem_shared>>)
    %dma_wait3A_199 = arith.constant 12 : i32
    %dma_wait3A_200 = arith.constant 0 : i32
    %dma_wait3A_201 = tpu.memref_slice %arg6[%dma_wait3A_199, %dma_wait3A_200] : memref<16x128xi32, #tpu.memory_space<vmem>> -> memref<1x128xi32, #tpu.memory_space<vmem>>
    %dma_wait3A_202 = tpu.memref_squeeze %dma_wait3A_201 : memref<1x128xi32, #tpu.memory_space<vmem>> -> memref<128xi32, #tpu.memory_space<vmem>>
    %dma_wait3A_203 = arith.constant 0 : i32
    %dma_wait3A_204 = arith.constant 0 : i32
    %dma_wait3A_205 = tpu.memref_slice %arg8[%dma_wait3A_203, %dma_wait3A_204] : memref<4096x16xf32, #tpu.memory_space<vmem_shared>> -> memref<4096x16xf32, #tpu.memory_space<vmem_shared>>
    tpu.wait_indirect_dma semaphore(%arg9 : memref<!tpu.dma_semaphore, #tpu.memory_space<semaphore_mem>>) src(%arg7 : memref<128x16xf32, #tpu.memory_space<vmem>>) dst(%dma_wait3A_205 : memref<4096x16xf32, #tpu.memory_space<vmem_shared>>)
    %dma_wait3A_206 = arith.constant 13 : i32
    %dma_wait3A_207 = arith.constant 0 : i32
    %dma_wait3A_208 = tpu.memref_slice %arg6[%dma_wait3A_206, %dma_wait3A_207] : memref<16x128xi32, #tpu.memory_space<vmem>> -> memref<1x128xi32, #tpu.memory_space<vmem>>
    %dma_wait3A_209 = tpu.memref_squeeze %dma_wait3A_208 : memref<1x128xi32, #tpu.memory_space<vmem>> -> memref<128xi32, #tpu.memory_space<vmem>>
    %dma_wait3A_210 = arith.constant 0 : i32
    %dma_wait3A_211 = arith.constant 0 : i32
    %dma_wait3A_212 = tpu.memref_slice %arg8[%dma_wait3A_210, %dma_wait3A_211] : memref<4096x16xf32, #tpu.memory_space<vmem_shared>> -> memref<4096x16xf32, #tpu.memory_space<vmem_shared>>
    tpu.wait_indirect_dma semaphore(%arg9 : memref<!tpu.dma_semaphore, #tpu.memory_space<semaphore_mem>>) src(%arg7 : memref<128x16xf32, #tpu.memory_space<vmem>>) dst(%dma_wait3A_212 : memref<4096x16xf32, #tpu.memory_space<vmem_shared>>)
    %dma_wait3A_213 = arith.constant 14 : i32
    %dma_wait3A_214 = arith.constant 0 : i32
    %dma_wait3A_215 = tpu.memref_slice %arg6[%dma_wait3A_213, %dma_wait3A_214] : memref<16x128xi32, #tpu.memory_space<vmem>> -> memref<1x128xi32, #tpu.memory_space<vmem>>
    %dma_wait3A_216 = tpu.memref_squeeze %dma_wait3A_215 : memref<1x128xi32, #tpu.memory_space<vmem>> -> memref<128xi32, #tpu.memory_space<vmem>>
    %dma_wait3A_217 = arith.constant 0 : i32
    %dma_wait3A_218 = arith.constant 0 : i32
    %dma_wait3A_219 = tpu.memref_slice %arg8[%dma_wait3A_217, %dma_wait3A_218] : memref<4096x16xf32, #tpu.memory_space<vmem_shared>> -> memref<4096x16xf32, #tpu.memory_space<vmem_shared>>
    tpu.wait_indirect_dma semaphore(%arg9 : memref<!tpu.dma_semaphore, #tpu.memory_space<semaphore_mem>>) src(%arg7 : memref<128x16xf32, #tpu.memory_space<vmem>>) dst(%dma_wait3A_219 : memref<4096x16xf32, #tpu.memory_space<vmem_shared>>)
    %dma_wait3A_220 = arith.constant 15 : i32
    %dma_wait3A_221 = arith.constant 0 : i32
    %dma_wait3A_222 = tpu.memref_slice %arg6[%dma_wait3A_220, %dma_wait3A_221] : memref<16x128xi32, #tpu.memory_space<vmem>> -> memref<1x128xi32, #tpu.memory_space<vmem>>
    %dma_wait3A_223 = tpu.memref_squeeze %dma_wait3A_222 : memref<1x128xi32, #tpu.memory_space<vmem>> -> memref<128xi32, #tpu.memory_space<vmem>>
    %dma_wait3A_224 = arith.constant 0 : i32
    %dma_wait3A_225 = arith.constant 0 : i32
    %dma_wait3A_226 = tpu.memref_slice %arg8[%dma_wait3A_224, %dma_wait3A_225] : memref<4096x16xf32, #tpu.memory_space<vmem_shared>> -> memref<4096x16xf32, #tpu.memory_space<vmem_shared>>
    tpu.wait_indirect_dma semaphore(%arg9 : memref<!tpu.dma_semaphore, #tpu.memory_space<semaphore_mem>>) src(%arg7 : memref<128x16xf32, #tpu.memory_space<vmem>>) dst(%dma_wait3A_226 : memref<4096x16xf32, #tpu.memory_space<vmem_shared>>)
    %barrier3A_227 = arith.constant 0 : index
    tpu.barrier barrier_id(%barrier3A_227)
    %mul3A_228 = arith.constant 256 : i32
    %mul3A_229 = arith.muli %arg1, %mul3A_228 : i32
    %mul3A_230 = arith.constant 256 : i32
    %mul3A_231 = arith.muli %arg1, %mul3A_230 : i32
    "tpu.region"() ({
      %run_scoped3A = tpu.sem_alloc : memref<!tpu.dma_semaphore, #tpu.memory_space<semaphore_mem>>
      %dma_start3A_232 = arith.constant 0 : i32
      %dma_start3A_233 = tpu.memref_slice %arg5[%arg0, %mul3A_231, %dma_start3A_232] : memref<2x4096x16xf32, #tpu.memory_space<hbm>> -> memref<1x256x16xf32, #tpu.memory_space<hbm>>
      %dma_start3A_234 = tpu.memref_squeeze %dma_start3A_233 : memref<1x256x16xf32, #tpu.memory_space<hbm>> -> memref<256x16xf32, #tpu.memory_space<hbm>>
      %dma_start3A_235 = arith.constant 0 : i32
      %dma_start3A_236 = tpu.memref_slice %arg8[%mul3A_229, %dma_start3A_235] : memref<4096x16xf32, #tpu.memory_space<vmem_shared>> -> memref<256x16xf32, #tpu.memory_space<vmem_shared>>
      tpu.enqueue_dma source(%dma_start3A_236 : memref<256x16xf32, #tpu.memory_space<vmem_shared>>) target(%dma_start3A_234 : memref<256x16xf32, #tpu.memory_space<hbm>>) target_semaphore(%run_scoped3A : memref<!tpu.dma_semaphore, #tpu.memory_space<semaphore_mem>>)
      %dma_wait3A_237 = arith.constant 0 : i32
      %dma_wait3A_238 = tpu.memref_slice %arg5[%arg0, %mul3A_231, %dma_wait3A_237] : memref<2x4096x16xf32, #tpu.memory_space<hbm>> -> memref<1x256x16xf32, #tpu.memory_space<hbm>>
      %dma_wait3A_239 = tpu.memref_squeeze %dma_wait3A_238 : memref<1x256x16xf32, #tpu.memory_space<hbm>> -> memref<256x16xf32, #tpu.memory_space<hbm>>
      %dma_wait3A_240 = arith.constant 0 : i32
      %dma_wait3A_241 = tpu.memref_slice %arg8[%mul3A_229, %dma_wait3A_240] : memref<4096x16xf32, #tpu.memory_space<vmem_shared>> -> memref<256x16xf32, #tpu.memory_space<vmem_shared>>
      tpu.wait_dma2 semaphore(%run_scoped3A : memref<!tpu.dma_semaphore, #tpu.memory_space<semaphore_mem>>) src(%dma_wait3A_241 : memref<256x16xf32, #tpu.memory_space<vmem_shared>>) dst(%dma_wait3A_239 : memref<256x16xf32, #tpu.memory_space<hbm>>)
      tpu.yield
    }) : () -> ()
    return
  }
}

#map = affine_map<(d0, d1) -> (0, 0)>
#map1 = affine_map<(d0, d1) -> (0, 0, 0)>
module attributes {stable_mosaic.version = 14 : i64} {
  func.func @sc_agg(%arg0: i32, %arg1: i32, %arg2: memref<512x128xi32, #tpu.memory_space<hbm>>, %arg3: memref<512x128xi32, #tpu.memory_space<hbm>>, %arg4: memref<4096x64xf32, #tpu.memory_space<hbm>>, %arg5: memref<4096x64xf32, #tpu.memory_space<hbm>>, %arg6: memref<2x4096x64xf32, #tpu.memory_space<hbm>>, %arg7: memref<16x128xi32, #tpu.memory_space<vmem>>, %arg8: memref<16x128xi32, #tpu.memory_space<vmem>>, %arg9: memref<128x64xf32, #tpu.memory_space<vmem>>, %arg10: memref<128x64xf32, #tpu.memory_space<vmem>>, %arg11: memref<4096x64xf32, #tpu.memory_space<vmem_shared>>, %arg12: memref<!tpu.dma_semaphore, #tpu.memory_space<semaphore_mem>>, %arg13: memref<!tpu.dma_semaphore, #tpu.memory_space<semaphore_mem>>) attributes {dimension_semantics = [#tpu.dimension_semantics<core_parallel>, #tpu.dimension_semantics<subcore_parallel>], iteration_bounds = array<i64: 2, 16>, scalar_prefetch = 0 : i64, scratch_operands = 7 : i64, tpu.core_type = #tpu.core_type<sc_vector_subcore>, window_params = [{transform_indices = #map}, {transform_indices = #map}, {transform_indices = #map}, {transform_indices = #map}, {transform_indices = #map1}]} {
    %mul3A = arith.constant 2 : i32
    %mul3A_0 = arith.muli %arg1, %mul3A : i32
    %add3A = arith.addi %mul3A_0, %arg0 : i32
    %eq3A = arith.constant 0 : i32
    %eq3A_1 = arith.cmpi eq, %arg1, %eq3A : i32
    %convert_element_type3A = arith.extui %eq3A_1 : i1 to i32
    %cond3A = arith.constant 0 : i32
    %cond3A_2 = arith.cmpi ne, %convert_element_type3A, %cond3A : i32
    scf.if %cond3A_2 {
      "tpu.region"() ({
        %run_scoped3A_249 = tpu.sem_alloc : memref<!tpu.dma_semaphore, #tpu.memory_space<semaphore_mem>>
        tpu.enqueue_dma source(%arg5 : memref<4096x64xf32, #tpu.memory_space<hbm>>) target(%arg11 : memref<4096x64xf32, #tpu.memory_space<vmem_shared>>) target_semaphore(%run_scoped3A_249 : memref<!tpu.dma_semaphore, #tpu.memory_space<semaphore_mem>>)
        tpu.wait_dma2 semaphore(%run_scoped3A_249 : memref<!tpu.dma_semaphore, #tpu.memory_space<semaphore_mem>>) src(%arg5 : memref<4096x64xf32, #tpu.memory_space<hbm>>) dst(%arg11 : memref<4096x64xf32, #tpu.memory_space<vmem_shared>>)
        tpu.yield
      }) : () -> ()
    } else {
    }
    %barrier3A = arith.constant 0 : index
    tpu.barrier barrier_id(%barrier3A)
    %mul3A_3 = arith.constant 16 : i32
    %mul3A_4 = arith.muli %add3A, %mul3A_3 : i32
    "tpu.region"() ({
      %run_scoped3A_249 = tpu.sem_alloc : memref<!tpu.dma_semaphore, #tpu.memory_space<semaphore_mem>>
      %dma_start3A_250 = arith.constant 0 : i32
      %dma_start3A_251 = tpu.memref_slice %arg2[%mul3A_4, %dma_start3A_250] : memref<512x128xi32, #tpu.memory_space<hbm>> -> memref<16x128xi32, #tpu.memory_space<hbm>>
      %dma_start3A_252 = arith.constant 0 : i32
      %dma_start3A_253 = tpu.memref_slice %arg2[%mul3A_4, %dma_start3A_252] : memref<512x128xi32, #tpu.memory_space<hbm>> -> memref<16x128xi32, #tpu.memory_space<hbm>>
      tpu.enqueue_dma source(%dma_start3A_253 : memref<16x128xi32, #tpu.memory_space<hbm>>) target(%arg7 : memref<16x128xi32, #tpu.memory_space<vmem>>) target_semaphore(%run_scoped3A_249 : memref<!tpu.dma_semaphore, #tpu.memory_space<semaphore_mem>>)
      %dma_wait3A_254 = arith.constant 0 : i32
      %dma_wait3A_255 = tpu.memref_slice %arg2[%mul3A_4, %dma_wait3A_254] : memref<512x128xi32, #tpu.memory_space<hbm>> -> memref<16x128xi32, #tpu.memory_space<hbm>>
      %dma_wait3A_256 = arith.constant 0 : i32
      %dma_wait3A_257 = tpu.memref_slice %arg2[%mul3A_4, %dma_wait3A_256] : memref<512x128xi32, #tpu.memory_space<hbm>> -> memref<16x128xi32, #tpu.memory_space<hbm>>
      tpu.wait_dma2 semaphore(%run_scoped3A_249 : memref<!tpu.dma_semaphore, #tpu.memory_space<semaphore_mem>>) src(%dma_wait3A_257 : memref<16x128xi32, #tpu.memory_space<hbm>>) dst(%arg7 : memref<16x128xi32, #tpu.memory_space<vmem>>)
      tpu.yield
    }) : () -> ()
    %mul3A_5 = arith.constant 16 : i32
    %mul3A_6 = arith.muli %add3A, %mul3A_5 : i32
    "tpu.region"() ({
      %run_scoped3A_249 = tpu.sem_alloc : memref<!tpu.dma_semaphore, #tpu.memory_space<semaphore_mem>>
      %dma_start3A_250 = arith.constant 0 : i32
      %dma_start3A_251 = tpu.memref_slice %arg3[%mul3A_6, %dma_start3A_250] : memref<512x128xi32, #tpu.memory_space<hbm>> -> memref<16x128xi32, #tpu.memory_space<hbm>>
      %dma_start3A_252 = arith.constant 0 : i32
      %dma_start3A_253 = tpu.memref_slice %arg3[%mul3A_6, %dma_start3A_252] : memref<512x128xi32, #tpu.memory_space<hbm>> -> memref<16x128xi32, #tpu.memory_space<hbm>>
      tpu.enqueue_dma source(%dma_start3A_253 : memref<16x128xi32, #tpu.memory_space<hbm>>) target(%arg8 : memref<16x128xi32, #tpu.memory_space<vmem>>) target_semaphore(%run_scoped3A_249 : memref<!tpu.dma_semaphore, #tpu.memory_space<semaphore_mem>>)
      %dma_wait3A_254 = arith.constant 0 : i32
      %dma_wait3A_255 = tpu.memref_slice %arg3[%mul3A_6, %dma_wait3A_254] : memref<512x128xi32, #tpu.memory_space<hbm>> -> memref<16x128xi32, #tpu.memory_space<hbm>>
      %dma_wait3A_256 = arith.constant 0 : i32
      %dma_wait3A_257 = tpu.memref_slice %arg3[%mul3A_6, %dma_wait3A_256] : memref<512x128xi32, #tpu.memory_space<hbm>> -> memref<16x128xi32, #tpu.memory_space<hbm>>
      tpu.wait_dma2 semaphore(%run_scoped3A_249 : memref<!tpu.dma_semaphore, #tpu.memory_space<semaphore_mem>>) src(%dma_wait3A_257 : memref<16x128xi32, #tpu.memory_space<hbm>>) dst(%arg8 : memref<16x128xi32, #tpu.memory_space<vmem>>)
      tpu.yield
    }) : () -> ()
    %dma_start3A = arith.constant 0 : i32
    %dma_start3A_7 = arith.constant 0 : i32
    %dma_start3A_8 = tpu.memref_slice %arg7[%dma_start3A, %dma_start3A_7] : memref<16x128xi32, #tpu.memory_space<vmem>> -> memref<1x128xi32, #tpu.memory_space<vmem>>
    %dma_start3A_9 = tpu.memref_squeeze %dma_start3A_8 : memref<1x128xi32, #tpu.memory_space<vmem>> -> memref<128xi32, #tpu.memory_space<vmem>>
    %dma_start3A_10 = arith.constant 0 : i32
    %dma_start3A_11 = arith.constant 0 : i32
    %dma_start3A_12 = tpu.memref_slice %arg4[%dma_start3A_10, %dma_start3A_11] : memref<4096x64xf32, #tpu.memory_space<hbm>> -> memref<4096x64xf32, #tpu.memory_space<hbm>>
    tpu.enqueue_indirect_dma source(%dma_start3A_12 : memref<4096x64xf32, #tpu.memory_space<hbm>>) target(%arg9 : memref<128x64xf32, #tpu.memory_space<vmem>>) offsets(%dma_start3A_9 : memref<128xi32, #tpu.memory_space<vmem>>) semaphore(%arg12 : memref<!tpu.dma_semaphore, #tpu.memory_space<semaphore_mem>>)
    %dma_wait3A = arith.constant 0 : i32
    %dma_wait3A_13 = arith.constant 0 : i32
    %dma_wait3A_14 = tpu.memref_slice %arg7[%dma_wait3A, %dma_wait3A_13] : memref<16x128xi32, #tpu.memory_space<vmem>> -> memref<1x128xi32, #tpu.memory_space<vmem>>
    %dma_wait3A_15 = tpu.memref_squeeze %dma_wait3A_14 : memref<1x128xi32, #tpu.memory_space<vmem>> -> memref<128xi32, #tpu.memory_space<vmem>>
    %dma_wait3A_16 = arith.constant 0 : i32
    %dma_wait3A_17 = arith.constant 0 : i32
    %dma_wait3A_18 = tpu.memref_slice %arg4[%dma_wait3A_16, %dma_wait3A_17] : memref<4096x64xf32, #tpu.memory_space<hbm>> -> memref<4096x64xf32, #tpu.memory_space<hbm>>
    tpu.wait_indirect_dma semaphore(%arg12 : memref<!tpu.dma_semaphore, #tpu.memory_space<semaphore_mem>>) src(%dma_wait3A_18 : memref<4096x64xf32, #tpu.memory_space<hbm>>) dst(%arg9 : memref<128x64xf32, #tpu.memory_space<vmem>>)
    %dma_start3A_19 = arith.constant 1 : i32
    %dma_start3A_20 = arith.constant 0 : i32
    %dma_start3A_21 = tpu.memref_slice %arg7[%dma_start3A_19, %dma_start3A_20] : memref<16x128xi32, #tpu.memory_space<vmem>> -> memref<1x128xi32, #tpu.memory_space<vmem>>
    %dma_start3A_22 = tpu.memref_squeeze %dma_start3A_21 : memref<1x128xi32, #tpu.memory_space<vmem>> -> memref<128xi32, #tpu.memory_space<vmem>>
    %dma_start3A_23 = arith.constant 0 : i32
    %dma_start3A_24 = arith.constant 0 : i32
    %dma_start3A_25 = tpu.memref_slice %arg4[%dma_start3A_23, %dma_start3A_24] : memref<4096x64xf32, #tpu.memory_space<hbm>> -> memref<4096x64xf32, #tpu.memory_space<hbm>>
    tpu.enqueue_indirect_dma source(%dma_start3A_25 : memref<4096x64xf32, #tpu.memory_space<hbm>>) target(%arg10 : memref<128x64xf32, #tpu.memory_space<vmem>>) offsets(%dma_start3A_22 : memref<128xi32, #tpu.memory_space<vmem>>) semaphore(%arg13 : memref<!tpu.dma_semaphore, #tpu.memory_space<semaphore_mem>>)
    %run_scoped3A = arith.constant 0 : i32
    "tpu.region"() ({
      %run_scoped3A_249 = tpu.sem_alloc : memref<!tpu.dma_semaphore, #tpu.memory_space<semaphore_mem>>
      %dma_start3A_250 = arith.constant 0 : i32
      %dma_start3A_251 = tpu.memref_slice %arg8[%run_scoped3A, %dma_start3A_250] : memref<16x128xi32, #tpu.memory_space<vmem>> -> memref<1x128xi32, #tpu.memory_space<vmem>>
      %dma_start3A_252 = tpu.memref_squeeze %dma_start3A_251 : memref<1x128xi32, #tpu.memory_space<vmem>> -> memref<128xi32, #tpu.memory_space<vmem>>
      %dma_start3A_253 = arith.constant 0 : i32
      %dma_start3A_254 = arith.constant 0 : i32
      %dma_start3A_255 = tpu.memref_slice %arg11[%dma_start3A_253, %dma_start3A_254] : memref<4096x64xf32, #tpu.memory_space<vmem_shared>> -> memref<4096x64xf32, #tpu.memory_space<vmem_shared>>
      tpu.enqueue_indirect_dma source(%arg9 : memref<128x64xf32, #tpu.memory_space<vmem>>) target(%dma_start3A_255 : memref<4096x64xf32, #tpu.memory_space<vmem_shared>>) offsets(%dma_start3A_252 : memref<128xi32, #tpu.memory_space<vmem>>) semaphore(%run_scoped3A_249 : memref<!tpu.dma_semaphore, #tpu.memory_space<semaphore_mem>>) {add = true}
      %dma_wait3A_256 = arith.constant 0 : i32
      %dma_wait3A_257 = tpu.memref_slice %arg8[%run_scoped3A, %dma_wait3A_256] : memref<16x128xi32, #tpu.memory_space<vmem>> -> memref<1x128xi32, #tpu.memory_space<vmem>>
      %dma_wait3A_258 = tpu.memref_squeeze %dma_wait3A_257 : memref<1x128xi32, #tpu.memory_space<vmem>> -> memref<128xi32, #tpu.memory_space<vmem>>
      %dma_wait3A_259 = arith.constant 0 : i32
      %dma_wait3A_260 = arith.constant 0 : i32
      %dma_wait3A_261 = tpu.memref_slice %arg11[%dma_wait3A_259, %dma_wait3A_260] : memref<4096x64xf32, #tpu.memory_space<vmem_shared>> -> memref<4096x64xf32, #tpu.memory_space<vmem_shared>>
      tpu.wait_indirect_dma semaphore(%run_scoped3A_249 : memref<!tpu.dma_semaphore, #tpu.memory_space<semaphore_mem>>) src(%arg9 : memref<128x64xf32, #tpu.memory_space<vmem>>) dst(%dma_wait3A_261 : memref<4096x64xf32, #tpu.memory_space<vmem_shared>>)
      tpu.yield
    }) : () -> ()
    %dma_wait3A_26 = arith.constant 1 : i32
    %dma_wait3A_27 = arith.constant 0 : i32
    %dma_wait3A_28 = tpu.memref_slice %arg7[%dma_wait3A_26, %dma_wait3A_27] : memref<16x128xi32, #tpu.memory_space<vmem>> -> memref<1x128xi32, #tpu.memory_space<vmem>>
    %dma_wait3A_29 = tpu.memref_squeeze %dma_wait3A_28 : memref<1x128xi32, #tpu.memory_space<vmem>> -> memref<128xi32, #tpu.memory_space<vmem>>
    %dma_wait3A_30 = arith.constant 0 : i32
    %dma_wait3A_31 = arith.constant 0 : i32
    %dma_wait3A_32 = tpu.memref_slice %arg4[%dma_wait3A_30, %dma_wait3A_31] : memref<4096x64xf32, #tpu.memory_space<hbm>> -> memref<4096x64xf32, #tpu.memory_space<hbm>>
    tpu.wait_indirect_dma semaphore(%arg13 : memref<!tpu.dma_semaphore, #tpu.memory_space<semaphore_mem>>) src(%dma_wait3A_32 : memref<4096x64xf32, #tpu.memory_space<hbm>>) dst(%arg10 : memref<128x64xf32, #tpu.memory_space<vmem>>)
    %dma_start3A_33 = arith.constant 2 : i32
    %dma_start3A_34 = arith.constant 0 : i32
    %dma_start3A_35 = tpu.memref_slice %arg7[%dma_start3A_33, %dma_start3A_34] : memref<16x128xi32, #tpu.memory_space<vmem>> -> memref<1x128xi32, #tpu.memory_space<vmem>>
    %dma_start3A_36 = tpu.memref_squeeze %dma_start3A_35 : memref<1x128xi32, #tpu.memory_space<vmem>> -> memref<128xi32, #tpu.memory_space<vmem>>
    %dma_start3A_37 = arith.constant 0 : i32
    %dma_start3A_38 = arith.constant 0 : i32
    %dma_start3A_39 = tpu.memref_slice %arg4[%dma_start3A_37, %dma_start3A_38] : memref<4096x64xf32, #tpu.memory_space<hbm>> -> memref<4096x64xf32, #tpu.memory_space<hbm>>
    tpu.enqueue_indirect_dma source(%dma_start3A_39 : memref<4096x64xf32, #tpu.memory_space<hbm>>) target(%arg9 : memref<128x64xf32, #tpu.memory_space<vmem>>) offsets(%dma_start3A_36 : memref<128xi32, #tpu.memory_space<vmem>>) semaphore(%arg12 : memref<!tpu.dma_semaphore, #tpu.memory_space<semaphore_mem>>)
    %run_scoped3A_40 = arith.constant 1 : i32
    "tpu.region"() ({
      %run_scoped3A_249 = tpu.sem_alloc : memref<!tpu.dma_semaphore, #tpu.memory_space<semaphore_mem>>
      %dma_start3A_250 = arith.constant 0 : i32
      %dma_start3A_251 = tpu.memref_slice %arg8[%run_scoped3A_40, %dma_start3A_250] : memref<16x128xi32, #tpu.memory_space<vmem>> -> memref<1x128xi32, #tpu.memory_space<vmem>>
      %dma_start3A_252 = tpu.memref_squeeze %dma_start3A_251 : memref<1x128xi32, #tpu.memory_space<vmem>> -> memref<128xi32, #tpu.memory_space<vmem>>
      %dma_start3A_253 = arith.constant 0 : i32
      %dma_start3A_254 = arith.constant 0 : i32
      %dma_start3A_255 = tpu.memref_slice %arg11[%dma_start3A_253, %dma_start3A_254] : memref<4096x64xf32, #tpu.memory_space<vmem_shared>> -> memref<4096x64xf32, #tpu.memory_space<vmem_shared>>
      tpu.enqueue_indirect_dma source(%arg10 : memref<128x64xf32, #tpu.memory_space<vmem>>) target(%dma_start3A_255 : memref<4096x64xf32, #tpu.memory_space<vmem_shared>>) offsets(%dma_start3A_252 : memref<128xi32, #tpu.memory_space<vmem>>) semaphore(%run_scoped3A_249 : memref<!tpu.dma_semaphore, #tpu.memory_space<semaphore_mem>>) {add = true}
      %dma_wait3A_256 = arith.constant 0 : i32
      %dma_wait3A_257 = tpu.memref_slice %arg8[%run_scoped3A_40, %dma_wait3A_256] : memref<16x128xi32, #tpu.memory_space<vmem>> -> memref<1x128xi32, #tpu.memory_space<vmem>>
      %dma_wait3A_258 = tpu.memref_squeeze %dma_wait3A_257 : memref<1x128xi32, #tpu.memory_space<vmem>> -> memref<128xi32, #tpu.memory_space<vmem>>
      %dma_wait3A_259 = arith.constant 0 : i32
      %dma_wait3A_260 = arith.constant 0 : i32
      %dma_wait3A_261 = tpu.memref_slice %arg11[%dma_wait3A_259, %dma_wait3A_260] : memref<4096x64xf32, #tpu.memory_space<vmem_shared>> -> memref<4096x64xf32, #tpu.memory_space<vmem_shared>>
      tpu.wait_indirect_dma semaphore(%run_scoped3A_249 : memref<!tpu.dma_semaphore, #tpu.memory_space<semaphore_mem>>) src(%arg10 : memref<128x64xf32, #tpu.memory_space<vmem>>) dst(%dma_wait3A_261 : memref<4096x64xf32, #tpu.memory_space<vmem_shared>>)
      tpu.yield
    }) : () -> ()
    %dma_wait3A_41 = arith.constant 2 : i32
    %dma_wait3A_42 = arith.constant 0 : i32
    %dma_wait3A_43 = tpu.memref_slice %arg7[%dma_wait3A_41, %dma_wait3A_42] : memref<16x128xi32, #tpu.memory_space<vmem>> -> memref<1x128xi32, #tpu.memory_space<vmem>>
    %dma_wait3A_44 = tpu.memref_squeeze %dma_wait3A_43 : memref<1x128xi32, #tpu.memory_space<vmem>> -> memref<128xi32, #tpu.memory_space<vmem>>
    %dma_wait3A_45 = arith.constant 0 : i32
    %dma_wait3A_46 = arith.constant 0 : i32
    %dma_wait3A_47 = tpu.memref_slice %arg4[%dma_wait3A_45, %dma_wait3A_46] : memref<4096x64xf32, #tpu.memory_space<hbm>> -> memref<4096x64xf32, #tpu.memory_space<hbm>>
    tpu.wait_indirect_dma semaphore(%arg12 : memref<!tpu.dma_semaphore, #tpu.memory_space<semaphore_mem>>) src(%dma_wait3A_47 : memref<4096x64xf32, #tpu.memory_space<hbm>>) dst(%arg9 : memref<128x64xf32, #tpu.memory_space<vmem>>)
    %dma_start3A_48 = arith.constant 3 : i32
    %dma_start3A_49 = arith.constant 0 : i32
    %dma_start3A_50 = tpu.memref_slice %arg7[%dma_start3A_48, %dma_start3A_49] : memref<16x128xi32, #tpu.memory_space<vmem>> -> memref<1x128xi32, #tpu.memory_space<vmem>>
    %dma_start3A_51 = tpu.memref_squeeze %dma_start3A_50 : memref<1x128xi32, #tpu.memory_space<vmem>> -> memref<128xi32, #tpu.memory_space<vmem>>
    %dma_start3A_52 = arith.constant 0 : i32
    %dma_start3A_53 = arith.constant 0 : i32
    %dma_start3A_54 = tpu.memref_slice %arg4[%dma_start3A_52, %dma_start3A_53] : memref<4096x64xf32, #tpu.memory_space<hbm>> -> memref<4096x64xf32, #tpu.memory_space<hbm>>
    tpu.enqueue_indirect_dma source(%dma_start3A_54 : memref<4096x64xf32, #tpu.memory_space<hbm>>) target(%arg10 : memref<128x64xf32, #tpu.memory_space<vmem>>) offsets(%dma_start3A_51 : memref<128xi32, #tpu.memory_space<vmem>>) semaphore(%arg13 : memref<!tpu.dma_semaphore, #tpu.memory_space<semaphore_mem>>)
    %run_scoped3A_55 = arith.constant 2 : i32
    "tpu.region"() ({
      %run_scoped3A_249 = tpu.sem_alloc : memref<!tpu.dma_semaphore, #tpu.memory_space<semaphore_mem>>
      %dma_start3A_250 = arith.constant 0 : i32
      %dma_start3A_251 = tpu.memref_slice %arg8[%run_scoped3A_55, %dma_start3A_250] : memref<16x128xi32, #tpu.memory_space<vmem>> -> memref<1x128xi32, #tpu.memory_space<vmem>>
      %dma_start3A_252 = tpu.memref_squeeze %dma_start3A_251 : memref<1x128xi32, #tpu.memory_space<vmem>> -> memref<128xi32, #tpu.memory_space<vmem>>
      %dma_start3A_253 = arith.constant 0 : i32
      %dma_start3A_254 = arith.constant 0 : i32
      %dma_start3A_255 = tpu.memref_slice %arg11[%dma_start3A_253, %dma_start3A_254] : memref<4096x64xf32, #tpu.memory_space<vmem_shared>> -> memref<4096x64xf32, #tpu.memory_space<vmem_shared>>
      tpu.enqueue_indirect_dma source(%arg9 : memref<128x64xf32, #tpu.memory_space<vmem>>) target(%dma_start3A_255 : memref<4096x64xf32, #tpu.memory_space<vmem_shared>>) offsets(%dma_start3A_252 : memref<128xi32, #tpu.memory_space<vmem>>) semaphore(%run_scoped3A_249 : memref<!tpu.dma_semaphore, #tpu.memory_space<semaphore_mem>>) {add = true}
      %dma_wait3A_256 = arith.constant 0 : i32
      %dma_wait3A_257 = tpu.memref_slice %arg8[%run_scoped3A_55, %dma_wait3A_256] : memref<16x128xi32, #tpu.memory_space<vmem>> -> memref<1x128xi32, #tpu.memory_space<vmem>>
      %dma_wait3A_258 = tpu.memref_squeeze %dma_wait3A_257 : memref<1x128xi32, #tpu.memory_space<vmem>> -> memref<128xi32, #tpu.memory_space<vmem>>
      %dma_wait3A_259 = arith.constant 0 : i32
      %dma_wait3A_260 = arith.constant 0 : i32
      %dma_wait3A_261 = tpu.memref_slice %arg11[%dma_wait3A_259, %dma_wait3A_260] : memref<4096x64xf32, #tpu.memory_space<vmem_shared>> -> memref<4096x64xf32, #tpu.memory_space<vmem_shared>>
      tpu.wait_indirect_dma semaphore(%run_scoped3A_249 : memref<!tpu.dma_semaphore, #tpu.memory_space<semaphore_mem>>) src(%arg9 : memref<128x64xf32, #tpu.memory_space<vmem>>) dst(%dma_wait3A_261 : memref<4096x64xf32, #tpu.memory_space<vmem_shared>>)
      tpu.yield
    }) : () -> ()
    %dma_wait3A_56 = arith.constant 3 : i32
    %dma_wait3A_57 = arith.constant 0 : i32
    %dma_wait3A_58 = tpu.memref_slice %arg7[%dma_wait3A_56, %dma_wait3A_57] : memref<16x128xi32, #tpu.memory_space<vmem>> -> memref<1x128xi32, #tpu.memory_space<vmem>>
    %dma_wait3A_59 = tpu.memref_squeeze %dma_wait3A_58 : memref<1x128xi32, #tpu.memory_space<vmem>> -> memref<128xi32, #tpu.memory_space<vmem>>
    %dma_wait3A_60 = arith.constant 0 : i32
    %dma_wait3A_61 = arith.constant 0 : i32
    %dma_wait3A_62 = tpu.memref_slice %arg4[%dma_wait3A_60, %dma_wait3A_61] : memref<4096x64xf32, #tpu.memory_space<hbm>> -> memref<4096x64xf32, #tpu.memory_space<hbm>>
    tpu.wait_indirect_dma semaphore(%arg13 : memref<!tpu.dma_semaphore, #tpu.memory_space<semaphore_mem>>) src(%dma_wait3A_62 : memref<4096x64xf32, #tpu.memory_space<hbm>>) dst(%arg10 : memref<128x64xf32, #tpu.memory_space<vmem>>)
    %dma_start3A_63 = arith.constant 4 : i32
    %dma_start3A_64 = arith.constant 0 : i32
    %dma_start3A_65 = tpu.memref_slice %arg7[%dma_start3A_63, %dma_start3A_64] : memref<16x128xi32, #tpu.memory_space<vmem>> -> memref<1x128xi32, #tpu.memory_space<vmem>>
    %dma_start3A_66 = tpu.memref_squeeze %dma_start3A_65 : memref<1x128xi32, #tpu.memory_space<vmem>> -> memref<128xi32, #tpu.memory_space<vmem>>
    %dma_start3A_67 = arith.constant 0 : i32
    %dma_start3A_68 = arith.constant 0 : i32
    %dma_start3A_69 = tpu.memref_slice %arg4[%dma_start3A_67, %dma_start3A_68] : memref<4096x64xf32, #tpu.memory_space<hbm>> -> memref<4096x64xf32, #tpu.memory_space<hbm>>
    tpu.enqueue_indirect_dma source(%dma_start3A_69 : memref<4096x64xf32, #tpu.memory_space<hbm>>) target(%arg9 : memref<128x64xf32, #tpu.memory_space<vmem>>) offsets(%dma_start3A_66 : memref<128xi32, #tpu.memory_space<vmem>>) semaphore(%arg12 : memref<!tpu.dma_semaphore, #tpu.memory_space<semaphore_mem>>)
    %run_scoped3A_70 = arith.constant 3 : i32
    "tpu.region"() ({
      %run_scoped3A_249 = tpu.sem_alloc : memref<!tpu.dma_semaphore, #tpu.memory_space<semaphore_mem>>
      %dma_start3A_250 = arith.constant 0 : i32
      %dma_start3A_251 = tpu.memref_slice %arg8[%run_scoped3A_70, %dma_start3A_250] : memref<16x128xi32, #tpu.memory_space<vmem>> -> memref<1x128xi32, #tpu.memory_space<vmem>>
      %dma_start3A_252 = tpu.memref_squeeze %dma_start3A_251 : memref<1x128xi32, #tpu.memory_space<vmem>> -> memref<128xi32, #tpu.memory_space<vmem>>
      %dma_start3A_253 = arith.constant 0 : i32
      %dma_start3A_254 = arith.constant 0 : i32
      %dma_start3A_255 = tpu.memref_slice %arg11[%dma_start3A_253, %dma_start3A_254] : memref<4096x64xf32, #tpu.memory_space<vmem_shared>> -> memref<4096x64xf32, #tpu.memory_space<vmem_shared>>
      tpu.enqueue_indirect_dma source(%arg10 : memref<128x64xf32, #tpu.memory_space<vmem>>) target(%dma_start3A_255 : memref<4096x64xf32, #tpu.memory_space<vmem_shared>>) offsets(%dma_start3A_252 : memref<128xi32, #tpu.memory_space<vmem>>) semaphore(%run_scoped3A_249 : memref<!tpu.dma_semaphore, #tpu.memory_space<semaphore_mem>>) {add = true}
      %dma_wait3A_256 = arith.constant 0 : i32
      %dma_wait3A_257 = tpu.memref_slice %arg8[%run_scoped3A_70, %dma_wait3A_256] : memref<16x128xi32, #tpu.memory_space<vmem>> -> memref<1x128xi32, #tpu.memory_space<vmem>>
      %dma_wait3A_258 = tpu.memref_squeeze %dma_wait3A_257 : memref<1x128xi32, #tpu.memory_space<vmem>> -> memref<128xi32, #tpu.memory_space<vmem>>
      %dma_wait3A_259 = arith.constant 0 : i32
      %dma_wait3A_260 = arith.constant 0 : i32
      %dma_wait3A_261 = tpu.memref_slice %arg11[%dma_wait3A_259, %dma_wait3A_260] : memref<4096x64xf32, #tpu.memory_space<vmem_shared>> -> memref<4096x64xf32, #tpu.memory_space<vmem_shared>>
      tpu.wait_indirect_dma semaphore(%run_scoped3A_249 : memref<!tpu.dma_semaphore, #tpu.memory_space<semaphore_mem>>) src(%arg10 : memref<128x64xf32, #tpu.memory_space<vmem>>) dst(%dma_wait3A_261 : memref<4096x64xf32, #tpu.memory_space<vmem_shared>>)
      tpu.yield
    }) : () -> ()
    %dma_wait3A_71 = arith.constant 4 : i32
    %dma_wait3A_72 = arith.constant 0 : i32
    %dma_wait3A_73 = tpu.memref_slice %arg7[%dma_wait3A_71, %dma_wait3A_72] : memref<16x128xi32, #tpu.memory_space<vmem>> -> memref<1x128xi32, #tpu.memory_space<vmem>>
    %dma_wait3A_74 = tpu.memref_squeeze %dma_wait3A_73 : memref<1x128xi32, #tpu.memory_space<vmem>> -> memref<128xi32, #tpu.memory_space<vmem>>
    %dma_wait3A_75 = arith.constant 0 : i32
    %dma_wait3A_76 = arith.constant 0 : i32
    %dma_wait3A_77 = tpu.memref_slice %arg4[%dma_wait3A_75, %dma_wait3A_76] : memref<4096x64xf32, #tpu.memory_space<hbm>> -> memref<4096x64xf32, #tpu.memory_space<hbm>>
    tpu.wait_indirect_dma semaphore(%arg12 : memref<!tpu.dma_semaphore, #tpu.memory_space<semaphore_mem>>) src(%dma_wait3A_77 : memref<4096x64xf32, #tpu.memory_space<hbm>>) dst(%arg9 : memref<128x64xf32, #tpu.memory_space<vmem>>)
    %dma_start3A_78 = arith.constant 5 : i32
    %dma_start3A_79 = arith.constant 0 : i32
    %dma_start3A_80 = tpu.memref_slice %arg7[%dma_start3A_78, %dma_start3A_79] : memref<16x128xi32, #tpu.memory_space<vmem>> -> memref<1x128xi32, #tpu.memory_space<vmem>>
    %dma_start3A_81 = tpu.memref_squeeze %dma_start3A_80 : memref<1x128xi32, #tpu.memory_space<vmem>> -> memref<128xi32, #tpu.memory_space<vmem>>
    %dma_start3A_82 = arith.constant 0 : i32
    %dma_start3A_83 = arith.constant 0 : i32
    %dma_start3A_84 = tpu.memref_slice %arg4[%dma_start3A_82, %dma_start3A_83] : memref<4096x64xf32, #tpu.memory_space<hbm>> -> memref<4096x64xf32, #tpu.memory_space<hbm>>
    tpu.enqueue_indirect_dma source(%dma_start3A_84 : memref<4096x64xf32, #tpu.memory_space<hbm>>) target(%arg10 : memref<128x64xf32, #tpu.memory_space<vmem>>) offsets(%dma_start3A_81 : memref<128xi32, #tpu.memory_space<vmem>>) semaphore(%arg13 : memref<!tpu.dma_semaphore, #tpu.memory_space<semaphore_mem>>)
    %run_scoped3A_85 = arith.constant 4 : i32
    "tpu.region"() ({
      %run_scoped3A_249 = tpu.sem_alloc : memref<!tpu.dma_semaphore, #tpu.memory_space<semaphore_mem>>
      %dma_start3A_250 = arith.constant 0 : i32
      %dma_start3A_251 = tpu.memref_slice %arg8[%run_scoped3A_85, %dma_start3A_250] : memref<16x128xi32, #tpu.memory_space<vmem>> -> memref<1x128xi32, #tpu.memory_space<vmem>>
      %dma_start3A_252 = tpu.memref_squeeze %dma_start3A_251 : memref<1x128xi32, #tpu.memory_space<vmem>> -> memref<128xi32, #tpu.memory_space<vmem>>
      %dma_start3A_253 = arith.constant 0 : i32
      %dma_start3A_254 = arith.constant 0 : i32
      %dma_start3A_255 = tpu.memref_slice %arg11[%dma_start3A_253, %dma_start3A_254] : memref<4096x64xf32, #tpu.memory_space<vmem_shared>> -> memref<4096x64xf32, #tpu.memory_space<vmem_shared>>
      tpu.enqueue_indirect_dma source(%arg9 : memref<128x64xf32, #tpu.memory_space<vmem>>) target(%dma_start3A_255 : memref<4096x64xf32, #tpu.memory_space<vmem_shared>>) offsets(%dma_start3A_252 : memref<128xi32, #tpu.memory_space<vmem>>) semaphore(%run_scoped3A_249 : memref<!tpu.dma_semaphore, #tpu.memory_space<semaphore_mem>>) {add = true}
      %dma_wait3A_256 = arith.constant 0 : i32
      %dma_wait3A_257 = tpu.memref_slice %arg8[%run_scoped3A_85, %dma_wait3A_256] : memref<16x128xi32, #tpu.memory_space<vmem>> -> memref<1x128xi32, #tpu.memory_space<vmem>>
      %dma_wait3A_258 = tpu.memref_squeeze %dma_wait3A_257 : memref<1x128xi32, #tpu.memory_space<vmem>> -> memref<128xi32, #tpu.memory_space<vmem>>
      %dma_wait3A_259 = arith.constant 0 : i32
      %dma_wait3A_260 = arith.constant 0 : i32
      %dma_wait3A_261 = tpu.memref_slice %arg11[%dma_wait3A_259, %dma_wait3A_260] : memref<4096x64xf32, #tpu.memory_space<vmem_shared>> -> memref<4096x64xf32, #tpu.memory_space<vmem_shared>>
      tpu.wait_indirect_dma semaphore(%run_scoped3A_249 : memref<!tpu.dma_semaphore, #tpu.memory_space<semaphore_mem>>) src(%arg9 : memref<128x64xf32, #tpu.memory_space<vmem>>) dst(%dma_wait3A_261 : memref<4096x64xf32, #tpu.memory_space<vmem_shared>>)
      tpu.yield
    }) : () -> ()
    %dma_wait3A_86 = arith.constant 5 : i32
    %dma_wait3A_87 = arith.constant 0 : i32
    %dma_wait3A_88 = tpu.memref_slice %arg7[%dma_wait3A_86, %dma_wait3A_87] : memref<16x128xi32, #tpu.memory_space<vmem>> -> memref<1x128xi32, #tpu.memory_space<vmem>>
    %dma_wait3A_89 = tpu.memref_squeeze %dma_wait3A_88 : memref<1x128xi32, #tpu.memory_space<vmem>> -> memref<128xi32, #tpu.memory_space<vmem>>
    %dma_wait3A_90 = arith.constant 0 : i32
    %dma_wait3A_91 = arith.constant 0 : i32
    %dma_wait3A_92 = tpu.memref_slice %arg4[%dma_wait3A_90, %dma_wait3A_91] : memref<4096x64xf32, #tpu.memory_space<hbm>> -> memref<4096x64xf32, #tpu.memory_space<hbm>>
    tpu.wait_indirect_dma semaphore(%arg13 : memref<!tpu.dma_semaphore, #tpu.memory_space<semaphore_mem>>) src(%dma_wait3A_92 : memref<4096x64xf32, #tpu.memory_space<hbm>>) dst(%arg10 : memref<128x64xf32, #tpu.memory_space<vmem>>)
    %dma_start3A_93 = arith.constant 6 : i32
    %dma_start3A_94 = arith.constant 0 : i32
    %dma_start3A_95 = tpu.memref_slice %arg7[%dma_start3A_93, %dma_start3A_94] : memref<16x128xi32, #tpu.memory_space<vmem>> -> memref<1x128xi32, #tpu.memory_space<vmem>>
    %dma_start3A_96 = tpu.memref_squeeze %dma_start3A_95 : memref<1x128xi32, #tpu.memory_space<vmem>> -> memref<128xi32, #tpu.memory_space<vmem>>
    %dma_start3A_97 = arith.constant 0 : i32
    %dma_start3A_98 = arith.constant 0 : i32
    %dma_start3A_99 = tpu.memref_slice %arg4[%dma_start3A_97, %dma_start3A_98] : memref<4096x64xf32, #tpu.memory_space<hbm>> -> memref<4096x64xf32, #tpu.memory_space<hbm>>
    tpu.enqueue_indirect_dma source(%dma_start3A_99 : memref<4096x64xf32, #tpu.memory_space<hbm>>) target(%arg9 : memref<128x64xf32, #tpu.memory_space<vmem>>) offsets(%dma_start3A_96 : memref<128xi32, #tpu.memory_space<vmem>>) semaphore(%arg12 : memref<!tpu.dma_semaphore, #tpu.memory_space<semaphore_mem>>)
    %run_scoped3A_100 = arith.constant 5 : i32
    "tpu.region"() ({
      %run_scoped3A_249 = tpu.sem_alloc : memref<!tpu.dma_semaphore, #tpu.memory_space<semaphore_mem>>
      %dma_start3A_250 = arith.constant 0 : i32
      %dma_start3A_251 = tpu.memref_slice %arg8[%run_scoped3A_100, %dma_start3A_250] : memref<16x128xi32, #tpu.memory_space<vmem>> -> memref<1x128xi32, #tpu.memory_space<vmem>>
      %dma_start3A_252 = tpu.memref_squeeze %dma_start3A_251 : memref<1x128xi32, #tpu.memory_space<vmem>> -> memref<128xi32, #tpu.memory_space<vmem>>
      %dma_start3A_253 = arith.constant 0 : i32
      %dma_start3A_254 = arith.constant 0 : i32
      %dma_start3A_255 = tpu.memref_slice %arg11[%dma_start3A_253, %dma_start3A_254] : memref<4096x64xf32, #tpu.memory_space<vmem_shared>> -> memref<4096x64xf32, #tpu.memory_space<vmem_shared>>
      tpu.enqueue_indirect_dma source(%arg10 : memref<128x64xf32, #tpu.memory_space<vmem>>) target(%dma_start3A_255 : memref<4096x64xf32, #tpu.memory_space<vmem_shared>>) offsets(%dma_start3A_252 : memref<128xi32, #tpu.memory_space<vmem>>) semaphore(%run_scoped3A_249 : memref<!tpu.dma_semaphore, #tpu.memory_space<semaphore_mem>>) {add = true}
      %dma_wait3A_256 = arith.constant 0 : i32
      %dma_wait3A_257 = tpu.memref_slice %arg8[%run_scoped3A_100, %dma_wait3A_256] : memref<16x128xi32, #tpu.memory_space<vmem>> -> memref<1x128xi32, #tpu.memory_space<vmem>>
      %dma_wait3A_258 = tpu.memref_squeeze %dma_wait3A_257 : memref<1x128xi32, #tpu.memory_space<vmem>> -> memref<128xi32, #tpu.memory_space<vmem>>
      %dma_wait3A_259 = arith.constant 0 : i32
      %dma_wait3A_260 = arith.constant 0 : i32
      %dma_wait3A_261 = tpu.memref_slice %arg11[%dma_wait3A_259, %dma_wait3A_260] : memref<4096x64xf32, #tpu.memory_space<vmem_shared>> -> memref<4096x64xf32, #tpu.memory_space<vmem_shared>>
      tpu.wait_indirect_dma semaphore(%run_scoped3A_249 : memref<!tpu.dma_semaphore, #tpu.memory_space<semaphore_mem>>) src(%arg10 : memref<128x64xf32, #tpu.memory_space<vmem>>) dst(%dma_wait3A_261 : memref<4096x64xf32, #tpu.memory_space<vmem_shared>>)
      tpu.yield
    }) : () -> ()
    %dma_wait3A_101 = arith.constant 6 : i32
    %dma_wait3A_102 = arith.constant 0 : i32
    %dma_wait3A_103 = tpu.memref_slice %arg7[%dma_wait3A_101, %dma_wait3A_102] : memref<16x128xi32, #tpu.memory_space<vmem>> -> memref<1x128xi32, #tpu.memory_space<vmem>>
    %dma_wait3A_104 = tpu.memref_squeeze %dma_wait3A_103 : memref<1x128xi32, #tpu.memory_space<vmem>> -> memref<128xi32, #tpu.memory_space<vmem>>
    %dma_wait3A_105 = arith.constant 0 : i32
    %dma_wait3A_106 = arith.constant 0 : i32
    %dma_wait3A_107 = tpu.memref_slice %arg4[%dma_wait3A_105, %dma_wait3A_106] : memref<4096x64xf32, #tpu.memory_space<hbm>> -> memref<4096x64xf32, #tpu.memory_space<hbm>>
    tpu.wait_indirect_dma semaphore(%arg12 : memref<!tpu.dma_semaphore, #tpu.memory_space<semaphore_mem>>) src(%dma_wait3A_107 : memref<4096x64xf32, #tpu.memory_space<hbm>>) dst(%arg9 : memref<128x64xf32, #tpu.memory_space<vmem>>)
    %dma_start3A_108 = arith.constant 7 : i32
    %dma_start3A_109 = arith.constant 0 : i32
    %dma_start3A_110 = tpu.memref_slice %arg7[%dma_start3A_108, %dma_start3A_109] : memref<16x128xi32, #tpu.memory_space<vmem>> -> memref<1x128xi32, #tpu.memory_space<vmem>>
    %dma_start3A_111 = tpu.memref_squeeze %dma_start3A_110 : memref<1x128xi32, #tpu.memory_space<vmem>> -> memref<128xi32, #tpu.memory_space<vmem>>
    %dma_start3A_112 = arith.constant 0 : i32
    %dma_start3A_113 = arith.constant 0 : i32
    %dma_start3A_114 = tpu.memref_slice %arg4[%dma_start3A_112, %dma_start3A_113] : memref<4096x64xf32, #tpu.memory_space<hbm>> -> memref<4096x64xf32, #tpu.memory_space<hbm>>
    tpu.enqueue_indirect_dma source(%dma_start3A_114 : memref<4096x64xf32, #tpu.memory_space<hbm>>) target(%arg10 : memref<128x64xf32, #tpu.memory_space<vmem>>) offsets(%dma_start3A_111 : memref<128xi32, #tpu.memory_space<vmem>>) semaphore(%arg13 : memref<!tpu.dma_semaphore, #tpu.memory_space<semaphore_mem>>)
    %run_scoped3A_115 = arith.constant 6 : i32
    "tpu.region"() ({
      %run_scoped3A_249 = tpu.sem_alloc : memref<!tpu.dma_semaphore, #tpu.memory_space<semaphore_mem>>
      %dma_start3A_250 = arith.constant 0 : i32
      %dma_start3A_251 = tpu.memref_slice %arg8[%run_scoped3A_115, %dma_start3A_250] : memref<16x128xi32, #tpu.memory_space<vmem>> -> memref<1x128xi32, #tpu.memory_space<vmem>>
      %dma_start3A_252 = tpu.memref_squeeze %dma_start3A_251 : memref<1x128xi32, #tpu.memory_space<vmem>> -> memref<128xi32, #tpu.memory_space<vmem>>
      %dma_start3A_253 = arith.constant 0 : i32
      %dma_start3A_254 = arith.constant 0 : i32
      %dma_start3A_255 = tpu.memref_slice %arg11[%dma_start3A_253, %dma_start3A_254] : memref<4096x64xf32, #tpu.memory_space<vmem_shared>> -> memref<4096x64xf32, #tpu.memory_space<vmem_shared>>
      tpu.enqueue_indirect_dma source(%arg9 : memref<128x64xf32, #tpu.memory_space<vmem>>) target(%dma_start3A_255 : memref<4096x64xf32, #tpu.memory_space<vmem_shared>>) offsets(%dma_start3A_252 : memref<128xi32, #tpu.memory_space<vmem>>) semaphore(%run_scoped3A_249 : memref<!tpu.dma_semaphore, #tpu.memory_space<semaphore_mem>>) {add = true}
      %dma_wait3A_256 = arith.constant 0 : i32
      %dma_wait3A_257 = tpu.memref_slice %arg8[%run_scoped3A_115, %dma_wait3A_256] : memref<16x128xi32, #tpu.memory_space<vmem>> -> memref<1x128xi32, #tpu.memory_space<vmem>>
      %dma_wait3A_258 = tpu.memref_squeeze %dma_wait3A_257 : memref<1x128xi32, #tpu.memory_space<vmem>> -> memref<128xi32, #tpu.memory_space<vmem>>
      %dma_wait3A_259 = arith.constant 0 : i32
      %dma_wait3A_260 = arith.constant 0 : i32
      %dma_wait3A_261 = tpu.memref_slice %arg11[%dma_wait3A_259, %dma_wait3A_260] : memref<4096x64xf32, #tpu.memory_space<vmem_shared>> -> memref<4096x64xf32, #tpu.memory_space<vmem_shared>>
      tpu.wait_indirect_dma semaphore(%run_scoped3A_249 : memref<!tpu.dma_semaphore, #tpu.memory_space<semaphore_mem>>) src(%arg9 : memref<128x64xf32, #tpu.memory_space<vmem>>) dst(%dma_wait3A_261 : memref<4096x64xf32, #tpu.memory_space<vmem_shared>>)
      tpu.yield
    }) : () -> ()
    %dma_wait3A_116 = arith.constant 7 : i32
    %dma_wait3A_117 = arith.constant 0 : i32
    %dma_wait3A_118 = tpu.memref_slice %arg7[%dma_wait3A_116, %dma_wait3A_117] : memref<16x128xi32, #tpu.memory_space<vmem>> -> memref<1x128xi32, #tpu.memory_space<vmem>>
    %dma_wait3A_119 = tpu.memref_squeeze %dma_wait3A_118 : memref<1x128xi32, #tpu.memory_space<vmem>> -> memref<128xi32, #tpu.memory_space<vmem>>
    %dma_wait3A_120 = arith.constant 0 : i32
    %dma_wait3A_121 = arith.constant 0 : i32
    %dma_wait3A_122 = tpu.memref_slice %arg4[%dma_wait3A_120, %dma_wait3A_121] : memref<4096x64xf32, #tpu.memory_space<hbm>> -> memref<4096x64xf32, #tpu.memory_space<hbm>>
    tpu.wait_indirect_dma semaphore(%arg13 : memref<!tpu.dma_semaphore, #tpu.memory_space<semaphore_mem>>) src(%dma_wait3A_122 : memref<4096x64xf32, #tpu.memory_space<hbm>>) dst(%arg10 : memref<128x64xf32, #tpu.memory_space<vmem>>)
    %dma_start3A_123 = arith.constant 8 : i32
    %dma_start3A_124 = arith.constant 0 : i32
    %dma_start3A_125 = tpu.memref_slice %arg7[%dma_start3A_123, %dma_start3A_124] : memref<16x128xi32, #tpu.memory_space<vmem>> -> memref<1x128xi32, #tpu.memory_space<vmem>>
    %dma_start3A_126 = tpu.memref_squeeze %dma_start3A_125 : memref<1x128xi32, #tpu.memory_space<vmem>> -> memref<128xi32, #tpu.memory_space<vmem>>
    %dma_start3A_127 = arith.constant 0 : i32
    %dma_start3A_128 = arith.constant 0 : i32
    %dma_start3A_129 = tpu.memref_slice %arg4[%dma_start3A_127, %dma_start3A_128] : memref<4096x64xf32, #tpu.memory_space<hbm>> -> memref<4096x64xf32, #tpu.memory_space<hbm>>
    tpu.enqueue_indirect_dma source(%dma_start3A_129 : memref<4096x64xf32, #tpu.memory_space<hbm>>) target(%arg9 : memref<128x64xf32, #tpu.memory_space<vmem>>) offsets(%dma_start3A_126 : memref<128xi32, #tpu.memory_space<vmem>>) semaphore(%arg12 : memref<!tpu.dma_semaphore, #tpu.memory_space<semaphore_mem>>)
    %run_scoped3A_130 = arith.constant 7 : i32
    "tpu.region"() ({
      %run_scoped3A_249 = tpu.sem_alloc : memref<!tpu.dma_semaphore, #tpu.memory_space<semaphore_mem>>
      %dma_start3A_250 = arith.constant 0 : i32
      %dma_start3A_251 = tpu.memref_slice %arg8[%run_scoped3A_130, %dma_start3A_250] : memref<16x128xi32, #tpu.memory_space<vmem>> -> memref<1x128xi32, #tpu.memory_space<vmem>>
      %dma_start3A_252 = tpu.memref_squeeze %dma_start3A_251 : memref<1x128xi32, #tpu.memory_space<vmem>> -> memref<128xi32, #tpu.memory_space<vmem>>
      %dma_start3A_253 = arith.constant 0 : i32
      %dma_start3A_254 = arith.constant 0 : i32
      %dma_start3A_255 = tpu.memref_slice %arg11[%dma_start3A_253, %dma_start3A_254] : memref<4096x64xf32, #tpu.memory_space<vmem_shared>> -> memref<4096x64xf32, #tpu.memory_space<vmem_shared>>
      tpu.enqueue_indirect_dma source(%arg10 : memref<128x64xf32, #tpu.memory_space<vmem>>) target(%dma_start3A_255 : memref<4096x64xf32, #tpu.memory_space<vmem_shared>>) offsets(%dma_start3A_252 : memref<128xi32, #tpu.memory_space<vmem>>) semaphore(%run_scoped3A_249 : memref<!tpu.dma_semaphore, #tpu.memory_space<semaphore_mem>>) {add = true}
      %dma_wait3A_256 = arith.constant 0 : i32
      %dma_wait3A_257 = tpu.memref_slice %arg8[%run_scoped3A_130, %dma_wait3A_256] : memref<16x128xi32, #tpu.memory_space<vmem>> -> memref<1x128xi32, #tpu.memory_space<vmem>>
      %dma_wait3A_258 = tpu.memref_squeeze %dma_wait3A_257 : memref<1x128xi32, #tpu.memory_space<vmem>> -> memref<128xi32, #tpu.memory_space<vmem>>
      %dma_wait3A_259 = arith.constant 0 : i32
      %dma_wait3A_260 = arith.constant 0 : i32
      %dma_wait3A_261 = tpu.memref_slice %arg11[%dma_wait3A_259, %dma_wait3A_260] : memref<4096x64xf32, #tpu.memory_space<vmem_shared>> -> memref<4096x64xf32, #tpu.memory_space<vmem_shared>>
      tpu.wait_indirect_dma semaphore(%run_scoped3A_249 : memref<!tpu.dma_semaphore, #tpu.memory_space<semaphore_mem>>) src(%arg10 : memref<128x64xf32, #tpu.memory_space<vmem>>) dst(%dma_wait3A_261 : memref<4096x64xf32, #tpu.memory_space<vmem_shared>>)
      tpu.yield
    }) : () -> ()
    %dma_wait3A_131 = arith.constant 8 : i32
    %dma_wait3A_132 = arith.constant 0 : i32
    %dma_wait3A_133 = tpu.memref_slice %arg7[%dma_wait3A_131, %dma_wait3A_132] : memref<16x128xi32, #tpu.memory_space<vmem>> -> memref<1x128xi32, #tpu.memory_space<vmem>>
    %dma_wait3A_134 = tpu.memref_squeeze %dma_wait3A_133 : memref<1x128xi32, #tpu.memory_space<vmem>> -> memref<128xi32, #tpu.memory_space<vmem>>
    %dma_wait3A_135 = arith.constant 0 : i32
    %dma_wait3A_136 = arith.constant 0 : i32
    %dma_wait3A_137 = tpu.memref_slice %arg4[%dma_wait3A_135, %dma_wait3A_136] : memref<4096x64xf32, #tpu.memory_space<hbm>> -> memref<4096x64xf32, #tpu.memory_space<hbm>>
    tpu.wait_indirect_dma semaphore(%arg12 : memref<!tpu.dma_semaphore, #tpu.memory_space<semaphore_mem>>) src(%dma_wait3A_137 : memref<4096x64xf32, #tpu.memory_space<hbm>>) dst(%arg9 : memref<128x64xf32, #tpu.memory_space<vmem>>)
    %dma_start3A_138 = arith.constant 9 : i32
    %dma_start3A_139 = arith.constant 0 : i32
    %dma_start3A_140 = tpu.memref_slice %arg7[%dma_start3A_138, %dma_start3A_139] : memref<16x128xi32, #tpu.memory_space<vmem>> -> memref<1x128xi32, #tpu.memory_space<vmem>>
    %dma_start3A_141 = tpu.memref_squeeze %dma_start3A_140 : memref<1x128xi32, #tpu.memory_space<vmem>> -> memref<128xi32, #tpu.memory_space<vmem>>
    %dma_start3A_142 = arith.constant 0 : i32
    %dma_start3A_143 = arith.constant 0 : i32
    %dma_start3A_144 = tpu.memref_slice %arg4[%dma_start3A_142, %dma_start3A_143] : memref<4096x64xf32, #tpu.memory_space<hbm>> -> memref<4096x64xf32, #tpu.memory_space<hbm>>
    tpu.enqueue_indirect_dma source(%dma_start3A_144 : memref<4096x64xf32, #tpu.memory_space<hbm>>) target(%arg10 : memref<128x64xf32, #tpu.memory_space<vmem>>) offsets(%dma_start3A_141 : memref<128xi32, #tpu.memory_space<vmem>>) semaphore(%arg13 : memref<!tpu.dma_semaphore, #tpu.memory_space<semaphore_mem>>)
    %run_scoped3A_145 = arith.constant 8 : i32
    "tpu.region"() ({
      %run_scoped3A_249 = tpu.sem_alloc : memref<!tpu.dma_semaphore, #tpu.memory_space<semaphore_mem>>
      %dma_start3A_250 = arith.constant 0 : i32
      %dma_start3A_251 = tpu.memref_slice %arg8[%run_scoped3A_145, %dma_start3A_250] : memref<16x128xi32, #tpu.memory_space<vmem>> -> memref<1x128xi32, #tpu.memory_space<vmem>>
      %dma_start3A_252 = tpu.memref_squeeze %dma_start3A_251 : memref<1x128xi32, #tpu.memory_space<vmem>> -> memref<128xi32, #tpu.memory_space<vmem>>
      %dma_start3A_253 = arith.constant 0 : i32
      %dma_start3A_254 = arith.constant 0 : i32
      %dma_start3A_255 = tpu.memref_slice %arg11[%dma_start3A_253, %dma_start3A_254] : memref<4096x64xf32, #tpu.memory_space<vmem_shared>> -> memref<4096x64xf32, #tpu.memory_space<vmem_shared>>
      tpu.enqueue_indirect_dma source(%arg9 : memref<128x64xf32, #tpu.memory_space<vmem>>) target(%dma_start3A_255 : memref<4096x64xf32, #tpu.memory_space<vmem_shared>>) offsets(%dma_start3A_252 : memref<128xi32, #tpu.memory_space<vmem>>) semaphore(%run_scoped3A_249 : memref<!tpu.dma_semaphore, #tpu.memory_space<semaphore_mem>>) {add = true}
      %dma_wait3A_256 = arith.constant 0 : i32
      %dma_wait3A_257 = tpu.memref_slice %arg8[%run_scoped3A_145, %dma_wait3A_256] : memref<16x128xi32, #tpu.memory_space<vmem>> -> memref<1x128xi32, #tpu.memory_space<vmem>>
      %dma_wait3A_258 = tpu.memref_squeeze %dma_wait3A_257 : memref<1x128xi32, #tpu.memory_space<vmem>> -> memref<128xi32, #tpu.memory_space<vmem>>
      %dma_wait3A_259 = arith.constant 0 : i32
      %dma_wait3A_260 = arith.constant 0 : i32
      %dma_wait3A_261 = tpu.memref_slice %arg11[%dma_wait3A_259, %dma_wait3A_260] : memref<4096x64xf32, #tpu.memory_space<vmem_shared>> -> memref<4096x64xf32, #tpu.memory_space<vmem_shared>>
      tpu.wait_indirect_dma semaphore(%run_scoped3A_249 : memref<!tpu.dma_semaphore, #tpu.memory_space<semaphore_mem>>) src(%arg9 : memref<128x64xf32, #tpu.memory_space<vmem>>) dst(%dma_wait3A_261 : memref<4096x64xf32, #tpu.memory_space<vmem_shared>>)
      tpu.yield
    }) : () -> ()
    %dma_wait3A_146 = arith.constant 9 : i32
    %dma_wait3A_147 = arith.constant 0 : i32
    %dma_wait3A_148 = tpu.memref_slice %arg7[%dma_wait3A_146, %dma_wait3A_147] : memref<16x128xi32, #tpu.memory_space<vmem>> -> memref<1x128xi32, #tpu.memory_space<vmem>>
    %dma_wait3A_149 = tpu.memref_squeeze %dma_wait3A_148 : memref<1x128xi32, #tpu.memory_space<vmem>> -> memref<128xi32, #tpu.memory_space<vmem>>
    %dma_wait3A_150 = arith.constant 0 : i32
    %dma_wait3A_151 = arith.constant 0 : i32
    %dma_wait3A_152 = tpu.memref_slice %arg4[%dma_wait3A_150, %dma_wait3A_151] : memref<4096x64xf32, #tpu.memory_space<hbm>> -> memref<4096x64xf32, #tpu.memory_space<hbm>>
    tpu.wait_indirect_dma semaphore(%arg13 : memref<!tpu.dma_semaphore, #tpu.memory_space<semaphore_mem>>) src(%dma_wait3A_152 : memref<4096x64xf32, #tpu.memory_space<hbm>>) dst(%arg10 : memref<128x64xf32, #tpu.memory_space<vmem>>)
    %dma_start3A_153 = arith.constant 10 : i32
    %dma_start3A_154 = arith.constant 0 : i32
    %dma_start3A_155 = tpu.memref_slice %arg7[%dma_start3A_153, %dma_start3A_154] : memref<16x128xi32, #tpu.memory_space<vmem>> -> memref<1x128xi32, #tpu.memory_space<vmem>>
    %dma_start3A_156 = tpu.memref_squeeze %dma_start3A_155 : memref<1x128xi32, #tpu.memory_space<vmem>> -> memref<128xi32, #tpu.memory_space<vmem>>
    %dma_start3A_157 = arith.constant 0 : i32
    %dma_start3A_158 = arith.constant 0 : i32
    %dma_start3A_159 = tpu.memref_slice %arg4[%dma_start3A_157, %dma_start3A_158] : memref<4096x64xf32, #tpu.memory_space<hbm>> -> memref<4096x64xf32, #tpu.memory_space<hbm>>
    tpu.enqueue_indirect_dma source(%dma_start3A_159 : memref<4096x64xf32, #tpu.memory_space<hbm>>) target(%arg9 : memref<128x64xf32, #tpu.memory_space<vmem>>) offsets(%dma_start3A_156 : memref<128xi32, #tpu.memory_space<vmem>>) semaphore(%arg12 : memref<!tpu.dma_semaphore, #tpu.memory_space<semaphore_mem>>)
    %run_scoped3A_160 = arith.constant 9 : i32
    "tpu.region"() ({
      %run_scoped3A_249 = tpu.sem_alloc : memref<!tpu.dma_semaphore, #tpu.memory_space<semaphore_mem>>
      %dma_start3A_250 = arith.constant 0 : i32
      %dma_start3A_251 = tpu.memref_slice %arg8[%run_scoped3A_160, %dma_start3A_250] : memref<16x128xi32, #tpu.memory_space<vmem>> -> memref<1x128xi32, #tpu.memory_space<vmem>>
      %dma_start3A_252 = tpu.memref_squeeze %dma_start3A_251 : memref<1x128xi32, #tpu.memory_space<vmem>> -> memref<128xi32, #tpu.memory_space<vmem>>
      %dma_start3A_253 = arith.constant 0 : i32
      %dma_start3A_254 = arith.constant 0 : i32
      %dma_start3A_255 = tpu.memref_slice %arg11[%dma_start3A_253, %dma_start3A_254] : memref<4096x64xf32, #tpu.memory_space<vmem_shared>> -> memref<4096x64xf32, #tpu.memory_space<vmem_shared>>
      tpu.enqueue_indirect_dma source(%arg10 : memref<128x64xf32, #tpu.memory_space<vmem>>) target(%dma_start3A_255 : memref<4096x64xf32, #tpu.memory_space<vmem_shared>>) offsets(%dma_start3A_252 : memref<128xi32, #tpu.memory_space<vmem>>) semaphore(%run_scoped3A_249 : memref<!tpu.dma_semaphore, #tpu.memory_space<semaphore_mem>>) {add = true}
      %dma_wait3A_256 = arith.constant 0 : i32
      %dma_wait3A_257 = tpu.memref_slice %arg8[%run_scoped3A_160, %dma_wait3A_256] : memref<16x128xi32, #tpu.memory_space<vmem>> -> memref<1x128xi32, #tpu.memory_space<vmem>>
      %dma_wait3A_258 = tpu.memref_squeeze %dma_wait3A_257 : memref<1x128xi32, #tpu.memory_space<vmem>> -> memref<128xi32, #tpu.memory_space<vmem>>
      %dma_wait3A_259 = arith.constant 0 : i32
      %dma_wait3A_260 = arith.constant 0 : i32
      %dma_wait3A_261 = tpu.memref_slice %arg11[%dma_wait3A_259, %dma_wait3A_260] : memref<4096x64xf32, #tpu.memory_space<vmem_shared>> -> memref<4096x64xf32, #tpu.memory_space<vmem_shared>>
      tpu.wait_indirect_dma semaphore(%run_scoped3A_249 : memref<!tpu.dma_semaphore, #tpu.memory_space<semaphore_mem>>) src(%arg10 : memref<128x64xf32, #tpu.memory_space<vmem>>) dst(%dma_wait3A_261 : memref<4096x64xf32, #tpu.memory_space<vmem_shared>>)
      tpu.yield
    }) : () -> ()
    %dma_wait3A_161 = arith.constant 10 : i32
    %dma_wait3A_162 = arith.constant 0 : i32
    %dma_wait3A_163 = tpu.memref_slice %arg7[%dma_wait3A_161, %dma_wait3A_162] : memref<16x128xi32, #tpu.memory_space<vmem>> -> memref<1x128xi32, #tpu.memory_space<vmem>>
    %dma_wait3A_164 = tpu.memref_squeeze %dma_wait3A_163 : memref<1x128xi32, #tpu.memory_space<vmem>> -> memref<128xi32, #tpu.memory_space<vmem>>
    %dma_wait3A_165 = arith.constant 0 : i32
    %dma_wait3A_166 = arith.constant 0 : i32
    %dma_wait3A_167 = tpu.memref_slice %arg4[%dma_wait3A_165, %dma_wait3A_166] : memref<4096x64xf32, #tpu.memory_space<hbm>> -> memref<4096x64xf32, #tpu.memory_space<hbm>>
    tpu.wait_indirect_dma semaphore(%arg12 : memref<!tpu.dma_semaphore, #tpu.memory_space<semaphore_mem>>) src(%dma_wait3A_167 : memref<4096x64xf32, #tpu.memory_space<hbm>>) dst(%arg9 : memref<128x64xf32, #tpu.memory_space<vmem>>)
    %dma_start3A_168 = arith.constant 11 : i32
    %dma_start3A_169 = arith.constant 0 : i32
    %dma_start3A_170 = tpu.memref_slice %arg7[%dma_start3A_168, %dma_start3A_169] : memref<16x128xi32, #tpu.memory_space<vmem>> -> memref<1x128xi32, #tpu.memory_space<vmem>>
    %dma_start3A_171 = tpu.memref_squeeze %dma_start3A_170 : memref<1x128xi32, #tpu.memory_space<vmem>> -> memref<128xi32, #tpu.memory_space<vmem>>
    %dma_start3A_172 = arith.constant 0 : i32
    %dma_start3A_173 = arith.constant 0 : i32
    %dma_start3A_174 = tpu.memref_slice %arg4[%dma_start3A_172, %dma_start3A_173] : memref<4096x64xf32, #tpu.memory_space<hbm>> -> memref<4096x64xf32, #tpu.memory_space<hbm>>
    tpu.enqueue_indirect_dma source(%dma_start3A_174 : memref<4096x64xf32, #tpu.memory_space<hbm>>) target(%arg10 : memref<128x64xf32, #tpu.memory_space<vmem>>) offsets(%dma_start3A_171 : memref<128xi32, #tpu.memory_space<vmem>>) semaphore(%arg13 : memref<!tpu.dma_semaphore, #tpu.memory_space<semaphore_mem>>)
    %run_scoped3A_175 = arith.constant 10 : i32
    "tpu.region"() ({
      %run_scoped3A_249 = tpu.sem_alloc : memref<!tpu.dma_semaphore, #tpu.memory_space<semaphore_mem>>
      %dma_start3A_250 = arith.constant 0 : i32
      %dma_start3A_251 = tpu.memref_slice %arg8[%run_scoped3A_175, %dma_start3A_250] : memref<16x128xi32, #tpu.memory_space<vmem>> -> memref<1x128xi32, #tpu.memory_space<vmem>>
      %dma_start3A_252 = tpu.memref_squeeze %dma_start3A_251 : memref<1x128xi32, #tpu.memory_space<vmem>> -> memref<128xi32, #tpu.memory_space<vmem>>
      %dma_start3A_253 = arith.constant 0 : i32
      %dma_start3A_254 = arith.constant 0 : i32
      %dma_start3A_255 = tpu.memref_slice %arg11[%dma_start3A_253, %dma_start3A_254] : memref<4096x64xf32, #tpu.memory_space<vmem_shared>> -> memref<4096x64xf32, #tpu.memory_space<vmem_shared>>
      tpu.enqueue_indirect_dma source(%arg9 : memref<128x64xf32, #tpu.memory_space<vmem>>) target(%dma_start3A_255 : memref<4096x64xf32, #tpu.memory_space<vmem_shared>>) offsets(%dma_start3A_252 : memref<128xi32, #tpu.memory_space<vmem>>) semaphore(%run_scoped3A_249 : memref<!tpu.dma_semaphore, #tpu.memory_space<semaphore_mem>>) {add = true}
      %dma_wait3A_256 = arith.constant 0 : i32
      %dma_wait3A_257 = tpu.memref_slice %arg8[%run_scoped3A_175, %dma_wait3A_256] : memref<16x128xi32, #tpu.memory_space<vmem>> -> memref<1x128xi32, #tpu.memory_space<vmem>>
      %dma_wait3A_258 = tpu.memref_squeeze %dma_wait3A_257 : memref<1x128xi32, #tpu.memory_space<vmem>> -> memref<128xi32, #tpu.memory_space<vmem>>
      %dma_wait3A_259 = arith.constant 0 : i32
      %dma_wait3A_260 = arith.constant 0 : i32
      %dma_wait3A_261 = tpu.memref_slice %arg11[%dma_wait3A_259, %dma_wait3A_260] : memref<4096x64xf32, #tpu.memory_space<vmem_shared>> -> memref<4096x64xf32, #tpu.memory_space<vmem_shared>>
      tpu.wait_indirect_dma semaphore(%run_scoped3A_249 : memref<!tpu.dma_semaphore, #tpu.memory_space<semaphore_mem>>) src(%arg9 : memref<128x64xf32, #tpu.memory_space<vmem>>) dst(%dma_wait3A_261 : memref<4096x64xf32, #tpu.memory_space<vmem_shared>>)
      tpu.yield
    }) : () -> ()
    %dma_wait3A_176 = arith.constant 11 : i32
    %dma_wait3A_177 = arith.constant 0 : i32
    %dma_wait3A_178 = tpu.memref_slice %arg7[%dma_wait3A_176, %dma_wait3A_177] : memref<16x128xi32, #tpu.memory_space<vmem>> -> memref<1x128xi32, #tpu.memory_space<vmem>>
    %dma_wait3A_179 = tpu.memref_squeeze %dma_wait3A_178 : memref<1x128xi32, #tpu.memory_space<vmem>> -> memref<128xi32, #tpu.memory_space<vmem>>
    %dma_wait3A_180 = arith.constant 0 : i32
    %dma_wait3A_181 = arith.constant 0 : i32
    %dma_wait3A_182 = tpu.memref_slice %arg4[%dma_wait3A_180, %dma_wait3A_181] : memref<4096x64xf32, #tpu.memory_space<hbm>> -> memref<4096x64xf32, #tpu.memory_space<hbm>>
    tpu.wait_indirect_dma semaphore(%arg13 : memref<!tpu.dma_semaphore, #tpu.memory_space<semaphore_mem>>) src(%dma_wait3A_182 : memref<4096x64xf32, #tpu.memory_space<hbm>>) dst(%arg10 : memref<128x64xf32, #tpu.memory_space<vmem>>)
    %dma_start3A_183 = arith.constant 12 : i32
    %dma_start3A_184 = arith.constant 0 : i32
    %dma_start3A_185 = tpu.memref_slice %arg7[%dma_start3A_183, %dma_start3A_184] : memref<16x128xi32, #tpu.memory_space<vmem>> -> memref<1x128xi32, #tpu.memory_space<vmem>>
    %dma_start3A_186 = tpu.memref_squeeze %dma_start3A_185 : memref<1x128xi32, #tpu.memory_space<vmem>> -> memref<128xi32, #tpu.memory_space<vmem>>
    %dma_start3A_187 = arith.constant 0 : i32
    %dma_start3A_188 = arith.constant 0 : i32
    %dma_start3A_189 = tpu.memref_slice %arg4[%dma_start3A_187, %dma_start3A_188] : memref<4096x64xf32, #tpu.memory_space<hbm>> -> memref<4096x64xf32, #tpu.memory_space<hbm>>
    tpu.enqueue_indirect_dma source(%dma_start3A_189 : memref<4096x64xf32, #tpu.memory_space<hbm>>) target(%arg9 : memref<128x64xf32, #tpu.memory_space<vmem>>) offsets(%dma_start3A_186 : memref<128xi32, #tpu.memory_space<vmem>>) semaphore(%arg12 : memref<!tpu.dma_semaphore, #tpu.memory_space<semaphore_mem>>)
    %run_scoped3A_190 = arith.constant 11 : i32
    "tpu.region"() ({
      %run_scoped3A_249 = tpu.sem_alloc : memref<!tpu.dma_semaphore, #tpu.memory_space<semaphore_mem>>
      %dma_start3A_250 = arith.constant 0 : i32
      %dma_start3A_251 = tpu.memref_slice %arg8[%run_scoped3A_190, %dma_start3A_250] : memref<16x128xi32, #tpu.memory_space<vmem>> -> memref<1x128xi32, #tpu.memory_space<vmem>>
      %dma_start3A_252 = tpu.memref_squeeze %dma_start3A_251 : memref<1x128xi32, #tpu.memory_space<vmem>> -> memref<128xi32, #tpu.memory_space<vmem>>
      %dma_start3A_253 = arith.constant 0 : i32
      %dma_start3A_254 = arith.constant 0 : i32
      %dma_start3A_255 = tpu.memref_slice %arg11[%dma_start3A_253, %dma_start3A_254] : memref<4096x64xf32, #tpu.memory_space<vmem_shared>> -> memref<4096x64xf32, #tpu.memory_space<vmem_shared>>
      tpu.enqueue_indirect_dma source(%arg10 : memref<128x64xf32, #tpu.memory_space<vmem>>) target(%dma_start3A_255 : memref<4096x64xf32, #tpu.memory_space<vmem_shared>>) offsets(%dma_start3A_252 : memref<128xi32, #tpu.memory_space<vmem>>) semaphore(%run_scoped3A_249 : memref<!tpu.dma_semaphore, #tpu.memory_space<semaphore_mem>>) {add = true}
      %dma_wait3A_256 = arith.constant 0 : i32
      %dma_wait3A_257 = tpu.memref_slice %arg8[%run_scoped3A_190, %dma_wait3A_256] : memref<16x128xi32, #tpu.memory_space<vmem>> -> memref<1x128xi32, #tpu.memory_space<vmem>>
      %dma_wait3A_258 = tpu.memref_squeeze %dma_wait3A_257 : memref<1x128xi32, #tpu.memory_space<vmem>> -> memref<128xi32, #tpu.memory_space<vmem>>
      %dma_wait3A_259 = arith.constant 0 : i32
      %dma_wait3A_260 = arith.constant 0 : i32
      %dma_wait3A_261 = tpu.memref_slice %arg11[%dma_wait3A_259, %dma_wait3A_260] : memref<4096x64xf32, #tpu.memory_space<vmem_shared>> -> memref<4096x64xf32, #tpu.memory_space<vmem_shared>>
      tpu.wait_indirect_dma semaphore(%run_scoped3A_249 : memref<!tpu.dma_semaphore, #tpu.memory_space<semaphore_mem>>) src(%arg10 : memref<128x64xf32, #tpu.memory_space<vmem>>) dst(%dma_wait3A_261 : memref<4096x64xf32, #tpu.memory_space<vmem_shared>>)
      tpu.yield
    }) : () -> ()
    %dma_wait3A_191 = arith.constant 12 : i32
    %dma_wait3A_192 = arith.constant 0 : i32
    %dma_wait3A_193 = tpu.memref_slice %arg7[%dma_wait3A_191, %dma_wait3A_192] : memref<16x128xi32, #tpu.memory_space<vmem>> -> memref<1x128xi32, #tpu.memory_space<vmem>>
    %dma_wait3A_194 = tpu.memref_squeeze %dma_wait3A_193 : memref<1x128xi32, #tpu.memory_space<vmem>> -> memref<128xi32, #tpu.memory_space<vmem>>
    %dma_wait3A_195 = arith.constant 0 : i32
    %dma_wait3A_196 = arith.constant 0 : i32
    %dma_wait3A_197 = tpu.memref_slice %arg4[%dma_wait3A_195, %dma_wait3A_196] : memref<4096x64xf32, #tpu.memory_space<hbm>> -> memref<4096x64xf32, #tpu.memory_space<hbm>>
    tpu.wait_indirect_dma semaphore(%arg12 : memref<!tpu.dma_semaphore, #tpu.memory_space<semaphore_mem>>) src(%dma_wait3A_197 : memref<4096x64xf32, #tpu.memory_space<hbm>>) dst(%arg9 : memref<128x64xf32, #tpu.memory_space<vmem>>)
    %dma_start3A_198 = arith.constant 13 : i32
    %dma_start3A_199 = arith.constant 0 : i32
    %dma_start3A_200 = tpu.memref_slice %arg7[%dma_start3A_198, %dma_start3A_199] : memref<16x128xi32, #tpu.memory_space<vmem>> -> memref<1x128xi32, #tpu.memory_space<vmem>>
    %dma_start3A_201 = tpu.memref_squeeze %dma_start3A_200 : memref<1x128xi32, #tpu.memory_space<vmem>> -> memref<128xi32, #tpu.memory_space<vmem>>
    %dma_start3A_202 = arith.constant 0 : i32
    %dma_start3A_203 = arith.constant 0 : i32
    %dma_start3A_204 = tpu.memref_slice %arg4[%dma_start3A_202, %dma_start3A_203] : memref<4096x64xf32, #tpu.memory_space<hbm>> -> memref<4096x64xf32, #tpu.memory_space<hbm>>
    tpu.enqueue_indirect_dma source(%dma_start3A_204 : memref<4096x64xf32, #tpu.memory_space<hbm>>) target(%arg10 : memref<128x64xf32, #tpu.memory_space<vmem>>) offsets(%dma_start3A_201 : memref<128xi32, #tpu.memory_space<vmem>>) semaphore(%arg13 : memref<!tpu.dma_semaphore, #tpu.memory_space<semaphore_mem>>)
    %run_scoped3A_205 = arith.constant 12 : i32
    "tpu.region"() ({
      %run_scoped3A_249 = tpu.sem_alloc : memref<!tpu.dma_semaphore, #tpu.memory_space<semaphore_mem>>
      %dma_start3A_250 = arith.constant 0 : i32
      %dma_start3A_251 = tpu.memref_slice %arg8[%run_scoped3A_205, %dma_start3A_250] : memref<16x128xi32, #tpu.memory_space<vmem>> -> memref<1x128xi32, #tpu.memory_space<vmem>>
      %dma_start3A_252 = tpu.memref_squeeze %dma_start3A_251 : memref<1x128xi32, #tpu.memory_space<vmem>> -> memref<128xi32, #tpu.memory_space<vmem>>
      %dma_start3A_253 = arith.constant 0 : i32
      %dma_start3A_254 = arith.constant 0 : i32
      %dma_start3A_255 = tpu.memref_slice %arg11[%dma_start3A_253, %dma_start3A_254] : memref<4096x64xf32, #tpu.memory_space<vmem_shared>> -> memref<4096x64xf32, #tpu.memory_space<vmem_shared>>
      tpu.enqueue_indirect_dma source(%arg9 : memref<128x64xf32, #tpu.memory_space<vmem>>) target(%dma_start3A_255 : memref<4096x64xf32, #tpu.memory_space<vmem_shared>>) offsets(%dma_start3A_252 : memref<128xi32, #tpu.memory_space<vmem>>) semaphore(%run_scoped3A_249 : memref<!tpu.dma_semaphore, #tpu.memory_space<semaphore_mem>>) {add = true}
      %dma_wait3A_256 = arith.constant 0 : i32
      %dma_wait3A_257 = tpu.memref_slice %arg8[%run_scoped3A_205, %dma_wait3A_256] : memref<16x128xi32, #tpu.memory_space<vmem>> -> memref<1x128xi32, #tpu.memory_space<vmem>>
      %dma_wait3A_258 = tpu.memref_squeeze %dma_wait3A_257 : memref<1x128xi32, #tpu.memory_space<vmem>> -> memref<128xi32, #tpu.memory_space<vmem>>
      %dma_wait3A_259 = arith.constant 0 : i32
      %dma_wait3A_260 = arith.constant 0 : i32
      %dma_wait3A_261 = tpu.memref_slice %arg11[%dma_wait3A_259, %dma_wait3A_260] : memref<4096x64xf32, #tpu.memory_space<vmem_shared>> -> memref<4096x64xf32, #tpu.memory_space<vmem_shared>>
      tpu.wait_indirect_dma semaphore(%run_scoped3A_249 : memref<!tpu.dma_semaphore, #tpu.memory_space<semaphore_mem>>) src(%arg9 : memref<128x64xf32, #tpu.memory_space<vmem>>) dst(%dma_wait3A_261 : memref<4096x64xf32, #tpu.memory_space<vmem_shared>>)
      tpu.yield
    }) : () -> ()
    %dma_wait3A_206 = arith.constant 13 : i32
    %dma_wait3A_207 = arith.constant 0 : i32
    %dma_wait3A_208 = tpu.memref_slice %arg7[%dma_wait3A_206, %dma_wait3A_207] : memref<16x128xi32, #tpu.memory_space<vmem>> -> memref<1x128xi32, #tpu.memory_space<vmem>>
    %dma_wait3A_209 = tpu.memref_squeeze %dma_wait3A_208 : memref<1x128xi32, #tpu.memory_space<vmem>> -> memref<128xi32, #tpu.memory_space<vmem>>
    %dma_wait3A_210 = arith.constant 0 : i32
    %dma_wait3A_211 = arith.constant 0 : i32
    %dma_wait3A_212 = tpu.memref_slice %arg4[%dma_wait3A_210, %dma_wait3A_211] : memref<4096x64xf32, #tpu.memory_space<hbm>> -> memref<4096x64xf32, #tpu.memory_space<hbm>>
    tpu.wait_indirect_dma semaphore(%arg13 : memref<!tpu.dma_semaphore, #tpu.memory_space<semaphore_mem>>) src(%dma_wait3A_212 : memref<4096x64xf32, #tpu.memory_space<hbm>>) dst(%arg10 : memref<128x64xf32, #tpu.memory_space<vmem>>)
    %dma_start3A_213 = arith.constant 14 : i32
    %dma_start3A_214 = arith.constant 0 : i32
    %dma_start3A_215 = tpu.memref_slice %arg7[%dma_start3A_213, %dma_start3A_214] : memref<16x128xi32, #tpu.memory_space<vmem>> -> memref<1x128xi32, #tpu.memory_space<vmem>>
    %dma_start3A_216 = tpu.memref_squeeze %dma_start3A_215 : memref<1x128xi32, #tpu.memory_space<vmem>> -> memref<128xi32, #tpu.memory_space<vmem>>
    %dma_start3A_217 = arith.constant 0 : i32
    %dma_start3A_218 = arith.constant 0 : i32
    %dma_start3A_219 = tpu.memref_slice %arg4[%dma_start3A_217, %dma_start3A_218] : memref<4096x64xf32, #tpu.memory_space<hbm>> -> memref<4096x64xf32, #tpu.memory_space<hbm>>
    tpu.enqueue_indirect_dma source(%dma_start3A_219 : memref<4096x64xf32, #tpu.memory_space<hbm>>) target(%arg9 : memref<128x64xf32, #tpu.memory_space<vmem>>) offsets(%dma_start3A_216 : memref<128xi32, #tpu.memory_space<vmem>>) semaphore(%arg12 : memref<!tpu.dma_semaphore, #tpu.memory_space<semaphore_mem>>)
    %run_scoped3A_220 = arith.constant 13 : i32
    "tpu.region"() ({
      %run_scoped3A_249 = tpu.sem_alloc : memref<!tpu.dma_semaphore, #tpu.memory_space<semaphore_mem>>
      %dma_start3A_250 = arith.constant 0 : i32
      %dma_start3A_251 = tpu.memref_slice %arg8[%run_scoped3A_220, %dma_start3A_250] : memref<16x128xi32, #tpu.memory_space<vmem>> -> memref<1x128xi32, #tpu.memory_space<vmem>>
      %dma_start3A_252 = tpu.memref_squeeze %dma_start3A_251 : memref<1x128xi32, #tpu.memory_space<vmem>> -> memref<128xi32, #tpu.memory_space<vmem>>
      %dma_start3A_253 = arith.constant 0 : i32
      %dma_start3A_254 = arith.constant 0 : i32
      %dma_start3A_255 = tpu.memref_slice %arg11[%dma_start3A_253, %dma_start3A_254] : memref<4096x64xf32, #tpu.memory_space<vmem_shared>> -> memref<4096x64xf32, #tpu.memory_space<vmem_shared>>
      tpu.enqueue_indirect_dma source(%arg10 : memref<128x64xf32, #tpu.memory_space<vmem>>) target(%dma_start3A_255 : memref<4096x64xf32, #tpu.memory_space<vmem_shared>>) offsets(%dma_start3A_252 : memref<128xi32, #tpu.memory_space<vmem>>) semaphore(%run_scoped3A_249 : memref<!tpu.dma_semaphore, #tpu.memory_space<semaphore_mem>>) {add = true}
      %dma_wait3A_256 = arith.constant 0 : i32
      %dma_wait3A_257 = tpu.memref_slice %arg8[%run_scoped3A_220, %dma_wait3A_256] : memref<16x128xi32, #tpu.memory_space<vmem>> -> memref<1x128xi32, #tpu.memory_space<vmem>>
      %dma_wait3A_258 = tpu.memref_squeeze %dma_wait3A_257 : memref<1x128xi32, #tpu.memory_space<vmem>> -> memref<128xi32, #tpu.memory_space<vmem>>
      %dma_wait3A_259 = arith.constant 0 : i32
      %dma_wait3A_260 = arith.constant 0 : i32
      %dma_wait3A_261 = tpu.memref_slice %arg11[%dma_wait3A_259, %dma_wait3A_260] : memref<4096x64xf32, #tpu.memory_space<vmem_shared>> -> memref<4096x64xf32, #tpu.memory_space<vmem_shared>>
      tpu.wait_indirect_dma semaphore(%run_scoped3A_249 : memref<!tpu.dma_semaphore, #tpu.memory_space<semaphore_mem>>) src(%arg10 : memref<128x64xf32, #tpu.memory_space<vmem>>) dst(%dma_wait3A_261 : memref<4096x64xf32, #tpu.memory_space<vmem_shared>>)
      tpu.yield
    }) : () -> ()
    %dma_wait3A_221 = arith.constant 14 : i32
    %dma_wait3A_222 = arith.constant 0 : i32
    %dma_wait3A_223 = tpu.memref_slice %arg7[%dma_wait3A_221, %dma_wait3A_222] : memref<16x128xi32, #tpu.memory_space<vmem>> -> memref<1x128xi32, #tpu.memory_space<vmem>>
    %dma_wait3A_224 = tpu.memref_squeeze %dma_wait3A_223 : memref<1x128xi32, #tpu.memory_space<vmem>> -> memref<128xi32, #tpu.memory_space<vmem>>
    %dma_wait3A_225 = arith.constant 0 : i32
    %dma_wait3A_226 = arith.constant 0 : i32
    %dma_wait3A_227 = tpu.memref_slice %arg4[%dma_wait3A_225, %dma_wait3A_226] : memref<4096x64xf32, #tpu.memory_space<hbm>> -> memref<4096x64xf32, #tpu.memory_space<hbm>>
    tpu.wait_indirect_dma semaphore(%arg12 : memref<!tpu.dma_semaphore, #tpu.memory_space<semaphore_mem>>) src(%dma_wait3A_227 : memref<4096x64xf32, #tpu.memory_space<hbm>>) dst(%arg9 : memref<128x64xf32, #tpu.memory_space<vmem>>)
    %dma_start3A_228 = arith.constant 15 : i32
    %dma_start3A_229 = arith.constant 0 : i32
    %dma_start3A_230 = tpu.memref_slice %arg7[%dma_start3A_228, %dma_start3A_229] : memref<16x128xi32, #tpu.memory_space<vmem>> -> memref<1x128xi32, #tpu.memory_space<vmem>>
    %dma_start3A_231 = tpu.memref_squeeze %dma_start3A_230 : memref<1x128xi32, #tpu.memory_space<vmem>> -> memref<128xi32, #tpu.memory_space<vmem>>
    %dma_start3A_232 = arith.constant 0 : i32
    %dma_start3A_233 = arith.constant 0 : i32
    %dma_start3A_234 = tpu.memref_slice %arg4[%dma_start3A_232, %dma_start3A_233] : memref<4096x64xf32, #tpu.memory_space<hbm>> -> memref<4096x64xf32, #tpu.memory_space<hbm>>
    tpu.enqueue_indirect_dma source(%dma_start3A_234 : memref<4096x64xf32, #tpu.memory_space<hbm>>) target(%arg10 : memref<128x64xf32, #tpu.memory_space<vmem>>) offsets(%dma_start3A_231 : memref<128xi32, #tpu.memory_space<vmem>>) semaphore(%arg13 : memref<!tpu.dma_semaphore, #tpu.memory_space<semaphore_mem>>)
    %run_scoped3A_235 = arith.constant 14 : i32
    "tpu.region"() ({
      %run_scoped3A_249 = tpu.sem_alloc : memref<!tpu.dma_semaphore, #tpu.memory_space<semaphore_mem>>
      %dma_start3A_250 = arith.constant 0 : i32
      %dma_start3A_251 = tpu.memref_slice %arg8[%run_scoped3A_235, %dma_start3A_250] : memref<16x128xi32, #tpu.memory_space<vmem>> -> memref<1x128xi32, #tpu.memory_space<vmem>>
      %dma_start3A_252 = tpu.memref_squeeze %dma_start3A_251 : memref<1x128xi32, #tpu.memory_space<vmem>> -> memref<128xi32, #tpu.memory_space<vmem>>
      %dma_start3A_253 = arith.constant 0 : i32
      %dma_start3A_254 = arith.constant 0 : i32
      %dma_start3A_255 = tpu.memref_slice %arg11[%dma_start3A_253, %dma_start3A_254] : memref<4096x64xf32, #tpu.memory_space<vmem_shared>> -> memref<4096x64xf32, #tpu.memory_space<vmem_shared>>
      tpu.enqueue_indirect_dma source(%arg9 : memref<128x64xf32, #tpu.memory_space<vmem>>) target(%dma_start3A_255 : memref<4096x64xf32, #tpu.memory_space<vmem_shared>>) offsets(%dma_start3A_252 : memref<128xi32, #tpu.memory_space<vmem>>) semaphore(%run_scoped3A_249 : memref<!tpu.dma_semaphore, #tpu.memory_space<semaphore_mem>>) {add = true}
      %dma_wait3A_256 = arith.constant 0 : i32
      %dma_wait3A_257 = tpu.memref_slice %arg8[%run_scoped3A_235, %dma_wait3A_256] : memref<16x128xi32, #tpu.memory_space<vmem>> -> memref<1x128xi32, #tpu.memory_space<vmem>>
      %dma_wait3A_258 = tpu.memref_squeeze %dma_wait3A_257 : memref<1x128xi32, #tpu.memory_space<vmem>> -> memref<128xi32, #tpu.memory_space<vmem>>
      %dma_wait3A_259 = arith.constant 0 : i32
      %dma_wait3A_260 = arith.constant 0 : i32
      %dma_wait3A_261 = tpu.memref_slice %arg11[%dma_wait3A_259, %dma_wait3A_260] : memref<4096x64xf32, #tpu.memory_space<vmem_shared>> -> memref<4096x64xf32, #tpu.memory_space<vmem_shared>>
      tpu.wait_indirect_dma semaphore(%run_scoped3A_249 : memref<!tpu.dma_semaphore, #tpu.memory_space<semaphore_mem>>) src(%arg9 : memref<128x64xf32, #tpu.memory_space<vmem>>) dst(%dma_wait3A_261 : memref<4096x64xf32, #tpu.memory_space<vmem_shared>>)
      tpu.yield
    }) : () -> ()
    %dma_wait3A_236 = arith.constant 15 : i32
    %dma_wait3A_237 = arith.constant 0 : i32
    %dma_wait3A_238 = tpu.memref_slice %arg7[%dma_wait3A_236, %dma_wait3A_237] : memref<16x128xi32, #tpu.memory_space<vmem>> -> memref<1x128xi32, #tpu.memory_space<vmem>>
    %dma_wait3A_239 = tpu.memref_squeeze %dma_wait3A_238 : memref<1x128xi32, #tpu.memory_space<vmem>> -> memref<128xi32, #tpu.memory_space<vmem>>
    %dma_wait3A_240 = arith.constant 0 : i32
    %dma_wait3A_241 = arith.constant 0 : i32
    %dma_wait3A_242 = tpu.memref_slice %arg4[%dma_wait3A_240, %dma_wait3A_241] : memref<4096x64xf32, #tpu.memory_space<hbm>> -> memref<4096x64xf32, #tpu.memory_space<hbm>>
    tpu.wait_indirect_dma semaphore(%arg13 : memref<!tpu.dma_semaphore, #tpu.memory_space<semaphore_mem>>) src(%dma_wait3A_242 : memref<4096x64xf32, #tpu.memory_space<hbm>>) dst(%arg10 : memref<128x64xf32, #tpu.memory_space<vmem>>)
    %run_scoped3A_243 = arith.constant 15 : i32
    "tpu.region"() ({
      %run_scoped3A_249 = tpu.sem_alloc : memref<!tpu.dma_semaphore, #tpu.memory_space<semaphore_mem>>
      %dma_start3A_250 = arith.constant 0 : i32
      %dma_start3A_251 = tpu.memref_slice %arg8[%run_scoped3A_243, %dma_start3A_250] : memref<16x128xi32, #tpu.memory_space<vmem>> -> memref<1x128xi32, #tpu.memory_space<vmem>>
      %dma_start3A_252 = tpu.memref_squeeze %dma_start3A_251 : memref<1x128xi32, #tpu.memory_space<vmem>> -> memref<128xi32, #tpu.memory_space<vmem>>
      %dma_start3A_253 = arith.constant 0 : i32
      %dma_start3A_254 = arith.constant 0 : i32
      %dma_start3A_255 = tpu.memref_slice %arg11[%dma_start3A_253, %dma_start3A_254] : memref<4096x64xf32, #tpu.memory_space<vmem_shared>> -> memref<4096x64xf32, #tpu.memory_space<vmem_shared>>
      tpu.enqueue_indirect_dma source(%arg10 : memref<128x64xf32, #tpu.memory_space<vmem>>) target(%dma_start3A_255 : memref<4096x64xf32, #tpu.memory_space<vmem_shared>>) offsets(%dma_start3A_252 : memref<128xi32, #tpu.memory_space<vmem>>) semaphore(%run_scoped3A_249 : memref<!tpu.dma_semaphore, #tpu.memory_space<semaphore_mem>>) {add = true}
      %dma_wait3A_256 = arith.constant 0 : i32
      %dma_wait3A_257 = tpu.memref_slice %arg8[%run_scoped3A_243, %dma_wait3A_256] : memref<16x128xi32, #tpu.memory_space<vmem>> -> memref<1x128xi32, #tpu.memory_space<vmem>>
      %dma_wait3A_258 = tpu.memref_squeeze %dma_wait3A_257 : memref<1x128xi32, #tpu.memory_space<vmem>> -> memref<128xi32, #tpu.memory_space<vmem>>
      %dma_wait3A_259 = arith.constant 0 : i32
      %dma_wait3A_260 = arith.constant 0 : i32
      %dma_wait3A_261 = tpu.memref_slice %arg11[%dma_wait3A_259, %dma_wait3A_260] : memref<4096x64xf32, #tpu.memory_space<vmem_shared>> -> memref<4096x64xf32, #tpu.memory_space<vmem_shared>>
      tpu.wait_indirect_dma semaphore(%run_scoped3A_249 : memref<!tpu.dma_semaphore, #tpu.memory_space<semaphore_mem>>) src(%arg10 : memref<128x64xf32, #tpu.memory_space<vmem>>) dst(%dma_wait3A_261 : memref<4096x64xf32, #tpu.memory_space<vmem_shared>>)
      tpu.yield
    }) : () -> ()
    %barrier3A_244 = arith.constant 0 : index
    tpu.barrier barrier_id(%barrier3A_244)
    %mul3A_245 = arith.constant 256 : i32
    %mul3A_246 = arith.muli %arg1, %mul3A_245 : i32
    %mul3A_247 = arith.constant 256 : i32
    %mul3A_248 = arith.muli %arg1, %mul3A_247 : i32
    "tpu.region"() ({
      %run_scoped3A_249 = tpu.sem_alloc : memref<!tpu.dma_semaphore, #tpu.memory_space<semaphore_mem>>
      %dma_start3A_250 = arith.constant 0 : i32
      %dma_start3A_251 = tpu.memref_slice %arg6[%arg0, %mul3A_248, %dma_start3A_250] : memref<2x4096x64xf32, #tpu.memory_space<hbm>> -> memref<1x256x64xf32, #tpu.memory_space<hbm>>
      %dma_start3A_252 = tpu.memref_squeeze %dma_start3A_251 : memref<1x256x64xf32, #tpu.memory_space<hbm>> -> memref<256x64xf32, #tpu.memory_space<hbm>>
      %dma_start3A_253 = arith.constant 0 : i32
      %dma_start3A_254 = tpu.memref_slice %arg11[%mul3A_246, %dma_start3A_253] : memref<4096x64xf32, #tpu.memory_space<vmem_shared>> -> memref<256x64xf32, #tpu.memory_space<vmem_shared>>
      tpu.enqueue_dma source(%dma_start3A_254 : memref<256x64xf32, #tpu.memory_space<vmem_shared>>) target(%dma_start3A_252 : memref<256x64xf32, #tpu.memory_space<hbm>>) target_semaphore(%run_scoped3A_249 : memref<!tpu.dma_semaphore, #tpu.memory_space<semaphore_mem>>)
      %dma_wait3A_255 = arith.constant 0 : i32
      %dma_wait3A_256 = tpu.memref_slice %arg6[%arg0, %mul3A_248, %dma_wait3A_255] : memref<2x4096x64xf32, #tpu.memory_space<hbm>> -> memref<1x256x64xf32, #tpu.memory_space<hbm>>
      %dma_wait3A_257 = tpu.memref_squeeze %dma_wait3A_256 : memref<1x256x64xf32, #tpu.memory_space<hbm>> -> memref<256x64xf32, #tpu.memory_space<hbm>>
      %dma_wait3A_258 = arith.constant 0 : i32
      %dma_wait3A_259 = tpu.memref_slice %arg11[%mul3A_246, %dma_wait3A_258] : memref<4096x64xf32, #tpu.memory_space<vmem_shared>> -> memref<256x64xf32, #tpu.memory_space<vmem_shared>>
      tpu.wait_dma2 semaphore(%run_scoped3A_249 : memref<!tpu.dma_semaphore, #tpu.memory_space<semaphore_mem>>) src(%dma_wait3A_259 : memref<256x64xf32, #tpu.memory_space<vmem_shared>>) dst(%dma_wait3A_257 : memref<256x64xf32, #tpu.memory_space<hbm>>)
      tpu.yield
    }) : () -> ()
    return
  }
}

#map = affine_map<(d0, d1) -> (0, 0)>
#map1 = affine_map<(d0, d1) -> (0)>
module attributes {stable_mosaic.version = 14 : i64} {
  func.func @new_body(%arg0: i32, %arg1: i32, %arg2: memref<512x128xi32, #tpu.memory_space<hbm>>, %arg3: memref<128xf32, #tpu.memory_space<hbm>>, %arg4: memref<16777216xf32, #tpu.memory_space<hbm>>, %arg5: memref<8xf32, #tpu.memory_space<hbm>>, %arg6: memref<16777216xf32, #tpu.memory_space<hbm>>, %arg7: memref<16x128xi32, #tpu.memory_space<vmem>>, %arg8: memref<128xf32, #tpu.memory_space<vmem>>, %arg9: memref<!tpu.dma_semaphore, #tpu.memory_space<semaphore_mem>>) attributes {dimension_semantics = [#tpu.dimension_semantics<core_parallel>, #tpu.dimension_semantics<subcore_parallel>], iteration_bounds = array<i64: 2, 16>, scalar_prefetch = 0 : i64, scratch_operands = 3 : i64, tpu.core_type = #tpu.core_type<sc_vector_subcore>, window_params = [{transform_indices = #map}, {transform_indices = #map1}, {transform_indices = #map1}, {transform_indices = #map1}, {transform_indices = #map1}]} {
    %mul3A = arith.constant 2 : i32
    %mul3A_0 = arith.muli %arg1, %mul3A : i32
    %add3A = arith.addi %mul3A_0, %arg0 : i32
    %mul3A_1 = arith.constant 16 : i32
    %mul3A_2 = arith.muli %add3A, %mul3A_1 : i32
    "tpu.region"() ({
      %run_scoped3A = tpu.sem_alloc : memref<!tpu.dma_semaphore, #tpu.memory_space<semaphore_mem>>
      %dma_start3A_197 = arith.constant 0 : i32
      %dma_start3A_198 = tpu.memref_slice %arg2[%mul3A_2, %dma_start3A_197] : memref<512x128xi32, #tpu.memory_space<hbm>> -> memref<16x128xi32, #tpu.memory_space<hbm>>
      %dma_start3A_199 = arith.constant 0 : i32
      %dma_start3A_200 = tpu.memref_slice %arg2[%mul3A_2, %dma_start3A_199] : memref<512x128xi32, #tpu.memory_space<hbm>> -> memref<16x128xi32, #tpu.memory_space<hbm>>
      tpu.enqueue_dma source(%dma_start3A_200 : memref<16x128xi32, #tpu.memory_space<hbm>>) target(%arg7 : memref<16x128xi32, #tpu.memory_space<vmem>>) target_semaphore(%run_scoped3A : memref<!tpu.dma_semaphore, #tpu.memory_space<semaphore_mem>>)
      %dma_wait3A_201 = arith.constant 0 : i32
      %dma_wait3A_202 = tpu.memref_slice %arg2[%mul3A_2, %dma_wait3A_201] : memref<512x128xi32, #tpu.memory_space<hbm>> -> memref<16x128xi32, #tpu.memory_space<hbm>>
      %dma_wait3A_203 = arith.constant 0 : i32
      %dma_wait3A_204 = tpu.memref_slice %arg2[%mul3A_2, %dma_wait3A_203] : memref<512x128xi32, #tpu.memory_space<hbm>> -> memref<16x128xi32, #tpu.memory_space<hbm>>
      tpu.wait_dma2 semaphore(%run_scoped3A : memref<!tpu.dma_semaphore, #tpu.memory_space<semaphore_mem>>) src(%dma_wait3A_204 : memref<16x128xi32, #tpu.memory_space<hbm>>) dst(%arg7 : memref<16x128xi32, #tpu.memory_space<vmem>>)
      tpu.yield
    }) : () -> ()
    "tpu.region"() ({
      %run_scoped3A = tpu.sem_alloc : memref<!tpu.dma_semaphore, #tpu.memory_space<semaphore_mem>>
      tpu.enqueue_dma source(%arg3 : memref<128xf32, #tpu.memory_space<hbm>>) target(%arg8 : memref<128xf32, #tpu.memory_space<vmem>>) target_semaphore(%run_scoped3A : memref<!tpu.dma_semaphore, #tpu.memory_space<semaphore_mem>>)
      tpu.wait_dma2 semaphore(%run_scoped3A : memref<!tpu.dma_semaphore, #tpu.memory_space<semaphore_mem>>) src(%arg3 : memref<128xf32, #tpu.memory_space<hbm>>) dst(%arg8 : memref<128xf32, #tpu.memory_space<vmem>>)
      tpu.yield
    }) : () -> ()
    %dma_start3A = arith.constant 0 : i32
    %dma_start3A_3 = arith.constant 0 : i32
    %dma_start3A_4 = tpu.memref_slice %arg7[%dma_start3A, %dma_start3A_3] : memref<16x128xi32, #tpu.memory_space<vmem>> -> memref<1x128xi32, #tpu.memory_space<vmem>>
    %dma_start3A_5 = tpu.memref_squeeze %dma_start3A_4 : memref<1x128xi32, #tpu.memory_space<vmem>> -> memref<128xi32, #tpu.memory_space<vmem>>
    %dma_start3A_6 = arith.constant 0 : i32
    %dma_start3A_7 = tpu.memref_slice %arg4[%dma_start3A_6] : memref<16777216xf32, #tpu.memory_space<hbm>> -> memref<16777216xf32, #tpu.memory_space<hbm>>
    tpu.enqueue_indirect_dma source(%arg8 : memref<128xf32, #tpu.memory_space<vmem>>) target(%dma_start3A_7 : memref<16777216xf32, #tpu.memory_space<hbm>>) offsets(%dma_start3A_5 : memref<128xi32, #tpu.memory_space<vmem>>) semaphore(%arg9 : memref<!tpu.dma_semaphore, #tpu.memory_space<semaphore_mem>>)
    %dma_start3A_8 = arith.constant 1 : i32
    %dma_start3A_9 = arith.constant 0 : i32
    %dma_start3A_10 = tpu.memref_slice %arg7[%dma_start3A_8, %dma_start3A_9] : memref<16x128xi32, #tpu.memory_space<vmem>> -> memref<1x128xi32, #tpu.memory_space<vmem>>
    %dma_start3A_11 = tpu.memref_squeeze %dma_start3A_10 : memref<1x128xi32, #tpu.memory_space<vmem>> -> memref<128xi32, #tpu.memory_space<vmem>>
    %dma_start3A_12 = arith.constant 0 : i32
    %dma_start3A_13 = tpu.memref_slice %arg4[%dma_start3A_12] : memref<16777216xf32, #tpu.memory_space<hbm>> -> memref<16777216xf32, #tpu.memory_space<hbm>>
    tpu.enqueue_indirect_dma source(%arg8 : memref<128xf32, #tpu.memory_space<vmem>>) target(%dma_start3A_13 : memref<16777216xf32, #tpu.memory_space<hbm>>) offsets(%dma_start3A_11 : memref<128xi32, #tpu.memory_space<vmem>>) semaphore(%arg9 : memref<!tpu.dma_semaphore, #tpu.memory_space<semaphore_mem>>)
    %dma_start3A_14 = arith.constant 2 : i32
    %dma_start3A_15 = arith.constant 0 : i32
    %dma_start3A_16 = tpu.memref_slice %arg7[%dma_start3A_14, %dma_start3A_15] : memref<16x128xi32, #tpu.memory_space<vmem>> -> memref<1x128xi32, #tpu.memory_space<vmem>>
    %dma_start3A_17 = tpu.memref_squeeze %dma_start3A_16 : memref<1x128xi32, #tpu.memory_space<vmem>> -> memref<128xi32, #tpu.memory_space<vmem>>
    %dma_start3A_18 = arith.constant 0 : i32
    %dma_start3A_19 = tpu.memref_slice %arg4[%dma_start3A_18] : memref<16777216xf32, #tpu.memory_space<hbm>> -> memref<16777216xf32, #tpu.memory_space<hbm>>
    tpu.enqueue_indirect_dma source(%arg8 : memref<128xf32, #tpu.memory_space<vmem>>) target(%dma_start3A_19 : memref<16777216xf32, #tpu.memory_space<hbm>>) offsets(%dma_start3A_17 : memref<128xi32, #tpu.memory_space<vmem>>) semaphore(%arg9 : memref<!tpu.dma_semaphore, #tpu.memory_space<semaphore_mem>>)
    %dma_start3A_20 = arith.constant 3 : i32
    %dma_start3A_21 = arith.constant 0 : i32
    %dma_start3A_22 = tpu.memref_slice %arg7[%dma_start3A_20, %dma_start3A_21] : memref<16x128xi32, #tpu.memory_space<vmem>> -> memref<1x128xi32, #tpu.memory_space<vmem>>
    %dma_start3A_23 = tpu.memref_squeeze %dma_start3A_22 : memref<1x128xi32, #tpu.memory_space<vmem>> -> memref<128xi32, #tpu.memory_space<vmem>>
    %dma_start3A_24 = arith.constant 0 : i32
    %dma_start3A_25 = tpu.memref_slice %arg4[%dma_start3A_24] : memref<16777216xf32, #tpu.memory_space<hbm>> -> memref<16777216xf32, #tpu.memory_space<hbm>>
    tpu.enqueue_indirect_dma source(%arg8 : memref<128xf32, #tpu.memory_space<vmem>>) target(%dma_start3A_25 : memref<16777216xf32, #tpu.memory_space<hbm>>) offsets(%dma_start3A_23 : memref<128xi32, #tpu.memory_space<vmem>>) semaphore(%arg9 : memref<!tpu.dma_semaphore, #tpu.memory_space<semaphore_mem>>)
    %dma_start3A_26 = arith.constant 4 : i32
    %dma_start3A_27 = arith.constant 0 : i32
    %dma_start3A_28 = tpu.memref_slice %arg7[%dma_start3A_26, %dma_start3A_27] : memref<16x128xi32, #tpu.memory_space<vmem>> -> memref<1x128xi32, #tpu.memory_space<vmem>>
    %dma_start3A_29 = tpu.memref_squeeze %dma_start3A_28 : memref<1x128xi32, #tpu.memory_space<vmem>> -> memref<128xi32, #tpu.memory_space<vmem>>
    %dma_start3A_30 = arith.constant 0 : i32
    %dma_start3A_31 = tpu.memref_slice %arg4[%dma_start3A_30] : memref<16777216xf32, #tpu.memory_space<hbm>> -> memref<16777216xf32, #tpu.memory_space<hbm>>
    tpu.enqueue_indirect_dma source(%arg8 : memref<128xf32, #tpu.memory_space<vmem>>) target(%dma_start3A_31 : memref<16777216xf32, #tpu.memory_space<hbm>>) offsets(%dma_start3A_29 : memref<128xi32, #tpu.memory_space<vmem>>) semaphore(%arg9 : memref<!tpu.dma_semaphore, #tpu.memory_space<semaphore_mem>>)
    %dma_start3A_32 = arith.constant 5 : i32
    %dma_start3A_33 = arith.constant 0 : i32
    %dma_start3A_34 = tpu.memref_slice %arg7[%dma_start3A_32, %dma_start3A_33] : memref<16x128xi32, #tpu.memory_space<vmem>> -> memref<1x128xi32, #tpu.memory_space<vmem>>
    %dma_start3A_35 = tpu.memref_squeeze %dma_start3A_34 : memref<1x128xi32, #tpu.memory_space<vmem>> -> memref<128xi32, #tpu.memory_space<vmem>>
    %dma_start3A_36 = arith.constant 0 : i32
    %dma_start3A_37 = tpu.memref_slice %arg4[%dma_start3A_36] : memref<16777216xf32, #tpu.memory_space<hbm>> -> memref<16777216xf32, #tpu.memory_space<hbm>>
    tpu.enqueue_indirect_dma source(%arg8 : memref<128xf32, #tpu.memory_space<vmem>>) target(%dma_start3A_37 : memref<16777216xf32, #tpu.memory_space<hbm>>) offsets(%dma_start3A_35 : memref<128xi32, #tpu.memory_space<vmem>>) semaphore(%arg9 : memref<!tpu.dma_semaphore, #tpu.memory_space<semaphore_mem>>)
    %dma_start3A_38 = arith.constant 6 : i32
    %dma_start3A_39 = arith.constant 0 : i32
    %dma_start3A_40 = tpu.memref_slice %arg7[%dma_start3A_38, %dma_start3A_39] : memref<16x128xi32, #tpu.memory_space<vmem>> -> memref<1x128xi32, #tpu.memory_space<vmem>>
    %dma_start3A_41 = tpu.memref_squeeze %dma_start3A_40 : memref<1x128xi32, #tpu.memory_space<vmem>> -> memref<128xi32, #tpu.memory_space<vmem>>
    %dma_start3A_42 = arith.constant 0 : i32
    %dma_start3A_43 = tpu.memref_slice %arg4[%dma_start3A_42] : memref<16777216xf32, #tpu.memory_space<hbm>> -> memref<16777216xf32, #tpu.memory_space<hbm>>
    tpu.enqueue_indirect_dma source(%arg8 : memref<128xf32, #tpu.memory_space<vmem>>) target(%dma_start3A_43 : memref<16777216xf32, #tpu.memory_space<hbm>>) offsets(%dma_start3A_41 : memref<128xi32, #tpu.memory_space<vmem>>) semaphore(%arg9 : memref<!tpu.dma_semaphore, #tpu.memory_space<semaphore_mem>>)
    %dma_start3A_44 = arith.constant 7 : i32
    %dma_start3A_45 = arith.constant 0 : i32
    %dma_start3A_46 = tpu.memref_slice %arg7[%dma_start3A_44, %dma_start3A_45] : memref<16x128xi32, #tpu.memory_space<vmem>> -> memref<1x128xi32, #tpu.memory_space<vmem>>
    %dma_start3A_47 = tpu.memref_squeeze %dma_start3A_46 : memref<1x128xi32, #tpu.memory_space<vmem>> -> memref<128xi32, #tpu.memory_space<vmem>>
    %dma_start3A_48 = arith.constant 0 : i32
    %dma_start3A_49 = tpu.memref_slice %arg4[%dma_start3A_48] : memref<16777216xf32, #tpu.memory_space<hbm>> -> memref<16777216xf32, #tpu.memory_space<hbm>>
    tpu.enqueue_indirect_dma source(%arg8 : memref<128xf32, #tpu.memory_space<vmem>>) target(%dma_start3A_49 : memref<16777216xf32, #tpu.memory_space<hbm>>) offsets(%dma_start3A_47 : memref<128xi32, #tpu.memory_space<vmem>>) semaphore(%arg9 : memref<!tpu.dma_semaphore, #tpu.memory_space<semaphore_mem>>)
    %dma_start3A_50 = arith.constant 8 : i32
    %dma_start3A_51 = arith.constant 0 : i32
    %dma_start3A_52 = tpu.memref_slice %arg7[%dma_start3A_50, %dma_start3A_51] : memref<16x128xi32, #tpu.memory_space<vmem>> -> memref<1x128xi32, #tpu.memory_space<vmem>>
    %dma_start3A_53 = tpu.memref_squeeze %dma_start3A_52 : memref<1x128xi32, #tpu.memory_space<vmem>> -> memref<128xi32, #tpu.memory_space<vmem>>
    %dma_start3A_54 = arith.constant 0 : i32
    %dma_start3A_55 = tpu.memref_slice %arg4[%dma_start3A_54] : memref<16777216xf32, #tpu.memory_space<hbm>> -> memref<16777216xf32, #tpu.memory_space<hbm>>
    tpu.enqueue_indirect_dma source(%arg8 : memref<128xf32, #tpu.memory_space<vmem>>) target(%dma_start3A_55 : memref<16777216xf32, #tpu.memory_space<hbm>>) offsets(%dma_start3A_53 : memref<128xi32, #tpu.memory_space<vmem>>) semaphore(%arg9 : memref<!tpu.dma_semaphore, #tpu.memory_space<semaphore_mem>>)
    %dma_start3A_56 = arith.constant 9 : i32
    %dma_start3A_57 = arith.constant 0 : i32
    %dma_start3A_58 = tpu.memref_slice %arg7[%dma_start3A_56, %dma_start3A_57] : memref<16x128xi32, #tpu.memory_space<vmem>> -> memref<1x128xi32, #tpu.memory_space<vmem>>
    %dma_start3A_59 = tpu.memref_squeeze %dma_start3A_58 : memref<1x128xi32, #tpu.memory_space<vmem>> -> memref<128xi32, #tpu.memory_space<vmem>>
    %dma_start3A_60 = arith.constant 0 : i32
    %dma_start3A_61 = tpu.memref_slice %arg4[%dma_start3A_60] : memref<16777216xf32, #tpu.memory_space<hbm>> -> memref<16777216xf32, #tpu.memory_space<hbm>>
    tpu.enqueue_indirect_dma source(%arg8 : memref<128xf32, #tpu.memory_space<vmem>>) target(%dma_start3A_61 : memref<16777216xf32, #tpu.memory_space<hbm>>) offsets(%dma_start3A_59 : memref<128xi32, #tpu.memory_space<vmem>>) semaphore(%arg9 : memref<!tpu.dma_semaphore, #tpu.memory_space<semaphore_mem>>)
    %dma_start3A_62 = arith.constant 10 : i32
    %dma_start3A_63 = arith.constant 0 : i32
    %dma_start3A_64 = tpu.memref_slice %arg7[%dma_start3A_62, %dma_start3A_63] : memref<16x128xi32, #tpu.memory_space<vmem>> -> memref<1x128xi32, #tpu.memory_space<vmem>>
    %dma_start3A_65 = tpu.memref_squeeze %dma_start3A_64 : memref<1x128xi32, #tpu.memory_space<vmem>> -> memref<128xi32, #tpu.memory_space<vmem>>
    %dma_start3A_66 = arith.constant 0 : i32
    %dma_start3A_67 = tpu.memref_slice %arg4[%dma_start3A_66] : memref<16777216xf32, #tpu.memory_space<hbm>> -> memref<16777216xf32, #tpu.memory_space<hbm>>
    tpu.enqueue_indirect_dma source(%arg8 : memref<128xf32, #tpu.memory_space<vmem>>) target(%dma_start3A_67 : memref<16777216xf32, #tpu.memory_space<hbm>>) offsets(%dma_start3A_65 : memref<128xi32, #tpu.memory_space<vmem>>) semaphore(%arg9 : memref<!tpu.dma_semaphore, #tpu.memory_space<semaphore_mem>>)
    %dma_start3A_68 = arith.constant 11 : i32
    %dma_start3A_69 = arith.constant 0 : i32
    %dma_start3A_70 = tpu.memref_slice %arg7[%dma_start3A_68, %dma_start3A_69] : memref<16x128xi32, #tpu.memory_space<vmem>> -> memref<1x128xi32, #tpu.memory_space<vmem>>
    %dma_start3A_71 = tpu.memref_squeeze %dma_start3A_70 : memref<1x128xi32, #tpu.memory_space<vmem>> -> memref<128xi32, #tpu.memory_space<vmem>>
    %dma_start3A_72 = arith.constant 0 : i32
    %dma_start3A_73 = tpu.memref_slice %arg4[%dma_start3A_72] : memref<16777216xf32, #tpu.memory_space<hbm>> -> memref<16777216xf32, #tpu.memory_space<hbm>>
    tpu.enqueue_indirect_dma source(%arg8 : memref<128xf32, #tpu.memory_space<vmem>>) target(%dma_start3A_73 : memref<16777216xf32, #tpu.memory_space<hbm>>) offsets(%dma_start3A_71 : memref<128xi32, #tpu.memory_space<vmem>>) semaphore(%arg9 : memref<!tpu.dma_semaphore, #tpu.memory_space<semaphore_mem>>)
    %dma_start3A_74 = arith.constant 12 : i32
    %dma_start3A_75 = arith.constant 0 : i32
    %dma_start3A_76 = tpu.memref_slice %arg7[%dma_start3A_74, %dma_start3A_75] : memref<16x128xi32, #tpu.memory_space<vmem>> -> memref<1x128xi32, #tpu.memory_space<vmem>>
    %dma_start3A_77 = tpu.memref_squeeze %dma_start3A_76 : memref<1x128xi32, #tpu.memory_space<vmem>> -> memref<128xi32, #tpu.memory_space<vmem>>
    %dma_start3A_78 = arith.constant 0 : i32
    %dma_start3A_79 = tpu.memref_slice %arg4[%dma_start3A_78] : memref<16777216xf32, #tpu.memory_space<hbm>> -> memref<16777216xf32, #tpu.memory_space<hbm>>
    tpu.enqueue_indirect_dma source(%arg8 : memref<128xf32, #tpu.memory_space<vmem>>) target(%dma_start3A_79 : memref<16777216xf32, #tpu.memory_space<hbm>>) offsets(%dma_start3A_77 : memref<128xi32, #tpu.memory_space<vmem>>) semaphore(%arg9 : memref<!tpu.dma_semaphore, #tpu.memory_space<semaphore_mem>>)
    %dma_start3A_80 = arith.constant 13 : i32
    %dma_start3A_81 = arith.constant 0 : i32
    %dma_start3A_82 = tpu.memref_slice %arg7[%dma_start3A_80, %dma_start3A_81] : memref<16x128xi32, #tpu.memory_space<vmem>> -> memref<1x128xi32, #tpu.memory_space<vmem>>
    %dma_start3A_83 = tpu.memref_squeeze %dma_start3A_82 : memref<1x128xi32, #tpu.memory_space<vmem>> -> memref<128xi32, #tpu.memory_space<vmem>>
    %dma_start3A_84 = arith.constant 0 : i32
    %dma_start3A_85 = tpu.memref_slice %arg4[%dma_start3A_84] : memref<16777216xf32, #tpu.memory_space<hbm>> -> memref<16777216xf32, #tpu.memory_space<hbm>>
    tpu.enqueue_indirect_dma source(%arg8 : memref<128xf32, #tpu.memory_space<vmem>>) target(%dma_start3A_85 : memref<16777216xf32, #tpu.memory_space<hbm>>) offsets(%dma_start3A_83 : memref<128xi32, #tpu.memory_space<vmem>>) semaphore(%arg9 : memref<!tpu.dma_semaphore, #tpu.memory_space<semaphore_mem>>)
    %dma_start3A_86 = arith.constant 14 : i32
    %dma_start3A_87 = arith.constant 0 : i32
    %dma_start3A_88 = tpu.memref_slice %arg7[%dma_start3A_86, %dma_start3A_87] : memref<16x128xi32, #tpu.memory_space<vmem>> -> memref<1x128xi32, #tpu.memory_space<vmem>>
    %dma_start3A_89 = tpu.memref_squeeze %dma_start3A_88 : memref<1x128xi32, #tpu.memory_space<vmem>> -> memref<128xi32, #tpu.memory_space<vmem>>
    %dma_start3A_90 = arith.constant 0 : i32
    %dma_start3A_91 = tpu.memref_slice %arg4[%dma_start3A_90] : memref<16777216xf32, #tpu.memory_space<hbm>> -> memref<16777216xf32, #tpu.memory_space<hbm>>
    tpu.enqueue_indirect_dma source(%arg8 : memref<128xf32, #tpu.memory_space<vmem>>) target(%dma_start3A_91 : memref<16777216xf32, #tpu.memory_space<hbm>>) offsets(%dma_start3A_89 : memref<128xi32, #tpu.memory_space<vmem>>) semaphore(%arg9 : memref<!tpu.dma_semaphore, #tpu.memory_space<semaphore_mem>>)
    %dma_start3A_92 = arith.constant 15 : i32
    %dma_start3A_93 = arith.constant 0 : i32
    %dma_start3A_94 = tpu.memref_slice %arg7[%dma_start3A_92, %dma_start3A_93] : memref<16x128xi32, #tpu.memory_space<vmem>> -> memref<1x128xi32, #tpu.memory_space<vmem>>
    %dma_start3A_95 = tpu.memref_squeeze %dma_start3A_94 : memref<1x128xi32, #tpu.memory_space<vmem>> -> memref<128xi32, #tpu.memory_space<vmem>>
    %dma_start3A_96 = arith.constant 0 : i32
    %dma_start3A_97 = tpu.memref_slice %arg4[%dma_start3A_96] : memref<16777216xf32, #tpu.memory_space<hbm>> -> memref<16777216xf32, #tpu.memory_space<hbm>>
    tpu.enqueue_indirect_dma source(%arg8 : memref<128xf32, #tpu.memory_space<vmem>>) target(%dma_start3A_97 : memref<16777216xf32, #tpu.memory_space<hbm>>) offsets(%dma_start3A_95 : memref<128xi32, #tpu.memory_space<vmem>>) semaphore(%arg9 : memref<!tpu.dma_semaphore, #tpu.memory_space<semaphore_mem>>)
    %dma_wait3A = arith.constant 0 : i32
    %dma_wait3A_98 = arith.constant 0 : i32
    %dma_wait3A_99 = tpu.memref_slice %arg7[%dma_wait3A, %dma_wait3A_98] : memref<16x128xi32, #tpu.memory_space<vmem>> -> memref<1x128xi32, #tpu.memory_space<vmem>>
    %dma_wait3A_100 = tpu.memref_squeeze %dma_wait3A_99 : memref<1x128xi32, #tpu.memory_space<vmem>> -> memref<128xi32, #tpu.memory_space<vmem>>
    %dma_wait3A_101 = arith.constant 0 : i32
    %dma_wait3A_102 = tpu.memref_slice %arg4[%dma_wait3A_101] : memref<16777216xf32, #tpu.memory_space<hbm>> -> memref<16777216xf32, #tpu.memory_space<hbm>>
    tpu.wait_indirect_dma semaphore(%arg9 : memref<!tpu.dma_semaphore, #tpu.memory_space<semaphore_mem>>) src(%arg8 : memref<128xf32, #tpu.memory_space<vmem>>) dst(%dma_wait3A_102 : memref<16777216xf32, #tpu.memory_space<hbm>>)
    %dma_wait3A_103 = arith.constant 1 : i32
    %dma_wait3A_104 = arith.constant 0 : i32
    %dma_wait3A_105 = tpu.memref_slice %arg7[%dma_wait3A_103, %dma_wait3A_104] : memref<16x128xi32, #tpu.memory_space<vmem>> -> memref<1x128xi32, #tpu.memory_space<vmem>>
    %dma_wait3A_106 = tpu.memref_squeeze %dma_wait3A_105 : memref<1x128xi32, #tpu.memory_space<vmem>> -> memref<128xi32, #tpu.memory_space<vmem>>
    %dma_wait3A_107 = arith.constant 0 : i32
    %dma_wait3A_108 = tpu.memref_slice %arg4[%dma_wait3A_107] : memref<16777216xf32, #tpu.memory_space<hbm>> -> memref<16777216xf32, #tpu.memory_space<hbm>>
    tpu.wait_indirect_dma semaphore(%arg9 : memref<!tpu.dma_semaphore, #tpu.memory_space<semaphore_mem>>) src(%arg8 : memref<128xf32, #tpu.memory_space<vmem>>) dst(%dma_wait3A_108 : memref<16777216xf32, #tpu.memory_space<hbm>>)
    %dma_wait3A_109 = arith.constant 2 : i32
    %dma_wait3A_110 = arith.constant 0 : i32
    %dma_wait3A_111 = tpu.memref_slice %arg7[%dma_wait3A_109, %dma_wait3A_110] : memref<16x128xi32, #tpu.memory_space<vmem>> -> memref<1x128xi32, #tpu.memory_space<vmem>>
    %dma_wait3A_112 = tpu.memref_squeeze %dma_wait3A_111 : memref<1x128xi32, #tpu.memory_space<vmem>> -> memref<128xi32, #tpu.memory_space<vmem>>
    %dma_wait3A_113 = arith.constant 0 : i32
    %dma_wait3A_114 = tpu.memref_slice %arg4[%dma_wait3A_113] : memref<16777216xf32, #tpu.memory_space<hbm>> -> memref<16777216xf32, #tpu.memory_space<hbm>>
    tpu.wait_indirect_dma semaphore(%arg9 : memref<!tpu.dma_semaphore, #tpu.memory_space<semaphore_mem>>) src(%arg8 : memref<128xf32, #tpu.memory_space<vmem>>) dst(%dma_wait3A_114 : memref<16777216xf32, #tpu.memory_space<hbm>>)
    %dma_wait3A_115 = arith.constant 3 : i32
    %dma_wait3A_116 = arith.constant 0 : i32
    %dma_wait3A_117 = tpu.memref_slice %arg7[%dma_wait3A_115, %dma_wait3A_116] : memref<16x128xi32, #tpu.memory_space<vmem>> -> memref<1x128xi32, #tpu.memory_space<vmem>>
    %dma_wait3A_118 = tpu.memref_squeeze %dma_wait3A_117 : memref<1x128xi32, #tpu.memory_space<vmem>> -> memref<128xi32, #tpu.memory_space<vmem>>
    %dma_wait3A_119 = arith.constant 0 : i32
    %dma_wait3A_120 = tpu.memref_slice %arg4[%dma_wait3A_119] : memref<16777216xf32, #tpu.memory_space<hbm>> -> memref<16777216xf32, #tpu.memory_space<hbm>>
    tpu.wait_indirect_dma semaphore(%arg9 : memref<!tpu.dma_semaphore, #tpu.memory_space<semaphore_mem>>) src(%arg8 : memref<128xf32, #tpu.memory_space<vmem>>) dst(%dma_wait3A_120 : memref<16777216xf32, #tpu.memory_space<hbm>>)
    %dma_wait3A_121 = arith.constant 4 : i32
    %dma_wait3A_122 = arith.constant 0 : i32
    %dma_wait3A_123 = tpu.memref_slice %arg7[%dma_wait3A_121, %dma_wait3A_122] : memref<16x128xi32, #tpu.memory_space<vmem>> -> memref<1x128xi32, #tpu.memory_space<vmem>>
    %dma_wait3A_124 = tpu.memref_squeeze %dma_wait3A_123 : memref<1x128xi32, #tpu.memory_space<vmem>> -> memref<128xi32, #tpu.memory_space<vmem>>
    %dma_wait3A_125 = arith.constant 0 : i32
    %dma_wait3A_126 = tpu.memref_slice %arg4[%dma_wait3A_125] : memref<16777216xf32, #tpu.memory_space<hbm>> -> memref<16777216xf32, #tpu.memory_space<hbm>>
    tpu.wait_indirect_dma semaphore(%arg9 : memref<!tpu.dma_semaphore, #tpu.memory_space<semaphore_mem>>) src(%arg8 : memref<128xf32, #tpu.memory_space<vmem>>) dst(%dma_wait3A_126 : memref<16777216xf32, #tpu.memory_space<hbm>>)
    %dma_wait3A_127 = arith.constant 5 : i32
    %dma_wait3A_128 = arith.constant 0 : i32
    %dma_wait3A_129 = tpu.memref_slice %arg7[%dma_wait3A_127, %dma_wait3A_128] : memref<16x128xi32, #tpu.memory_space<vmem>> -> memref<1x128xi32, #tpu.memory_space<vmem>>
    %dma_wait3A_130 = tpu.memref_squeeze %dma_wait3A_129 : memref<1x128xi32, #tpu.memory_space<vmem>> -> memref<128xi32, #tpu.memory_space<vmem>>
    %dma_wait3A_131 = arith.constant 0 : i32
    %dma_wait3A_132 = tpu.memref_slice %arg4[%dma_wait3A_131] : memref<16777216xf32, #tpu.memory_space<hbm>> -> memref<16777216xf32, #tpu.memory_space<hbm>>
    tpu.wait_indirect_dma semaphore(%arg9 : memref<!tpu.dma_semaphore, #tpu.memory_space<semaphore_mem>>) src(%arg8 : memref<128xf32, #tpu.memory_space<vmem>>) dst(%dma_wait3A_132 : memref<16777216xf32, #tpu.memory_space<hbm>>)
    %dma_wait3A_133 = arith.constant 6 : i32
    %dma_wait3A_134 = arith.constant 0 : i32
    %dma_wait3A_135 = tpu.memref_slice %arg7[%dma_wait3A_133, %dma_wait3A_134] : memref<16x128xi32, #tpu.memory_space<vmem>> -> memref<1x128xi32, #tpu.memory_space<vmem>>
    %dma_wait3A_136 = tpu.memref_squeeze %dma_wait3A_135 : memref<1x128xi32, #tpu.memory_space<vmem>> -> memref<128xi32, #tpu.memory_space<vmem>>
    %dma_wait3A_137 = arith.constant 0 : i32
    %dma_wait3A_138 = tpu.memref_slice %arg4[%dma_wait3A_137] : memref<16777216xf32, #tpu.memory_space<hbm>> -> memref<16777216xf32, #tpu.memory_space<hbm>>
    tpu.wait_indirect_dma semaphore(%arg9 : memref<!tpu.dma_semaphore, #tpu.memory_space<semaphore_mem>>) src(%arg8 : memref<128xf32, #tpu.memory_space<vmem>>) dst(%dma_wait3A_138 : memref<16777216xf32, #tpu.memory_space<hbm>>)
    %dma_wait3A_139 = arith.constant 7 : i32
    %dma_wait3A_140 = arith.constant 0 : i32
    %dma_wait3A_141 = tpu.memref_slice %arg7[%dma_wait3A_139, %dma_wait3A_140] : memref<16x128xi32, #tpu.memory_space<vmem>> -> memref<1x128xi32, #tpu.memory_space<vmem>>
    %dma_wait3A_142 = tpu.memref_squeeze %dma_wait3A_141 : memref<1x128xi32, #tpu.memory_space<vmem>> -> memref<128xi32, #tpu.memory_space<vmem>>
    %dma_wait3A_143 = arith.constant 0 : i32
    %dma_wait3A_144 = tpu.memref_slice %arg4[%dma_wait3A_143] : memref<16777216xf32, #tpu.memory_space<hbm>> -> memref<16777216xf32, #tpu.memory_space<hbm>>
    tpu.wait_indirect_dma semaphore(%arg9 : memref<!tpu.dma_semaphore, #tpu.memory_space<semaphore_mem>>) src(%arg8 : memref<128xf32, #tpu.memory_space<vmem>>) dst(%dma_wait3A_144 : memref<16777216xf32, #tpu.memory_space<hbm>>)
    %dma_wait3A_145 = arith.constant 8 : i32
    %dma_wait3A_146 = arith.constant 0 : i32
    %dma_wait3A_147 = tpu.memref_slice %arg7[%dma_wait3A_145, %dma_wait3A_146] : memref<16x128xi32, #tpu.memory_space<vmem>> -> memref<1x128xi32, #tpu.memory_space<vmem>>
    %dma_wait3A_148 = tpu.memref_squeeze %dma_wait3A_147 : memref<1x128xi32, #tpu.memory_space<vmem>> -> memref<128xi32, #tpu.memory_space<vmem>>
    %dma_wait3A_149 = arith.constant 0 : i32
    %dma_wait3A_150 = tpu.memref_slice %arg4[%dma_wait3A_149] : memref<16777216xf32, #tpu.memory_space<hbm>> -> memref<16777216xf32, #tpu.memory_space<hbm>>
    tpu.wait_indirect_dma semaphore(%arg9 : memref<!tpu.dma_semaphore, #tpu.memory_space<semaphore_mem>>) src(%arg8 : memref<128xf32, #tpu.memory_space<vmem>>) dst(%dma_wait3A_150 : memref<16777216xf32, #tpu.memory_space<hbm>>)
    %dma_wait3A_151 = arith.constant 9 : i32
    %dma_wait3A_152 = arith.constant 0 : i32
    %dma_wait3A_153 = tpu.memref_slice %arg7[%dma_wait3A_151, %dma_wait3A_152] : memref<16x128xi32, #tpu.memory_space<vmem>> -> memref<1x128xi32, #tpu.memory_space<vmem>>
    %dma_wait3A_154 = tpu.memref_squeeze %dma_wait3A_153 : memref<1x128xi32, #tpu.memory_space<vmem>> -> memref<128xi32, #tpu.memory_space<vmem>>
    %dma_wait3A_155 = arith.constant 0 : i32
    %dma_wait3A_156 = tpu.memref_slice %arg4[%dma_wait3A_155] : memref<16777216xf32, #tpu.memory_space<hbm>> -> memref<16777216xf32, #tpu.memory_space<hbm>>
    tpu.wait_indirect_dma semaphore(%arg9 : memref<!tpu.dma_semaphore, #tpu.memory_space<semaphore_mem>>) src(%arg8 : memref<128xf32, #tpu.memory_space<vmem>>) dst(%dma_wait3A_156 : memref<16777216xf32, #tpu.memory_space<hbm>>)
    %dma_wait3A_157 = arith.constant 10 : i32
    %dma_wait3A_158 = arith.constant 0 : i32
    %dma_wait3A_159 = tpu.memref_slice %arg7[%dma_wait3A_157, %dma_wait3A_158] : memref<16x128xi32, #tpu.memory_space<vmem>> -> memref<1x128xi32, #tpu.memory_space<vmem>>
    %dma_wait3A_160 = tpu.memref_squeeze %dma_wait3A_159 : memref<1x128xi32, #tpu.memory_space<vmem>> -> memref<128xi32, #tpu.memory_space<vmem>>
    %dma_wait3A_161 = arith.constant 0 : i32
    %dma_wait3A_162 = tpu.memref_slice %arg4[%dma_wait3A_161] : memref<16777216xf32, #tpu.memory_space<hbm>> -> memref<16777216xf32, #tpu.memory_space<hbm>>
    tpu.wait_indirect_dma semaphore(%arg9 : memref<!tpu.dma_semaphore, #tpu.memory_space<semaphore_mem>>) src(%arg8 : memref<128xf32, #tpu.memory_space<vmem>>) dst(%dma_wait3A_162 : memref<16777216xf32, #tpu.memory_space<hbm>>)
    %dma_wait3A_163 = arith.constant 11 : i32
    %dma_wait3A_164 = arith.constant 0 : i32
    %dma_wait3A_165 = tpu.memref_slice %arg7[%dma_wait3A_163, %dma_wait3A_164] : memref<16x128xi32, #tpu.memory_space<vmem>> -> memref<1x128xi32, #tpu.memory_space<vmem>>
    %dma_wait3A_166 = tpu.memref_squeeze %dma_wait3A_165 : memref<1x128xi32, #tpu.memory_space<vmem>> -> memref<128xi32, #tpu.memory_space<vmem>>
    %dma_wait3A_167 = arith.constant 0 : i32
    %dma_wait3A_168 = tpu.memref_slice %arg4[%dma_wait3A_167] : memref<16777216xf32, #tpu.memory_space<hbm>> -> memref<16777216xf32, #tpu.memory_space<hbm>>
    tpu.wait_indirect_dma semaphore(%arg9 : memref<!tpu.dma_semaphore, #tpu.memory_space<semaphore_mem>>) src(%arg8 : memref<128xf32, #tpu.memory_space<vmem>>) dst(%dma_wait3A_168 : memref<16777216xf32, #tpu.memory_space<hbm>>)
    %dma_wait3A_169 = arith.constant 12 : i32
    %dma_wait3A_170 = arith.constant 0 : i32
    %dma_wait3A_171 = tpu.memref_slice %arg7[%dma_wait3A_169, %dma_wait3A_170] : memref<16x128xi32, #tpu.memory_space<vmem>> -> memref<1x128xi32, #tpu.memory_space<vmem>>
    %dma_wait3A_172 = tpu.memref_squeeze %dma_wait3A_171 : memref<1x128xi32, #tpu.memory_space<vmem>> -> memref<128xi32, #tpu.memory_space<vmem>>
    %dma_wait3A_173 = arith.constant 0 : i32
    %dma_wait3A_174 = tpu.memref_slice %arg4[%dma_wait3A_173] : memref<16777216xf32, #tpu.memory_space<hbm>> -> memref<16777216xf32, #tpu.memory_space<hbm>>
    tpu.wait_indirect_dma semaphore(%arg9 : memref<!tpu.dma_semaphore, #tpu.memory_space<semaphore_mem>>) src(%arg8 : memref<128xf32, #tpu.memory_space<vmem>>) dst(%dma_wait3A_174 : memref<16777216xf32, #tpu.memory_space<hbm>>)
    %dma_wait3A_175 = arith.constant 13 : i32
    %dma_wait3A_176 = arith.constant 0 : i32
    %dma_wait3A_177 = tpu.memref_slice %arg7[%dma_wait3A_175, %dma_wait3A_176] : memref<16x128xi32, #tpu.memory_space<vmem>> -> memref<1x128xi32, #tpu.memory_space<vmem>>
    %dma_wait3A_178 = tpu.memref_squeeze %dma_wait3A_177 : memref<1x128xi32, #tpu.memory_space<vmem>> -> memref<128xi32, #tpu.memory_space<vmem>>
    %dma_wait3A_179 = arith.constant 0 : i32
    %dma_wait3A_180 = tpu.memref_slice %arg4[%dma_wait3A_179] : memref<16777216xf32, #tpu.memory_space<hbm>> -> memref<16777216xf32, #tpu.memory_space<hbm>>
    tpu.wait_indirect_dma semaphore(%arg9 : memref<!tpu.dma_semaphore, #tpu.memory_space<semaphore_mem>>) src(%arg8 : memref<128xf32, #tpu.memory_space<vmem>>) dst(%dma_wait3A_180 : memref<16777216xf32, #tpu.memory_space<hbm>>)
    %dma_wait3A_181 = arith.constant 14 : i32
    %dma_wait3A_182 = arith.constant 0 : i32
    %dma_wait3A_183 = tpu.memref_slice %arg7[%dma_wait3A_181, %dma_wait3A_182] : memref<16x128xi32, #tpu.memory_space<vmem>> -> memref<1x128xi32, #tpu.memory_space<vmem>>
    %dma_wait3A_184 = tpu.memref_squeeze %dma_wait3A_183 : memref<1x128xi32, #tpu.memory_space<vmem>> -> memref<128xi32, #tpu.memory_space<vmem>>
    %dma_wait3A_185 = arith.constant 0 : i32
    %dma_wait3A_186 = tpu.memref_slice %arg4[%dma_wait3A_185] : memref<16777216xf32, #tpu.memory_space<hbm>> -> memref<16777216xf32, #tpu.memory_space<hbm>>
    tpu.wait_indirect_dma semaphore(%arg9 : memref<!tpu.dma_semaphore, #tpu.memory_space<semaphore_mem>>) src(%arg8 : memref<128xf32, #tpu.memory_space<vmem>>) dst(%dma_wait3A_186 : memref<16777216xf32, #tpu.memory_space<hbm>>)
    %dma_wait3A_187 = arith.constant 15 : i32
    %dma_wait3A_188 = arith.constant 0 : i32
    %dma_wait3A_189 = tpu.memref_slice %arg7[%dma_wait3A_187, %dma_wait3A_188] : memref<16x128xi32, #tpu.memory_space<vmem>> -> memref<1x128xi32, #tpu.memory_space<vmem>>
    %dma_wait3A_190 = tpu.memref_squeeze %dma_wait3A_189 : memref<1x128xi32, #tpu.memory_space<vmem>> -> memref<128xi32, #tpu.memory_space<vmem>>
    %dma_wait3A_191 = arith.constant 0 : i32
    %dma_wait3A_192 = tpu.memref_slice %arg4[%dma_wait3A_191] : memref<16777216xf32, #tpu.memory_space<hbm>> -> memref<16777216xf32, #tpu.memory_space<hbm>>
    tpu.wait_indirect_dma semaphore(%arg9 : memref<!tpu.dma_semaphore, #tpu.memory_space<semaphore_mem>>) src(%arg8 : memref<128xf32, #tpu.memory_space<vmem>>) dst(%dma_wait3A_192 : memref<16777216xf32, #tpu.memory_space<hbm>>)
    %eq3A = arith.constant 0 : i32
    %eq3A_193 = arith.cmpi eq, %arg0, %eq3A : i32
    %eq3A_194 = arith.constant 0 : i32
    %eq3A_195 = arith.cmpi eq, %arg1, %eq3A_194 : i32
    %and3A = arith.andi %eq3A_193, %eq3A_195 : i1
    %convert_element_type3A = arith.extui %and3A : i1 to i32
    %cond3A = arith.constant 0 : i32
    %cond3A_196 = arith.cmpi ne, %convert_element_type3A, %cond3A : i32
    scf.if %cond3A_196 {
      "tpu.region"() ({
        %run_scoped3A = tpu.sem_alloc : memref<!tpu.dma_semaphore, #tpu.memory_space<semaphore_mem>>
        %dma_start3A_197 = arith.constant 0 : i32
        %dma_start3A_198 = tpu.memref_slice %arg8[%dma_start3A_197] : memref<128xf32, #tpu.memory_space<vmem>> -> memref<8xf32, #tpu.memory_space<vmem>>
        %dma_start3A_199 = arith.constant 0 : i32
        %dma_start3A_200 = tpu.memref_slice %arg8[%dma_start3A_199] : memref<128xf32, #tpu.memory_space<vmem>> -> memref<8xf32, #tpu.memory_space<vmem>>
        tpu.enqueue_dma source(%dma_start3A_200 : memref<8xf32, #tpu.memory_space<vmem>>) target(%arg5 : memref<8xf32, #tpu.memory_space<hbm>>) target_semaphore(%run_scoped3A : memref<!tpu.dma_semaphore, #tpu.memory_space<semaphore_mem>>)
        %dma_wait3A_201 = arith.constant 0 : i32
        %dma_wait3A_202 = tpu.memref_slice %arg8[%dma_wait3A_201] : memref<128xf32, #tpu.memory_space<vmem>> -> memref<8xf32, #tpu.memory_space<vmem>>
        %dma_wait3A_203 = arith.constant 0 : i32
        %dma_wait3A_204 = tpu.memref_slice %arg8[%dma_wait3A_203] : memref<128xf32, #tpu.memory_space<vmem>> -> memref<8xf32, #tpu.memory_space<vmem>>
        tpu.wait_dma2 semaphore(%run_scoped3A : memref<!tpu.dma_semaphore, #tpu.memory_space<semaphore_mem>>) src(%dma_wait3A_204 : memref<8xf32, #tpu.memory_space<vmem>>) dst(%arg5 : memref<8xf32, #tpu.memory_space<hbm>>)
        tpu.yield
      }) : () -> ()
    } else {
    }
    return
  }
}

module attributes {stable_mosaic.version = 14 : i64} {
  func.func @_prep_body(%arg0: i32, %arg1: memref<512x256xf32, #tpu.memory_space<vmem>>, %arg2: memref<256x64xf32, #tpu.memory_space<vmem>>, %arg3: memref<2x512x16xf32, #tpu.memory_space<vmem>>, %arg4: memref<512x64xf32, #tpu.memory_space<vmem>>, %arg5: memref<512x64xf32, #tpu.memory_space<vmem>>) attributes {dimension_semantics = [#tpu.dimension_semantics<arbitrary>], iteration_bounds = array<i64: 8>, scalar_prefetch = 0 : i64, scratch_operands = 0 : i64, tpu.core_type = #tpu.core_type<tc>, window_params = [{transform_indices = @transform_0, window_bounds = array<i64: 512, 256>}, {pipeline_mode = #tpu.pipeline_mode<synchronous>, transform_indices = @transform_1, window_bounds = array<i64: 256, 64>}, {transform_indices = @transform_2, window_bounds = array<i64: 2, 512, 16>}, {transform_indices = @transform_3, window_bounds = array<i64: 512, 64>}, {transform_indices = @transform_4, window_bounds = array<i64: 512, 64>}]} {
    %get3A = arith.constant 0 : index
    %get3A_0 = arith.constant 0 : index
    %get3A_1 = vector.load %arg1[%get3A, %get3A_0] : memref<512x256xf32, #tpu.memory_space<vmem>>, vector<512x256xf32>
    %convert_element_type3A = arith.truncf %get3A_1 : vector<512x256xf32> to vector<512x256xbf16>
    %get3A_2 = arith.constant 0 : index
    %get3A_3 = arith.constant 0 : index
    %get3A_4 = vector.load %arg2[%get3A_2, %get3A_3] : memref<256x64xf32, #tpu.memory_space<vmem>>, vector<256x64xf32>
    %convert_element_type3A_5 = arith.truncf %get3A_4 : vector<256x64xf32> to vector<256x64xbf16>
    %dot_general3A = arith.constant dense<0.000000e+00> : vector<512x64xf32>
    %dot_general3A_6 = tpu.matmul %convert_element_type3A, %convert_element_type3A_5, %dot_general3A {dimension_numbers = #tpu.dot_dimension_numbers<[1], [0], [0], [1], [0, 0, 1, 1], [], []>, transpose_lhs_hint = false} : vector<512x256xbf16>, vector<256x64xbf16>, vector<512x64xf32> -> vector<512x64xf32>
    %get3A_7 = arith.constant 0 : index
    %get3A_8 = arith.constant 0 : index
    %get3A_9 = arith.constant 0 : index
    %get3A_10 = vector.load %arg3[%get3A_7, %get3A_8, %get3A_9] : memref<2x512x16xf32, #tpu.memory_space<vmem>>, vector<1x512x1xf32>
    %get3A_11 = vector.shape_cast %get3A_10 : vector<1x512x1xf32> to vector<512x1xf32>
    %get3A_12 = arith.constant 1 : index
    %get3A_13 = arith.constant 0 : index
    %get3A_14 = arith.constant 0 : index
    %get3A_15 = vector.load %arg3[%get3A_12, %get3A_13, %get3A_14] : memref<2x512x16xf32, #tpu.memory_space<vmem>>, vector<1x512x1xf32>
    %get3A_16 = vector.shape_cast %get3A_15 : vector<1x512x1xf32> to vector<512x1xf32>
    %add3A = arith.addf %get3A_11, %get3A_16 : vector<512x1xf32>
    %add3A_17 = arith.constant 1.000000e+00 : f32
    %add3A_18 = vector.broadcast %add3A_17 : f32 to vector<512x1xf32>
    %add3A_19 = arith.addf %add3A, %add3A_18 : vector<512x1xf32>
    %sqrt3A = math.sqrt %add3A_19 : vector<512x1xf32>
    %div3A = arith.constant 1.000000e+00 : f32
    %div3A_20 = vector.broadcast %div3A : f32 to vector<512x1xf32>
    %div3A_21 = arith.divf %div3A_20, %sqrt3A : vector<512x1xf32>
    %swap3A = arith.constant 0 : index
    %swap3A_22 = arith.constant 0 : index
    %swap3A_23 = vector.load %arg4[%swap3A, %swap3A_22] : memref<512x64xf32, #tpu.memory_space<vmem>>, vector<512x64xf32>
    tpu.vector_store %arg4[%swap3A, %swap3A_22], %dot_general3A_6 {strides = array<i32>} : memref<512x64xf32, #tpu.memory_space<vmem>>, vector<512x64xf32>,
    %mul3A = vector.broadcast %div3A_21 : vector<512x1xf32> to vector<512x64xf32>
    %mul3A_24 = arith.mulf %mul3A, %dot_general3A_6 : vector<512x64xf32>
    %convert_element_type3A_25 = arith.truncf %mul3A_24 : vector<512x64xf32> to vector<512x64xbf16>
    %convert_element_type3A_26 = arith.extf %convert_element_type3A_25 : vector<512x64xbf16> to vector<512x64xf32>
    %swap3A_27 = arith.constant 0 : index
    %swap3A_28 = arith.constant 0 : index
    %swap3A_29 = vector.load %arg5[%swap3A_27, %swap3A_28] : memref<512x64xf32, #tpu.memory_space<vmem>>, vector<512x64xf32>
    tpu.vector_store %arg5[%swap3A_27, %swap3A_28], %convert_element_type3A_26 {strides = array<i32>} : memref<512x64xf32, #tpu.memory_space<vmem>>, vector<512x64xf32>,
    return
  }
  func.func @transform_0(%arg0: i32) -> (i32, i32) {
    %c0_i32 = arith.constant 0 : i32
    %c0_i32_0 = arith.constant 0 : i32
    return %arg0, %c0_i32 : i32, i32
  }
  func.func @transform_1(%arg0: i32) -> (i32, i32) {
    %c0_i32 = arith.constant 0 : i32
    %c0_i32_0 = arith.constant 0 : i32
    %c0_i32_1 = arith.constant 0 : i32
    return %c0_i32, %c0_i32_0 : i32, i32
  }
  func.func @transform_2(%arg0: i32) -> (i32, i32, i32) {
    %c0_i32 = arith.constant 0 : i32
    %c0_i32_0 = arith.constant 0 : i32
    %c0_i32_1 = arith.constant 0 : i32
    return %c0_i32, %arg0, %c0_i32_0 : i32, i32, i32
  }
  func.func @transform_3(%arg0: i32) -> (i32, i32) {
    %c0_i32 = arith.constant 0 : i32
    %c0_i32_0 = arith.constant 0 : i32
    return %arg0, %c0_i32 : i32, i32
  }
  func.func @transform_4(%arg0: i32) -> (i32, i32) {
    %c0_i32 = arith.constant 0 : i32
    %c0_i32_0 = arith.constant 0 : i32
    return %arg0, %c0_i32 : i32, i32
  }
}

module attributes {stable_mosaic.version = 14 : i64} {
  func.func @_h_body(%arg0: i32, %arg1: memref<2x512x64xf32, #tpu.memory_space<vmem>>, %arg2: memref<512x64xf32, #tpu.memory_space<vmem>>, %arg3: memref<2x512x16xf32, #tpu.memory_space<vmem>>, %arg4: memref<1x64xf32, #tpu.memory_space<vmem>>, %arg5: memref<512x64xf32, #tpu.memory_space<vmem>>) attributes {dimension_semantics = [#tpu.dimension_semantics<arbitrary>], iteration_bounds = array<i64: 8>, scalar_prefetch = 0 : i64, scratch_operands = 0 : i64, tpu.core_type = #tpu.core_type<tc>, window_params = [{transform_indices = @transform_0, window_bounds = array<i64: 2, 512, 64>}, {transform_indices = @transform_1, window_bounds = array<i64: 512, 64>}, {transform_indices = @transform_2, window_bounds = array<i64: 2, 512, 16>}, {pipeline_mode = #tpu.pipeline_mode<synchronous>, transform_indices = @transform_3, window_bounds = array<i64: 1, 64>}, {transform_indices = @transform_4, window_bounds = array<i64: 512, 64>}]} {
    %get3A = arith.constant 0 : index
    %get3A_0 = arith.constant 0 : index
    %get3A_1 = arith.constant 0 : index
    %get3A_2 = vector.load %arg3[%get3A, %get3A_0, %get3A_1] : memref<2x512x16xf32, #tpu.memory_space<vmem>>, vector<1x512x1xf32>
    %get3A_3 = vector.shape_cast %get3A_2 : vector<1x512x1xf32> to vector<512x1xf32>
    %get3A_4 = arith.constant 1 : index
    %get3A_5 = arith.constant 0 : index
    %get3A_6 = arith.constant 0 : index
    %get3A_7 = vector.load %arg3[%get3A_4, %get3A_5, %get3A_6] : memref<2x512x16xf32, #tpu.memory_space<vmem>>, vector<1x512x1xf32>
    %get3A_8 = vector.shape_cast %get3A_7 : vector<1x512x1xf32> to vector<512x1xf32>
    %add3A = arith.addf %get3A_3, %get3A_8 : vector<512x1xf32>
    %add3A_9 = arith.constant 1.000000e+00 : f32
    %add3A_10 = vector.broadcast %add3A_9 : f32 to vector<512x1xf32>
    %add3A_11 = arith.addf %add3A, %add3A_10 : vector<512x1xf32>
    %sqrt3A = math.sqrt %add3A_11 : vector<512x1xf32>
    %div3A = arith.constant 1.000000e+00 : f32
    %div3A_12 = vector.broadcast %div3A : f32 to vector<512x1xf32>
    %div3A_13 = arith.divf %div3A_12, %sqrt3A : vector<512x1xf32>
    %get3A_14 = arith.constant 0 : index
    %get3A_15 = arith.constant 0 : index
    %get3A_16 = arith.constant 0 : index
    %get3A_17 = vector.load %arg1[%get3A_14, %get3A_15, %get3A_16] : memref<2x512x64xf32, #tpu.memory_space<vmem>>, vector<1x512x64xf32>
    %get3A_18 = vector.shape_cast %get3A_17 : vector<1x512x64xf32> to vector<512x64xf32>
    %get3A_19 = arith.constant 1 : index
    %get3A_20 = arith.constant 0 : index
    %get3A_21 = arith.constant 0 : index
    %get3A_22 = vector.load %arg1[%get3A_19, %get3A_20, %get3A_21] : memref<2x512x64xf32, #tpu.memory_space<vmem>>, vector<1x512x64xf32>
    %get3A_23 = vector.shape_cast %get3A_22 : vector<1x512x64xf32> to vector<512x64xf32>
    %add3A_24 = arith.addf %get3A_18, %get3A_23 : vector<512x64xf32>
    %get3A_25 = arith.constant 0 : index
    %get3A_26 = arith.constant 0 : index
    %get3A_27 = vector.load %arg2[%get3A_25, %get3A_26] : memref<512x64xf32, #tpu.memory_space<vmem>>, vector<512x64xf32>
    %add3A_28 = arith.addf %add3A_24, %get3A_27 : vector<512x64xf32>
    %mul3A = vector.broadcast %div3A_13 : vector<512x1xf32> to vector<512x64xf32>
    %mul3A_29 = arith.mulf %mul3A, %add3A_28 : vector<512x64xf32>
    %get3A_30 = arith.constant 0 : index
    %get3A_31 = arith.constant 0 : index
    %get3A_32 = vector.load %arg4[%get3A_30, %get3A_31] : memref<1x64xf32, #tpu.memory_space<vmem>>, vector<1x64xf32>
    %add3A_33 = vector.broadcast %get3A_32 : vector<1x64xf32> to vector<512x64xf32>
    %add3A_34 = arith.addf %mul3A_29, %add3A_33 : vector<512x64xf32>
    %swap3A = arith.constant 0 : index
    %swap3A_35 = arith.constant 0 : index
    %swap3A_36 = vector.load %arg5[%swap3A, %swap3A_35] : memref<512x64xf32, #tpu.memory_space<vmem>>, vector<512x64xf32>
    tpu.vector_store %arg5[%swap3A, %swap3A_35], %add3A_34 {strides = array<i32>} : memref<512x64xf32, #tpu.memory_space<vmem>>, vector<512x64xf32>,
    return
  }
  func.func @transform_0(%arg0: i32) -> (i32, i32, i32) {
    %c0_i32 = arith.constant 0 : i32
    %c0_i32_0 = arith.constant 0 : i32
    %c0_i32_1 = arith.constant 0 : i32
    return %c0_i32, %arg0, %c0_i32_0 : i32, i32, i32
  }
  func.func @transform_1(%arg0: i32) -> (i32, i32) {
    %c0_i32 = arith.constant 0 : i32
    %c0_i32_0 = arith.constant 0 : i32
    return %arg0, %c0_i32 : i32, i32
  }
  func.func @transform_2(%arg0: i32) -> (i32, i32, i32) {
    %c0_i32 = arith.constant 0 : i32
    %c0_i32_0 = arith.constant 0 : i32
    %c0_i32_1 = arith.constant 0 : i32
    return %c0_i32, %arg0, %c0_i32_0 : i32, i32, i32
  }
  func.func @transform_3(%arg0: i32) -> (i32, i32) {
    %c0_i32 = arith.constant 0 : i32
    %c0_i32_0 = arith.constant 0 : i32
    %c0_i32_1 = arith.constant 0 : i32
    return %c0_i32, %c0_i32_0 : i32, i32
  }
  func.func @transform_4(%arg0: i32) -> (i32, i32) {
    %c0_i32 = arith.constant 0 : i32
    %c0_i32_0 = arith.constant 0 : i32
    return %arg0, %c0_i32 : i32, i32
  }
}

module attributes {stable_mosaic.version = 14 : i64} {
  func.func @_logits_body(%arg0: i32, %arg1: i32, %arg2: memref<512x64xf32, #tpu.memory_space<vmem>>, %arg3: memref<512x64xf32, #tpu.memory_space<vmem>>, %arg4: memref<512x512xf32, #tpu.memory_space<vmem>>, %arg5: memref<1x1xf32, #tpu.memory_space<vmem>>) attributes {dimension_semantics = [#tpu.dimension_semantics<arbitrary>, #tpu.dimension_semantics<arbitrary>], iteration_bounds = array<i64: 8, 8>, scalar_prefetch = 0 : i64, scratch_operands = 0 : i64, tpu.core_type = #tpu.core_type<tc>, window_params = [{transform_indices = @transform_0, window_bounds = array<i64: 512, 64>}, {transform_indices = @transform_1, window_bounds = array<i64: 512, 64>}, {transform_indices = @transform_2, window_bounds = array<i64: 512, 512>}, {pipeline_mode = #tpu.pipeline_mode<synchronous>, transform_indices = @transform_3, window_bounds = array<i64: 1, 1>}]} {
    %get3A = arith.constant 0 : index
    %get3A_0 = arith.constant 0 : index
    %get3A_1 = vector.load %arg2[%get3A, %get3A_0] : memref<512x64xf32, #tpu.memory_space<vmem>>, vector<512x64xf32>
    %convert_element_type3A = arith.truncf %get3A_1 : vector<512x64xf32> to vector<512x64xbf16>
    %get3A_2 = arith.constant 0 : index
    %get3A_3 = arith.constant 0 : index
    %get3A_4 = vector.load %arg3[%get3A_2, %get3A_3] : memref<512x64xf32, #tpu.memory_space<vmem>>, vector<512x64xf32>
    %convert_element_type3A_5 = arith.truncf %get3A_4 : vector<512x64xf32> to vector<512x64xbf16>
    %dot_general3A = arith.constant dense<0.000000e+00> : vector<512x512xf32>
    %dot_general3A_6 = tpu.matmul %convert_element_type3A, %convert_element_type3A_5, %dot_general3A {dimension_numbers = #tpu.dot_dimension_numbers<[1], [1], [0], [0], [0, 0, 1, 0], [], []>, transpose_lhs_hint = false} : vector<512x64xbf16>, vector<512x64xbf16>, vector<512x512xf32> -> vector<512x512xf32>
    %swap3A = arith.constant 0 : index
    %swap3A_7 = arith.constant 0 : index
    %swap3A_8 = vector.load %arg4[%swap3A, %swap3A_7] : memref<512x512xf32, #tpu.memory_space<vmem>>, vector<512x512xf32>
    tpu.vector_store %arg4[%swap3A, %swap3A_7], %dot_general3A_6 {strides = array<i32>} : memref<512x512xf32, #tpu.memory_space<vmem>>, vector<512x512xf32>,
    %eq3A = arith.constant 0 : i32
    %eq3A_9 = arith.cmpi eq, %arg0, %eq3A : i32
    %eq3A_10 = arith.constant 0 : i32
    %eq3A_11 = arith.cmpi eq, %arg1, %eq3A_10 : i32
    %and3A = arith.andi %eq3A_9, %eq3A_11 : i1
    %broadcast_in_dim3A = arith.constant 0xFF800000 : f32
    %broadcast_in_dim3A_12 = vector.broadcast %broadcast_in_dim3A : f32 to vector<1x1xf32>
    %get3A_13 = arith.constant 0 : index
    %get3A_14 = arith.constant 0 : index
    %get3A_15 = vector.load %arg5[%get3A_13, %get3A_14] : memref<1x1xf32, #tpu.memory_space<vmem>>, vector<1x1xf32>
    %select_n3A = arith.select %and3A, %broadcast_in_dim3A_12, %get3A_15 : vector<1x1xf32>
    %reduce_max3A = vector.shape_cast %dot_general3A_6 : vector<512x512xf32> to vector<1x512x512xf32>
    %reduce_max3A_16 = arith.constant dense<0xFF800000> : vector<1xf32>
    %reduce_max3A_17 = vector.multi_reduction <maximumf>, %reduce_max3A, %reduce_max3A_16 [1, 2] : vector<1x512x512xf32> to vector<1xf32>
    %reduce_max3A_18 = vector.shape_cast %reduce_max3A_17 : vector<1xf32> to vector<1x1x1xf32>
    %reduce_max3A_19 = vector.extract %reduce_max3A_18[0, 0, 0] : f32 from vector<1x1x1xf32>
    %reshape3A = vector.broadcast %reduce_max3A_19 : f32 to vector<1x1xf32>
    %max3A = arith.maximumf %select_n3A, %reshape3A : vector<1x1xf32>
    %swap3A_20 = arith.constant 0 : index
    %swap3A_21 = arith.constant 0 : index
    %swap3A_22 = vector.load %arg5[%swap3A_20, %swap3A_21] : memref<1x1xf32, #tpu.memory_space<vmem>>, vector<1x1xf32>
    tpu.vector_store %arg5[%swap3A_20, %swap3A_21], %max3A {strides = array<i32>} : memref<1x1xf32, #tpu.memory_space<vmem>>, vector<1x1xf32>,
    return
  }
  func.func @transform_0(%arg0: i32, %arg1: i32) -> (i32, i32) {
    %c0_i32 = arith.constant 0 : i32
    %c0_i32_0 = arith.constant 0 : i32
    return %arg0, %c0_i32 : i32, i32
  }
  func.func @transform_1(%arg0: i32, %arg1: i32) -> (i32, i32) {
    %c0_i32 = arith.constant 0 : i32
    %c0_i32_0 = arith.constant 0 : i32
    return %arg1, %c0_i32 : i32, i32
  }
  func.func @transform_2(%arg0: i32, %arg1: i32) -> (i32, i32) {
    %c0_i32 = arith.constant 0 : i32
    return %arg0, %arg1 : i32, i32
  }
  func.func @transform_3(%arg0: i32, %arg1: i32) -> (i32, i32) {
    %c0_i32 = arith.constant 0 : i32
    %c0_i32_0 = arith.constant 0 : i32
    %c0_i32_1 = arith.constant 0 : i32
    return %c0_i32, %c0_i32_0 : i32, i32
  }
}

module attributes {stable_mosaic.version = 14 : i64} {
  func.func @_sample_body(%arg0: i32, %arg1: i32, %arg2: memref<512x64xf32, #tpu.memory_space<vmem>>, %arg3: memref<512x64xf32, #tpu.memory_space<vmem>>, %arg4: memref<512x512xf32, #tpu.memory_space<vmem>>, %arg5: memref<512x512xf32, #tpu.memory_space<vmem>>, %arg6: memref<1x1xf32, #tpu.memory_space<smem>>, %arg7: memref<512x512xf32, #tpu.memory_space<vmem>>, %arg8: memref<512x512xbf16, #tpu.memory_space<vmem>>, %arg9: memref<512x1xf32, #tpu.memory_space<vmem>>) attributes {dimension_semantics = [#tpu.dimension_semantics<arbitrary>, #tpu.dimension_semantics<arbitrary>], iteration_bounds = array<i64: 8, 8>, scalar_prefetch = 0 : i64, scratch_operands = 0 : i64, tpu.core_type = #tpu.core_type<tc>, window_params = [{transform_indices = @transform_0, window_bounds = array<i64: 512, 64>}, {transform_indices = @transform_1, window_bounds = array<i64: 512, 64>}, {transform_indices = @transform_2, window_bounds = array<i64: 512, 512>}, {transform_indices = @transform_3, window_bounds = array<i64: 512, 512>}, {transform_indices = @transform_4, window_bounds = array<i64: 1, 1>}, {transform_indices = @transform_5, window_bounds = array<i64: 512, 512>}, {transform_indices = @transform_6, window_bounds = array<i64: 512, 512>}, {transform_indices = @transform_7, window_bounds = array<i64: 512, 1>}]} {
    %get3A = arith.constant 0 : index
    %get3A_0 = arith.constant 0 : index
    %get3A_1 = memref.load %arg6[%get3A, %get3A_0] : memref<1x1xf32, #tpu.memory_space<smem>>
    %get3A_2 = arith.constant 0 : index
    %get3A_3 = arith.constant 0 : index
    %get3A_4 = vector.load %arg2[%get3A_2, %get3A_3] : memref<512x64xf32, #tpu.memory_space<vmem>>, vector<512x64xf32>
    %convert_element_type3A = arith.truncf %get3A_4 : vector<512x64xf32> to vector<512x64xbf16>
    %get3A_5 = arith.constant 0 : index
    %get3A_6 = arith.constant 0 : index
    %get3A_7 = vector.load %arg3[%get3A_5, %get3A_6] : memref<512x64xf32, #tpu.memory_space<vmem>>, vector<512x64xf32>
    %convert_element_type3A_8 = arith.truncf %get3A_7 : vector<512x64xf32> to vector<512x64xbf16>
    %dot_general3A = arith.constant dense<0.000000e+00> : vector<512x512xf32>
    %dot_general3A_9 = tpu.matmul %convert_element_type3A, %convert_element_type3A_8, %dot_general3A {dimension_numbers = #tpu.dot_dimension_numbers<[1], [1], [0], [0], [0, 0, 1, 0], [], []>, transpose_lhs_hint = false} : vector<512x64xbf16>, vector<512x64xbf16>, vector<512x512xf32> -> vector<512x512xf32>
    %div3A = vector.broadcast %get3A_1 : f32 to vector<512x512xf32>
    %div3A_10 = arith.divf %dot_general3A_9, %div3A : vector<512x512xf32>
    %mul3A = arith.constant 8.000000e-01 : f32
    %mul3A_11 = vector.broadcast %mul3A : f32 to vector<512x512xf32>
    %mul3A_12 = arith.mulf %mul3A_11, %div3A_10 : vector<512x512xf32>
    %get3A_13 = arith.constant 0 : index
    %get3A_14 = arith.constant 0 : index
    %get3A_15 = vector.load %arg4[%get3A_13, %get3A_14] : memref<512x512xf32, #tpu.memory_space<vmem>>, vector<512x512xf32>
    %mul3A_16 = arith.constant 2.000000e-01 : f32
    %mul3A_17 = vector.broadcast %mul3A_16 : f32 to vector<512x512xf32>
    %mul3A_18 = arith.mulf %mul3A_17, %get3A_15 : vector<512x512xf32>
    %add3A = arith.addf %mul3A_12, %mul3A_18 : vector<512x512xf32>
    %lt3A = arith.constant 0.000000e+00 : f32
    %lt3A_19 = vector.broadcast %lt3A : f32 to vector<512x512xf32>
    %lt3A_20 = arith.cmpf olt, %add3A, %lt3A_19 : vector<512x512xf32>
    %jit3A = arith.constant 0.000000e+00 : f32
    %broadcast_in_dim3A = vector.broadcast %jit3A : f32 to vector<512x512xf32>
    %select_n3A = arith.select %lt3A_20, %broadcast_in_dim3A, %add3A : vector<512x512xi1>, vector<512x512xf32>
    %jit3A_21 = arith.constant 9.99999997E-7 : f32
    %jit3A_22 = arith.constant 0.999998986 : f32
    %max3A = vector.broadcast %jit3A_21 : f32 to vector<512x512xf32>
    %max3A_23 = arith.maximumf %max3A, %select_n3A : vector<512x512xf32>
    %min3A = vector.broadcast %jit3A_22 : f32 to vector<512x512xf32>
    %min3A_24 = arith.minimumf %min3A, %max3A_23 : vector<512x512xf32>
    %get3A_25 = arith.constant 0 : index
    %get3A_26 = arith.constant 0 : index
    %get3A_27 = vector.load %arg5[%get3A_25, %get3A_26] : memref<512x512xf32, #tpu.memory_space<vmem>>, vector<512x512xf32>
    %add3A_28 = arith.addf %min3A_24, %get3A_27 : vector<512x512xf32>
    %gt3A = arith.constant 1.000000e+00 : f32
    %gt3A_29 = vector.broadcast %gt3A : f32 to vector<512x512xf32>
    %gt3A_30 = arith.cmpf ogt, %add3A_28, %gt3A_29 : vector<512x512xf32>
    %convert_element_type3A_31 = arith.extui %gt3A_30 : vector<512x512xi1> to vector<512x512xi32>
    %convert_element_type3A_32 = arith.sitofp %convert_element_type3A_31 : vector<512x512xi32> to vector<512x512xf32>
    %iota3A = tpu.iota {dimensions = array<i32: 0>} : vector<512x512xi32>
    %iota3A_33 = tpu.iota {dimensions = array<i32: 1>} : vector<512x512xi32>
    %lt3A_34 = arith.cmpi slt, %iota3A, %iota3A_33 : vector<512x512xi32>
    %jit3A_35 = arith.constant 0.000000e+00 : f32
    %broadcast_in_dim3A_36 = vector.broadcast %jit3A_35 : f32 to vector<512x512xf32>
    %select_n3A_37 = arith.select %lt3A_34, %convert_element_type3A_32, %broadcast_in_dim3A_36 : vector<512x512xi1>, vector<512x512xf32>
    %transpose3A = tpu.transpose %select_n3A_37, [1, 0] : vector<512x512xf32> -> vector<512x512xf32>
    %add3A_38 = arith.addf %select_n3A_37, %transpose3A : vector<512x512xf32>
    %eq3A = arith.cmpi eq, %iota3A, %iota3A_33 : vector<512x512xi32>
    %jit3A_39 = arith.constant 1.000000e+00 : f32
    %jit3A_40 = arith.constant 0.000000e+00 : f32
    %broadcast_in_dim3A_41 = vector.broadcast %jit3A_39 : f32 to vector<512x512xf32>
    %broadcast_in_dim3A_42 = vector.broadcast %jit3A_40 : f32 to vector<512x512xf32>
    %select_n3A_43 = arith.select %eq3A, %broadcast_in_dim3A_41, %broadcast_in_dim3A_42 : vector<512x512xi1>, vector<512x512xf32>
    %add3A_44 = arith.addf %add3A_38, %select_n3A_43 : vector<512x512xf32>
    %lt3A_45 = arith.cmpi slt, %arg0, %arg1 : i32
    %gt3A_46 = arith.cmpi sgt, %arg0, %arg1 : i32
    %transpose3A_47 = tpu.transpose %convert_element_type3A_32, [1, 0] : vector<512x512xf32> -> vector<512x512xf32>
    %select_n3A_48 = arith.select %gt3A_46, %transpose3A_47, %add3A_44 : vector<512x512xf32>
    %select_n3A_49 = arith.select %lt3A_45, %convert_element_type3A_32, %select_n3A_48 : vector<512x512xf32>
    %swap3A = arith.constant 0 : index
    %swap3A_50 = arith.constant 0 : index
    %swap3A_51 = vector.load %arg7[%swap3A, %swap3A_50] : memref<512x512xf32, #tpu.memory_space<vmem>>, vector<512x512xf32>
    tpu.vector_store %arg7[%swap3A, %swap3A_50], %select_n3A_49 {strides = array<i32>} : memref<512x512xf32, #tpu.memory_space<vmem>>, vector<512x512xf32>,
    %convert_element_type3A_52 = arith.truncf %select_n3A_49 : vector<512x512xf32> to vector<512x512xbf16>
    %swap3A_53 = arith.constant 0 : index
    %swap3A_54 = arith.constant 0 : index
    %swap3A_55 = vector.load %arg8[%swap3A_53, %swap3A_54] : memref<512x512xbf16, #tpu.memory_space<vmem>>, vector<512x512xbf16>
    tpu.vector_store %arg8[%swap3A_53, %swap3A_54], %convert_element_type3A_52 {strides = array<i32>} : memref<512x512xbf16, #tpu.memory_space<vmem>>, vector<512x512xbf16>,
    %eq3A_56 = arith.constant 0 : i32
    %eq3A_57 = arith.cmpi eq, %arg1, %eq3A_56 : i32
    %broadcast_in_dim3A_58 = arith.constant 0.000000e+00 : f32
    %broadcast_in_dim3A_59 = vector.broadcast %broadcast_in_dim3A_58 : f32 to vector<512x1xf32>
    %get3A_60 = arith.constant 0 : index
    %get3A_61 = arith.constant 0 : index
    %get3A_62 = vector.load %arg9[%get3A_60, %get3A_61] : memref<512x1xf32, #tpu.memory_space<vmem>>, vector<512x1xf32>
    %select_n3A_63 = arith.select %eq3A_57, %broadcast_in_dim3A_59, %get3A_62 : vector<512x1xf32>
    %reduce_sum3A = arith.constant dense<0.000000e+00> : vector<512xf32>
    %reduce_sum3A_64 = vector.multi_reduction <add>, %select_n3A_49, %reduce_sum3A [1] : vector<512x512xf32> to vector<512xf32>
    %broadcast_in_dim3A_65 = vector.shape_cast %reduce_sum3A_64 : vector<512xf32> to vector<512x1xf32>
    %add3A_66 = arith.addf %select_n3A_63, %broadcast_in_dim3A_65 : vector<512x1xf32>
    %swap3A_67 = arith.constant 0 : index
    %swap3A_68 = arith.constant 0 : index
    %swap3A_69 = vector.load %arg9[%swap3A_67, %swap3A_68] : memref<512x1xf32, #tpu.memory_space<vmem>>, vector<512x1xf32>
    tpu.vector_store %arg9[%swap3A_67, %swap3A_68], %add3A_66 {strides = array<i32>} : memref<512x1xf32, #tpu.memory_space<vmem>>, vector<512x1xf32>,
    return
  }
  func.func @transform_0(%arg0: i32, %arg1: i32) -> (i32, i32) {
    %min3A = arith.minsi %arg0, %arg1 : i32
    %c0_i32 = arith.constant 0 : i32
    %c0_i32_0 = arith.constant 0 : i32
    return %min3A, %c0_i32 : i32, i32
  }
  func.func @transform_1(%arg0: i32, %arg1: i32) -> (i32, i32) {
    %max3A = arith.maxsi %arg0, %arg1 : i32
    %c0_i32 = arith.constant 0 : i32
    %c0_i32_0 = arith.constant 0 : i32
    return %max3A, %c0_i32 : i32, i32
  }
  func.func @transform_2(%arg0: i32, %arg1: i32) -> (i32, i32) {
    %min3A = arith.minsi %arg0, %arg1 : i32
    %max3A = arith.maxsi %arg0, %arg1 : i32
    %c0_i32 = arith.constant 0 : i32
    return %min3A, %max3A : i32, i32
  }
  func.func @transform_3(%arg0: i32, %arg1: i32) -> (i32, i32) {
    %min3A = arith.minsi %arg0, %arg1 : i32
    %max3A = arith.maxsi %arg0, %arg1 : i32
    %c0_i32 = arith.constant 0 : i32
    return %min3A, %max3A : i32, i32
  }
  func.func @transform_4(%arg0: i32, %arg1: i32) -> (i32, i32) {
    %c0_i32 = arith.constant 0 : i32
    %c0_i32_0 = arith.constant 0 : i32
    %c0_i32_1 = arith.constant 0 : i32
    return %c0_i32, %c0_i32_0 : i32, i32
  }
  func.func @transform_5(%arg0: i32, %arg1: i32) -> (i32, i32) {
    %c0_i32 = arith.constant 0 : i32
    return %arg0, %arg1 : i32, i32
  }
  func.func @transform_6(%arg0: i32, %arg1: i32) -> (i32, i32) {
    %c0_i32 = arith.constant 0 : i32
    return %arg0, %arg1 : i32, i32
  }
  func.func @transform_7(%arg0: i32, %arg1: i32) -> (i32, i32) {
    %c0_i32 = arith.constant 0 : i32
    %c0_i32_0 = arith.constant 0 : i32
    return %arg0, %c0_i32 : i32, i32
  }
}

module attributes {stable_mosaic.version = 14 : i64} {
  func.func @_h1_body(%arg0: i32, %arg1: i32, %arg2: memref<512x512xbf16, #tpu.memory_space<vmem>>, %arg3: memref<512x64xf32, #tpu.memory_space<vmem>>, %arg4: memref<512x1xf32, #tpu.memory_space<vmem>>, %arg5: memref<512x64xf32, #tpu.memory_space<vmem>>, %arg6: memref<512x1xf32, #tpu.memory_space<vmem>>, %arg7: memref<1x64xf32, #tpu.memory_space<vmem>>, %arg8: memref<1x1xf32, #tpu.memory_space<smem>>, %arg9: memref<512x64xf32, #tpu.memory_space<vmem>>, %arg10: memref<512x64xf32, #tpu.memory_space<vmem>>, %arg11: memref<1x64xf32, #tpu.memory_space<vmem>>, %arg12: memref<1x64xf32, #tpu.memory_space<vmem>>, %arg13: memref<512x64xf32, #tpu.memory_space<vmem>>) attributes {dimension_semantics = [#tpu.dimension_semantics<arbitrary>, #tpu.dimension_semantics<arbitrary>], iteration_bounds = array<i64: 8, 8>, scalar_prefetch = 0 : i64, scratch_operands = 1 : i64, tpu.core_type = #tpu.core_type<tc>, window_params = [{transform_indices = @transform_0, window_bounds = array<i64: 512, 512>}, {transform_indices = @transform_1, window_bounds = array<i64: 512, 64>}, {transform_indices = @transform_2, window_bounds = array<i64: 512, 1>}, {transform_indices = @transform_3, window_bounds = array<i64: 512, 64>}, {transform_indices = @transform_4, window_bounds = array<i64: 512, 1>}, {pipeline_mode = #tpu.pipeline_mode<synchronous>, transform_indices = @transform_5, window_bounds = array<i64: 1, 64>}, {transform_indices = @transform_6, window_bounds = array<i64: 1, 1>}, {transform_indices = @transform_7, window_bounds = array<i64: 512, 64>}, {transform_indices = @transform_8, window_bounds = array<i64: 512, 64>}, {pipeline_mode = #tpu.pipeline_mode<synchronous>, transform_indices = @transform_9, window_bounds = array<i64: 1, 64>}, {pipeline_mode = #tpu.pipeline_mode<synchronous>, transform_indices = @transform_10, window_bounds = array<i64: 1, 64>}]} {
    %get3A = arith.constant 0 : index
    %get3A_0 = arith.constant 0 : index
    %get3A_1 = vector.load %arg4[%get3A, %get3A_0] : memref<512x1xf32, #tpu.memory_space<vmem>>, vector<512x1xf32>
    %add3A = arith.constant 1.000000e+00 : f32
    %add3A_2 = vector.broadcast %add3A : f32 to vector<512x1xf32>
    %add3A_3 = arith.addf %get3A_1, %add3A_2 : vector<512x1xf32>
    %rsqrt3A = math.rsqrt %add3A_3 : vector<512x1xf32>
    %get3A_4 = arith.constant 0 : index
    %get3A_5 = arith.constant 0 : index
    %get3A_6 = vector.load %arg3[%get3A_4, %get3A_5] : memref<512x64xf32, #tpu.memory_space<vmem>>, vector<512x64xf32>
    %mul3A = vector.broadcast %rsqrt3A : vector<512x1xf32> to vector<512x64xf32>
    %mul3A_7 = arith.mulf %get3A_6, %mul3A : vector<512x64xf32>
    %eq3A = arith.constant 0 : i32
    %eq3A_8 = arith.cmpi eq, %arg1, %eq3A : i32
    %convert_element_type3A = arith.extui %eq3A_8 : i1 to i32
    %cond3A = arith.constant 0 : i32
    %cond3A_9 = arith.cmpi ne, %convert_element_type3A, %cond3A : i32
    scf.if %cond3A_9 {
      %broadcast_in_dim3A = arith.constant 0.000000e+00 : f32
      %broadcast_in_dim3A_26 = vector.broadcast %broadcast_in_dim3A : f32 to vector<512x64xf32>
      %swap3A_27 = arith.constant 0 : index
      %swap3A_28 = arith.constant 0 : index
      %swap3A_29 = vector.load %arg13[%swap3A_27, %swap3A_28] : memref<512x64xf32, #tpu.memory_space<vmem>>, vector<512x64xf32>
      tpu.vector_store %arg13[%swap3A_27, %swap3A_28], %broadcast_in_dim3A_26 {strides = array<i32>} : memref<512x64xf32, #tpu.memory_space<vmem>>, vector<512x64xf32>,
    } else {
    }
    %get3A_10 = arith.constant 0 : index
    %get3A_11 = arith.constant 0 : index
    %get3A_12 = vector.load %arg13[%get3A_10, %get3A_11] : memref<512x64xf32, #tpu.memory_space<vmem>>, vector<512x64xf32>
    %get3A_13 = arith.constant 0 : index
    %get3A_14 = arith.constant 0 : index
    %get3A_15 = vector.load %arg2[%get3A_13, %get3A_14] : memref<512x512xbf16, #tpu.memory_space<vmem>>, vector<512x512xbf16>
    %convert_element_type3A_16 = arith.truncf %mul3A_7 : vector<512x64xf32> to vector<512x64xbf16>
    %dot_general3A = arith.constant dense<0.000000e+00> : vector<512x64xf32>
    %dot_general3A_17 = tpu.matmul %get3A_15, %convert_element_type3A_16, %dot_general3A {dimension_numbers = #tpu.dot_dimension_numbers<[1], [0], [0], [1], [0, 0, 1, 1], [], []>, transpose_lhs_hint = false} : vector<512x512xbf16>, vector<512x64xbf16>, vector<512x64xf32> -> vector<512x64xf32>
    %add3A_18 = arith.addf %get3A_12, %dot_general3A_17 : vector<512x64xf32>
    %swap3A = arith.constant 0 : index
    %swap3A_19 = arith.constant 0 : index
    %swap3A_20 = vector.load %arg13[%swap3A, %swap3A_19] : memref<512x64xf32, #tpu.memory_space<vmem>>, vector<512x64xf32>
    tpu.vector_store %arg13[%swap3A, %swap3A_19], %add3A_18 {strides = array<i32>} : memref<512x64xf32, #tpu.memory_space<vmem>>, vector<512x64xf32>,
    %eq3A_21 = arith.constant 7 : i32
    %eq3A_22 = arith.cmpi eq, %arg1, %eq3A_21 : i32
    %convert_element_type3A_23 = arith.extui %eq3A_22 : i1 to i32
    %cond3A_24 = arith.constant 0 : i32
    %cond3A_25 = arith.cmpi ne, %convert_element_type3A_23, %cond3A_24 : i32
    scf.if %cond3A_25 {
      %get3A_26 = arith.constant 0 : index
      %get3A_27 = arith.constant 0 : index
      %get3A_28 = vector.load %arg6[%get3A_26, %get3A_27] : memref<512x1xf32, #tpu.memory_space<vmem>>, vector<512x1xf32>
      %add3A_29 = arith.constant 1.000000e+00 : f32
      %add3A_30 = vector.broadcast %add3A_29 : f32 to vector<512x1xf32>
      %add3A_31 = arith.addf %get3A_28, %add3A_30 : vector<512x1xf32>
      %rsqrt3A_32 = math.rsqrt %add3A_31 : vector<512x1xf32>
      %get3A_33 = arith.constant 0 : index
      %get3A_34 = arith.constant 0 : index
      %get3A_35 = vector.load %arg5[%get3A_33, %get3A_34] : memref<512x64xf32, #tpu.memory_space<vmem>>, vector<512x64xf32>
      %mul3A_36 = vector.broadcast %rsqrt3A_32 : vector<512x1xf32> to vector<512x64xf32>
      %mul3A_37 = arith.mulf %get3A_35, %mul3A_36 : vector<512x64xf32>
      %get3A_38 = arith.constant 0 : index
      %get3A_39 = arith.constant 0 : index
      %get3A_40 = vector.load %arg13[%get3A_38, %get3A_39] : memref<512x64xf32, #tpu.memory_space<vmem>>, vector<512x64xf32>
      %add3A_41 = arith.addf %get3A_40, %mul3A_37 : vector<512x64xf32>
      %mul3A_42 = vector.broadcast %rsqrt3A_32 : vector<512x1xf32> to vector<512x64xf32>
      %mul3A_43 = arith.mulf %mul3A_42, %add3A_41 : vector<512x64xf32>
      %get3A_44 = arith.constant 0 : index
      %get3A_45 = arith.constant 0 : index
      %get3A_46 = vector.load %arg7[%get3A_44, %get3A_45] : memref<1x64xf32, #tpu.memory_space<vmem>>, vector<1x64xf32>
      %add3A_47 = vector.broadcast %get3A_46 : vector<1x64xf32> to vector<512x64xf32>
      %add3A_48 = arith.addf %mul3A_43, %add3A_47 : vector<512x64xf32>
      %swap3A_49 = arith.constant 0 : index
      %swap3A_50 = arith.constant 0 : index
      %swap3A_51 = vector.load %arg9[%swap3A_49, %swap3A_50] : memref<512x64xf32, #tpu.memory_space<vmem>>, vector<512x64xf32>
      tpu.vector_store %arg9[%swap3A_49, %swap3A_50], %add3A_48 {strides = array<i32>} : memref<512x64xf32, #tpu.memory_space<vmem>>, vector<512x64xf32>,
      %get3A_52 = arith.constant 0 : index
      %get3A_53 = arith.constant 0 : index
      %get3A_54 = memref.load %arg8[%get3A_52, %get3A_53] : memref<1x1xf32, #tpu.memory_space<smem>>
      %ge3A = arith.constant 0.000000e+00 : f32
      %ge3A_55 = vector.broadcast %ge3A : f32 to vector<512x64xf32>
      %ge3A_56 = arith.cmpf oge, %add3A_48, %ge3A_55 : vector<512x64xf32>
      %mul3A_57 = vector.broadcast %get3A_54 : f32 to vector<512x64xf32>
      %mul3A_58 = arith.mulf %mul3A_57, %add3A_48 : vector<512x64xf32>
      %select_n3A = arith.select %ge3A_56, %add3A_48, %mul3A_58 : vector<512x64xi1>, vector<512x64xf32>
      %swap3A_59 = arith.constant 0 : index
      %swap3A_60 = arith.constant 0 : index
      %swap3A_61 = vector.load %arg10[%swap3A_59, %swap3A_60] : memref<512x64xf32, #tpu.memory_space<vmem>>, vector<512x64xf32>
      tpu.vector_store %arg10[%swap3A_59, %swap3A_60], %select_n3A {strides = array<i32>} : memref<512x64xf32, #tpu.memory_space<vmem>>, vector<512x64xf32>,
      %eq3A_62 = arith.constant 0 : i32
      %eq3A_63 = arith.cmpi eq, %arg0, %eq3A_62 : i32
      %broadcast_in_dim3A = arith.constant 0.000000e+00 : f32
      %broadcast_in_dim3A_64 = vector.broadcast %broadcast_in_dim3A : f32 to vector<1x64xf32>
      %get3A_65 = arith.constant 0 : index
      %get3A_66 = arith.constant 0 : index
      %get3A_67 = vector.load %arg11[%get3A_65, %get3A_66] : memref<1x64xf32, #tpu.memory_space<vmem>>, vector<1x64xf32>
      %select_n3A_68 = arith.select %eq3A_63, %broadcast_in_dim3A_64, %get3A_67 : vector<1x64xf32>
      %eq3A_69 = arith.constant 0 : i32
      %eq3A_70 = arith.cmpi eq, %arg0, %eq3A_69 : i32
      %broadcast_in_dim3A_71 = arith.constant 0.000000e+00 : f32
      %broadcast_in_dim3A_72 = vector.broadcast %broadcast_in_dim3A_71 : f32 to vector<1x64xf32>
      %get3A_73 = arith.constant 0 : index
      %get3A_74 = arith.constant 0 : index
      %get3A_75 = vector.load %arg12[%get3A_73, %get3A_74] : memref<1x64xf32, #tpu.memory_space<vmem>>, vector<1x64xf32>
      %select_n3A_76 = arith.select %eq3A_70, %broadcast_in_dim3A_72, %get3A_75 : vector<1x64xf32>
      %reduce_sum3A = arith.constant dense<0.000000e+00> : vector<64xf32>
      %reduce_sum3A_77 = vector.multi_reduction <add>, %add3A_48, %reduce_sum3A [0] : vector<512x64xf32> to vector<64xf32>
      %broadcast_in_dim3A_78 = vector.shape_cast %reduce_sum3A_77 : vector<64xf32> to vector<1x64xf32>
      %add3A_79 = arith.addf %select_n3A_68, %broadcast_in_dim3A_78 : vector<1x64xf32>
      %swap3A_80 = arith.constant 0 : index
      %swap3A_81 = arith.constant 0 : index
      %swap3A_82 = vector.load %arg11[%swap3A_80, %swap3A_81] : memref<1x64xf32, #tpu.memory_space<vmem>>, vector<1x64xf32>
      tpu.vector_store %arg11[%swap3A_80, %swap3A_81], %add3A_79 {strides = array<i32>} : memref<1x64xf32, #tpu.memory_space<vmem>>, vector<1x64xf32>,
      %mul3A_83 = arith.mulf %add3A_48, %add3A_48 : vector<512x64xf32>
      %reduce_sum3A_84 = arith.constant dense<0.000000e+00> : vector<64xf32>
      %reduce_sum3A_85 = vector.multi_reduction <add>, %mul3A_83, %reduce_sum3A_84 [0] : vector<512x64xf32> to vector<64xf32>
      %broadcast_in_dim3A_86 = vector.shape_cast %reduce_sum3A_85 : vector<64xf32> to vector<1x64xf32>
      %add3A_87 = arith.addf %select_n3A_76, %broadcast_in_dim3A_86 : vector<1x64xf32>
      %swap3A_88 = arith.constant 0 : index
      %swap3A_89 = arith.constant 0 : index
      %swap3A_90 = vector.load %arg12[%swap3A_88, %swap3A_89] : memref<1x64xf32, #tpu.memory_space<vmem>>, vector<1x64xf32>
      tpu.vector_store %arg12[%swap3A_88, %swap3A_89], %add3A_87 {strides = array<i32>} : memref<1x64xf32, #tpu.memory_space<vmem>>, vector<1x64xf32>,
    } else {
    }
    return
  }
  func.func @transform_0(%arg0: i32, %arg1: i32) -> (i32, i32) {
    %c0_i32 = arith.constant 0 : i32
    return %arg0, %arg1 : i32, i32
  }
  func.func @transform_1(%arg0: i32, %arg1: i32) -> (i32, i32) {
    %c0_i32 = arith.constant 0 : i32
    %c0_i32_0 = arith.constant 0 : i32
    return %arg1, %c0_i32 : i32, i32
  }
  func.func @transform_2(%arg0: i32, %arg1: i32) -> (i32, i32) {
    %c0_i32 = arith.constant 0 : i32
    %c0_i32_0 = arith.constant 0 : i32
    return %arg1, %c0_i32 : i32, i32
  }
  func.func @transform_3(%arg0: i32, %arg1: i32) -> (i32, i32) {
    %c0_i32 = arith.constant 0 : i32
    %c0_i32_0 = arith.constant 0 : i32
    return %arg0, %c0_i32 : i32, i32
  }
  func.func @transform_4(%arg0: i32, %arg1: i32) -> (i32, i32) {
    %c0_i32 = arith.constant 0 : i32
    %c0_i32_0 = arith.constant 0 : i32
    return %arg0, %c0_i32 : i32, i32
  }
  func.func @transform_5(%arg0: i32, %arg1: i32) -> (i32, i32) {
    %c0_i32 = arith.constant 0 : i32
    %c0_i32_0 = arith.constant 0 : i32
    %c0_i32_1 = arith.constant 0 : i32
    return %c0_i32, %c0_i32_0 : i32, i32
  }
  func.func @transform_6(%arg0: i32, %arg1: i32) -> (i32, i32) {
    %c0_i32 = arith.constant 0 : i32
    %c0_i32_0 = arith.constant 0 : i32
    %c0_i32_1 = arith.constant 0 : i32
    return %c0_i32, %c0_i32_0 : i32, i32
  }
  func.func @transform_7(%arg0: i32, %arg1: i32) -> (i32, i32) {
    %c0_i32 = arith.constant 0 : i32
    %c0_i32_0 = arith.constant 0 : i32
    return %arg0, %c0_i32 : i32, i32
  }
  func.func @transform_8(%arg0: i32, %arg1: i32) -> (i32, i32) {
    %c0_i32 = arith.constant 0 : i32
    %c0_i32_0 = arith.constant 0 : i32
    return %arg0, %c0_i32 : i32, i32
  }
  func.func @transform_9(%arg0: i32, %arg1: i32) -> (i32, i32) {
    %c0_i32 = arith.constant 0 : i32
    %c0_i32_0 = arith.constant 0 : i32
    %c0_i32_1 = arith.constant 0 : i32
    return %c0_i32, %c0_i32_0 : i32, i32
  }
  func.func @transform_10(%arg0: i32, %arg1: i32) -> (i32, i32) {
    %c0_i32 = arith.constant 0 : i32
    %c0_i32_0 = arith.constant 0 : i32
    %c0_i32_1 = arith.constant 0 : i32
    return %c0_i32, %c0_i32_0 : i32, i32
  }
}

module attributes {stable_mosaic.version = 14 : i64} {
  func.func @_out_body(%arg0: i32, %arg1: i32, %arg2: memref<512x512xbf16, #tpu.memory_space<vmem>>, %arg3: memref<512x64xf32, #tpu.memory_space<vmem>>, %arg4: memref<512x1xf32, #tpu.memory_space<vmem>>, %arg5: memref<512x64xf32, #tpu.memory_space<vmem>>, %arg6: memref<512x1xf32, #tpu.memory_space<vmem>>, %arg7: memref<1x64xf32, #tpu.memory_space<vmem>>, %arg8: memref<1x64xf32, #tpu.memory_space<vmem>>, %arg9: memref<1x64xf32, #tpu.memory_space<vmem>>, %arg10: memref<1x64xf32, #tpu.memory_space<vmem>>, %arg11: memref<64x256xf32, #tpu.memory_space<vmem>>, %arg12: memref<1x256xf32, #tpu.memory_space<vmem>>, %arg13: memref<512x256xf32, #tpu.memory_space<vmem>>, %arg14: memref<512x64xf32, #tpu.memory_space<vmem>>, %arg15: memref<512x64xf32, #tpu.memory_space<vmem>>) attributes {dimension_semantics = [#tpu.dimension_semantics<arbitrary>, #tpu.dimension_semantics<arbitrary>], iteration_bounds = array<i64: 8, 8>, scalar_prefetch = 0 : i64, scratch_operands = 2 : i64, tpu.core_type = #tpu.core_type<tc>, window_params = [{transform_indices = @transform_0, window_bounds = array<i64: 512, 512>}, {transform_indices = @transform_1, window_bounds = array<i64: 512, 64>}, {transform_indices = @transform_2, window_bounds = array<i64: 512, 1>}, {transform_indices = @transform_3, window_bounds = array<i64: 512, 64>}, {transform_indices = @transform_4, window_bounds = array<i64: 512, 1>}, {pipeline_mode = #tpu.pipeline_mode<synchronous>, transform_indices = @transform_5, window_bounds = array<i64: 1, 64>}, {pipeline_mode = #tpu.pipeline_mode<synchronous>, transform_indices = @transform_6, window_bounds = array<i64: 1, 64>}, {pipeline_mode = #tpu.pipeline_mode<synchronous>, transform_indices = @transform_7, window_bounds = array<i64: 1, 64>}, {pipeline_mode = #tpu.pipeline_mode<synchronous>, transform_indices = @transform_8, window_bounds = array<i64: 1, 64>}, {pipeline_mode = #tpu.pipeline_mode<synchronous>, transform_indices = @transform_9, window_bounds = array<i64: 64, 256>}, {pipeline_mode = #tpu.pipeline_mode<synchronous>, transform_indices = @transform_10, window_bounds = array<i64: 1, 256>}, {transform_indices = @transform_11, window_bounds = array<i64: 512, 256>}]} {
    %get3A = arith.constant 0 : index
    %get3A_0 = arith.constant 0 : index
    %get3A_1 = vector.load %arg7[%get3A, %get3A_0] : memref<1x64xf32, #tpu.memory_space<vmem>>, vector<1x64xf32>
    %div3A = arith.constant 4.096000e+03 : f32
    %div3A_2 = vector.broadcast %div3A : f32 to vector<1x64xf32>
    %div3A_3 = arith.divf %get3A_1, %div3A_2 : vector<1x64xf32>
    %get3A_4 = arith.constant 0 : index
    %get3A_5 = arith.constant 0 : index
    %get3A_6 = vector.load %arg8[%get3A_4, %get3A_5] : memref<1x64xf32, #tpu.memory_space<vmem>>, vector<1x64xf32>
    %div3A_7 = arith.constant 4.096000e+03 : f32
    %div3A_8 = vector.broadcast %div3A_7 : f32 to vector<1x64xf32>
    %div3A_9 = arith.divf %get3A_6, %div3A_8 : vector<1x64xf32>
    %mul3A = arith.mulf %div3A_3, %div3A_3 : vector<1x64xf32>
    %sub3A = arith.subf %div3A_9, %mul3A : vector<1x64xf32>
    %add3A = arith.constant 9.99999974E-6 : f32
    %add3A_10 = vector.broadcast %add3A : f32 to vector<1x64xf32>
    %add3A_11 = arith.addf %sub3A, %add3A_10 : vector<1x64xf32>
    %rsqrt3A = math.rsqrt %add3A_11 : vector<1x64xf32>
    %get3A_12 = arith.constant 0 : index
    %get3A_13 = arith.constant 0 : index
    %get3A_14 = vector.load %arg3[%get3A_12, %get3A_13] : memref<512x64xf32, #tpu.memory_space<vmem>>, vector<512x64xf32>
    %get3A_15 = arith.constant 0 : index
    %get3A_16 = arith.constant 0 : index
    %get3A_17 = vector.load %arg4[%get3A_15, %get3A_16] : memref<512x1xf32, #tpu.memory_space<vmem>>, vector<512x1xf32>
    %sub3A_18 = vector.broadcast %div3A_3 : vector<1x64xf32> to vector<512x64xf32>
    %sub3A_19 = arith.subf %get3A_14, %sub3A_18 : vector<512x64xf32>
    %mul3A_20 = vector.broadcast %rsqrt3A : vector<1x64xf32> to vector<512x64xf32>
    %mul3A_21 = arith.mulf %sub3A_19, %mul3A_20 : vector<512x64xf32>
    %get3A_22 = arith.constant 0 : index
    %get3A_23 = arith.constant 0 : index
    %get3A_24 = vector.load %arg9[%get3A_22, %get3A_23] : memref<1x64xf32, #tpu.memory_space<vmem>>, vector<1x64xf32>
    %mul3A_25 = vector.broadcast %get3A_24 : vector<1x64xf32> to vector<512x64xf32>
    %mul3A_26 = arith.mulf %mul3A_21, %mul3A_25 : vector<512x64xf32>
    %get3A_27 = arith.constant 0 : index
    %get3A_28 = arith.constant 0 : index
    %get3A_29 = vector.load %arg10[%get3A_27, %get3A_28] : memref<1x64xf32, #tpu.memory_space<vmem>>, vector<1x64xf32>
    %add3A_30 = vector.broadcast %get3A_29 : vector<1x64xf32> to vector<512x64xf32>
    %add3A_31 = arith.addf %mul3A_26, %add3A_30 : vector<512x64xf32>
    %max3A = arith.constant 0.000000e+00 : f32
    %max3A_32 = vector.broadcast %max3A : f32 to vector<512x64xf32>
    %max3A_33 = arith.maximumf %add3A_31, %max3A_32 : vector<512x64xf32>
    %add3A_34 = arith.constant 1.000000e+00 : f32
    %add3A_35 = vector.broadcast %add3A_34 : f32 to vector<512x1xf32>
    %add3A_36 = arith.addf %get3A_17, %add3A_35 : vector<512x1xf32>
    %rsqrt3A_37 = math.rsqrt %add3A_36 : vector<512x1xf32>
    %mul3A_38 = vector.broadcast %rsqrt3A_37 : vector<512x1xf32> to vector<512x64xf32>
    %mul3A_39 = arith.mulf %mul3A_38, %max3A_33 : vector<512x64xf32>
    %eq3A = arith.constant 0 : i32
    %eq3A_40 = arith.cmpi eq, %arg1, %eq3A : i32
    %convert_element_type3A = arith.extui %eq3A_40 : i1 to i32
    %cond3A = arith.constant 0 : i32
    %cond3A_41 = arith.cmpi ne, %convert_element_type3A, %cond3A : i32
    scf.if %cond3A_41 {
      %broadcast_in_dim3A = arith.constant 0.000000e+00 : f32
      %broadcast_in_dim3A_58 = vector.broadcast %broadcast_in_dim3A : f32 to vector<512x64xf32>
      %swap3A_59 = arith.constant 0 : index
      %swap3A_60 = arith.constant 0 : index
      %swap3A_61 = vector.load %arg14[%swap3A_59, %swap3A_60] : memref<512x64xf32, #tpu.memory_space<vmem>>, vector<512x64xf32>
      tpu.vector_store %arg14[%swap3A_59, %swap3A_60], %broadcast_in_dim3A_58 {strides = array<i32>} : memref<512x64xf32, #tpu.memory_space<vmem>>, vector<512x64xf32>,
    } else {
    }
    %get3A_42 = arith.constant 0 : index
    %get3A_43 = arith.constant 0 : index
    %get3A_44 = vector.load %arg14[%get3A_42, %get3A_43] : memref<512x64xf32, #tpu.memory_space<vmem>>, vector<512x64xf32>
    %get3A_45 = arith.constant 0 : index
    %get3A_46 = arith.constant 0 : index
    %get3A_47 = vector.load %arg2[%get3A_45, %get3A_46] : memref<512x512xbf16, #tpu.memory_space<vmem>>, vector<512x512xbf16>
    %convert_element_type3A_48 = arith.truncf %mul3A_39 : vector<512x64xf32> to vector<512x64xbf16>
    %dot_general3A = arith.constant dense<0.000000e+00> : vector<512x64xf32>
    %dot_general3A_49 = tpu.matmul %get3A_47, %convert_element_type3A_48, %dot_general3A {dimension_numbers = #tpu.dot_dimension_numbers<[1], [0], [0], [1], [0, 0, 1, 1], [], []>, transpose_lhs_hint = false} : vector<512x512xbf16>, vector<512x64xbf16>, vector<512x64xf32> -> vector<512x64xf32>
    %add3A_50 = arith.addf %get3A_44, %dot_general3A_49 : vector<512x64xf32>
    %swap3A = arith.constant 0 : index
    %swap3A_51 = arith.constant 0 : index
    %swap3A_52 = vector.load %arg14[%swap3A, %swap3A_51] : memref<512x64xf32, #tpu.memory_space<vmem>>, vector<512x64xf32>
    tpu.vector_store %arg14[%swap3A, %swap3A_51], %add3A_50 {strides = array<i32>} : memref<512x64xf32, #tpu.memory_space<vmem>>, vector<512x64xf32>,
    %eq3A_53 = arith.constant 7 : i32
    %eq3A_54 = arith.cmpi eq, %arg1, %eq3A_53 : i32
    %convert_element_type3A_55 = arith.extui %eq3A_54 : i1 to i32
    %cond3A_56 = arith.constant 0 : i32
    %cond3A_57 = arith.cmpi ne, %convert_element_type3A_55, %cond3A_56 : i32
    scf.if %cond3A_57 {
      %get3A_58 = arith.constant 0 : index
      %get3A_59 = arith.constant 0 : index
      %get3A_60 = vector.load %arg5[%get3A_58, %get3A_59] : memref<512x64xf32, #tpu.memory_space<vmem>>, vector<512x64xf32>
      %get3A_61 = arith.constant 0 : index
      %get3A_62 = arith.constant 0 : index
      %get3A_63 = vector.load %arg6[%get3A_61, %get3A_62] : memref<512x1xf32, #tpu.memory_space<vmem>>, vector<512x1xf32>
      %sub3A_64 = vector.broadcast %div3A_3 : vector<1x64xf32> to vector<512x64xf32>
      %sub3A_65 = arith.subf %get3A_60, %sub3A_64 : vector<512x64xf32>
      %mul3A_66 = vector.broadcast %rsqrt3A : vector<1x64xf32> to vector<512x64xf32>
      %mul3A_67 = arith.mulf %sub3A_65, %mul3A_66 : vector<512x64xf32>
      %get3A_68 = arith.constant 0 : index
      %get3A_69 = arith.constant 0 : index
      %get3A_70 = vector.load %arg9[%get3A_68, %get3A_69] : memref<1x64xf32, #tpu.memory_space<vmem>>, vector<1x64xf32>
      %mul3A_71 = vector.broadcast %get3A_70 : vector<1x64xf32> to vector<512x64xf32>
      %mul3A_72 = arith.mulf %mul3A_67, %mul3A_71 : vector<512x64xf32>
      %get3A_73 = arith.constant 0 : index
      %get3A_74 = arith.constant 0 : index
      %get3A_75 = vector.load %arg10[%get3A_73, %get3A_74] : memref<1x64xf32, #tpu.memory_space<vmem>>, vector<1x64xf32>
      %add3A_76 = vector.broadcast %get3A_75 : vector<1x64xf32> to vector<512x64xf32>
      %add3A_77 = arith.addf %mul3A_72, %add3A_76 : vector<512x64xf32>
      %max3A_78 = arith.constant 0.000000e+00 : f32
      %max3A_79 = vector.broadcast %max3A_78 : f32 to vector<512x64xf32>
      %max3A_80 = arith.maximumf %add3A_77, %max3A_79 : vector<512x64xf32>
      %add3A_81 = arith.constant 1.000000e+00 : f32
      %add3A_82 = vector.broadcast %add3A_81 : f32 to vector<512x1xf32>
      %add3A_83 = arith.addf %get3A_63, %add3A_82 : vector<512x1xf32>
      %rsqrt3A_84 = math.rsqrt %add3A_83 : vector<512x1xf32>
      %mul3A_85 = vector.broadcast %rsqrt3A_84 : vector<512x1xf32> to vector<512x64xf32>
      %mul3A_86 = arith.mulf %mul3A_85, %max3A_80 : vector<512x64xf32>
      %get3A_87 = arith.constant 0 : index
      %get3A_88 = arith.constant 0 : index
      %get3A_89 = vector.load %arg14[%get3A_87, %get3A_88] : memref<512x64xf32, #tpu.memory_space<vmem>>, vector<512x64xf32>
      %add3A_90 = arith.addf %get3A_89, %mul3A_86 : vector<512x64xf32>
      %get3A_91 = arith.constant 0 : index
      %get3A_92 = arith.constant 0 : index
      %get3A_93 = vector.load %arg6[%get3A_91, %get3A_92] : memref<512x1xf32, #tpu.memory_space<vmem>>, vector<512x1xf32>
      %add3A_94 = arith.constant 1.000000e+00 : f32
      %add3A_95 = vector.broadcast %add3A_94 : f32 to vector<512x1xf32>
      %add3A_96 = arith.addf %get3A_93, %add3A_95 : vector<512x1xf32>
      %rsqrt3A_97 = math.rsqrt %add3A_96 : vector<512x1xf32>
      %get3A_98 = arith.constant 0 : index
      %get3A_99 = arith.constant 0 : index
      %get3A_100 = vector.load %arg11[%get3A_98, %get3A_99] : memref<64x256xf32, #tpu.memory_space<vmem>>, vector<64x256xf32>
      %dot_general3A_101 = arith.constant dense<0.000000e+00> : vector<512x256xf32>
      %dot_general3A_102 = tpu.matmul %add3A_90, %get3A_100, %dot_general3A_101 {dimension_numbers = #tpu.dot_dimension_numbers<[1], [0], [0], [1], [0, 0, 1, 1], [], []>, transpose_lhs_hint = false} : vector<512x64xf32>, vector<64x256xf32>, vector<512x256xf32> -> vector<512x256xf32>
      %mul3A_103 = vector.broadcast %rsqrt3A_97 : vector<512x1xf32> to vector<512x256xf32>
      %mul3A_104 = arith.mulf %mul3A_103, %dot_general3A_102 : vector<512x256xf32>
      %get3A_105 = arith.constant 0 : index
      %get3A_106 = arith.constant 0 : index
      %get3A_107 = vector.load %arg12[%get3A_105, %get3A_106] : memref<1x256xf32, #tpu.memory_space<vmem>>, vector<1x256xf32>
      %add3A_108 = vector.broadcast %get3A_107 : vector<1x256xf32> to vector<512x256xf32>
      %add3A_109 = arith.addf %mul3A_104, %add3A_108 : vector<512x256xf32>
      %swap3A_110 = arith.constant 0 : index
      %swap3A_111 = arith.constant 0 : index
      %swap3A_112 = vector.load %arg13[%swap3A_110, %swap3A_111] : memref<512x256xf32, #tpu.memory_space<vmem>>, vector<512x256xf32>
      tpu.vector_store %arg13[%swap3A_110, %swap3A_111], %add3A_109 {strides = array<i32>} : memref<512x256xf32, #tpu.memory_space<vmem>>, vector<512x256xf32>,
    } else {
    }
    return
  }
  func.func @transform_0(%arg0: i32, %arg1: i32) -> (i32, i32) {
    %c0_i32 = arith.constant 0 : i32
    return %arg0, %arg1 : i32, i32
  }
  func.func @transform_1(%arg0: i32, %arg1: i32) -> (i32, i32) {
    %c0_i32 = arith.constant 0 : i32
    %c0_i32_0 = arith.constant 0 : i32
    return %arg1, %c0_i32 : i32, i32
  }
  func.func @transform_2(%arg0: i32, %arg1: i32) -> (i32, i32) {
    %c0_i32 = arith.constant 0 : i32
    %c0_i32_0 = arith.constant 0 : i32
    return %arg1, %c0_i32 : i32, i32
  }
  func.func @transform_3(%arg0: i32, %arg1: i32) -> (i32, i32) {
    %c0_i32 = arith.constant 0 : i32
    %c0_i32_0 = arith.constant 0 : i32
    return %arg0, %c0_i32 : i32, i32
  }
  func.func @transform_4(%arg0: i32, %arg1: i32) -> (i32, i32) {
    %c0_i32 = arith.constant 0 : i32
    %c0_i32_0 = arith.constant 0 : i32
    return %arg0, %c0_i32 : i32, i32
  }
  func.func @transform_5(%arg0: i32, %arg1: i32) -> (i32, i32) {
    %c0_i32 = arith.constant 0 : i32
    %c0_i32_0 = arith.constant 0 : i32
    %c0_i32_1 = arith.constant 0 : i32
    return %c0_i32, %c0_i32_0 : i32, i32
  }
  func.func @transform_6(%arg0: i32, %arg1: i32) -> (i32, i32) {
    %c0_i32 = arith.constant 0 : i32
    %c0_i32_0 = arith.constant 0 : i32
    %c0_i32_1 = arith.constant 0 : i32
    return %c0_i32, %c0_i32_0 : i32, i32
  }
  func.func @transform_7(%arg0: i32, %arg1: i32) -> (i32, i32) {
    %c0_i32 = arith.constant 0 : i32
    %c0_i32_0 = arith.constant 0 : i32
    %c0_i32_1 = arith.constant 0 : i32
    return %c0_i32, %c0_i32_0 : i32, i32
  }
  func.func @transform_8(%arg0: i32, %arg1: i32) -> (i32, i32) {
    %c0_i32 = arith.constant 0 : i32
    %c0_i32_0 = arith.constant 0 : i32
    %c0_i32_1 = arith.constant 0 : i32
    return %c0_i32, %c0_i32_0 : i32, i32
  }
  func.func @transform_9(%arg0: i32, %arg1: i32) -> (i32, i32) {
    %c0_i32 = arith.constant 0 : i32
    %c0_i32_0 = arith.constant 0 : i32
    %c0_i32_1 = arith.constant 0 : i32
    return %c0_i32, %c0_i32_0 : i32, i32
  }
  func.func @transform_10(%arg0: i32, %arg1: i32) -> (i32, i32) {
    %c0_i32 = arith.constant 0 : i32
    %c0_i32_0 = arith.constant 0 : i32
    %c0_i32_1 = arith.constant 0 : i32
    return %c0_i32, %c0_i32_0 : i32, i32
  }
  func.func @transform_11(%arg0: i32, %arg1: i32) -> (i32, i32) {
    %c0_i32 = arith.constant 0 : i32
    %c0_i32_0 = arith.constant 0 : i32
    return %arg0, %c0_i32 : i32, i32
  }
}

</mosaic_0001>

<sc_bundles>
// kernel: kernel.11.cloned.1.call-start
scs
__scs_entry_jumppad:
0x0: {  	(pc) =	sbr.rel $0x88, $3  }
0x1: {  	(tag) =	ssettag $0x0;
	lr =	simm.s32 $0x1  }
0x2: {  	[smem:$0x3F98] =	sst lr;
	_ =	strace $0xD0000000  }
0x3: {  	_ = 	snop  }
0x4: {  	_ = 	snop  }
0x5: {  	_ = 	snop  }
0x6: {  	_ = 	snop  }
0x7: {  	_ = 	snop  }
__scs_overlays_trampoline_lowered:
0x8: {  	[smem:$0x3FA7] =	sst s0  }
0x9: {  	[smem:$0x3FA8] =	sst s1  }
0xa: {  	[smem:$0x3FA9] =	sst s2  }
0xb: {  	[smem:$0x3FAA] =	sst s3  }
0xc: {  	[smem:$0x3FAB] =	sst s4  }
0xd: {  	[smem:$0x3FAC] =	sst s5  }
0xe: {  	[smem:$0x3FAD] =	sst s6  }
0xf: {  	[smem:$0x3FAE] =	sst s7  }
0x10: {  	[smem:$0x3FAF] =	sst s8  }
0x11: {  	[smem:$0x3FB0] =	sst s9;
	s0 =	simm.s32 @!p0 $0x0  }
0x12: {  	s1 =	sld [smem:$0x3F96];
	s0 =	simm.s32 @p0 $0x1  }
0x13: {  	[smem:$0x3FB1] =	sst s0;
	s0 =	simm.s32 @!p1 $0x0  }
0x14: {  	s2 =	sld [smem:$0x3F95];
	s0 =	simm.s32 @p1 $0x1  }
0x15: {  	[smem:$0x3FB2] =	sst s0;
	s0 =	simm.s32 @!p2 $0x0  }
0x16: {  	s3 =	sld [smem:$0x3FDB];
	s0 =	simm.s32 @p2 $0x1  }
0x17: {  	s4 =	simm.s32 $0x1BF5;
	[smem:$0x3FB4] =	sst s0  }
0x18: {  	s0 =	sld [smem:$0x3F97];
	_ =	swait.ge [sflag:s4], $0x0  }
0x19: {  	s7 =	sld [smem:$0x3F98]  }
0x1a: {  	s8 =	sadd.s32 $0xFFFFE003, lr  }
0x1b: {  	s9 =	sadd.s32 $0xFFFFFEF7, lr;
	s5 =	simm.s32 $0xFFFFFFFF;
	p2 =	slt.u32 s8, $0xFFFFF086  }
0x1c: {  	p1 =	slt.u32 s9, $0xF7A;
	s5 =	simm.s32 @!p2 $0x0  }
0x1d: {  	s5 =	simm.s32 @p1 $0x1;
	p0 =	seq.s32 s7, s2  }
0x1e: {  	s7 =	smul.u32 @!p0 $0xF7A, s2;
	p2 =	seq.s32 @!p0 s5, $0x0  }
0x1f: {  	s9 =	smul.u32 $0xF7A, s1;
	s8 =	simm.s32 @!p0 $0x1BF5;
	p2 =	por !p2, p0  }
0x20: {  	[sflag:s8] =	ssyncset.s32 @!p0 $0xFFFFF086;
	s6 =	sadd.s32 @!p0 s3, s7;
	s7 =	simm.s32 @!p0 $0x108  }
0x21: {  	s3 =	sadd.s32 s3, s9;
	s6 =	sadd.s32 @!p0 $0x88, s6;
	s7 =	simm.s32 @p2 $0x1082  }
0x22: {  	[simem:s7], [sflag:s8] =	dma.local @!p0 [hbm:s6], $0xF7A  }
0x23: {  	s9 =	sor.u32 $0xD0000000, s2;
	s6 =	simm.s32 $0x108;
	_ =	swait.ge @!p0 [sflag:s8], $0x0  }
0x24: {  	s3 =	sadd.s32 $0x88, s3;
	s6 =	simm.s32 @!p1 $0x1082;
	[sflag:s4] =	ssyncset.s32 $0xFFFFF086  }
0x25: {  	[simem:s6], [sflag:s4] =	dma.local [hbm:s3], $0xF7A  }
0x26: {  	[smem:$0x3F98] =	sst s1;
	(tag) =	ssettag s2;
	_ =	strace s9  }
0x27: {  	s1 =	sld [smem:$0x3FA8]  }
0x28: {  	s2 =	sld [smem:$0x3FA9]  }
0x29: {  	s4 =	sld [smem:$0x3FAB]  }
0x2a: {  	p0 =	seq.s32 s5, $0x0;
	s5 =	sld [smem:$0x3FAC]  }
0x2b: {  	s6 =	sld [smem:$0x3FAD]  }
0x2c: {  	s7 =	sld [smem:$0x3FAE]  }
0x2d: {  	s3 =	simm.s32 $0x108;
	s8 =	sld [smem:$0x3FAF]  }
0x2e: {  	s3 =	simm.s32 @!p0 $0x1082;
	s9 =	sld [smem:$0x3FB0]  }
0x2f: {  	lr =	sadd.s32 s0, s3;
	s0 =	sld [smem:$0x3FA7]  }
0x30: {  	s3 =	sld [smem:$0x3FAA]  }
0x31: {  	[smem:$0x3FB3] =	sst s10  }
0x32: {  	s10 =	sld [smem:$0x3FB1];
	_ =	sdelay $0x3  }
0x33: {  	p0 =	seq.s32 s10, $0x1;
	s10 =	sld [smem:$0x3FB3];
	_ =	sdelay $0x3  }
0x34: {  	[smem:$0x3FB3] =	sst s10  }
0x35: {  	s10 =	sld [smem:$0x3FB2];
	_ =	sdelay $0x3  }
0x36: {  	p1 =	seq.s32 s10, $0x1;
	s10 =	sld [smem:$0x3FB3];
	_ =	sdelay $0x3  }
0x37: {  	[smem:$0x3FB3] =	sst s10  }
0x38: {  	s10 =	sld [smem:$0x3FB4]  }
0x39: {  	_ = 	snop;
	(pc) =	sbr.ind lr, $3  }
0x3a: {  	_ = 	snop  }
0x3b: {  	_ = 	snop  }
0x3c: {  	p2 =	seq.s32 s10, $0x1;
	s10 =	sld [smem:$0x3FB3]  }
0x3d: {  	_ =	shalt  }
0x3e: {  	_ =	shalt  }
0x3f: {  	_ =	shalt  }
0x40: {  	_ =	shalt  }
0x41: {  	_ =	shalt  }
0x42: {  	_ =	shalt  }
0x43: {  	_ =	shalt  }
0x44: {  	_ =	shalt  }
0x45: {  	_ =	shalt  }
0x46: {  	_ =	shalt  }
0x47: {  	_ =	shalt  }
0x48: {  	_ =	shalt  }
0x49: {  	_ =	shalt  }
0x4a: {  	_ =	shalt  }
0x4b: {  	_ =	shalt  }
0x4c: {  	_ =	shalt  }
0x4d: {  	_ =	shalt  }
0x4e: {  	_ =	shalt  }
0x4f: {  	_ =	shalt  }
0x50: {  	_ =	shalt  }
0x51: {  	_ =	shalt  }
0x52: {  	_ =	shalt  }
0x53: {  	_ =	shalt  }
0x54: {  	_ =	shalt  }
0x55: {  	_ =	shalt  }
0x56: {  	_ =	shalt  }
0x57: {  	_ =	shalt  }
0x58: {  	_ =	shalt  }
0x59: {  	_ =	shalt  }
0x5a: {  	_ =	shalt  }
0x5b: {  	_ =	shalt  }
0x5c: {  	_ =	shalt  }
0x5d: {  	_ =	shalt  }
0x5e: {  	_ =	shalt  }
0x5f: {  	_ =	shalt  }
0x60: {  	_ =	shalt  }
0x61: {  	_ =	shalt  }
0x62: {  	_ =	shalt  }
0x63: {  	_ =	shalt  }
0x64: {  	_ =	shalt  }
0x65: {  	_ =	shalt  }
0x66: {  	_ =	shalt  }
0x67: {  	_ =	shalt  }
0x68: {  	_ =	shalt  }
0x69: {  	_ =	shalt  }
0x6a: {  	_ =	shalt  }
0x6b: {  	_ =	shalt  }
0x6c: {  	_ =	shalt  }
0x6d: {  	_ =	shalt  }
0x6e: {  	_ =	shalt  }
0x6f: {  	_ =	shalt  }
0x70: {  	_ =	shalt  }
0x71: {  	_ =	shalt  }
0x72: {  	_ =	shalt  }
0x73: {  	_ =	shalt  }
0x74: {  	_ =	shalt  }
0x75: {  	_ =	shalt  }
0x76: {  	_ =	shalt  }
0x77: {  	_ =	shalt  }
0x78: {  	_ =	shalt  }
0x79: {  	_ =	shalt  }
0x7a: {  	_ =	shalt  }
0x7b: {  	_ =	shalt  }
0x7c: {  	_ =	shalt  }
0x7d: {  	_ =	shalt  }
0x7e: {  	_ =	shalt  }
0x7f: {  	_ =	shalt  }
0x80: {  	_ =	shalt  }
0x81: {  	_ =	shalt  }
0x82: {  	_ =	shalt  }
0x83: {  	_ =	shalt  }
0x84: {  	_ =	shalt  }
0x85: {  	_ =	shalt  }
0x86: {  	_ =	shalt  }
0x87: {  	_ =	shalt  }
.Lfunc_end0:
.L_simem_size_0:
called_computation_lowered:
.L_overlay_start_0:
0x88: {  	s2 =	sld [smem:$0x3FD9]  }
0x89: {  	s3 =	sld [smem:$0x3FFE];
	_ =	sdelay $0x1  }
0x8a: {  	s1 =	srdreg.scid  }
0x8b: {  	s0 =	sand.u32 $0x1, s1  }
0x8c: {  	s14 =	sshll.u32 s0, $0xA;
	s2 =	sadd.s32 s3, s2  }
0x8d: {  	s2 =	sadd.s32 s2, s14  }
0x8e: {  	[smem:$0x3FBF] =	sst s2  }
0x8f: {  	_ = 	snop  }
0x90: {  	s2 =	sld [smem:$0x3FD0];
	_ =	sdelay $0x2  }
0x91: {  	s15 =	simm.s32 $0xB;
	s4 =	simm.s32 $0x10  }
0x92: {  	[smem:s4], [sflag:s15] =	dma.local [hbm:s2], $0x1  }
0x93: {  	_ =	swait.eq [sflag:s15], $0x1  }
0x94: {  	s16 =	sld [smem:$0x10];
	[sflag:s15] =	ssyncset.done $0x0  }
0x95: {  	s17 =	sld [smem:$0x11];
	[sflag:s15] =	ssyncadd.s32 $0xFFFFFFFF  }
0x96: {  	s18 =	sld [smem:$0x13];
	(tm) =	ssettm $0x1  }
0x97: {  	s5 =	sld [smem:$0x3FFB];
	_ =	sdelay $0x3  }
0x98: {  	_ =	strace s5  }
0x99: {  	s5 =	sld [smem:$0x3FFC];
	_ =	sdelay $0x3  }
0x9a: {  	_ =	strace s5  }
0x9b: {  	s5 =	sld [smem:$0x3FFD];
	_ =	sdelay $0x3  }
0x9c: {  	_ =	strace s5  }
0x9d: {  	_ =	strace $0x8FFFFFFF  }
0x9e: {  	s19 =	sld [smem:$0x3FDB];
	_ =	sdelay $0x1  }
0x9f: {  	s6 =	simm.s32 $_scs_section_size  }
0xa0: {  	s7 =	simm.s32 $_size__tile_overlayer_lowered;
	s8 =	simm.s32 $_tile_overlayer_lowered  }
0xa1: {  	s22 =	simm.s32 $0x1BFF;
	s21 =	sshll.u32 s8, $0x1;
	s5 =	sadd.s32 s6, s19  }
0xa2: {  	s9 =	simm.s32 $0x0;
	s20 =	sshll.u32 s7, $0x1;
	s7 =	sadd.s32 s21, s5  }
0xa3: {  	[timem:s9], [sflag:s22] =	dma.local [hbm:s7], s20  }
0xa4: {  	_ =	swait.ge [sflag:s22], s20  }
0xa5: {  	s6 =	ssub.s32 $0x0, s20;
	[sflag:s22] =	ssyncset.done $0x0  }
0xa6: {  	[sflag:s22] =	ssyncadd.s32 s6;
	_ =	sdelay $0x1  }
0xa7: {  	s23 =	simm.s32 $0x1B8B  }
0xa8: {  	_ =	swait.ge [sflag:s23], $0x1  }
0xa9: {  	[sflag:s23] =	ssyncset.done $0x0  }
0xaa: {  	s25 =	simm.s32 $0x1B8E;
	s24 =	sld [smem:$0x3FFE];
	[sflag:s23] =	ssyncadd.s32 $0xFFFFFFFF  }
0xab: {  	s26 =	simm.s32 $execute0_lowered;
	[smem:$0x3FD2] =	sst s25  }
0xac: {  	s7 =	sshll.u32 s26, $0x1;
	_ =	strace $0x80000046;
	[dreg:$0x1] =	wrdreg $0xFFFFFFFF  }
0xad: {  	s28 =	simm.s32 $_size_execute0_lowered;
	s5 =	sadd.s32 s5, s7;
	[dreg:$0x0] =	wrdreg $0x0  }
0xae: {  	s7 =	sshll.u32 s28, $0x1;
	[dreg:$0x2] =	wrdreg s5  }
0xaf: {  	[dreg:$0x3] =	wrdreg s7  }
0xb0: {  	[dreg:$0x4] =	wrdreg $0xC0  }
0xb1: {  	_ =	task [dreg:s9], $0x5FFFF  }
0xb2: {  	[dreg:$0x1] =	wrdreg $0xFFFFFFFF  }
0xb3: {  	[dreg:$0x0] =	wrdreg $0x60  }
0xb4: {  	[dreg:$0x2] =	wrdreg s24  }
0xb5: {  	[dreg:$0x3] =	wrdreg s16  }
0xb6: {  	[dreg:$0x4] =	wrdreg s18  }
0xb7: {  	[dreg:$0x5] =	wrdreg s17  }
0xb8: {  	[dreg:$0x6] =	wrdreg $0x10000  }
0xb9: {  	[dreg:$0x7] =	wrdreg $0xA  }
0xba: {  	_ =	task.clear_ibuf [dreg:s9], $0x8FFFF;
	_ =	strace $0x90000046  }
0xbb: {  	s29 =	simm.s32 $0xA;
	_ =	strace $0x80000048  }
0xbc: {  	_ =	swait.ge [sflag:s29], $0x1  }
0xbd: {  	[sflag:s29] =	ssyncadd.s32 $0xFFFFFFFF  }
0xbe: {  	_ =	strace $0x90000048  }
0xbf: {  	_ =	sfence  }
0xc0: {  	s30 =	sld [smem:$0x0];
	_ =	sdelay $0x2  }
0xc1: {  	s31 =	sshll.u32 s1, $0xD;
	s1 =	sshrl.u32 s1, $0x2  }
0xc2: {  	s3 =	sand.u32 $0x4000, s31;
	s1 =	sadd.s32 s1, s30  }
0xc3: {  	s0 =	sor.u32 s3, s0;
	s1 =	sshll.u32 s1, $0x11  }
0xc4: {  	s0 =	sor.u32 s1, s0  }
0xc5: {  	s0 =	sadd.s32 $0x8F2B, s0  }
0xc6: {  	[sflag:s0] =	ssyncadd.remote.s32 $0x1  }
0xc7: {  	_ =	sfence.sel $0xFFFF  }
0xc8: {  	[dreg:$0x0] =	wrdreg $0xFFFFFFFF;
	(pc) =	sbr.abs _section_cstart, $3  }
0xc9: {  	[dreg:$0x1] =	wrdreg $0xFFFFFFFF  }
0xca: {  	_ =	task.clear_ibuf [dreg:s9], $0x2FFFF;
	_ =	strace $0x9FFFFFFF  }
0xcb: {  	(tm) =	ssettm $0x7FFFFFFF  }
tec
execute0_lowered:
.L_overlay_start_1:
0x0: {  	(tag) =	ssettag $0x1  }
0x1: {  	s2 =	rddreg [dreg:$0x0]  }
0x2: {  	s0 =	rddreg [dreg:$0x1]  }
0x3: {  	s28 =	rddreg [dreg:$0x2]  }
0x4: {  	s3 =	rddreg [dreg:$0x3]  }
0x5: {  	s6 =	rddreg [dreg:$0x4];
	s4 =	srdreg.scid;
	s7 =	simm.s32 $0x0  }
0x6: {  	s1 =	stileid.u32;
	s10 =	simm.s32 $0x100;
	s11 =	simm.s32 $0x180  }
0x7: {  	s12 =	simm.s32 $0x200;
	s13 =	simm.s32 $0x280;
	s14 =	simm.s32 $0x300  }
0x8: {  	s15 =	simm.s32 $0x380;
	s16 =	simm.s32 $0x400;
	s17 =	simm.s32 $0x480  }
0x9: {  	s18 =	simm.s32 $0x500;
	s19 =	simm.s32 $0x580;
	s20 =	simm.s32 $0x600  }
0xa: {  	s21 =	simm.s32 $0x680;
	[dreg:$0x6] =	wrdreg s0;
	s4 =	sand.u32 $0x1, s4  }
0xb: {  	s8 =	sshll.u32 s4, $0xB;
	s9 =	sshll.u32 s4, $0x10;
	s4 =	ssub.s32 $0x2, s4  }
0xc: {  	s22 =	simm.s32 $0x700;
	[dreg:$0x7] =	wrdreg s28;
	s30 =	sshrl.u32 s4, $0x1  }
0xd: {  	s23 =	simm.s32 $0x780;
	s0 =	rddreg [dreg:$0x5];
	s4 =	ssub.s32 s4, s30  }
0xe: {  	p1 =	por $0x0, $0x0;
	[smem:$0x7FF] =	sst s7;
	s4 =	smax.u32 s4, $0x1  }
0xf: {  	s5 =	sshll.u32 s1, $0xC;
	p0 =	sne.s32 s1, $0x0;
	s29 =	sadd.s32 $0xFFFFFFFF, s4  }
0x10: {  	_ =	strace $0x80000047;
	s25 =	sshrl.u32 @!p0 s6, $0x3;
	p2 =	sne.s32 s29, $0x0  }
.Ltmp0:
0x11: {  	s8 =	sor.u32 s8, s5;
	s9 =	sor.u32 s5, s9;
	(pc) =	sbr.rel @!p2 .LBB2_3-.Ltmp0, $4  }
0x12: {  	s5 =	sadd.s32 s5, s6;
	s31 =	rddreg [dreg:$0x6];
	s8 =	sshrl.u32 s8, $0x3  }
0x13: {  	s9 =	sshrl.u32 s9, $0x3;
	s2 =	sadd.s32 s8, s2;
	s8 =	simm.s32 $0x800  }
0x14: {  	s24 =	sadd.s32 $0x2C00, s2;
	s2 =	sadd.s32 s3, s9;
	s3 =	simm.s32 $0x2  }
0x15: {  	s9 =	simm.s32 $0x80;
	s4 =	sshrl.u32 s5, $0x3;
	s5 =	simm.s32 $0x1  }
0x16: {  	s26 =	simm.s32 @!p0 $0x1C02;
	s28 =	simm.s32 @!p0 $0x2  }
0x17: {  	[spmem:s25], [sflag:s26] =	dma.local @!p0 [hbm:s31], $0x2000  }
0x18: {  	_ =	swait.ge @!p0 [sflag:s28], $0x2000  }
0x19: {  	[sflag:s28] =	ssyncset.done @!p0 $0x0  }
0x1a: {  	[sflag:s28] =	ssyncadd.s32 @!p0 $0xFFFFE000  }
0x1b: {  	[bflag:$0x0] =	sbarrier.arrive $0xFFFF  }
0x1c: {  	[tilespmem:s7], [sflag:$0x2] =	stream.linear.gather [hbm4b:s24+s7], $0x800, $0x38;
	[tilespmem:$0x2000] =	vst v63  }
0x1d: {  	_ =	swait.ge [sflag:s3], $0x800  }
0x1e: {  	[sflag:s3] =	ssyncset.done $0x0  }
0x1f: {  	s30 =	rddreg [dreg:$0x7];
	[sflag:s3] =	ssyncadd.s32 $0xFFFFF800  }
0x20: {  	[tilespmem:s8], [sflag:$0x2] =	stream.linear.gather [hbm4b:s30+s7], $0x800, $0x38;
	[tilespmem:$0x2000] =	vst v63  }
0x21: {  	_ =	swait.ge [sflag:s3], $0x800  }
0x22: {  	[sflag:s3] =	ssyncset.done $0x0  }
0x23: {  	[sflag:s3] =	ssyncadd.s32 $0xFFFFF800  }
0x24: {  	[spmem:s6] =	stream.indirect.scatter.add.f32 [tilespmem:s8], [sflag:$0x1], $0x10, s7, s9, $0xb8;
	[tilespmem:$0x2000] =	vst v63  }
0x25: {  	_ = 	snop  }
0x26: {  	[spmem:s6] =	stream.indirect.scatter.add.f32 [tilespmem:s8], [sflag:$0x1], $0x10, s9, s9, $0xb8;
	[tilespmem:$0x2000] =	vst v63  }
0x27: {  	_ = 	snop  }
0x28: {  	[spmem:s6] =	stream.indirect.scatter.add.f32 [tilespmem:s8], [sflag:$0x1], $0x10, s10, s9, $0xb8;
	[tilespmem:$0x2000] =	vst v63  }
0x29: {  	_ = 	snop  }
0x2a: {  	[spmem:s6] =	stream.indirect.scatter.add.f32 [tilespmem:s8], [sflag:$0x1], $0x10, s11, s9, $0xb8;
	[tilespmem:$0x2000] =	vst v63  }
0x2b: {  	_ = 	snop  }
0x2c: {  	[spmem:s6] =	stream.indirect.scatter.add.f32 [tilespmem:s8], [sflag:$0x1], $0x10, s12, s9, $0xb8;
	[tilespmem:$0x2000] =	vst v63  }
0x2d: {  	_ = 	snop  }
0x2e: {  	[spmem:s6] =	stream.indirect.scatter.add.f32 [tilespmem:s8], [sflag:$0x1], $0x10, s13, s9, $0xb8;
	[tilespmem:$0x2000] =	vst v63  }
0x2f: {  	_ = 	snop  }
0x30: {  	[spmem:s6] =	stream.indirect.scatter.add.f32 [tilespmem:s8], [sflag:$0x1], $0x10, s14, s9, $0xb8;
	[tilespmem:$0x2000] =	vst v63  }
0x31: {  	_ = 	snop  }
0x32: {  	[spmem:s6] =	stream.indirect.scatter.add.f32 [tilespmem:s8], [sflag:$0x1], $0x10, s15, s9, $0xb8;
	[tilespmem:$0x2000] =	vst v63  }
0x33: {  	_ = 	snop  }
0x34: {  	[spmem:s6] =	stream.indirect.scatter.add.f32 [tilespmem:s8], [sflag:$0x1], $0x10, s16, s9, $0xb8;
	[tilespmem:$0x2000] =	vst v63  }
0x35: {  	_ = 	snop  }
0x36: {  	[spmem:s6] =	stream.indirect.scatter.add.f32 [tilespmem:s8], [sflag:$0x1], $0x10, s17, s9, $0xb8;
	[tilespmem:$0x2000] =	vst v63  }
0x37: {  	_ = 	snop  }
0x38: {  	[spmem:s6] =	stream.indirect.scatter.add.f32 [tilespmem:s8], [sflag:$0x1], $0x10, s18, s9, $0xb8;
	[tilespmem:$0x2000] =	vst v63  }
0x39: {  	_ = 	snop  }
0x3a: {  	[spmem:s6] =	stream.indirect.scatter.add.f32 [tilespmem:s8], [sflag:$0x1], $0x10, s19, s9, $0xb8;
	[tilespmem:$0x2000] =	vst v63  }
0x3b: {  	_ = 	snop  }
0x3c: {  	[spmem:s6] =	stream.indirect.scatter.add.f32 [tilespmem:s8], [sflag:$0x1], $0x10, s20, s9, $0xb8;
	[tilespmem:$0x2000] =	vst v63  }
0x3d: {  	_ = 	snop  }
0x3e: {  	[spmem:s6] =	stream.indirect.scatter.add.f32 [tilespmem:s8], [sflag:$0x1], $0x10, s21, s9, $0xb8;
	[tilespmem:$0x2000] =	vst v63  }
0x3f: {  	_ = 	snop  }
0x40: {  	[spmem:s6] =	stream.indirect.scatter.add.f32 [tilespmem:s8], [sflag:$0x1], $0x10, s22, s9, $0xb8;
	[tilespmem:$0x2000] =	vst v63  }
0x41: {  	_ = 	snop  }
0x42: {  	[spmem:s6] =	stream.indirect.scatter.add.f32 [tilespmem:s8], [sflag:$0x1], $0x10, s23, s9, $0xb8;
	[tilespmem:$0x2000] =	vst v63  }
0x43: {  	_ =	swait.ge [sflag:s5], $0x800  }
0x44: {  	[sflag:s5] =	ssyncset.done $0x0  }
0x45: {  	[sflag:s5] =	ssyncadd.s32 $0xFFFFF800  }
0x46: {  	_ =	swait.ge [sflag:s5], $0x800  }
0x47: {  	[sflag:s5] =	ssyncset.done $0x0  }
0x48: {  	[sflag:s5] =	ssyncadd.s32 $0xFFFFF800  }
0x49: {  	_ =	swait.ge [sflag:s5], $0x800  }
0x4a: {  	[sflag:s5] =	ssyncset.done $0x0  }
0x4b: {  	[sflag:s5] =	ssyncadd.s32 $0xFFFFF800  }
0x4c: {  	_ =	swait.ge [sflag:s5], $0x800  }
0x4d: {  	[sflag:s5] =	ssyncset.done $0x0  }
0x4e: {  	[sflag:s5] =	ssyncadd.s32 $0xFFFFF800  }
0x4f: {  	_ =	swait.ge [sflag:s5], $0x800  }
0x50: {  	[sflag:s5] =	ssyncset.done $0x0  }
0x51: {  	[sflag:s5] =	ssyncadd.s32 $0xFFFFF800  }
0x52: {  	_ =	swait.ge [sflag:s5], $0x800  }
0x53: {  	[sflag:s5] =	ssyncset.done $0x0  }
0x54: {  	[sflag:s5] =	ssyncadd.s32 $0xFFFFF800  }
0x55: {  	_ =	swait.ge [sflag:s5], $0x800  }
0x56: {  	[sflag:s5] =	ssyncset.done $0x0  }
0x57: {  	[sflag:s5] =	ssyncadd.s32 $0xFFFFF800  }
0x58: {  	_ =	swait.ge [sflag:s5], $0x800  }
0x59: {  	[sflag:s5] =	ssyncset.done $0x0  }
0x5a: {  	[sflag:s5] =	ssyncadd.s32 $0xFFFFF800  }
0x5b: {  	_ =	swait.ge [sflag:s5], $0x800  }
0x5c: {  	[sflag:s5] =	ssyncset.done $0x0  }
0x5d: {  	[sflag:s5] =	ssyncadd.s32 $0xFFFFF800  }
0x5e: {  	_ =	swait.ge [sflag:s5], $0x800  }
0x5f: {  	[sflag:s5] =	ssyncset.done $0x0  }
0x60: {  	[sflag:s5] =	ssyncadd.s32 $0xFFFFF800  }
0x61: {  	_ =	swait.ge [sflag:s5], $0x800  }
0x62: {  	[sflag:s5] =	ssyncset.done $0x0  }
0x63: {  	[sflag:s5] =	ssyncadd.s32 $0xFFFFF800  }
0x64: {  	_ =	swait.ge [sflag:s5], $0x800  }
0x65: {  	[sflag:s5] =	ssyncset.done $0x0  }
0x66: {  	[sflag:s5] =	ssyncadd.s32 $0xFFFFF800  }
0x67: {  	_ =	swait.ge [sflag:s5], $0x800  }
0x68: {  	[sflag:s5] =	ssyncset.done $0x0  }
0x69: {  	[sflag:s5] =	ssyncadd.s32 $0xFFFFF800  }
0x6a: {  	_ =	swait.ge [sflag:s5], $0x800  }
0x6b: {  	[sflag:s5] =	ssyncset.done $0x0  }
0x6c: {  	[sflag:s5] =	ssyncadd.s32 $0xFFFFF800  }
0x6d: {  	_ =	swait.ge [sflag:s5], $0x800  }
0x6e: {  	[sflag:s5] =	ssyncset.done $0x0  }
0x6f: {  	[sflag:s5] =	ssyncadd.s32 $0xFFFFF800  }
0x70: {  	s29 =	sadd.s32 $0xFFFFFFFF, s29;
	_ =	swait.ge [sflag:s5], $0x800  }
0x71: {  	p2 =	sne.s32 s29, $0x0;
	[sflag:s5] =	ssyncset.done $0x0  }
.Ltmp1:
0x72: {  	s30 =	sshll.u32 s1, $0x6;
	[sflag:s5] =	ssyncadd.s32 $0xFFFFF800;
	(pc) =	sbr.rel @!p2 .LBB2_3-.Ltmp1, $4  }
0x73: {  	s30 =	sor.u32 $0x1C02, s30;
	[bflag:$0x0] =	sbarrier.arrive $0xFFFF  }
0x74: {  	[hbm:s2], [sflag:s30] =	dma.local [spmem:s4], $0x200  }
0x75: {  	_ =	swait.ge [sflag:s3], $0x200  }
0x76: {  	p1 =	por $0x1, $0x1;
	s31 =	rddreg [dreg:$0x6];
	[sflag:s3] =	ssyncset.done $0x0  }
.LBB2_2:
0x77: {  	[sflag:s3] =	ssyncadd.s32 $0xFFFFFE00  }
0x78: {  	[spmem:s25], [sflag:s26] =	dma.local @!p0 [hbm:s31], $0x2000  }
0x79: {  	_ =	swait.ge @!p0 [sflag:s28], $0x2000  }
0x7a: {  	[sflag:s28] =	ssyncset.done @!p0 $0x0  }
0x7b: {  	[sflag:s28] =	ssyncadd.s32 @!p0 $0xFFFFE000  }
0x7c: {  	[bflag:$0x0] =	sbarrier.arrive $0xFFFF  }
0x7d: {  	[tilespmem:s7], [sflag:$0x2] =	stream.linear.gather [hbm4b:s24+s7], $0x800, $0x38;
	[tilespmem:$0x2000] =	vst v63  }
0x7e: {  	_ =	swait.ge [sflag:s3], $0x800  }
0x7f: {  	[sflag:s3] =	ssyncset.done $0x0  }
0x80: {  	s31 =	rddreg [dreg:$0x7];
	[sflag:s3] =	ssyncadd.s32 $0xFFFFF800  }
0x81: {  	[tilespmem:s8], [sflag:$0x2] =	stream.linear.gather [hbm4b:s31+s7], $0x800, $0x38;
	[tilespmem:$0x2000] =	vst v63  }
0x82: {  	_ =	swait.ge [sflag:s3], $0x800  }
0x83: {  	[sflag:s3] =	ssyncset.done $0x0  }
0x84: {  	[sflag:s3] =	ssyncadd.s32 $0xFFFFF800  }
0x85: {  	[spmem:s6] =	stream.indirect.scatter.add.f32 [tilespmem:s8], [sflag:$0x1], $0x10, s7, s9, $0xb8;
	[tilespmem:$0x2000] =	vst v63  }
0x86: {  	_ = 	snop  }
0x87: {  	[spmem:s6] =	stream.indirect.scatter.add.f32 [tilespmem:s8], [sflag:$0x1], $0x10, s9, s9, $0xb8;
	[tilespmem:$0x2000] =	vst v63  }
0x88: {  	_ = 	snop  }
0x89: {  	[spmem:s6] =	stream.indirect.scatter.add.f32 [tilespmem:s8], [sflag:$0x1], $0x10, s10, s9, $0xb8;
	[tilespmem:$0x2000] =	vst v63  }
0x8a: {  	_ = 	snop  }
0x8b: {  	[spmem:s6] =	stream.indirect.scatter.add.f32 [tilespmem:s8], [sflag:$0x1], $0x10, s11, s9, $0xb8;
	[tilespmem:$0x2000] =	vst v63  }
0x8c: {  	_ = 	snop  }
0x8d: {  	[spmem:s6] =	stream.indirect.scatter.add.f32 [tilespmem:s8], [sflag:$0x1], $0x10, s12, s9, $0xb8;
	[tilespmem:$0x2000] =	vst v63  }
0x8e: {  	_ = 	snop  }
0x8f: {  	[spmem:s6] =	stream.indirect.scatter.add.f32 [tilespmem:s8], [sflag:$0x1], $0x10, s13, s9, $0xb8;
	[tilespmem:$0x2000] =	vst v63  }
0x90: {  	_ = 	snop  }
0x91: {  	[spmem:s6] =	stream.indirect.scatter.add.f32 [tilespmem:s8], [sflag:$0x1], $0x10, s14, s9, $0xb8;
	[tilespmem:$0x2000] =	vst v63  }
0x92: {  	_ = 	snop  }
0x93: {  	[spmem:s6] =	stream.indirect.scatter.add.f32 [tilespmem:s8], [sflag:$0x1], $0x10, s15, s9, $0xb8;
	[tilespmem:$0x2000] =	vst v63  }
0x94: {  	_ = 	snop  }
0x95: {  	[spmem:s6] =	stream.indirect.scatter.add.f32 [tilespmem:s8], [sflag:$0x1], $0x10, s16, s9, $0xb8;
	[tilespmem:$0x2000] =	vst v63  }
0x96: {  	_ = 	snop  }
0x97: {  	[spmem:s6] =	stream.indirect.scatter.add.f32 [tilespmem:s8], [sflag:$0x1], $0x10, s17, s9, $0xb8;
	[tilespmem:$0x2000] =	vst v63  }
0x98: {  	_ = 	snop  }
0x99: {  	[spmem:s6] =	stream.indirect.scatter.add.f32 [tilespmem:s8], [sflag:$0x1], $0x10, s18, s9, $0xb8;
	[tilespmem:$0x2000] =	vst v63  }
0x9a: {  	_ = 	snop  }
0x9b: {  	[spmem:s6] =	stream.indirect.scatter.add.f32 [tilespmem:s8], [sflag:$0x1], $0x10, s19, s9, $0xb8;
	[tilespmem:$0x2000] =	vst v63  }
0x9c: {  	_ = 	snop  }
0x9d: {  	[spmem:s6] =	stream.indirect.scatter.add.f32 [tilespmem:s8], [sflag:$0x1], $0x10, s20, s9, $0xb8;
	[tilespmem:$0x2000] =	vst v63  }
0x9e: {  	_ = 	snop  }
0x9f: {  	[spmem:s6] =	stream.indirect.scatter.add.f32 [tilespmem:s8], [sflag:$0x1], $0x10, s21, s9, $0xb8;
	[tilespmem:$0x2000] =	vst v63  }
0xa0: {  	_ = 	snop  }
0xa1: {  	[spmem:s6] =	stream.indirect.scatter.add.f32 [tilespmem:s8], [sflag:$0x1], $0x10, s22, s9, $0xb8;
	[tilespmem:$0x2000] =	vst v63  }
0xa2: {  	_ = 	snop  }
0xa3: {  	[spmem:s6] =	stream.indirect.scatter.add.f32 [tilespmem:s8], [sflag:$0x1], $0x10, s23, s9, $0xb8;
	[tilespmem:$0x2000] =	vst v63  }
0xa4: {  	_ =	swait.ge [sflag:s5], $0x800  }
0xa5: {  	[sflag:s5] =	ssyncset.done $0x0  }
0xa6: {  	[sflag:s5] =	ssyncadd.s32 $0xFFFFF800  }
0xa7: {  	_ =	swait.ge [sflag:s5], $0x800  }
0xa8: {  	[sflag:s5] =	ssyncset.done $0x0  }
0xa9: {  	[sflag:s5] =	ssyncadd.s32 $0xFFFFF800  }
0xaa: {  	_ =	swait.ge [sflag:s5], $0x800  }
0xab: {  	[sflag:s5] =	ssyncset.done $0x0  }
0xac: {  	[sflag:s5] =	ssyncadd.s32 $0xFFFFF800  }
0xad: {  	_ =	swait.ge [sflag:s5], $0x800  }
0xae: {  	[sflag:s5] =	ssyncset.done $0x0  }
0xaf: {  	[sflag:s5] =	ssyncadd.s32 $0xFFFFF800  }
0xb0: {  	_ =	swait.ge [sflag:s5], $0x800  }
0xb1: {  	[sflag:s5] =	ssyncset.done $0x0  }
0xb2: {  	[sflag:s5] =	ssyncadd.s32 $0xFFFFF800  }
0xb3: {  	_ =	swait.ge [sflag:s5], $0x800  }
0xb4: {  	[sflag:s5] =	ssyncset.done $0x0  }
0xb5: {  	[sflag:s5] =	ssyncadd.s32 $0xFFFFF800  }
0xb6: {  	_ =	swait.ge [sflag:s5], $0x800  }
0xb7: {  	[sflag:s5] =	ssyncset.done $0x0  }
0xb8: {  	[sflag:s5] =	ssyncadd.s32 $0xFFFFF800  }
0xb9: {  	_ =	swait.ge [sflag:s5], $0x800  }
0xba: {  	[sflag:s5] =	ssyncset.done $0x0  }
0xbb: {  	[sflag:s5] =	ssyncadd.s32 $0xFFFFF800  }
0xbc: {  	_ =	swait.ge [sflag:s5], $0x800  }
0xbd: {  	[sflag:s5] =	ssyncset.done $0x0  }
0xbe: {  	[sflag:s5] =	ssyncadd.s32 $0xFFFFF800  }
0xbf: {  	_ =	swait.ge [sflag:s5], $0x800  }
0xc0: {  	[sflag:s5] =	ssyncset.done $0x0  }
0xc1: {  	[sflag:s5] =	ssyncadd.s32 $0xFFFFF800  }
0xc2: {  	_ =	swait.ge [sflag:s5], $0x800  }
0xc3: {  	[sflag:s5] =	ssyncset.done $0x0  }
0xc4: {  	[sflag:s5] =	ssyncadd.s32 $0xFFFFF800  }
0xc5: {  	_ =	swait.ge [sflag:s5], $0x800  }
0xc6: {  	[sflag:s5] =	ssyncset.done $0x0  }
0xc7: {  	[sflag:s5] =	ssyncadd.s32 $0xFFFFF800  }
0xc8: {  	_ =	swait.ge [sflag:s5], $0x800  }
0xc9: {  	[sflag:s5] =	ssyncset.done $0x0  }
0xca: {  	[sflag:s5] =	ssyncadd.s32 $0xFFFFF800  }
0xcb: {  	_ =	swait.ge [sflag:s5], $0x800  }
0xcc: {  	[sflag:s5] =	ssyncset.done $0x0  }
0xcd: {  	[sflag:s5] =	ssyncadd.s32 $0xFFFFF800  }
0xce: {  	_ =	swait.ge [sflag:s5], $0x800  }
0xcf: {  	[sflag:s5] =	ssyncset.done $0x0  }
0xd0: {  	[sflag:s5] =	ssyncadd.s32 $0xFFFFF800  }
0xd1: {  	s29 =	sadd.s32 $0xFFFFFFFF, s29;
	_ =	swait.ge [sflag:s5], $0x800  }
0xd2: {  	p2 =	sne.s32 s29, $0x0;
	[sflag:s5] =	ssyncset.done $0x0  }
.Ltmp2:
0xd3: {  	[sflag:s5] =	ssyncadd.s32 $0xFFFFF800;
	(pc) =	sbr.rel @p2 .LBB2_2-.Ltmp2, $4  }
0xd4: {  	[bflag:$0x0] =	sbarrier.arrive $0xFFFF  }
0xd5: {  	[hbm:s2], [sflag:s30] =	dma.local [spmem:s4], $0x200  }
0xd6: {  	_ =	swait.ge [sflag:s3], $0x200  }
0xd7: {  	s31 =	rddreg [dreg:$0x6];
	[sflag:s3] =	ssyncset.done $0x0  }
.LBB2_3:
0xd8: {  	[sflag:s3] =	ssyncadd.s32 @p1 $0xFFFFFE00;
	s26 =	simm.s32 @!p0 $0x1C02  }
0xd9: {  	[spmem:s25], [sflag:s26] =	dma.local @!p0 [hbm:s31], $0x2000  }
0xda: {  	s25 =	simm.s32 @!p0 $0x2  }
0xdb: {  	_ =	swait.ge @!p0 [sflag:s25], $0x2000  }
0xdc: {  	[sflag:s25] =	ssyncset.done @!p0 $0x0  }
0xdd: {  	[sflag:s25] =	ssyncadd.s32 @!p0 $0xFFFFE000  }
0xde: {  	[bflag:$0x0] =	sbarrier.arrive $0xFFFF  }
0xdf: {  	[tilespmem:s7], [sflag:$0x2] =	stream.linear.gather [hbm4b:s24+s7], $0x800, $0x38;
	[tilespmem:$0x2000] =	vst v63  }
0xe0: {  	_ =	swait.ge [sflag:s3], $0x800  }
0xe1: {  	[sflag:s3] =	ssyncset.done $0x0  }
0xe2: {  	s31 =	rddreg [dreg:$0x7];
	[sflag:s3] =	ssyncadd.s32 $0xFFFFF800  }
0xe3: {  	[tilespmem:s8], [sflag:$0x2] =	stream.linear.gather [hbm4b:s31+s7], $0x800, $0x38;
	[tilespmem:$0x2000] =	vst v63  }
0xe4: {  	_ =	swait.ge [sflag:s3], $0x800  }
0xe5: {  	[sflag:s3] =	ssyncset.done $0x0  }
0xe6: {  	[sflag:s3] =	ssyncadd.s32 $0xFFFFF800  }
0xe7: {  	[spmem:s6] =	stream.indirect.scatter.add.f32 [tilespmem:s8], [sflag:$0x1], $0x10, s7, s9, $0xb8;
	[tilespmem:$0x2000] =	vst v63  }
0xe8: {  	_ = 	snop  }
0xe9: {  	[spmem:s6] =	stream.indirect.scatter.add.f32 [tilespmem:s8], [sflag:$0x1], $0x10, s9, s9, $0xb8;
	[tilespmem:$0x2000] =	vst v63  }
0xea: {  	_ = 	snop  }
0xeb: {  	[spmem:s6] =	stream.indirect.scatter.add.f32 [tilespmem:s8], [sflag:$0x1], $0x10, s10, s9, $0xb8;
	[tilespmem:$0x2000] =	vst v63  }
0xec: {  	_ = 	snop  }
0xed: {  	[spmem:s6] =	stream.indirect.scatter.add.f32 [tilespmem:s8], [sflag:$0x1], $0x10, s11, s9, $0xb8;
	[tilespmem:$0x2000] =	vst v63  }
0xee: {  	_ = 	snop  }
0xef: {  	[spmem:s6] =	stream.indirect.scatter.add.f32 [tilespmem:s8], [sflag:$0x1], $0x10, s12, s9, $0xb8;
	[tilespmem:$0x2000] =	vst v63  }
0xf0: {  	_ = 	snop  }
0xf1: {  	[spmem:s6] =	stream.indirect.scatter.add.f32 [tilespmem:s8], [sflag:$0x1], $0x10, s13, s9, $0xb8;
	[tilespmem:$0x2000] =	vst v63  }
0xf2: {  	_ = 	snop  }
0xf3: {  	[spmem:s6] =	stream.indirect.scatter.add.f32 [tilespmem:s8], [sflag:$0x1], $0x10, s14, s9, $0xb8;
	[tilespmem:$0x2000] =	vst v63  }
0xf4: {  	_ = 	snop  }
0xf5: {  	[spmem:s6] =	stream.indirect.scatter.add.f32 [tilespmem:s8], [sflag:$0x1], $0x10, s15, s9, $0xb8;
	[tilespmem:$0x2000] =	vst v63  }
0xf6: {  	_ = 	snop  }
0xf7: {  	[spmem:s6] =	stream.indirect.scatter.add.f32 [tilespmem:s8], [sflag:$0x1], $0x10, s16, s9, $0xb8;
	[tilespmem:$0x2000] =	vst v63  }
0xf8: {  	_ = 	snop  }
0xf9: {  	[spmem:s6] =	stream.indirect.scatter.add.f32 [tilespmem:s8], [sflag:$0x1], $0x10, s17, s9, $0xb8;
	[tilespmem:$0x2000] =	vst v63  }
0xfa: {  	_ = 	snop  }
0xfb: {  	[spmem:s6] =	stream.indirect.scatter.add.f32 [tilespmem:s8], [sflag:$0x1], $0x10, s18, s9, $0xb8;
	[tilespmem:$0x2000] =	vst v63  }
0xfc: {  	_ = 	snop  }
0xfd: {  	[spmem:s6] =	stream.indirect.scatter.add.f32 [tilespmem:s8], [sflag:$0x1], $0x10, s19, s9, $0xb8;
	[tilespmem:$0x2000] =	vst v63  }
0xfe: {  	_ = 	snop  }
0xff: {  	[spmem:s6] =	stream.indirect.scatter.add.f32 [tilespmem:s8], [sflag:$0x1], $0x10, s20, s9, $0xb8;
	[tilespmem:$0x2000] =	vst v63  }
0x100: {  	_ = 	snop  }
0x101: {  	[spmem:s6] =	stream.indirect.scatter.add.f32 [tilespmem:s8], [sflag:$0x1], $0x10, s21, s9, $0xb8;
	[tilespmem:$0x2000] =	vst v63  }
0x102: {  	_ = 	snop  }
0x103: {  	[spmem:s6] =	stream.indirect.scatter.add.f32 [tilespmem:s8], [sflag:$0x1], $0x10, s22, s9, $0xb8;
	[tilespmem:$0x2000] =	vst v63  }
0x104: {  	_ = 	snop  }
0x105: {  	[spmem:s6] =	stream.indirect.scatter.add.f32 [tilespmem:s8], [sflag:$0x1], $0x10, s23, s9, $0xb8;
	[tilespmem:$0x2000] =	vst v63  }
0x106: {  	_ =	swait.ge [sflag:s5], $0x800  }
0x107: {  	[sflag:s5] =	ssyncset.done $0x0  }
0x108: {  	[sflag:s5] =	ssyncadd.s32 $0xFFFFF800  }
0x109: {  	_ =	swait.ge [sflag:s5], $0x800  }
0x10a: {  	[sflag:s5] =	ssyncset.done $0x0  }
0x10b: {  	[sflag:s5] =	ssyncadd.s32 $0xFFFFF800  }
0x10c: {  	_ =	swait.ge [sflag:s5], $0x800  }
0x10d: {  	[sflag:s5] =	ssyncset.done $0x0  }
0x10e: {  	[sflag:s5] =	ssyncadd.s32 $0xFFFFF800  }
0x10f: {  	_ =	swait.ge [sflag:s5], $0x800  }
0x110: {  	[sflag:s5] =	ssyncset.done $0x0  }
0x111: {  	[sflag:s5] =	ssyncadd.s32 $0xFFFFF800  }
0x112: {  	_ =	swait.ge [sflag:s5], $0x800  }
0x113: {  	[sflag:s5] =	ssyncset.done $0x0  }
0x114: {  	[sflag:s5] =	ssyncadd.s32 $0xFFFFF800  }
0x115: {  	_ =	swait.ge [sflag:s5], $0x800  }
0x116: {  	[sflag:s5] =	ssyncset.done $0x0  }
0x117: {  	[sflag:s5] =	ssyncadd.s32 $0xFFFFF800  }
0x118: {  	_ =	swait.ge [sflag:s5], $0x800  }
0x119: {  	[sflag:s5] =	ssyncset.done $0x0  }
0x11a: {  	[sflag:s5] =	ssyncadd.s32 $0xFFFFF800  }
0x11b: {  	_ =	swait.ge [sflag:s5], $0x800  }
0x11c: {  	[sflag:s5] =	ssyncset.done $0x0  }
0x11d: {  	[sflag:s5] =	ssyncadd.s32 $0xFFFFF800  }
0x11e: {  	_ =	swait.ge [sflag:s5], $0x800  }
0x11f: {  	[sflag:s5] =	ssyncset.done $0x0  }
0x120: {  	[sflag:s5] =	ssyncadd.s32 $0xFFFFF800  }
0x121: {  	_ =	swait.ge [sflag:s5], $0x800  }
0x122: {  	[sflag:s5] =	ssyncset.done $0x0  }
0x123: {  	[sflag:s5] =	ssyncadd.s32 $0xFFFFF800  }
0x124: {  	_ =	swait.ge [sflag:s5], $0x800  }
0x125: {  	[sflag:s5] =	ssyncset.done $0x0  }
0x126: {  	[sflag:s5] =	ssyncadd.s32 $0xFFFFF800  }
0x127: {  	_ =	swait.ge [sflag:s5], $0x800  }
0x128: {  	[sflag:s5] =	ssyncset.done $0x0  }
0x129: {  	[sflag:s5] =	ssyncadd.s32 $0xFFFFF800  }
0x12a: {  	_ =	swait.ge [sflag:s5], $0x800  }
0x12b: {  	[sflag:s5] =	ssyncset.done $0x0  }
0x12c: {  	[sflag:s5] =	ssyncadd.s32 $0xFFFFF800  }
0x12d: {  	_ =	swait.ge [sflag:s5], $0x800  }
0x12e: {  	[sflag:s5] =	ssyncset.done $0x0  }
0x12f: {  	[sflag:s5] =	ssyncadd.s32 $0xFFFFF800  }
0x130: {  	_ =	swait.ge [sflag:s5], $0x800  }
0x131: {  	[sflag:s5] =	ssyncset.done $0x0  }
0x132: {  	[sflag:s5] =	ssyncadd.s32 $0xFFFFF800  }
0x133: {  	_ =	swait.ge [sflag:s5], $0x800  }
0x134: {  	[sflag:s5] =	ssyncset.done $0x0  }
0x135: {  	s1 =	sshll.u32 s1, $0x6;
	[sflag:s5] =	ssyncadd.s32 $0xFFFFF800  }
0x136: {  	s1 =	sor.u32 $0x1C02, s1;
	[bflag:$0x0] =	sbarrier.arrive $0xFFFF  }
0x137: {  	[hbm:s2], [sflag:s1] =	dma.local [spmem:s4], $0x200  }
0x138: {  	_ =	swait.ge [sflag:s3], $0x200  }
0x139: {  	[sflag:s3] =	ssyncset.done $0x0  }
0x13a: {  	[sflag:s3] =	ssyncadd.s32 $0xFFFFFE00  }
0x13b: {  	_ =	sfence.sel $0x180000  }
0x13c: {  	[bflag:$0x0] =	sbarrier.arrive $0xFFFF  }
0x13d: {  	_ =	strace $0x90000047  }
0x13e: {  	s0 =	sadd.s32 @!p0 $0x100000, s0;
	[bflag:$0x2] =	sbarrier.arrive $0xFFFF  }
0x13f: {  	[sflag:s0] =	ssyncadd.tile.s32 @!p0 $0x1;
	_ =	shalt  }
.Lfunc_end2:
_tile_overlayer_lowered:
.L_overlay_start_2:
0x140: {  	(tag) =	ssettag $0x2  }
0x141: {  	s0 =	rddreg [dreg:$0x0];
	s2 =	stileid.u32  }
0x142: {  	s1 =	rddreg [dreg:$0x1];
	p0 =	sne.s32 s2, $0x0  }
0x143: {  	s3 =	rddreg [dreg:$0x2];
	[bflag:$0x3] =	sbarrier.arrive $0xFFFF;
	s2 =	simm.s32 @!p0 $0x1C02  }
0x144: {  	[timem:s3], [sflag:s2] =	dma.local @!p0 [hbm:s0], s1  }
0x145: {  	s0 =	simm.s32 @!p0 $0x2  }
0x146: {  	_ =	swait.ge @!p0 [sflag:s0], s1  }
0x147: {  	s1 =	ssub.s32 @!p0 $0x0, s1;
	[sflag:s0] =	ssyncset.done @!p0 $0x0  }
0x148: {  	[sflag:s0] =	ssyncadd.s32 @!p0 s1  }
0x149: {  	[bflag:$0x3] =	sbarrier.arrive $0xFFFF  }
0x14a: {  	_ =	shalt  }

// kernel: kernel.14.cloned.1.call-start
scs
__scs_entry_jumppad:
0x0: {  	(pc) =	sbr.rel $0x88, $3  }
0x1: {  	(tag) =	ssettag $0x0;
	lr =	simm.s32 $0x1  }
0x2: {  	[smem:$0x3F98] =	sst lr;
	_ =	strace $0xD0000000  }
0x3: {  	_ = 	snop  }
0x4: {  	_ = 	snop  }
0x5: {  	_ = 	snop  }
0x6: {  	_ = 	snop  }
0x7: {  	_ = 	snop  }
__scs_overlays_trampoline_lowered:
0x8: {  	[smem:$0x3FA7] =	sst s0  }
0x9: {  	[smem:$0x3FA8] =	sst s1  }
0xa: {  	[smem:$0x3FA9] =	sst s2  }
0xb: {  	[smem:$0x3FAA] =	sst s3  }
0xc: {  	[smem:$0x3FAB] =	sst s4  }
0xd: {  	[smem:$0x3FAC] =	sst s5  }
0xe: {  	[smem:$0x3FAD] =	sst s6  }
0xf: {  	[smem:$0x3FAE] =	sst s7  }
0x10: {  	[smem:$0x3FAF] =	sst s8  }
0x11: {  	[smem:$0x3FB0] =	sst s9;
	s0 =	simm.s32 @!p0 $0x0  }
0x12: {  	s1 =	sld [smem:$0x3F96];
	s0 =	simm.s32 @p0 $0x1  }
0x13: {  	[smem:$0x3FB1] =	sst s0;
	s0 =	simm.s32 @!p1 $0x0  }
0x14: {  	s2 =	sld [smem:$0x3F95];
	s0 =	simm.s32 @p1 $0x1  }
0x15: {  	[smem:$0x3FB2] =	sst s0;
	s0 =	simm.s32 @!p2 $0x0  }
0x16: {  	s3 =	sld [smem:$0x3FDB];
	s0 =	simm.s32 @p2 $0x1  }
0x17: {  	s4 =	simm.s32 $0x1BF5;
	[smem:$0x3FB4] =	sst s0  }
0x18: {  	s0 =	sld [smem:$0x3F97];
	_ =	swait.ge [sflag:s4], $0x0  }
0x19: {  	s7 =	sld [smem:$0x3F98]  }
0x1a: {  	s8 =	sadd.s32 $0xFFFFE003, lr  }
0x1b: {  	s9 =	sadd.s32 $0xFFFFFEF7, lr;
	s5 =	simm.s32 $0xFFFFFFFF;
	p2 =	slt.u32 s8, $0xFFFFF086  }
0x1c: {  	p1 =	slt.u32 s9, $0xF7A;
	s5 =	simm.s32 @!p2 $0x0  }
0x1d: {  	s5 =	simm.s32 @p1 $0x1;
	p0 =	seq.s32 s7, s2  }
0x1e: {  	s7 =	smul.u32 @!p0 $0xF7A, s2;
	p2 =	seq.s32 @!p0 s5, $0x0  }
0x1f: {  	s9 =	smul.u32 $0xF7A, s1;
	s8 =	simm.s32 @!p0 $0x1BF5;
	p2 =	por !p2, p0  }
0x20: {  	[sflag:s8] =	ssyncset.s32 @!p0 $0xFFFFF086;
	s6 =	sadd.s32 @!p0 s3, s7;
	s7 =	simm.s32 @!p0 $0x108  }
0x21: {  	s3 =	sadd.s32 s3, s9;
	s6 =	sadd.s32 @!p0 $0x88, s6;
	s7 =	simm.s32 @p2 $0x1082  }
0x22: {  	[simem:s7], [sflag:s8] =	dma.local @!p0 [hbm:s6], $0xF7A  }
0x23: {  	s9 =	sor.u32 $0xD0000000, s2;
	s6 =	simm.s32 $0x108;
	_ =	swait.ge @!p0 [sflag:s8], $0x0  }
0x24: {  	s3 =	sadd.s32 $0x88, s3;
	s6 =	simm.s32 @!p1 $0x1082;
	[sflag:s4] =	ssyncset.s32 $0xFFFFF086  }
0x25: {  	[simem:s6], [sflag:s4] =	dma.local [hbm:s3], $0xF7A  }
0x26: {  	[smem:$0x3F98] =	sst s1;
	(tag) =	ssettag s2;
	_ =	strace s9  }
0x27: {  	s1 =	sld [smem:$0x3FA8]  }
0x28: {  	s2 =	sld [smem:$0x3FA9]  }
0x29: {  	s4 =	sld [smem:$0x3FAB]  }
0x2a: {  	p0 =	seq.s32 s5, $0x0;
	s5 =	sld [smem:$0x3FAC]  }
0x2b: {  	s6 =	sld [smem:$0x3FAD]  }
0x2c: {  	s7 =	sld [smem:$0x3FAE]  }
0x2d: {  	s3 =	simm.s32 $0x108;
	s8 =	sld [smem:$0x3FAF]  }
0x2e: {  	s3 =	simm.s32 @!p0 $0x1082;
	s9 =	sld [smem:$0x3FB0]  }
0x2f: {  	lr =	sadd.s32 s0, s3;
	s0 =	sld [smem:$0x3FA7]  }
0x30: {  	s3 =	sld [smem:$0x3FAA]  }
0x31: {  	[smem:$0x3FB3] =	sst s10  }
0x32: {  	s10 =	sld [smem:$0x3FB1];
	_ =	sdelay $0x3  }
0x33: {  	p0 =	seq.s32 s10, $0x1;
	s10 =	sld [smem:$0x3FB3];
	_ =	sdelay $0x3  }
0x34: {  	[smem:$0x3FB3] =	sst s10  }
0x35: {  	s10 =	sld [smem:$0x3FB2];
	_ =	sdelay $0x3  }
0x36: {  	p1 =	seq.s32 s10, $0x1;
	s10 =	sld [smem:$0x3FB3];
	_ =	sdelay $0x3  }
0x37: {  	[smem:$0x3FB3] =	sst s10  }
0x38: {  	s10 =	sld [smem:$0x3FB4]  }
0x39: {  	_ = 	snop;
	(pc) =	sbr.ind lr, $3  }
0x3a: {  	_ = 	snop  }
0x3b: {  	_ = 	snop  }
0x3c: {  	p2 =	seq.s32 s10, $0x1;
	s10 =	sld [smem:$0x3FB3]  }
0x3d: {  	_ =	shalt  }
0x3e: {  	_ =	shalt  }
0x3f: {  	_ =	shalt  }
0x40: {  	_ =	shalt  }
0x41: {  	_ =	shalt  }
0x42: {  	_ =	shalt  }
0x43: {  	_ =	shalt  }
0x44: {  	_ =	shalt  }
0x45: {  	_ =	shalt  }
0x46: {  	_ =	shalt  }
0x47: {  	_ =	shalt  }
0x48: {  	_ =	shalt  }
0x49: {  	_ =	shalt  }
0x4a: {  	_ =	shalt  }
0x4b: {  	_ =	shalt  }
0x4c: {  	_ =	shalt  }
0x4d: {  	_ =	shalt  }
0x4e: {  	_ =	shalt  }
0x4f: {  	_ =	shalt  }
0x50: {  	_ =	shalt  }
0x51: {  	_ =	shalt  }
0x52: {  	_ =	shalt  }
0x53: {  	_ =	shalt  }
0x54: {  	_ =	shalt  }
0x55: {  	_ =	shalt  }
0x56: {  	_ =	shalt  }
0x57: {  	_ =	shalt  }
0x58: {  	_ =	shalt  }
0x59: {  	_ =	shalt  }
0x5a: {  	_ =	shalt  }
0x5b: {  	_ =	shalt  }
0x5c: {  	_ =	shalt  }
0x5d: {  	_ =	shalt  }
0x5e: {  	_ =	shalt  }
0x5f: {  	_ =	shalt  }
0x60: {  	_ =	shalt  }
0x61: {  	_ =	shalt  }
0x62: {  	_ =	shalt  }
0x63: {  	_ =	shalt  }
0x64: {  	_ =	shalt  }
0x65: {  	_ =	shalt  }
0x66: {  	_ =	shalt  }
0x67: {  	_ =	shalt  }
0x68: {  	_ =	shalt  }
0x69: {  	_ =	shalt  }
0x6a: {  	_ =	shalt  }
0x6b: {  	_ =	shalt  }
0x6c: {  	_ =	shalt  }
0x6d: {  	_ =	shalt  }
0x6e: {  	_ =	shalt  }
0x6f: {  	_ =	shalt  }
0x70: {  	_ =	shalt  }
0x71: {  	_ =	shalt  }
0x72: {  	_ =	shalt  }
0x73: {  	_ =	shalt  }
0x74: {  	_ =	shalt  }
0x75: {  	_ =	shalt  }
0x76: {  	_ =	shalt  }
0x77: {  	_ =	shalt  }
0x78: {  	_ =	shalt  }
0x79: {  	_ =	shalt  }
0x7a: {  	_ =	shalt  }
0x7b: {  	_ =	shalt  }
0x7c: {  	_ =	shalt  }
0x7d: {  	_ =	shalt  }
0x7e: {  	_ =	shalt  }
0x7f: {  	_ =	shalt  }
0x80: {  	_ =	shalt  }
0x81: {  	_ =	shalt  }
0x82: {  	_ =	shalt  }
0x83: {  	_ =	shalt  }
0x84: {  	_ =	shalt  }
0x85: {  	_ =	shalt  }
0x86: {  	_ =	shalt  }
0x87: {  	_ =	shalt  }
.Lfunc_end0:
.L_simem_size_0:
called_computation.1_lowered:
.L_overlay_start_0:
0x88: {  	s2 =	sld [smem:$0x3FD9]  }
0x89: {  	s3 =	sld [smem:$0x3FFE];
	_ =	sdelay $0x1  }
0x8a: {  	s1 =	srdreg.scid  }
0x8b: {  	s0 =	sand.u32 $0x1, s1  }
0x8c: {  	s15 =	sshll.u32 s0, $0xA;
	s2 =	sadd.s32 s3, s2  }
0x8d: {  	s2 =	sadd.s32 s2, s15  }
0x8e: {  	[smem:$0x3FBF] =	sst s2  }
0x8f: {  	_ = 	snop  }
0x90: {  	s2 =	sld [smem:$0x3FD0];
	_ =	sdelay $0x2  }
0x91: {  	s5 =	simm.s32 $0xB;
	s16 =	simm.s32 $0x10  }
0x92: {  	[smem:s16], [sflag:s5] =	dma.local [hbm:s2], $0x1  }
0x93: {  	_ =	swait.eq [sflag:s5], $0x1  }
0x94: {  	s17 =	sld [smem:$0x10];
	[sflag:s5] =	ssyncset.done $0x0  }
0x95: {  	s4 =	sld [smem:$0x11];
	[sflag:s5] =	ssyncadd.s32 $0xFFFFFFFF  }
0x96: {  	s18 =	sld [smem:$0x13];
	(tm) =	ssettm $0x1  }
0x97: {  	s19 =	sld [smem:$0x3FFB];
	_ =	sdelay $0x3  }
0x98: {  	_ =	strace s19  }
0x99: {  	s2 =	sld [smem:$0x3FFC];
	_ =	sdelay $0x3  }
0x9a: {  	_ =	strace s2  }
0x9b: {  	s2 =	sld [smem:$0x3FFD];
	_ =	sdelay $0x3  }
0x9c: {  	_ =	strace s2  }
0x9d: {  	_ =	strace $0x8FFFFFFF  }
0x9e: {  	s20 =	sld [smem:$0x3FDB];
	_ =	sdelay $0x1  }
0x9f: {  	s6 =	simm.s32 $_scs_section_size  }
0xa0: {  	s7 =	simm.s32 $_size__tile_overlayer_lowered;
	s8 =	simm.s32 $_tile_overlayer_lowered  }
0xa1: {  	s9 =	simm.s32 $0x1BFF;
	s21 =	sshll.u32 s8, $0x1;
	s6 =	sadd.s32 s6, s20  }
0xa2: {  	s22 =	simm.s32 $0x0;
	s7 =	sshll.u32 s7, $0x1;
	s8 =	sadd.s32 s21, s6  }
0xa3: {  	[timem:s22], [sflag:s9] =	dma.local [hbm:s8], s7  }
0xa4: {  	_ =	swait.ge [sflag:s9], s7  }
0xa5: {  	s7 =	ssub.s32 $0x0, s7;
	[sflag:s9] =	ssyncset.done $0x0  }
0xa6: {  	[sflag:s9] =	ssyncadd.s32 s7;
	_ =	sdelay $0x1  }
0xa7: {  	s23 =	simm.s32 $0x1B8B  }
0xa8: {  	_ =	swait.ge [sflag:s23], $0x1  }
0xa9: {  	[sflag:s23] =	ssyncset.done $0x0  }
0xaa: {  	[sflag:s23] =	ssyncadd.s32 $0xFFFFFFFF  }
0xab: {  	s7 =	sld [smem:$0x0]  }
0xac: {  	s8 =	sand.u32 $0xFFFFFFFE, s1  }
0xad: {  	p0 =	sne.s32 s1, s8  }
0xae: {  	s8 =	sshll.u32 @p0 s8, $0xE  }
0xaf: {  	s8 =	sadd.s32 @p0 $0x11B8D, s8;
	s9 =	sshll.u32 @p0 s7, $0x11  }
0xb0: {  	s8 =	sor.u32 @p0 s9, s8  }
0xb1: {  	[sflag:s8] =	ssyncadd.remote.s32 @p0 $0x1;
	_ =	sdelay $0x1  }
0xb2: {  	s8 =	simm.s32 @p0 $0x1B8D  }
0xb3: {  	_ =	swait.eq @p0 [sflag:s8], $0x1  }
0xb4: {  	[sflag:s8] =	ssyncadd.s32 @p0 $0xFFFFFFFF  }
0xb5: {  	s9 =	sshll.u32 @!p0 s1, $0xE  }
0xb6: {  	s9 =	sor.u32 @!p0 $0x4000, s9;
	s8 =	simm.s32 @!p0 $0x1B8D  }
0xb7: {  	s7 =	sshll.u32 @!p0 s7, $0x11;
	s9 =	sadd.s32 @!p0 $0x11B8D, s9;
	_ =	swait.eq @!p0 [sflag:s8], $0x1  }
0xb8: {  	s7 =	sor.u32 @!p0 s7, s9;
	[sflag:s8] =	ssyncadd.s32 @!p0 $0xFFFFFFFF  }
0xb9: {  	s25 =	simm.s32 $0x1B8E;
	s24 =	sld [smem:$0x3FFE];
	[sflag:s7] =	ssyncadd.remote.s32 @!p0 $0x1  }
0xba: {  	s26 =	simm.s32 $execute0_lowered;
	[smem:$0x3FD2] =	sst s25  }
0xbb: {  	s8 =	sshll.u32 s26, $0x1;
	_ =	strace $0x8000004C;
	[dreg:$0x1] =	wrdreg $0xFFFFFFFF  }
0xbc: {  	s28 =	simm.s32 $_size_execute0_lowered;
	s6 =	sadd.s32 s6, s8;
	[dreg:$0x0] =	wrdreg $0x0  }
0xbd: {  	s8 =	sshll.u32 s28, $0x1;
	[dreg:$0x2] =	wrdreg s6  }
0xbe: {  	[dreg:$0x3] =	wrdreg s8  }
0xbf: {  	[dreg:$0x4] =	wrdreg $0xC0  }
0xc0: {  	_ =	task [dreg:s22], $0x5FFFF  }
0xc1: {  	[dreg:$0x1] =	wrdreg $0xFFFFFFFF  }
0xc2: {  	[dreg:$0x0] =	wrdreg $0x60  }
0xc3: {  	[dreg:$0x2] =	wrdreg s24  }
0xc4: {  	[dreg:$0x3] =	wrdreg s4  }
0xc5: {  	[dreg:$0x4] =	wrdreg s18  }
0xc6: {  	[dreg:$0x5] =	wrdreg s17  }
0xc7: {  	[dreg:$0x6] =	wrdreg $0x50000  }
0xc8: {  	[dreg:$0x7] =	wrdreg $0xA  }
0xc9: {  	_ =	task.clear_ibuf [dreg:s22], $0x8FFFF;
	_ =	strace $0x9000004C  }
0xca: {  	s29 =	simm.s32 $0xA;
	_ =	strace $0x8000004E  }
0xcb: {  	_ =	swait.ge [sflag:s29], $0x1  }
0xcc: {  	[sflag:s29] =	ssyncadd.s32 $0xFFFFFFFF  }
0xcd: {  	_ =	strace $0x9000004E  }
0xce: {  	_ =	sfence  }
0xcf: {  	s30 =	sld [smem:$0x0];
	_ =	sdelay $0x2  }
0xd0: {  	s31 =	sshll.u32 s1, $0xD;
	s1 =	sshrl.u32 s1, $0x2  }
0xd1: {  	s4 =	sand.u32 $0x4000, s31;
	s1 =	sadd.s32 s1, s30  }
0xd2: {  	s0 =	sor.u32 s4, s0;
	s1 =	sshll.u32 s1, $0x11  }
0xd3: {  	s0 =	sor.u32 s1, s0  }
0xd4: {  	s0 =	sadd.s32 $0x8F2B, s0  }
0xd5: {  	[sflag:s0] =	ssyncadd.remote.s32 $0x1  }
0xd6: {  	_ =	sfence.sel $0xFFFF  }
0xd7: {  	[dreg:$0x0] =	wrdreg $0xFFFFFFFF;
	(pc) =	sbr.abs _section_cstart, $3  }
0xd8: {  	[dreg:$0x1] =	wrdreg $0xFFFFFFFF  }
0xd9: {  	_ =	task.clear_ibuf [dreg:s22], $0x2FFFF;
	_ =	strace $0x9FFFFFFF  }
0xda: {  	(tm) =	ssettm $0x7FFFFFFF  }
0xdb: {  	_ =	shalt  }
tec
execute0_lowered:
.L_overlay_start_1:
0x0: {  	(tag) =	ssettag $0x1  }
0x1: {  	s4 =	rddreg [dreg:$0x0]  }
0x2: {  	s3 =	rddreg [dreg:$0x1]  }
0x3: {  	s0 =	rddreg [dreg:$0x2]  }
0x4: {  	s5 =	rddreg [dreg:$0x3]  }
0x5: {  	s2 =	rddreg [dreg:$0x4]  }
0x6: {  	s28 =	rddreg [dreg:$0x5]  }
0x7: {  	s24 =	simm.s32 $0x0;
	[dreg:$0x6] =	wrdreg s0  }
0x8: {  	s10 =	simm.s32 $0x100;
	[smem:$0x7FF] =	sst s24  }
0x9: {  	s11 =	simm.s32 $0x880;
	_ =	strace $0x8000004D;
	[dreg:$0xb] =	wrdreg s10  }
0xa: {  	s12 =	simm.s32 $0x180;
	[dreg:$0xc] =	wrdreg s11  }
0xb: {  	s6 =	srdreg.scid;
	s13 =	simm.s32 $0x900;
	[dreg:$0xd] =	wrdreg s12  }
0xc: {  	s1 =	stileid.u32;
	s14 =	simm.s32 $0x200;
	[dreg:$0xe] =	wrdreg s13  }
0xd: {  	s15 =	simm.s32 $0x980;
	s17 =	simm.s32 $0x280;
	[dreg:$0xf] =	wrdreg s14  }
0xe: {  	s18 =	simm.s32 $0xA00;
	s19 =	simm.s32 $0x300;
	[dreg:$0x10] =	wrdreg s15  }
0xf: {  	s20 =	simm.s32 $0xA80;
	s21 =	simm.s32 $0x380;
	[dreg:$0x11] =	wrdreg s17  }
0x10: {  	s22 =	simm.s32 $0xB00;
	s25 =	simm.s32 $0x800;
	[dreg:$0x12] =	wrdreg s18  }
0x11: {  	s23 =	simm.s32 $0x400;
	s26 =	simm.s32 $0xB80;
	[dreg:$0x13] =	wrdreg s19  }
0x12: {  	p1 =	por $0x0, $0x0;
	s6 =	sand.u32 $0x1, s6;
	[dreg:$0x14] =	wrdreg s20  }
0x13: {  	s7 =	sshll.u32 s1, $0x9;
	s0 =	sshll.u32 s1, $0xE;
	[dreg:$0x15] =	wrdreg s21  }
0x14: {  	p0 =	sne.s32 s1, $0x0;
	s8 =	sshll.u32 s6, $0x8;
	[dreg:$0x16] =	wrdreg s22  }
0x15: {  	s30 =	sshll.u32 s6, $0x12;
	s16 =	ssub.s32 $0x2, s6;
	[dreg:$0x17] =	wrdreg s23  }
0x16: {  	s10 =	sadd.s32 s0, s2;
	[dreg:$0x18] =	wrdreg s26;
	s12 =	simm.s32 $0xC00  }
0x17: {  	s22 =	simm.s32 $0x500;
	s23 =	simm.s32 $0xC80;
	s20 =	simm.s32 $0x580  }
0x18: {  	s21 =	simm.s32 $0xD00;
	s18 =	simm.s32 $0x600;
	s19 =	simm.s32 $0xD80  }
0x19: {  	s17 =	simm.s32 $0xE00;
	s14 =	simm.s32 $0x700;
	s7 =	sor.u32 s8, s7  }
0x1a: {  	s15 =	simm.s32 $0xE80;
	s4 =	sadd.s32 s7, s4;
	s7 =	sor.u32 s0, s30  }
0x1b: {  	s6 =	sshrl.u32 s16, $0x1;
	s9 =	sadd.s32 $0x4C00, s4;
	s7 =	sshrl.u32 s7, $0x3  }
0x1c: {  	[dreg:$0x7] =	wrdreg s9;
	s9 =	sadd.s32 s5, s7;
	s5 =	ssub.s32 s16, s6  }
0x1d: {  	s13 =	simm.s32 $0xF00;
	s8 =	simm.s32 $0x2;
	s11 =	smax.u32 s5, $0x1  }
0x1e: {  	[dreg:$0x1a] =	wrdreg s12;
	s12 =	simm.s32 $0x780;
	s29 =	sadd.s32 $0xFFFFFFFF, s11  }
0x1f: {  	s10 =	sshrl.u32 s10, $0x3;
	s30 =	simm.s32 $0x480;
	p2 =	sne.s32 s29, $0x0  }
.Ltmp0:
0x20: {  	s4 =	sadd.s32 $0x2C00, s4;
	[dreg:$0x19] =	wrdreg s30;
	(pc) =	sbr.rel @!p2 .LBB2_5-.Ltmp0, $4  }
0x21: {  	[dreg:$0x8] =	wrdreg s4;
	s4 =	sshrl.u32 @!p0 s2, $0x3;
	s7 =	simm.s32 $0x1000  }
0x22: {  	s6 =	simm.s32 $0x3000;
	s16 =	simm.s32 $0x680;
	[dreg:$0x9] =	wrdreg s9  }
0x23: {  	[dreg:$0xa] =	wrdreg s4;
	s4 =	simm.s32 $0x3;
	s5 =	simm.s32 $0x80  }
0x24: {  	s9 =	simm.s32 $0x1;
	s11 =	simm.s32 $0xF80;
	s31 =	rddreg [dreg:$0xa]  }
0x25: {  	s30 =	rddreg [dreg:$0x6];
	s26 =	simm.s32 @!p0 $0x1C03;
	s28 =	simm.s32 @!p0 $0x3  }
0x26: {  	[spmem:s31], [sflag:s26] =	dma.local @!p0 [hbm:s30], $0x8000  }
0x27: {  	_ =	swait.ge @!p0 [sflag:s28], $0x8000  }
0x28: {  	[sflag:s28] =	ssyncset.done @!p0 $0x0  }
0x29: {  	[sflag:s28] =	ssyncadd.s32 @!p0 $0xFFFF8000  }
0x2a: {  	[bflag:$0x0] =	sbarrier.arrive $0xFFFF  }
0x2b: {  	s30 =	rddreg [dreg:$0x7]  }
0x2c: {  	[tilespmem:s24], [sflag:$0x3] =	stream.linear.gather [hbm4b:s30+s24], $0x800, $0x38;
	[tilespmem:$0x9000] =	vst v63  }
0x2d: {  	_ =	swait.ge [sflag:s4], $0x800  }
0x2e: {  	[sflag:s4] =	ssyncset.done $0x0  }
0x2f: {  	s30 =	rddreg [dreg:$0x8];
	[sflag:s4] =	ssyncadd.s32 $0xFFFFF800  }
0x30: {  	[tilespmem:s25], [sflag:$0x3] =	stream.linear.gather [hbm4b:s30+s24], $0x800, $0x38;
	[tilespmem:$0x9000] =	vst v63  }
0x31: {  	_ =	swait.ge [sflag:s4], $0x800  }
0x32: {  	[sflag:s4] =	ssyncset.done $0x0  }
0x33: {  	[sflag:s4] =	ssyncadd.s32 $0xFFFFF800  }
0x34: {  	[tilespmem:s7], [sflag:$0x1] =	stream.indirect.gather [hbm4b:s3+s5], $0x40, s24, s5, $0xb8;
	[tilespmem:$0x9000] =	vst v63  }
0x35: {  	_ =	swait.ge [sflag:s9], $0x2000  }
0x36: {  	[sflag:s9] =	ssyncset.done $0x0  }
0x37: {  	[sflag:s9] =	ssyncadd.s32 $0xFFFFE000  }
0x38: {  	[tilespmem:s6], [sflag:$0x2] =	stream.indirect.gather [hbm4b:s3+s5], $0x40, s5, s5, $0xb8;
	[tilespmem:$0x9000] =	vst v63  }
0x39: {  	_ = 	snop  }
0x3a: {  	[spmem:s2] =	stream.indirect.scatter.add.f32 [tilespmem:s7], [sflag:$0x3], $0x40, s25, s5, $0xb8;
	[tilespmem:$0x9000] =	vst v63  }
0x3b: {  	_ =	swait.ge [sflag:s4], $0x2000  }
0x3c: {  	[sflag:s4] =	ssyncset.done $0x0  }
0x3d: {  	[sflag:s4] =	ssyncadd.s32 $0xFFFFE000  }
0x3e: {  	_ =	swait.ge [sflag:s8], $0x2000  }
0x3f: {  	[sflag:s8] =	ssyncset.done $0x0  }
0x40: {  	s30 =	rddreg [dreg:$0xb];
	[sflag:s8] =	ssyncadd.s32 $0xFFFFE000  }
0x41: {  	[tilespmem:s7], [sflag:$0x1] =	stream.indirect.gather [hbm4b:s3+s5], $0x40, s30, s5, $0xb8;
	[tilespmem:$0x9000] =	vst v63  }
0x42: {  	s31 =	rddreg [dreg:$0xc]  }
0x43: {  	[spmem:s2] =	stream.indirect.scatter.add.f32 [tilespmem:s6], [sflag:$0x3], $0x40, s31, s5, $0xb8;
	[tilespmem:$0x9000] =	vst v63  }
0x44: {  	_ =	swait.ge [sflag:s4], $0x2000  }
0x45: {  	[sflag:s4] =	ssyncset.done $0x0  }
0x46: {  	[sflag:s4] =	ssyncadd.s32 $0xFFFFE000  }
0x47: {  	_ =	swait.ge [sflag:s9], $0x2000  }
0x48: {  	[sflag:s9] =	ssyncset.done $0x0  }
0x49: {  	s30 =	rddreg [dreg:$0xd];
	[sflag:s9] =	ssyncadd.s32 $0xFFFFE000  }
0x4a: {  	[tilespmem:s6], [sflag:$0x2] =	stream.indirect.gather [hbm4b:s3+s5], $0x40, s30, s5, $0xb8;
	[tilespmem:$0x9000] =	vst v63  }
0x4b: {  	s31 =	rddreg [dreg:$0xe]  }
0x4c: {  	[spmem:s2] =	stream.indirect.scatter.add.f32 [tilespmem:s7], [sflag:$0x3], $0x40, s31, s5, $0xb8;
	[tilespmem:$0x9000] =	vst v63  }
0x4d: {  	_ =	swait.ge [sflag:s4], $0x2000  }
0x4e: {  	[sflag:s4] =	ssyncset.done $0x0  }
0x4f: {  	[sflag:s4] =	ssyncadd.s32 $0xFFFFE000  }
0x50: {  	_ =	swait.ge [sflag:s8], $0x2000  }
0x51: {  	[sflag:s8] =	ssyncset.done $0x0  }
0x52: {  	s30 =	rddreg [dreg:$0xf];
	[sflag:s8] =	ssyncadd.s32 $0xFFFFE000  }
0x53: {  	[tilespmem:s7], [sflag:$0x1] =	stream.indirect.gather [hbm4b:s3+s5], $0x40, s30, s5, $0xb8;
	[tilespmem:$0x9000] =	vst v63  }
0x54: {  	s31 =	rddreg [dreg:$0x10]  }
0x55: {  	[spmem:s2] =	stream.indirect.scatter.add.f32 [tilespmem:s6], [sflag:$0x3], $0x40, s31, s5, $0xb8;
	[tilespmem:$0x9000] =	vst v63  }
0x56: {  	_ =	swait.ge [sflag:s4], $0x2000  }
0x57: {  	[sflag:s4] =	ssyncset.done $0x0  }
0x58: {  	[sflag:s4] =	ssyncadd.s32 $0xFFFFE000  }
0x59: {  	_ =	swait.ge [sflag:s9], $0x2000  }
0x5a: {  	[sflag:s9] =	ssyncset.done $0x0  }
0x5b: {  	s30 =	rddreg [dreg:$0x11];
	[sflag:s9] =	ssyncadd.s32 $0xFFFFE000  }
0x5c: {  	[tilespmem:s6], [sflag:$0x2] =	stream.indirect.gather [hbm4b:s3+s5], $0x40, s30, s5, $0xb8;
	[tilespmem:$0x9000] =	vst v63  }
0x5d: {  	s31 =	rddreg [dreg:$0x12]  }
0x5e: {  	[spmem:s2] =	stream.indirect.scatter.add.f32 [tilespmem:s7], [sflag:$0x3], $0x40, s31, s5, $0xb8;
	[tilespmem:$0x9000] =	vst v63  }
0x5f: {  	_ =	swait.ge [sflag:s4], $0x2000  }
0x60: {  	[sflag:s4] =	ssyncset.done $0x0  }
0x61: {  	[sflag:s4] =	ssyncadd.s32 $0xFFFFE000  }
0x62: {  	_ =	swait.ge [sflag:s8], $0x2000  }
0x63: {  	[sflag:s8] =	ssyncset.done $0x0  }
0x64: {  	s30 =	rddreg [dreg:$0x13];
	[sflag:s8] =	ssyncadd.s32 $0xFFFFE000  }
0x65: {  	[tilespmem:s7], [sflag:$0x1] =	stream.indirect.gather [hbm4b:s3+s5], $0x40, s30, s5, $0xb8;
	[tilespmem:$0x9000] =	vst v63  }
0x66: {  	s31 =	rddreg [dreg:$0x14]  }
0x67: {  	[spmem:s2] =	stream.indirect.scatter.add.f32 [tilespmem:s6], [sflag:$0x3], $0x40, s31, s5, $0xb8;
	[tilespmem:$0x9000] =	vst v63  }
0x68: {  	_ =	swait.ge [sflag:s4], $0x2000  }
0x69: {  	[sflag:s4] =	ssyncset.done $0x0  }
0x6a: {  	[sflag:s4] =	ssyncadd.s32 $0xFFFFE000  }
0x6b: {  	_ =	swait.ge [sflag:s9], $0x2000  }
0x6c: {  	[sflag:s9] =	ssyncset.done $0x0  }
0x6d: {  	s30 =	rddreg [dreg:$0x15];
	[sflag:s9] =	ssyncadd.s32 $0xFFFFE000  }
0x6e: {  	[tilespmem:s6], [sflag:$0x2] =	stream.indirect.gather [hbm4b:s3+s5], $0x40, s30, s5, $0xb8;
	[tilespmem:$0x9000] =	vst v63  }
0x6f: {  	s31 =	rddreg [dreg:$0x16]  }
0x70: {  	[spmem:s2] =	stream.indirect.scatter.add.f32 [tilespmem:s7], [sflag:$0x3], $0x40, s31, s5, $0xb8;
	[tilespmem:$0x9000] =	vst v63  }
0x71: {  	_ =	swait.ge [sflag:s4], $0x2000  }
0x72: {  	[sflag:s4] =	ssyncset.done $0x0  }
0x73: {  	[sflag:s4] =	ssyncadd.s32 $0xFFFFE000  }
0x74: {  	_ =	swait.ge [sflag:s8], $0x2000  }
0x75: {  	[sflag:s8] =	ssyncset.done $0x0  }
0x76: {  	s30 =	rddreg [dreg:$0x17];
	[sflag:s8] =	ssyncadd.s32 $0xFFFFE000  }
0x77: {  	[tilespmem:s7], [sflag:$0x1] =	stream.indirect.gather [hbm4b:s3+s5], $0x40, s30, s5, $0xb8;
	[tilespmem:$0x9000] =	vst v63  }
0x78: {  	s31 =	rddreg [dreg:$0x18]  }
0x79: {  	[spmem:s2] =	stream.indirect.scatter.add.f32 [tilespmem:s6], [sflag:$0x3], $0x40, s31, s5, $0xb8;
	[tilespmem:$0x9000] =	vst v63  }
0x7a: {  	_ =	swait.ge [sflag:s4], $0x2000  }
0x7b: {  	[sflag:s4] =	ssyncset.done $0x0  }
0x7c: {  	[sflag:s4] =	ssyncadd.s32 $0xFFFFE000  }
0x7d: {  	_ =	swait.ge [sflag:s9], $0x2000  }
0x7e: {  	[sflag:s9] =	ssyncset.done $0x0  }
0x7f: {  	s30 =	rddreg [dreg:$0x19];
	[sflag:s9] =	ssyncadd.s32 $0xFFFFE000  }
0x80: {  	[tilespmem:s6], [sflag:$0x2] =	stream.indirect.gather [hbm4b:s3+s5], $0x40, s30, s5, $0xb8;
	[tilespmem:$0x9000] =	vst v63  }
0x81: {  	s31 =	rddreg [dreg:$0x1a]  }
0x82: {  	[spmem:s2] =	stream.indirect.scatter.add.f32 [tilespmem:s7], [sflag:$0x3], $0x40, s31, s5, $0xb8;
	[tilespmem:$0x9000] =	vst v63  }
0x83: {  	_ =	swait.ge [sflag:s4], $0x2000  }
0x84: {  	[sflag:s4] =	ssyncset.done $0x0  }
0x85: {  	[sflag:s4] =	ssyncadd.s32 $0xFFFFE000  }
0x86: {  	_ =	swait.ge [sflag:s8], $0x2000  }
0x87: {  	[sflag:s8] =	ssyncset.done $0x0  }
0x88: {  	[sflag:s8] =	ssyncadd.s32 $0xFFFFE000  }
0x89: {  	[tilespmem:s7], [sflag:$0x1] =	stream.indirect.gather [hbm4b:s3+s5], $0x40, s22, s5, $0xb8;
	[tilespmem:$0x9000] =	vst v63  }
0x8a: {  	_ = 	snop  }
0x8b: {  	[spmem:s2] =	stream.indirect.scatter.add.f32 [tilespmem:s6], [sflag:$0x3], $0x40, s23, s5, $0xb8;
	[tilespmem:$0x9000] =	vst v63  }
0x8c: {  	_ =	swait.ge [sflag:s4], $0x2000  }
0x8d: {  	[sflag:s4] =	ssyncset.done $0x0  }
0x8e: {  	[sflag:s4] =	ssyncadd.s32 $0xFFFFE000  }
0x8f: {  	_ =	swait.ge [sflag:s9], $0x2000  }
0x90: {  	[sflag:s9] =	ssyncset.done $0x0  }
0x91: {  	[sflag:s9] =	ssyncadd.s32 $0xFFFFE000  }
0x92: {  	[tilespmem:s6], [sflag:$0x2] =	stream.indirect.gather [hbm4b:s3+s5], $0x40, s20, s5, $0xb8;
	[tilespmem:$0x9000] =	vst v63  }
0x93: {  	_ = 	snop  }
0x94: {  	[spmem:s2] =	stream.indirect.scatter.add.f32 [tilespmem:s7], [sflag:$0x3], $0x40, s21, s5, $0xb8;
	[tilespmem:$0x9000] =	vst v63  }
0x95: {  	_ =	swait.ge [sflag:s4], $0x2000  }
0x96: {  	[sflag:s4] =	ssyncset.done $0x0  }
0x97: {  	[sflag:s4] =	ssyncadd.s32 $0xFFFFE000  }
0x98: {  	_ =	swait.ge [sflag:s8], $0x2000  }
0x99: {  	[sflag:s8] =	ssyncset.done $0x0  }
0x9a: {  	[sflag:s8] =	ssyncadd.s32 $0xFFFFE000  }
0x9b: {  	[tilespmem:s7], [sflag:$0x1] =	stream.indirect.gather [hbm4b:s3+s5], $0x40, s18, s5, $0xb8;
	[tilespmem:$0x9000] =	vst v63  }
0x9c: {  	_ = 	snop  }
0x9d: {  	[spmem:s2] =	stream.indirect.scatter.add.f32 [tilespmem:s6], [sflag:$0x3], $0x40, s19, s5, $0xb8;
	[tilespmem:$0x9000] =	vst v63  }
0x9e: {  	_ =	swait.ge [sflag:s4], $0x2000  }
0x9f: {  	[sflag:s4] =	ssyncset.done $0x0  }
0xa0: {  	[sflag:s4] =	ssyncadd.s32 $0xFFFFE000  }
0xa1: {  	_ =	swait.ge [sflag:s9], $0x2000  }
0xa2: {  	[sflag:s9] =	ssyncset.done $0x0  }
0xa3: {  	[sflag:s9] =	ssyncadd.s32 $0xFFFFE000  }
0xa4: {  	[tilespmem:s6], [sflag:$0x2] =	stream.indirect.gather [hbm4b:s3+s5], $0x40, s16, s5, $0xb8;
	[tilespmem:$0x9000] =	vst v63  }
0xa5: {  	_ = 	snop  }
0xa6: {  	[spmem:s2] =	stream.indirect.scatter.add.f32 [tilespmem:s7], [sflag:$0x3], $0x40, s17, s5, $0xb8;
	[tilespmem:$0x9000] =	vst v63  }
0xa7: {  	_ =	swait.ge [sflag:s4], $0x2000  }
0xa8: {  	[sflag:s4] =	ssyncset.done $0x0  }
0xa9: {  	[sflag:s4] =	ssyncadd.s32 $0xFFFFE000  }
0xaa: {  	_ =	swait.ge [sflag:s8], $0x2000  }
0xab: {  	[sflag:s8] =	ssyncset.done $0x0  }
0xac: {  	[sflag:s8] =	ssyncadd.s32 $0xFFFFE000  }
0xad: {  	[tilespmem:s7], [sflag:$0x1] =	stream.indirect.gather [hbm4b:s3+s5], $0x40, s14, s5, $0xb8;
	[tilespmem:$0x9000] =	vst v63  }
0xae: {  	_ = 	snop  }
0xaf: {  	[spmem:s2] =	stream.indirect.scatter.add.f32 [tilespmem:s6], [sflag:$0x3], $0x40, s15, s5, $0xb8;
	[tilespmem:$0x9000] =	vst v63  }
0xb0: {  	_ =	swait.ge [sflag:s4], $0x2000  }
0xb1: {  	[sflag:s4] =	ssyncset.done $0x0  }
0xb2: {  	[sflag:s4] =	ssyncadd.s32 $0xFFFFE000  }
0xb3: {  	_ =	swait.ge [sflag:s9], $0x2000  }
0xb4: {  	[sflag:s9] =	ssyncset.done $0x0  }
0xb5: {  	[sflag:s9] =	ssyncadd.s32 $0xFFFFE000  }
0xb6: {  	[tilespmem:s6], [sflag:$0x2] =	stream.indirect.gather [hbm4b:s3+s5], $0x40, s12, s5, $0xb8;
	[tilespmem:$0x9000] =	vst v63  }
0xb7: {  	_ = 	snop  }
0xb8: {  	[spmem:s2] =	stream.indirect.scatter.add.f32 [tilespmem:s7], [sflag:$0x3], $0x40, s13, s5, $0xb8;
	[tilespmem:$0x9000] =	vst v63  }
0xb9: {  	_ =	swait.ge [sflag:s4], $0x2000  }
0xba: {  	[sflag:s4] =	ssyncset.done $0x0  }
0xbb: {  	[sflag:s4] =	ssyncadd.s32 $0xFFFFE000  }
0xbc: {  	_ =	swait.ge [sflag:s8], $0x2000  }
0xbd: {  	[sflag:s8] =	ssyncset.done $0x0  }
0xbe: {  	[sflag:s8] =	ssyncadd.s32 $0xFFFFE000  }
0xbf: {  	[spmem:s2] =	stream.indirect.scatter.add.f32 [tilespmem:s6], [sflag:$0x3], $0x40, s11, s5, $0xb8;
	[tilespmem:$0x9000] =	vst v63  }
0xc0: {  	_ =	swait.ge [sflag:s4], $0x2000  }
0xc1: {  	s29 =	sadd.s32 $0xFFFFFFFF, s29;
	[sflag:s4] =	ssyncset.done $0x0  }
0xc2: {  	p2 =	sne.s32 s29, $0x0;
	[sflag:s4] =	ssyncadd.s32 $0xFFFFE000  }
.Ltmp1:
0xc3: {  	s30 =	sshll.u32 s1, $0x6;
	[bflag:$0x0] =	sbarrier.arrive $0xFFFF;
	(pc) =	sbr.rel @!p2 .LBB2_2-.Ltmp1, $4  }
0xc4: {  	s30 =	sor.u32 $0x1C03, s30;
	s31 =	rddreg [dreg:$0x9]  }
0xc5: {  	[hbm:s31], [sflag:s30] =	dma.local [spmem:s10], $0x800  }
0xc6: {  	_ =	swait.ge [sflag:s4], $0x800  }
0xc7: {  	p1 =	por $0x1, $0x1;
	s31 =	rddreg [dreg:$0xa];
	[sflag:s4] =	ssyncset.done $0x0  }
.LBB2_3:
0xc8: {  	s0 =	rddreg [dreg:$0x6];
	[sflag:s4] =	ssyncadd.s32 $0xFFFFF800  }
0xc9: {  	[spmem:s31], [sflag:s26] =	dma.local @!p0 [hbm:s0], $0x8000  }
0xca: {  	_ =	swait.ge @!p0 [sflag:s28], $0x8000  }
0xcb: {  	[sflag:s28] =	ssyncset.done @!p0 $0x0  }
0xcc: {  	[sflag:s28] =	ssyncadd.s32 @!p0 $0xFFFF8000  }
0xcd: {  	[bflag:$0x0] =	sbarrier.arrive $0xFFFF  }
0xce: {  	s0 =	rddreg [dreg:$0x7]  }
0xcf: {  	[tilespmem:s24], [sflag:$0x3] =	stream.linear.gather [hbm4b:s0+s24], $0x800, $0x38;
	[tilespmem:$0x9000] =	vst v63  }
0xd0: {  	_ =	swait.ge [sflag:s4], $0x800  }
0xd1: {  	[sflag:s4] =	ssyncset.done $0x0  }
0xd2: {  	s0 =	rddreg [dreg:$0x8];
	[sflag:s4] =	ssyncadd.s32 $0xFFFFF800  }
0xd3: {  	[tilespmem:s25], [sflag:$0x3] =	stream.linear.gather [hbm4b:s0+s24], $0x800, $0x38;
	[tilespmem:$0x9000] =	vst v63  }
0xd4: {  	_ =	swait.ge [sflag:s4], $0x800  }
0xd5: {  	[sflag:s4] =	ssyncset.done $0x0  }
0xd6: {  	[sflag:s4] =	ssyncadd.s32 $0xFFFFF800  }
0xd7: {  	[tilespmem:s7], [sflag:$0x1] =	stream.indirect.gather [hbm4b:s3+s5], $0x40, s24, s5, $0xb8;
	[tilespmem:$0x9000] =	vst v63  }
0xd8: {  	_ =	swait.ge [sflag:s9], $0x2000  }
0xd9: {  	[sflag:s9] =	ssyncset.done $0x0  }
0xda: {  	[sflag:s9] =	ssyncadd.s32 $0xFFFFE000  }
0xdb: {  	[tilespmem:s6], [sflag:$0x2] =	stream.indirect.gather [hbm4b:s3+s5], $0x40, s5, s5, $0xb8;
	[tilespmem:$0x9000] =	vst v63  }
0xdc: {  	_ = 	snop  }
0xdd: {  	[spmem:s2] =	stream.indirect.scatter.add.f32 [tilespmem:s7], [sflag:$0x3], $0x40, s25, s5, $0xb8;
	[tilespmem:$0x9000] =	vst v63  }
0xde: {  	_ =	swait.ge [sflag:s4], $0x2000  }
0xdf: {  	[sflag:s4] =	ssyncset.done $0x0  }
0xe0: {  	[sflag:s4] =	ssyncadd.s32 $0xFFFFE000  }
0xe1: {  	_ =	swait.ge [sflag:s8], $0x2000  }
0xe2: {  	[sflag:s8] =	ssyncset.done $0x0  }
0xe3: {  	s0 =	rddreg [dreg:$0xb];
	[sflag:s8] =	ssyncadd.s32 $0xFFFFE000  }
0xe4: {  	[tilespmem:s7], [sflag:$0x1] =	stream.indirect.gather [hbm4b:s3+s5], $0x40, s0, s5, $0xb8;
	[tilespmem:$0x9000] =	vst v63  }
0xe5: {  	s31 =	rddreg [dreg:$0xc]  }
0xe6: {  	[spmem:s2] =	stream.indirect.scatter.add.f32 [tilespmem:s6], [sflag:$0x3], $0x40, s31, s5, $0xb8;
	[tilespmem:$0x9000] =	vst v63  }
0xe7: {  	_ =	swait.ge [sflag:s4], $0x2000  }
0xe8: {  	[sflag:s4] =	ssyncset.done $0x0  }
0xe9: {  	[sflag:s4] =	ssyncadd.s32 $0xFFFFE000  }
0xea: {  	_ =	swait.ge [sflag:s9], $0x2000  }
0xeb: {  	[sflag:s9] =	ssyncset.done $0x0  }
0xec: {  	s0 =	rddreg [dreg:$0xd];
	[sflag:s9] =	ssyncadd.s32 $0xFFFFE000  }
0xed: {  	[tilespmem:s6], [sflag:$0x2] =	stream.indirect.gather [hbm4b:s3+s5], $0x40, s0, s5, $0xb8;
	[tilespmem:$0x9000] =	vst v63  }
0xee: {  	s31 =	rddreg [dreg:$0xe]  }
0xef: {  	[spmem:s2] =	stream.indirect.scatter.add.f32 [tilespmem:s7], [sflag:$0x3], $0x40, s31, s5, $0xb8;
	[tilespmem:$0x9000] =	vst v63  }
0xf0: {  	_ =	swait.ge [sflag:s4], $0x2000  }
0xf1: {  	[sflag:s4] =	ssyncset.done $0x0  }
0xf2: {  	[sflag:s4] =	ssyncadd.s32 $0xFFFFE000  }
0xf3: {  	_ =	swait.ge [sflag:s8], $0x2000  }
0xf4: {  	[sflag:s8] =	ssyncset.done $0x0  }
0xf5: {  	s0 =	rddreg [dreg:$0xf];
	[sflag:s8] =	ssyncadd.s32 $0xFFFFE000  }
0xf6: {  	[tilespmem:s7], [sflag:$0x1] =	stream.indirect.gather [hbm4b:s3+s5], $0x40, s0, s5, $0xb8;
	[tilespmem:$0x9000] =	vst v63  }
0xf7: {  	s31 =	rddreg [dreg:$0x10]  }
0xf8: {  	[spmem:s2] =	stream.indirect.scatter.add.f32 [tilespmem:s6], [sflag:$0x3], $0x40, s31, s5, $0xb8;
	[tilespmem:$0x9000] =	vst v63  }
0xf9: {  	_ =	swait.ge [sflag:s4], $0x2000  }
0xfa: {  	[sflag:s4] =	ssyncset.done $0x0  }
0xfb: {  	[sflag:s4] =	ssyncadd.s32 $0xFFFFE000  }
0xfc: {  	_ =	swait.ge [sflag:s9], $0x2000  }
0xfd: {  	[sflag:s9] =	ssyncset.done $0x0  }
0xfe: {  	s0 =	rddreg [dreg:$0x11];
	[sflag:s9] =	ssyncadd.s32 $0xFFFFE000  }
0xff: {  	[tilespmem:s6], [sflag:$0x2] =	stream.indirect.gather [hbm4b:s3+s5], $0x40, s0, s5, $0xb8;
	[tilespmem:$0x9000] =	vst v63  }
0x100: {  	s31 =	rddreg [dreg:$0x12]  }
0x101: {  	[spmem:s2] =	stream.indirect.scatter.add.f32 [tilespmem:s7], [sflag:$0x3], $0x40, s31, s5, $0xb8;
	[tilespmem:$0x9000] =	vst v63  }
0x102: {  	_ =	swait.ge [sflag:s4], $0x2000  }
0x103: {  	[sflag:s4] =	ssyncset.done $0x0  }
0x104: {  	[sflag:s4] =	ssyncadd.s32 $0xFFFFE000  }
0x105: {  	_ =	swait.ge [sflag:s8], $0x2000  }
0x106: {  	[sflag:s8] =	ssyncset.done $0x0  }
0x107: {  	s0 =	rddreg [dreg:$0x13];
	[sflag:s8] =	ssyncadd.s32 $0xFFFFE000  }
0x108: {  	[tilespmem:s7], [sflag:$0x1] =	stream.indirect.gather [hbm4b:s3+s5], $0x40, s0, s5, $0xb8;
	[tilespmem:$0x9000] =	vst v63  }
0x109: {  	s31 =	rddreg [dreg:$0x14]  }
0x10a: {  	[spmem:s2] =	stream.indirect.scatter.add.f32 [tilespmem:s6], [sflag:$0x3], $0x40, s31, s5, $0xb8;
	[tilespmem:$0x9000] =	vst v63  }
0x10b: {  	_ =	swait.ge [sflag:s4], $0x2000  }
0x10c: {  	[sflag:s4] =	ssyncset.done $0x0  }
0x10d: {  	[sflag:s4] =	ssyncadd.s32 $0xFFFFE000  }
0x10e: {  	_ =	swait.ge [sflag:s9], $0x2000  }
0x10f: {  	[sflag:s9] =	ssyncset.done $0x0  }
0x110: {  	s0 =	rddreg [dreg:$0x15];
	[sflag:s9] =	ssyncadd.s32 $0xFFFFE000  }
0x111: {  	[tilespmem:s6], [sflag:$0x2] =	stream.indirect.gather [hbm4b:s3+s5], $0x40, s0, s5, $0xb8;
	[tilespmem:$0x9000] =	vst v63  }
0x112: {  	s31 =	rddreg [dreg:$0x16]  }
0x113: {  	[spmem:s2] =	stream.indirect.scatter.add.f32 [tilespmem:s7], [sflag:$0x3], $0x40, s31, s5, $0xb8;
	[tilespmem:$0x9000] =	vst v63  }
0x114: {  	_ =	swait.ge [sflag:s4], $0x2000  }
0x115: {  	[sflag:s4] =	ssyncset.done $0x0  }
0x116: {  	[sflag:s4] =	ssyncadd.s32 $0xFFFFE000  }
0x117: {  	_ =	swait.ge [sflag:s8], $0x2000  }
0x118: {  	[sflag:s8] =	ssyncset.done $0x0  }
0x119: {  	s0 =	rddreg [dreg:$0x17];
	[sflag:s8] =	ssyncadd.s32 $0xFFFFE000  }
0x11a: {  	[tilespmem:s7], [sflag:$0x1] =	stream.indirect.gather [hbm4b:s3+s5], $0x40, s0, s5, $0xb8;
	[tilespmem:$0x9000] =	vst v63  }
0x11b: {  	s31 =	rddreg [dreg:$0x18]  }
0x11c: {  	[spmem:s2] =	stream.indirect.scatter.add.f32 [tilespmem:s6], [sflag:$0x3], $0x40, s31, s5, $0xb8;
	[tilespmem:$0x9000] =	vst v63  }
0x11d: {  	_ =	swait.ge [sflag:s4], $0x2000  }
0x11e: {  	[sflag:s4] =	ssyncset.done $0x0  }
0x11f: {  	[sflag:s4] =	ssyncadd.s32 $0xFFFFE000  }
0x120: {  	_ =	swait.ge [sflag:s9], $0x2000  }
0x121: {  	[sflag:s9] =	ssyncset.done $0x0  }
0x122: {  	s0 =	rddreg [dreg:$0x19];
	[sflag:s9] =	ssyncadd.s32 $0xFFFFE000  }
0x123: {  	[tilespmem:s6], [sflag:$0x2] =	stream.indirect.gather [hbm4b:s3+s5], $0x40, s0, s5, $0xb8;
	[tilespmem:$0x9000] =	vst v63  }
0x124: {  	s31 =	rddreg [dreg:$0x1a]  }
0x125: {  	[spmem:s2] =	stream.indirect.scatter.add.f32 [tilespmem:s7], [sflag:$0x3], $0x40, s31, s5, $0xb8;
	[tilespmem:$0x9000] =	vst v63  }
0x126: {  	_ =	swait.ge [sflag:s4], $0x2000  }
0x127: {  	[sflag:s4] =	ssyncset.done $0x0  }
0x128: {  	[sflag:s4] =	ssyncadd.s32 $0xFFFFE000  }
0x129: {  	_ =	swait.ge [sflag:s8], $0x2000  }
0x12a: {  	[sflag:s8] =	ssyncset.done $0x0  }
0x12b: {  	[sflag:s8] =	ssyncadd.s32 $0xFFFFE000  }
0x12c: {  	[tilespmem:s7], [sflag:$0x1] =	stream.indirect.gather [hbm4b:s3+s5], $0x40, s22, s5, $0xb8;
	[tilespmem:$0x9000] =	vst v63  }
0x12d: {  	_ = 	snop  }
0x12e: {  	[spmem:s2] =	stream.indirect.scatter.add.f32 [tilespmem:s6], [sflag:$0x3], $0x40, s23, s5, $0xb8;
	[tilespmem:$0x9000] =	vst v63  }
0x12f: {  	_ =	swait.ge [sflag:s4], $0x2000  }
0x130: {  	[sflag:s4] =	ssyncset.done $0x0  }
0x131: {  	[sflag:s4] =	ssyncadd.s32 $0xFFFFE000  }
0x132: {  	_ =	swait.ge [sflag:s9], $0x2000  }
0x133: {  	[sflag:s9] =	ssyncset.done $0x0  }
0x134: {  	[sflag:s9] =	ssyncadd.s32 $0xFFFFE000  }
0x135: {  	[tilespmem:s6], [sflag:$0x2] =	stream.indirect.gather [hbm4b:s3+s5], $0x40, s20, s5, $0xb8;
	[tilespmem:$0x9000] =	vst v63  }
0x136: {  	_ = 	snop  }
0x137: {  	[spmem:s2] =	stream.indirect.scatter.add.f32 [tilespmem:s7], [sflag:$0x3], $0x40, s21, s5, $0xb8;
	[tilespmem:$0x9000] =	vst v63  }
0x138: {  	_ =	swait.ge [sflag:s4], $0x2000  }
0x139: {  	[sflag:s4] =	ssyncset.done $0x0  }
0x13a: {  	[sflag:s4] =	ssyncadd.s32 $0xFFFFE000  }
0x13b: {  	_ =	swait.ge [sflag:s8], $0x2000  }
0x13c: {  	[sflag:s8] =	ssyncset.done $0x0  }
0x13d: {  	[sflag:s8] =	ssyncadd.s32 $0xFFFFE000  }
0x13e: {  	[tilespmem:s7], [sflag:$0x1] =	stream.indirect.gather [hbm4b:s3+s5], $0x40, s18, s5, $0xb8;
	[tilespmem:$0x9000] =	vst v63  }
0x13f: {  	_ = 	snop  }
0x140: {  	[spmem:s2] =	stream.indirect.scatter.add.f32 [tilespmem:s6], [sflag:$0x3], $0x40, s19, s5, $0xb8;
	[tilespmem:$0x9000] =	vst v63  }
0x141: {  	_ =	swait.ge [sflag:s4], $0x2000  }
0x142: {  	[sflag:s4] =	ssyncset.done $0x0  }
0x143: {  	[sflag:s4] =	ssyncadd.s32 $0xFFFFE000  }
0x144: {  	_ =	swait.ge [sflag:s9], $0x2000  }
0x145: {  	[sflag:s9] =	ssyncset.done $0x0  }
0x146: {  	[sflag:s9] =	ssyncadd.s32 $0xFFFFE000  }
0x147: {  	[tilespmem:s6], [sflag:$0x2] =	stream.indirect.gather [hbm4b:s3+s5], $0x40, s16, s5, $0xb8;
	[tilespmem:$0x9000] =	vst v63  }
0x148: {  	_ = 	snop  }
0x149: {  	[spmem:s2] =	stream.indirect.scatter.add.f32 [tilespmem:s7], [sflag:$0x3], $0x40, s17, s5, $0xb8;
	[tilespmem:$0x9000] =	vst v63  }
0x14a: {  	_ =	swait.ge [sflag:s4], $0x2000  }
0x14b: {  	[sflag:s4] =	ssyncset.done $0x0  }
0x14c: {  	[sflag:s4] =	ssyncadd.s32 $0xFFFFE000  }
0x14d: {  	_ =	swait.ge [sflag:s8], $0x2000  }
0x14e: {  	[sflag:s8] =	ssyncset.done $0x0  }
0x14f: {  	[sflag:s8] =	ssyncadd.s32 $0xFFFFE000  }
0x150: {  	[tilespmem:s7], [sflag:$0x1] =	stream.indirect.gather [hbm4b:s3+s5], $0x40, s14, s5, $0xb8;
	[tilespmem:$0x9000] =	vst v63  }
0x151: {  	_ = 	snop  }
0x152: {  	[spmem:s2] =	stream.indirect.scatter.add.f32 [tilespmem:s6], [sflag:$0x3], $0x40, s15, s5, $0xb8;
	[tilespmem:$0x9000] =	vst v63  }
0x153: {  	_ =	swait.ge [sflag:s4], $0x2000  }
0x154: {  	[sflag:s4] =	ssyncset.done $0x0  }
0x155: {  	[sflag:s4] =	ssyncadd.s32 $0xFFFFE000  }
0x156: {  	_ =	swait.ge [sflag:s9], $0x2000  }
0x157: {  	[sflag:s9] =	ssyncset.done $0x0  }
0x158: {  	[sflag:s9] =	ssyncadd.s32 $0xFFFFE000  }
0x159: {  	[tilespmem:s6], [sflag:$0x2] =	stream.indirect.gather [hbm4b:s3+s5], $0x40, s12, s5, $0xb8;
	[tilespmem:$0x9000] =	vst v63  }
0x15a: {  	_ = 	snop  }
0x15b: {  	[spmem:s2] =	stream.indirect.scatter.add.f32 [tilespmem:s7], [sflag:$0x3], $0x40, s13, s5, $0xb8;
	[tilespmem:$0x9000] =	vst v63  }
0x15c: {  	_ =	swait.ge [sflag:s4], $0x2000  }
0x15d: {  	[sflag:s4] =	ssyncset.done $0x0  }
0x15e: {  	[sflag:s4] =	ssyncadd.s32 $0xFFFFE000  }
0x15f: {  	_ =	swait.ge [sflag:s8], $0x2000  }
0x160: {  	[sflag:s8] =	ssyncset.done $0x0  }
0x161: {  	[sflag:s8] =	ssyncadd.s32 $0xFFFFE000  }
0x162: {  	[spmem:s2] =	stream.indirect.scatter.add.f32 [tilespmem:s6], [sflag:$0x3], $0x40, s11, s5, $0xb8;
	[tilespmem:$0x9000] =	vst v63  }
0x163: {  	_ =	swait.ge [sflag:s4], $0x2000  }
0x164: {  	s29 =	sadd.s32 $0xFFFFFFFF, s29;
	[sflag:s4] =	ssyncset.done $0x0  }
0x165: {  	p2 =	sne.s32 s29, $0x0;
	[sflag:s4] =	ssyncadd.s32 $0xFFFFE000  }
.Ltmp2:
0x166: {  	[bflag:$0x0] =	sbarrier.arrive $0xFFFF;
	(pc) =	sbr.rel @p2 .LBB2_3-.Ltmp2, $4  }
0x167: {  	s0 =	rddreg [dreg:$0x9]  }
0x168: {  	[hbm:s0], [sflag:s30] =	dma.local [spmem:s10], $0x800  }
0x169: {  	_ =	swait.ge [sflag:s4], $0x800  }
0x16a: {  	s31 =	rddreg [dreg:$0xa];
	[sflag:s4] =	ssyncset.done $0x0  }
0x16b: {  	s28 =	rddreg [dreg:$0x5]  }
.LBB2_5:
0x16c: {  	s0 =	rddreg [dreg:$0x6];
	[sflag:s4] =	ssyncadd.s32 @p1 $0xFFFFF800;
	s26 =	simm.s32 @!p0 $0x1C03  }
0x16d: {  	[spmem:s31], [sflag:s26] =	dma.local @!p0 [hbm:s0], $0x8000  }
0x16e: {  	s0 =	simm.s32 @!p0 $0x3  }
0x16f: {  	_ =	swait.ge @!p0 [sflag:s0], $0x8000  }
0x170: {  	[sflag:s0] =	ssyncset.done @!p0 $0x0  }
0x171: {  	[sflag:s0] =	ssyncadd.s32 @!p0 $0xFFFF8000  }
0x172: {  	[bflag:$0x0] =	sbarrier.arrive $0xFFFF  }
0x173: {  	s30 =	rddreg [dreg:$0x7]  }
0x174: {  	[tilespmem:s24], [sflag:$0x3] =	stream.linear.gather [hbm4b:s30+s24], $0x800, $0x38;
	[tilespmem:$0x9000] =	vst v63  }
0x175: {  	_ =	swait.ge [sflag:s4], $0x800  }
0x176: {  	[sflag:s4] =	ssyncset.done $0x0  }
0x177: {  	s31 =	rddreg [dreg:$0x8];
	[sflag:s4] =	ssyncadd.s32 $0xFFFFF800  }
0x178: {  	[tilespmem:s25], [sflag:$0x3] =	stream.linear.gather [hbm4b:s31+s24], $0x800, $0x38;
	[tilespmem:$0x9000] =	vst v63  }
0x179: {  	_ =	swait.ge [sflag:s4], $0x800  }
0x17a: {  	[sflag:s4] =	ssyncset.done $0x0  }
0x17b: {  	[sflag:s4] =	ssyncadd.s32 $0xFFFFF800  }
0x17c: {  	[tilespmem:s7], [sflag:$0x1] =	stream.indirect.gather [hbm4b:s3+s5], $0x40, s24, s5, $0xb8;
	[tilespmem:$0x9000] =	vst v63  }
0x17d: {  	_ =	swait.ge [sflag:s9], $0x2000  }
0x17e: {  	[sflag:s9] =	ssyncset.done $0x0  }
0x17f: {  	[sflag:s9] =	ssyncadd.s32 $0xFFFFE000  }
0x180: {  	[tilespmem:s6], [sflag:$0x2] =	stream.indirect.gather [hbm4b:s3+s5], $0x40, s5, s5, $0xb8;
	[tilespmem:$0x9000] =	vst v63  }
0x181: {  	_ = 	snop  }
0x182: {  	[spmem:s2] =	stream.indirect.scatter.add.f32 [tilespmem:s7], [sflag:$0x3], $0x40, s25, s5, $0xb8;
	[tilespmem:$0x9000] =	vst v63  }
0x183: {  	_ =	swait.ge [sflag:s4], $0x2000  }
0x184: {  	[sflag:s4] =	ssyncset.done $0x0  }
0x185: {  	[sflag:s4] =	ssyncadd.s32 $0xFFFFE000  }
0x186: {  	_ =	swait.ge [sflag:s8], $0x2000  }
0x187: {  	[sflag:s8] =	ssyncset.done $0x0  }
0x188: {  	s24 =	rddreg [dreg:$0xb];
	[sflag:s8] =	ssyncadd.s32 $0xFFFFE000  }
0x189: {  	[tilespmem:s7], [sflag:$0x1] =	stream.indirect.gather [hbm4b:s3+s5], $0x40, s24, s5, $0xb8;
	[tilespmem:$0x9000] =	vst v63  }
0x18a: {  	s25 =	rddreg [dreg:$0xc]  }
0x18b: {  	[spmem:s2] =	stream.indirect.scatter.add.f32 [tilespmem:s6], [sflag:$0x3], $0x40, s25, s5, $0xb8;
	[tilespmem:$0x9000] =	vst v63  }
0x18c: {  	_ =	swait.ge [sflag:s4], $0x2000  }
0x18d: {  	[sflag:s4] =	ssyncset.done $0x0  }
0x18e: {  	[sflag:s4] =	ssyncadd.s32 $0xFFFFE000  }
0x18f: {  	_ =	swait.ge [sflag:s9], $0x2000  }
0x190: {  	[sflag:s9] =	ssyncset.done $0x0  }
0x191: {  	s26 =	rddreg [dreg:$0xd];
	[sflag:s9] =	ssyncadd.s32 $0xFFFFE000  }
0x192: {  	[tilespmem:s6], [sflag:$0x2] =	stream.indirect.gather [hbm4b:s3+s5], $0x40, s26, s5, $0xb8;
	[tilespmem:$0x9000] =	vst v63  }
0x193: {  	s29 =	rddreg [dreg:$0xe]  }
0x194: {  	[spmem:s2] =	stream.indirect.scatter.add.f32 [tilespmem:s7], [sflag:$0x3], $0x40, s29, s5, $0xb8;
	[tilespmem:$0x9000] =	vst v63  }
0x195: {  	_ =	swait.ge [sflag:s4], $0x2000  }
0x196: {  	[sflag:s4] =	ssyncset.done $0x0  }
0x197: {  	[sflag:s4] =	ssyncadd.s32 $0xFFFFE000  }
0x198: {  	_ =	swait.ge [sflag:s8], $0x2000  }
0x199: {  	[sflag:s8] =	ssyncset.done $0x0  }
0x19a: {  	s30 =	rddreg [dreg:$0xf];
	[sflag:s8] =	ssyncadd.s32 $0xFFFFE000  }
0x19b: {  	[tilespmem:s7], [sflag:$0x1] =	stream.indirect.gather [hbm4b:s3+s5], $0x40, s30, s5, $0xb8;
	[tilespmem:$0x9000] =	vst v63  }
0x19c: {  	s31 =	rddreg [dreg:$0x10]  }
0x19d: {  	[spmem:s2] =	stream.indirect.scatter.add.f32 [tilespmem:s6], [sflag:$0x3], $0x40, s31, s5, $0xb8;
	[tilespmem:$0x9000] =	vst v63  }
0x19e: {  	_ =	swait.ge [sflag:s4], $0x2000  }
0x19f: {  	[sflag:s4] =	ssyncset.done $0x0  }
0x1a0: {  	[sflag:s4] =	ssyncadd.s32 $0xFFFFE000  }
0x1a1: {  	_ =	swait.ge [sflag:s9], $0x2000  }
0x1a2: {  	[sflag:s9] =	ssyncset.done $0x0  }
0x1a3: {  	s24 =	rddreg [dreg:$0x11];
	[sflag:s9] =	ssyncadd.s32 $0xFFFFE000  }
0x1a4: {  	[tilespmem:s6], [sflag:$0x2] =	stream.indirect.gather [hbm4b:s3+s5], $0x40, s24, s5, $0xb8;
	[tilespmem:$0x9000] =	vst v63  }
0x1a5: {  	s25 =	rddreg [dreg:$0x12]  }
0x1a6: {  	[spmem:s2] =	stream.indirect.scatter.add.f32 [tilespmem:s7], [sflag:$0x3], $0x40, s25, s5, $0xb8;
	[tilespmem:$0x9000] =	vst v63  }
0x1a7: {  	_ =	swait.ge [sflag:s4], $0x2000  }
0x1a8: {  	[sflag:s4] =	ssyncset.done $0x0  }
0x1a9: {  	[sflag:s4] =	ssyncadd.s32 $0xFFFFE000  }
0x1aa: {  	_ =	swait.ge [sflag:s8], $0x2000  }
0x1ab: {  	[sflag:s8] =	ssyncset.done $0x0  }
0x1ac: {  	s26 =	rddreg [dreg:$0x13];
	[sflag:s8] =	ssyncadd.s32 $0xFFFFE000  }
0x1ad: {  	[tilespmem:s7], [sflag:$0x1] =	stream.indirect.gather [hbm4b:s3+s5], $0x40, s26, s5, $0xb8;
	[tilespmem:$0x9000] =	vst v63  }
0x1ae: {  	s29 =	rddreg [dreg:$0x14]  }
0x1af: {  	[spmem:s2] =	stream.indirect.scatter.add.f32 [tilespmem:s6], [sflag:$0x3], $0x40, s29, s5, $0xb8;
	[tilespmem:$0x9000] =	vst v63  }
0x1b0: {  	_ =	swait.ge [sflag:s4], $0x2000  }
0x1b1: {  	[sflag:s4] =	ssyncset.done $0x0  }
0x1b2: {  	[sflag:s4] =	ssyncadd.s32 $0xFFFFE000  }
0x1b3: {  	_ =	swait.ge [sflag:s9], $0x2000  }
0x1b4: {  	[sflag:s9] =	ssyncset.done $0x0  }
0x1b5: {  	s30 =	rddreg [dreg:$0x15];
	[sflag:s9] =	ssyncadd.s32 $0xFFFFE000  }
0x1b6: {  	[tilespmem:s6], [sflag:$0x2] =	stream.indirect.gather [hbm4b:s3+s5], $0x40, s30, s5, $0xb8;
	[tilespmem:$0x9000] =	vst v63  }
0x1b7: {  	s31 =	rddreg [dreg:$0x16]  }
0x1b8: {  	[spmem:s2] =	stream.indirect.scatter.add.f32 [tilespmem:s7], [sflag:$0x3], $0x40, s31, s5, $0xb8;
	[tilespmem:$0x9000] =	vst v63  }
0x1b9: {  	_ =	swait.ge [sflag:s4], $0x2000  }
0x1ba: {  	[sflag:s4] =	ssyncset.done $0x0  }
0x1bb: {  	[sflag:s4] =	ssyncadd.s32 $0xFFFFE000  }
0x1bc: {  	_ =	swait.ge [sflag:s8], $0x2000  }
0x1bd: {  	[sflag:s8] =	ssyncset.done $0x0  }
0x1be: {  	s25 =	rddreg [dreg:$0x17];
	[sflag:s8] =	ssyncadd.s32 $0xFFFFE000  }
0x1bf: {  	[tilespmem:s7], [sflag:$0x1] =	stream.indirect.gather [hbm4b:s3+s5], $0x40, s25, s5, $0xb8;
	[tilespmem:$0x9000] =	vst v63  }
0x1c0: {  	s26 =	rddreg [dreg:$0x18]  }
0x1c1: {  	[spmem:s2] =	stream.indirect.scatter.add.f32 [tilespmem:s6], [sflag:$0x3], $0x40, s26, s5, $0xb8;
	[tilespmem:$0x9000] =	vst v63  }
0x1c2: {  	_ =	swait.ge [sflag:s4], $0x2000  }
0x1c3: {  	[sflag:s4] =	ssyncset.done $0x0  }
0x1c4: {  	[sflag:s4] =	ssyncadd.s32 $0xFFFFE000  }
0x1c5: {  	_ =	swait.ge [sflag:s9], $0x2000  }
0x1c6: {  	[sflag:s9] =	ssyncset.done $0x0  }
0x1c7: {  	s29 =	rddreg [dreg:$0x19];
	[sflag:s9] =	ssyncadd.s32 $0xFFFFE000  }
0x1c8: {  	[tilespmem:s6], [sflag:$0x2] =	stream.indirect.gather [hbm4b:s3+s5], $0x40, s29, s5, $0xb8;
	[tilespmem:$0x9000] =	vst v63  }
0x1c9: {  	s30 =	rddreg [dreg:$0x1a]  }
0x1ca: {  	[spmem:s2] =	stream.indirect.scatter.add.f32 [tilespmem:s7], [sflag:$0x3], $0x40, s30, s5, $0xb8;
	[tilespmem:$0x9000] =	vst v63  }
0x1cb: {  	_ =	swait.ge [sflag:s4], $0x2000  }
0x1cc: {  	[sflag:s4] =	ssyncset.done $0x0  }
0x1cd: {  	[sflag:s4] =	ssyncadd.s32 $0xFFFFE000  }
0x1ce: {  	_ =	swait.ge [sflag:s8], $0x2000  }
0x1cf: {  	[sflag:s8] =	ssyncset.done $0x0  }
0x1d0: {  	[sflag:s8] =	ssyncadd.s32 $0xFFFFE000  }
0x1d1: {  	[tilespmem:s7], [sflag:$0x1] =	stream.indirect.gather [hbm4b:s3+s5], $0x40, s22, s5, $0xb8;
	[tilespmem:$0x9000] =	vst v63  }
0x1d2: {  	_ = 	snop  }
0x1d3: {  	[spmem:s2] =	stream.indirect.scatter.add.f32 [tilespmem:s6], [sflag:$0x3], $0x40, s23, s5, $0xb8;
	[tilespmem:$0x9000] =	vst v63  }
0x1d4: {  	_ =	swait.ge [sflag:s4], $0x2000  }
0x1d5: {  	[sflag:s4] =	ssyncset.done $0x0  }
0x1d6: {  	[sflag:s4] =	ssyncadd.s32 $0xFFFFE000  }
0x1d7: {  	_ =	swait.ge [sflag:s9], $0x2000  }
0x1d8: {  	[sflag:s9] =	ssyncset.done $0x0  }
0x1d9: {  	[sflag:s9] =	ssyncadd.s32 $0xFFFFE000  }
0x1da: {  	[tilespmem:s6], [sflag:$0x2] =	stream.indirect.gather [hbm4b:s3+s5], $0x40, s20, s5, $0xb8;
	[tilespmem:$0x9000] =	vst v63  }
0x1db: {  	_ = 	snop  }
0x1dc: {  	[spmem:s2] =	stream.indirect.scatter.add.f32 [tilespmem:s7], [sflag:$0x3], $0x40, s21, s5, $0xb8;
	[tilespmem:$0x9000] =	vst v63  }
0x1dd: {  	_ =	swait.ge [sflag:s4], $0x2000  }
0x1de: {  	[sflag:s4] =	ssyncset.done $0x0  }
0x1df: {  	[sflag:s4] =	ssyncadd.s32 $0xFFFFE000  }
0x1e0: {  	_ =	swait.ge [sflag:s8], $0x2000  }
0x1e1: {  	[sflag:s8] =	ssyncset.done $0x0  }
0x1e2: {  	[sflag:s8] =	ssyncadd.s32 $0xFFFFE000  }
0x1e3: {  	[tilespmem:s7], [sflag:$0x1] =	stream.indirect.gather [hbm4b:s3+s5], $0x40, s18, s5, $0xb8;
	[tilespmem:$0x9000] =	vst v63  }
0x1e4: {  	_ = 	snop  }
0x1e5: {  	[spmem:s2] =	stream.indirect.scatter.add.f32 [tilespmem:s6], [sflag:$0x3], $0x40, s19, s5, $0xb8;
	[tilespmem:$0x9000] =	vst v63  }
0x1e6: {  	_ =	swait.ge [sflag:s4], $0x2000  }
0x1e7: {  	[sflag:s4] =	ssyncset.done $0x0  }
0x1e8: {  	[sflag:s4] =	ssyncadd.s32 $0xFFFFE000  }
0x1e9: {  	_ =	swait.ge [sflag:s9], $0x2000  }
0x1ea: {  	[sflag:s9] =	ssyncset.done $0x0  }
0x1eb: {  	[sflag:s9] =	ssyncadd.s32 $0xFFFFE000  }
0x1ec: {  	[tilespmem:s6], [sflag:$0x2] =	stream.indirect.gather [hbm4b:s3+s5], $0x40, s16, s5, $0xb8;
	[tilespmem:$0x9000] =	vst v63  }
0x1ed: {  	_ = 	snop  }
0x1ee: {  	[spmem:s2] =	stream.indirect.scatter.add.f32 [tilespmem:s7], [sflag:$0x3], $0x40, s17, s5, $0xb8;
	[tilespmem:$0x9000] =	vst v63  }
0x1ef: {  	_ =	swait.ge [sflag:s4], $0x2000  }
0x1f0: {  	[sflag:s4] =	ssyncset.done $0x0  }
0x1f1: {  	[sflag:s4] =	ssyncadd.s32 $0xFFFFE000  }
0x1f2: {  	_ =	swait.ge [sflag:s8], $0x2000  }
0x1f3: {  	[sflag:s8] =	ssyncset.done $0x0  }
0x1f4: {  	[sflag:s8] =	ssyncadd.s32 $0xFFFFE000  }
0x1f5: {  	[tilespmem:s7], [sflag:$0x1] =	stream.indirect.gather [hbm4b:s3+s5], $0x40, s14, s5, $0xb8;
	[tilespmem:$0x9000] =	vst v63  }
0x1f6: {  	_ = 	snop  }
0x1f7: {  	[spmem:s2] =	stream.indirect.scatter.add.f32 [tilespmem:s6], [sflag:$0x3], $0x40, s15, s5, $0xb8;
	[tilespmem:$0x9000] =	vst v63  }
0x1f8: {  	_ =	swait.ge [sflag:s4], $0x2000  }
0x1f9: {  	[sflag:s4] =	ssyncset.done $0x0  }
0x1fa: {  	[sflag:s4] =	ssyncadd.s32 $0xFFFFE000  }
0x1fb: {  	_ =	swait.ge [sflag:s9], $0x2000  }
0x1fc: {  	[sflag:s9] =	ssyncset.done $0x0  }
0x1fd: {  	[sflag:s9] =	ssyncadd.s32 $0xFFFFE000  }
0x1fe: {  	[tilespmem:s6], [sflag:$0x2] =	stream.indirect.gather [hbm4b:s3+s5], $0x40, s12, s5, $0xb8;
	[tilespmem:$0x9000] =	vst v63  }
0x1ff: {  	_ = 	snop  }
0x200: {  	[spmem:s2] =	stream.indirect.scatter.add.f32 [tilespmem:s7], [sflag:$0x3], $0x40, s13, s5, $0xb8;
	[tilespmem:$0x9000] =	vst v63  }
0x201: {  	_ =	swait.ge [sflag:s4], $0x2000  }
0x202: {  	[sflag:s4] =	ssyncset.done $0x0  }
0x203: {  	[sflag:s4] =	ssyncadd.s32 $0xFFFFE000  }
0x204: {  	_ =	swait.ge [sflag:s8], $0x2000  }
0x205: {  	[sflag:s8] =	ssyncset.done $0x0  }
0x206: {  	[sflag:s8] =	ssyncadd.s32 $0xFFFFE000  }
0x207: {  	[spmem:s2] =	stream.indirect.scatter.add.f32 [tilespmem:s6], [sflag:$0x3], $0x40, s11, s5, $0xb8;
	[tilespmem:$0x9000] =	vst v63  }
0x208: {  	_ =	swait.ge [sflag:s4], $0x2000  }
0x209: {  	[sflag:s4] =	ssyncset.done $0x0  }
0x20a: {  	[sflag:s4] =	ssyncadd.s32 $0xFFFFE000  }
0x20b: {  	s1 =	sshll.u32 s1, $0x6;
	[bflag:$0x0] =	sbarrier.arrive $0xFFFF  }
0x20c: {  	s1 =	sor.u32 $0x1C03, s1;
	s31 =	rddreg [dreg:$0x9]  }
0x20d: {  	[hbm:s31], [sflag:s1] =	dma.local [spmem:s10], $0x800  }
0x20e: {  	_ =	swait.ge [sflag:s4], $0x800  }
0x20f: {  	[sflag:s4] =	ssyncset.done $0x0  }
0x210: {  	[sflag:s4] =	ssyncadd.s32 $0xFFFFF800  }
0x211: {  	_ =	sfence.sel $0x180000  }
0x212: {  	[bflag:$0x0] =	sbarrier.arrive $0xFFFF  }
0x213: {  	_ =	strace $0x9000004D  }
0x214: {  	s0 =	sadd.s32 @!p0 $0x100000, s28;
	[bflag:$0x2] =	sbarrier.arrive $0xFFFF  }
0x215: {  	[sflag:s0] =	ssyncadd.tile.s32 @!p0 $0x1;
	_ =	shalt  }
.LBB2_2:
.Ltmp3:
0x216: {  	(pc) =	sbr.rel .LBB2_5-.Ltmp3, $2  }
0x217: {  	_ =	sdelay $0x2  }
0x218: {  	s28 =	rddreg [dreg:$0x5]  }
.Lfunc_end2:
_tile_overlayer_lowered:
.L_overlay_start_2:
0x219: {  	(tag) =	ssettag $0x2  }
0x21a: {  	s0 =	rddreg [dreg:$0x0];
	s2 =	stileid.u32  }
0x21b: {  	s1 =	rddreg [dreg:$0x1];
	p0 =	sne.s32 s2, $0x0  }
0x21c: {  	s3 =	rddreg [dreg:$0x2];
	[bflag:$0x3] =	sbarrier.arrive $0xFFFF;
	s2 =	simm.s32 @!p0 $0x1C03  }
0x21d: {  	[timem:s3], [sflag:s2] =	dma.local @!p0 [hbm:s0], s1  }
0x21e: {  	s0 =	simm.s32 @!p0 $0x3  }
0x21f: {  	_ =	swait.ge @!p0 [sflag:s0], s1  }
0x220: {  	s1 =	ssub.s32 @!p0 $0x0, s1;
	[sflag:s0] =	ssyncset.done @!p0 $0x0  }
0x221: {  	[sflag:s0] =	ssyncadd.s32 @!p0 s1  }
0x222: {  	[bflag:$0x3] =	sbarrier.arrive $0xFFFF  }
0x223: {  	_ =	shalt  }

// kernel: kernel.17.cloned.1.call-start
scs
__scs_entry_jumppad:
0x0: {  	(pc) =	sbr.rel $0x88, $3  }
0x1: {  	(tag) =	ssettag $0x0;
	lr =	simm.s32 $0x1  }
0x2: {  	[smem:$0x3F98] =	sst lr;
	_ =	strace $0xD0000000  }
0x3: {  	_ = 	snop  }
0x4: {  	_ = 	snop  }
0x5: {  	_ = 	snop  }
0x6: {  	_ = 	snop  }
0x7: {  	_ = 	snop  }
__scs_overlays_trampoline_lowered:
0x8: {  	[smem:$0x3FA7] =	sst s0  }
0x9: {  	[smem:$0x3FA8] =	sst s1  }
0xa: {  	[smem:$0x3FA9] =	sst s2  }
0xb: {  	[smem:$0x3FAA] =	sst s3  }
0xc: {  	[smem:$0x3FAB] =	sst s4  }
0xd: {  	[smem:$0x3FAC] =	sst s5  }
0xe: {  	[smem:$0x3FAD] =	sst s6  }
0xf: {  	[smem:$0x3FAE] =	sst s7  }
0x10: {  	[smem:$0x3FAF] =	sst s8  }
0x11: {  	[smem:$0x3FB0] =	sst s9;
	s0 =	simm.s32 @!p0 $0x0  }
0x12: {  	s1 =	sld [smem:$0x3F96];
	s0 =	simm.s32 @p0 $0x1  }
0x13: {  	[smem:$0x3FB1] =	sst s0;
	s0 =	simm.s32 @!p1 $0x0  }
0x14: {  	s2 =	sld [smem:$0x3F95];
	s0 =	simm.s32 @p1 $0x1  }
0x15: {  	[smem:$0x3FB2] =	sst s0;
	s0 =	simm.s32 @!p2 $0x0  }
0x16: {  	s3 =	sld [smem:$0x3FDB];
	s0 =	simm.s32 @p2 $0x1  }
0x17: {  	s4 =	simm.s32 $0x1BF5;
	[smem:$0x3FB4] =	sst s0  }
0x18: {  	s0 =	sld [smem:$0x3F97];
	_ =	swait.ge [sflag:s4], $0x0  }
0x19: {  	s7 =	sld [smem:$0x3F98]  }
0x1a: {  	s8 =	sadd.s32 $0xFFFFE003, lr  }
0x1b: {  	s9 =	sadd.s32 $0xFFFFFEF7, lr;
	s5 =	simm.s32 $0xFFFFFFFF;
	p2 =	slt.u32 s8, $0xFFFFF086  }
0x1c: {  	p1 =	slt.u32 s9, $0xF7A;
	s5 =	simm.s32 @!p2 $0x0  }
0x1d: {  	s5 =	simm.s32 @p1 $0x1;
	p0 =	seq.s32 s7, s2  }
0x1e: {  	s7 =	smul.u32 @!p0 $0xF7A, s2;
	p2 =	seq.s32 @!p0 s5, $0x0  }
0x1f: {  	s9 =	smul.u32 $0xF7A, s1;
	s8 =	simm.s32 @!p0 $0x1BF5;
	p2 =	por !p2, p0  }
0x20: {  	[sflag:s8] =	ssyncset.s32 @!p0 $0xFFFFF086;
	s6 =	sadd.s32 @!p0 s3, s7;
	s7 =	simm.s32 @!p0 $0x108  }
0x21: {  	s3 =	sadd.s32 s3, s9;
	s6 =	sadd.s32 @!p0 $0x88, s6;
	s7 =	simm.s32 @p2 $0x1082  }
0x22: {  	[simem:s7], [sflag:s8] =	dma.local @!p0 [hbm:s6], $0xF7A  }
0x23: {  	s9 =	sor.u32 $0xD0000000, s2;
	s6 =	simm.s32 $0x108;
	_ =	swait.ge @!p0 [sflag:s8], $0x0  }
0x24: {  	s3 =	sadd.s32 $0x88, s3;
	s6 =	simm.s32 @!p1 $0x1082;
	[sflag:s4] =	ssyncset.s32 $0xFFFFF086  }
0x25: {  	[simem:s6], [sflag:s4] =	dma.local [hbm:s3], $0xF7A  }
0x26: {  	[smem:$0x3F98] =	sst s1;
	(tag) =	ssettag s2;
	_ =	strace s9  }
0x27: {  	s1 =	sld [smem:$0x3FA8]  }
0x28: {  	s2 =	sld [smem:$0x3FA9]  }
0x29: {  	s4 =	sld [smem:$0x3FAB]  }
0x2a: {  	p0 =	seq.s32 s5, $0x0;
	s5 =	sld [smem:$0x3FAC]  }
0x2b: {  	s6 =	sld [smem:$0x3FAD]  }
0x2c: {  	s7 =	sld [smem:$0x3FAE]  }
0x2d: {  	s3 =	simm.s32 $0x108;
	s8 =	sld [smem:$0x3FAF]  }
0x2e: {  	s3 =	simm.s32 @!p0 $0x1082;
	s9 =	sld [smem:$0x3FB0]  }
0x2f: {  	lr =	sadd.s32 s0, s3;
	s0 =	sld [smem:$0x3FA7]  }
0x30: {  	s3 =	sld [smem:$0x3FAA]  }
0x31: {  	[smem:$0x3FB3] =	sst s10  }
0x32: {  	s10 =	sld [smem:$0x3FB1];
	_ =	sdelay $0x3  }
0x33: {  	p0 =	seq.s32 s10, $0x1;
	s10 =	sld [smem:$0x3FB3];
	_ =	sdelay $0x3  }
0x34: {  	[smem:$0x3FB3] =	sst s10  }
0x35: {  	s10 =	sld [smem:$0x3FB2];
	_ =	sdelay $0x3  }
0x36: {  	p1 =	seq.s32 s10, $0x1;
	s10 =	sld [smem:$0x3FB3];
	_ =	sdelay $0x3  }
0x37: {  	[smem:$0x3FB3] =	sst s10  }
0x38: {  	s10 =	sld [smem:$0x3FB4]  }
0x39: {  	_ = 	snop;
	(pc) =	sbr.ind lr, $3  }
0x3a: {  	_ = 	snop  }
0x3b: {  	_ = 	snop  }
0x3c: {  	p2 =	seq.s32 s10, $0x1;
	s10 =	sld [smem:$0x3FB3]  }
0x3d: {  	_ =	shalt  }
0x3e: {  	_ =	shalt  }
0x3f: {  	_ =	shalt  }
0x40: {  	_ =	shalt  }
0x41: {  	_ =	shalt  }
0x42: {  	_ =	shalt  }
0x43: {  	_ =	shalt  }
0x44: {  	_ =	shalt  }
0x45: {  	_ =	shalt  }
0x46: {  	_ =	shalt  }
0x47: {  	_ =	shalt  }
0x48: {  	_ =	shalt  }
0x49: {  	_ =	shalt  }
0x4a: {  	_ =	shalt  }
0x4b: {  	_ =	shalt  }
0x4c: {  	_ =	shalt  }
0x4d: {  	_ =	shalt  }
0x4e: {  	_ =	shalt  }
0x4f: {  	_ =	shalt  }
0x50: {  	_ =	shalt  }
0x51: {  	_ =	shalt  }
0x52: {  	_ =	shalt  }
0x53: {  	_ =	shalt  }
0x54: {  	_ =	shalt  }
0x55: {  	_ =	shalt  }
0x56: {  	_ =	shalt  }
0x57: {  	_ =	shalt  }
0x58: {  	_ =	shalt  }
0x59: {  	_ =	shalt  }
0x5a: {  	_ =	shalt  }
0x5b: {  	_ =	shalt  }
0x5c: {  	_ =	shalt  }
0x5d: {  	_ =	shalt  }
0x5e: {  	_ =	shalt  }
0x5f: {  	_ =	shalt  }
0x60: {  	_ =	shalt  }
0x61: {  	_ =	shalt  }
0x62: {  	_ =	shalt  }
0x63: {  	_ =	shalt  }
0x64: {  	_ =	shalt  }
0x65: {  	_ =	shalt  }
0x66: {  	_ =	shalt  }
0x67: {  	_ =	shalt  }
0x68: {  	_ =	shalt  }
0x69: {  	_ =	shalt  }
0x6a: {  	_ =	shalt  }
0x6b: {  	_ =	shalt  }
0x6c: {  	_ =	shalt  }
0x6d: {  	_ =	shalt  }
0x6e: {  	_ =	shalt  }
0x6f: {  	_ =	shalt  }
0x70: {  	_ =	shalt  }
0x71: {  	_ =	shalt  }
0x72: {  	_ =	shalt  }
0x73: {  	_ =	shalt  }
0x74: {  	_ =	shalt  }
0x75: {  	_ =	shalt  }
0x76: {  	_ =	shalt  }
0x77: {  	_ =	shalt  }
0x78: {  	_ =	shalt  }
0x79: {  	_ =	shalt  }
0x7a: {  	_ =	shalt  }
0x7b: {  	_ =	shalt  }
0x7c: {  	_ =	shalt  }
0x7d: {  	_ =	shalt  }
0x7e: {  	_ =	shalt  }
0x7f: {  	_ =	shalt  }
0x80: {  	_ =	shalt  }
0x81: {  	_ =	shalt  }
0x82: {  	_ =	shalt  }
0x83: {  	_ =	shalt  }
0x84: {  	_ =	shalt  }
0x85: {  	_ =	shalt  }
0x86: {  	_ =	shalt  }
0x87: {  	_ =	shalt  }
.Lfunc_end0:
.L_simem_size_0:
called_computation.2_lowered:
.L_overlay_start_0:
0x88: {  	s2 =	sld [smem:$0x3FD9]  }
0x89: {  	s3 =	sld [smem:$0x3FFE];
	_ =	sdelay $0x1  }
0x8a: {  	s1 =	srdreg.scid  }
0x8b: {  	s0 =	sand.u32 $0x1, s1  }
0x8c: {  	s15 =	sshll.u32 s0, $0xA;
	s2 =	sadd.s32 s3, s2  }
0x8d: {  	s2 =	sadd.s32 s2, s15  }
0x8e: {  	[smem:$0x3FBF] =	sst s2  }
0x8f: {  	_ = 	snop  }
0x90: {  	s2 =	sld [smem:$0x3FD0];
	_ =	sdelay $0x2  }
0x91: {  	s4 =	simm.s32 $0xB;
	s16 =	simm.s32 $0x10  }
0x92: {  	[smem:s16], [sflag:s4] =	dma.local [hbm:s2], $0x1  }
0x93: {  	_ =	swait.eq [sflag:s4], $0x1  }
0x94: {  	[sflag:s4] =	ssyncset.done $0x0  }
0x95: {  	s17 =	sld [smem:$0x12];
	[sflag:s4] =	ssyncadd.s32 $0xFFFFFFFF  }
0x96: {  	s18 =	sld [smem:$0x14];
	(tm) =	ssettm $0x1  }
0x97: {  	s19 =	sld [smem:$0x3FFB];
	_ =	sdelay $0x3  }
0x98: {  	_ =	strace s19  }
0x99: {  	s2 =	sld [smem:$0x3FFC];
	_ =	sdelay $0x3  }
0x9a: {  	_ =	strace s2  }
0x9b: {  	s2 =	sld [smem:$0x3FFD];
	_ =	sdelay $0x3  }
0x9c: {  	_ =	strace s2  }
0x9d: {  	_ =	strace $0x8FFFFFFF  }
0x9e: {  	s20 =	sld [smem:$0x3FDB];
	_ =	sdelay $0x1  }
0x9f: {  	s5 =	simm.s32 $_scs_section_size  }
0xa0: {  	s6 =	simm.s32 $_size__tile_overlayer_lowered;
	s7 =	simm.s32 $_tile_overlayer_lowered  }
0xa1: {  	s8 =	simm.s32 $0x1BFF;
	s21 =	sshll.u32 s7, $0x1;
	s5 =	sadd.s32 s5, s20  }
0xa2: {  	s22 =	simm.s32 $0x0;
	s6 =	sshll.u32 s6, $0x1;
	s7 =	sadd.s32 s21, s5  }
0xa3: {  	[timem:s22], [sflag:s8] =	dma.local [hbm:s7], s6  }
0xa4: {  	_ =	swait.ge [sflag:s8], s6  }
0xa5: {  	s6 =	ssub.s32 $0x0, s6;
	[sflag:s8] =	ssyncset.done $0x0  }
0xa6: {  	[sflag:s8] =	ssyncadd.s32 s6;
	_ =	sdelay $0x1  }
0xa7: {  	s23 =	simm.s32 $0x1B8B  }
0xa8: {  	_ =	swait.ge [sflag:s23], $0x1  }
0xa9: {  	[sflag:s23] =	ssyncset.done $0x0  }
0xaa: {  	[sflag:s23] =	ssyncadd.s32 $0xFFFFFFFF  }
0xab: {  	s6 =	sld [smem:$0x0]  }
0xac: {  	s7 =	sand.u32 $0xFFFFFFFE, s1  }
0xad: {  	p0 =	sne.s32 s1, s7  }
0xae: {  	s7 =	sshll.u32 @p0 s7, $0xE  }
0xaf: {  	s7 =	sadd.s32 @p0 $0x11B8D, s7;
	s8 =	sshll.u32 @p0 s6, $0x11  }
0xb0: {  	s7 =	sor.u32 @p0 s8, s7  }
0xb1: {  	[sflag:s7] =	ssyncadd.remote.s32 @p0 $0x1;
	_ =	sdelay $0x1  }
0xb2: {  	s7 =	simm.s32 @p0 $0x1B8D  }
0xb3: {  	_ =	swait.eq @p0 [sflag:s7], $0x1  }
0xb4: {  	[sflag:s7] =	ssyncadd.s32 @p0 $0xFFFFFFFF  }
0xb5: {  	s8 =	sshll.u32 @!p0 s1, $0xE  }
0xb6: {  	s8 =	sor.u32 @!p0 $0x4000, s8;
	s7 =	simm.s32 @!p0 $0x1B8D  }
0xb7: {  	s6 =	sshll.u32 @!p0 s6, $0x11;
	s8 =	sadd.s32 @!p0 $0x11B8D, s8;
	_ =	swait.eq @!p0 [sflag:s7], $0x1  }
0xb8: {  	s6 =	sor.u32 @!p0 s6, s8;
	[sflag:s7] =	ssyncadd.s32 @!p0 $0xFFFFFFFF  }
0xb9: {  	s25 =	simm.s32 $0x1B8E;
	s24 =	sld [smem:$0x3FFE];
	[sflag:s6] =	ssyncadd.remote.s32 @!p0 $0x1  }
0xba: {  	s26 =	simm.s32 $execute0_lowered;
	[smem:$0x3FD2] =	sst s25  }
0xbb: {  	s7 =	sshll.u32 s26, $0x1;
	_ =	strace $0x80000049;
	[dreg:$0x1] =	wrdreg $0xFFFFFFFF  }
0xbc: {  	s28 =	simm.s32 $_size_execute0_lowered;
	s5 =	sadd.s32 s5, s7;
	[dreg:$0x0] =	wrdreg $0x0  }
0xbd: {  	s7 =	sshll.u32 s28, $0x1;
	[dreg:$0x2] =	wrdreg s5  }
0xbe: {  	[dreg:$0x3] =	wrdreg s7  }
0xbf: {  	[dreg:$0x4] =	wrdreg $0xC0  }
0xc0: {  	_ =	task [dreg:s22], $0x5FFFF  }
0xc1: {  	[dreg:$0x1] =	wrdreg $0xFFFFFFFF  }
0xc2: {  	[dreg:$0x0] =	wrdreg $0x60  }
0xc3: {  	[dreg:$0x2] =	wrdreg s18  }
0xc4: {  	[dreg:$0x3] =	wrdreg s24  }
0xc5: {  	[dreg:$0x4] =	wrdreg s17  }
0xc6: {  	[dreg:$0x5] =	wrdreg $0x9  }
0xc7: {  	_ =	task.clear_ibuf [dreg:s22], $0x6FFFF;
	_ =	strace $0x90000049  }
0xc8: {  	s29 =	simm.s32 $0x9;
	_ =	strace $0x8000004B  }
0xc9: {  	_ =	swait.ge [sflag:s29], $0x1  }
0xca: {  	[sflag:s29] =	ssyncadd.s32 $0xFFFFFFFF  }
0xcb: {  	_ =	strace $0x9000004B  }
0xcc: {  	_ =	sfence  }
0xcd: {  	s30 =	sld [smem:$0x0];
	_ =	sdelay $0x2  }
0xce: {  	s31 =	sshll.u32 s1, $0xD;
	s1 =	sshrl.u32 s1, $0x2  }
0xcf: {  	s4 =	sand.u32 $0x4000, s31;
	s1 =	sadd.s32 s1, s30  }
0xd0: {  	s0 =	sor.u32 s4, s0;
	s1 =	sshll.u32 s1, $0x11  }
0xd1: {  	s0 =	sor.u32 s1, s0  }
0xd2: {  	s0 =	sadd.s32 $0x8F2B, s0  }
0xd3: {  	[sflag:s0] =	ssyncadd.remote.s32 $0x1  }
0xd4: {  	_ =	sfence.sel $0xFFFF  }
0xd5: {  	[dreg:$0x0] =	wrdreg $0xFFFFFFFF;
	(pc) =	sbr.abs _section_cstart, $3  }
0xd6: {  	[dreg:$0x1] =	wrdreg $0xFFFFFFFF  }
0xd7: {  	_ =	task.clear_ibuf [dreg:s22], $0x2FFFF;
	_ =	strace $0x9FFFFFFF  }
0xd8: {  	(tm) =	ssettm $0x7FFFFFFF  }
0xd9: {  	_ =	shalt  }
tec
execute0_lowered:
.L_overlay_start_1:
0x0: {  	(tag) =	ssettag $0x1  }
0x1: {  	s4 =	rddreg [dreg:$0x0]  }
0x2: {  	s24 =	rddreg [dreg:$0x1]  }
0x3: {  	s2 =	rddreg [dreg:$0x2];
	s1 =	srdreg.scid  }
0x4: {  	s0 =	rddreg [dreg:$0x3];
	s25 =	sand.u32 $0x1, s1  }
0x5: {  	s3 =	simm.s32 $0x0;
	s1 =	stileid.u32;
	s5 =	sshll.u32 s25, $0x8  }
0x6: {  	[smem:$0x7FF] =	sst s3;
	s6 =	sshll.u32 s1, $0x9;
	s4 =	sadd.s32 s4, s5  }
0x7: {  	_ =	strace $0x8000004A;
	s5 =	simm.s32 $0x2;
	s4 =	sadd.s32 s6, s4  }
0x8: {  	[tilespmem:s3], [sflag:$0x2] =	stream.linear.gather [hbm4b:s4+s3], $0x800, $0x38;
	[tilespmem:$0x880] =	vst v63  }
0x9: {  	_ =	swait.ge [sflag:s5], $0x800  }
0xa: {  	[sflag:s5] =	ssyncset.done $0x0  }
0xb: {  	s7 =	simm.s32 $0x800;
	s6 =	sadd.s32 $0x6C00, s24;
	[sflag:s5] =	ssyncadd.s32 $0xFFFFF800  }
0xc: {  	[tilespmem:s7], [sflag:$0x2] =	stream.linear.gather [hbm4b:s6+s3], $0x80, $0x38;
	[tilespmem:$0x880] =	vst v63  }
0xd: {  	_ =	swait.ge [sflag:s5], $0x80  }
0xe: {  	[sflag:s5] =	ssyncset.done $0x0  }
0xf: {  	s8 =	simm.s32 $0x80;
	[sflag:s5] =	ssyncadd.s32 $0xFFFFFF80  }
0x10: {  	[hbm4b:s2+s8] =	stream.indirect.scatter [tilespmem:s7], [sflag:$0x1], $0x1, s3, s8, $0xb8;
	[tilespmem:$0x880] =	vst v63  }
0x11: {  	_ = 	snop  }
0x12: {  	[hbm4b:s2+s8] =	stream.indirect.scatter [tilespmem:s7], [sflag:$0x1], $0x1, s8, s8, $0xb8;
	[tilespmem:$0x880] =	vst v63  }
0x13: {  	s9 =	simm.s32 $0x100  }
0x14: {  	[hbm4b:s2+s8] =	stream.indirect.scatter [tilespmem:s7], [sflag:$0x1], $0x1, s9, s8, $0xb8;
	[tilespmem:$0x880] =	vst v63  }
0x15: {  	s10 =	simm.s32 $0x180  }
0x16: {  	[hbm4b:s2+s8] =	stream.indirect.scatter [tilespmem:s7], [sflag:$0x1], $0x1, s10, s8, $0xb8;
	[tilespmem:$0x880] =	vst v63  }
0x17: {  	s11 =	simm.s32 $0x200  }
0x18: {  	[hbm4b:s2+s8] =	stream.indirect.scatter [tilespmem:s7], [sflag:$0x1], $0x1, s11, s8, $0xb8;
	[tilespmem:$0x880] =	vst v63  }
0x19: {  	s12 =	simm.s32 $0x280  }
0x1a: {  	[hbm4b:s2+s8] =	stream.indirect.scatter [tilespmem:s7], [sflag:$0x1], $0x1, s12, s8, $0xb8;
	[tilespmem:$0x880] =	vst v63  }
0x1b: {  	s13 =	simm.s32 $0x300  }
0x1c: {  	[hbm4b:s2+s8] =	stream.indirect.scatter [tilespmem:s7], [sflag:$0x1], $0x1, s13, s8, $0xb8;
	[tilespmem:$0x880] =	vst v63  }
0x1d: {  	s14 =	simm.s32 $0x380  }
0x1e: {  	[hbm4b:s2+s8] =	stream.indirect.scatter [tilespmem:s7], [sflag:$0x1], $0x1, s14, s8, $0xb8;
	[tilespmem:$0x880] =	vst v63  }
0x1f: {  	s15 =	simm.s32 $0x400  }
0x20: {  	[hbm4b:s2+s8] =	stream.indirect.scatter [tilespmem:s7], [sflag:$0x1], $0x1, s15, s8, $0xb8;
	[tilespmem:$0x880] =	vst v63  }
0x21: {  	s16 =	simm.s32 $0x480  }
0x22: {  	[hbm4b:s2+s8] =	stream.indirect.scatter [tilespmem:s7], [sflag:$0x1], $0x1, s16, s8, $0xb8;
	[tilespmem:$0x880] =	vst v63  }
0x23: {  	s17 =	simm.s32 $0x500  }
0x24: {  	[hbm4b:s2+s8] =	stream.indirect.scatter [tilespmem:s7], [sflag:$0x1], $0x1, s17, s8, $0xb8;
	[tilespmem:$0x880] =	vst v63  }
0x25: {  	s18 =	simm.s32 $0x580  }
0x26: {  	[hbm4b:s2+s8] =	stream.indirect.scatter [tilespmem:s7], [sflag:$0x1], $0x1, s18, s8, $0xb8;
	[tilespmem:$0x880] =	vst v63  }
0x27: {  	s19 =	simm.s32 $0x600  }
0x28: {  	[hbm4b:s2+s8] =	stream.indirect.scatter [tilespmem:s7], [sflag:$0x1], $0x1, s19, s8, $0xb8;
	[tilespmem:$0x880] =	vst v63  }
0x29: {  	s20 =	simm.s32 $0x680  }
0x2a: {  	[hbm4b:s2+s8] =	stream.indirect.scatter [tilespmem:s7], [sflag:$0x1], $0x1, s20, s8, $0xb8;
	[tilespmem:$0x880] =	vst v63  }
0x2b: {  	s21 =	simm.s32 $0x700  }
0x2c: {  	[hbm4b:s2+s8] =	stream.indirect.scatter [tilespmem:s7], [sflag:$0x1], $0x1, s21, s8, $0xb8;
	[tilespmem:$0x880] =	vst v63  }
0x2d: {  	s22 =	simm.s32 $0x780;
	s23 =	simm.s32 $0x1  }
0x2e: {  	[hbm4b:s2+s8] =	stream.indirect.scatter [tilespmem:s7], [sflag:$0x1], $0x1, s22, s8, $0xb8;
	[tilespmem:$0x880] =	vst v63  }
0x2f: {  	_ =	swait.ge [sflag:s23], $0x80  }
0x30: {  	[sflag:s23] =	ssyncset.done $0x0  }
0x31: {  	[sflag:s23] =	ssyncadd.s32 $0xFFFFFF80  }
0x32: {  	_ =	swait.ge [sflag:s23], $0x80  }
0x33: {  	[sflag:s23] =	ssyncset.done $0x0  }
0x34: {  	[sflag:s23] =	ssyncadd.s32 $0xFFFFFF80  }
0x35: {  	_ =	swait.ge [sflag:s23], $0x80  }
0x36: {  	[sflag:s23] =	ssyncset.done $0x0  }
0x37: {  	[sflag:s23] =	ssyncadd.s32 $0xFFFFFF80  }
0x38: {  	_ =	swait.ge [sflag:s23], $0x80  }
0x39: {  	[sflag:s23] =	ssyncset.done $0x0  }
0x3a: {  	[sflag:s23] =	ssyncadd.s32 $0xFFFFFF80  }
0x3b: {  	_ =	swait.ge [sflag:s23], $0x80  }
0x3c: {  	[sflag:s23] =	ssyncset.done $0x0  }
0x3d: {  	[sflag:s23] =	ssyncadd.s32 $0xFFFFFF80  }
0x3e: {  	_ =	swait.ge [sflag:s23], $0x80  }
0x3f: {  	[sflag:s23] =	ssyncset.done $0x0  }
0x40: {  	[sflag:s23] =	ssyncadd.s32 $0xFFFFFF80  }
0x41: {  	_ =	swait.ge [sflag:s23], $0x80  }
0x42: {  	[sflag:s23] =	ssyncset.done $0x0  }
0x43: {  	[sflag:s23] =	ssyncadd.s32 $0xFFFFFF80  }
0x44: {  	_ =	swait.ge [sflag:s23], $0x80  }
0x45: {  	[sflag:s23] =	ssyncset.done $0x0  }
0x46: {  	[sflag:s23] =	ssyncadd.s32 $0xFFFFFF80  }
0x47: {  	_ =	swait.ge [sflag:s23], $0x80  }
0x48: {  	[sflag:s23] =	ssyncset.done $0x0  }
0x49: {  	[sflag:s23] =	ssyncadd.s32 $0xFFFFFF80  }
0x4a: {  	_ =	swait.ge [sflag:s23], $0x80  }
0x4b: {  	[sflag:s23] =	ssyncset.done $0x0  }
0x4c: {  	[sflag:s23] =	ssyncadd.s32 $0xFFFFFF80  }
0x4d: {  	_ =	swait.ge [sflag:s23], $0x80  }
0x4e: {  	[sflag:s23] =	ssyncset.done $0x0  }
0x4f: {  	[sflag:s23] =	ssyncadd.s32 $0xFFFFFF80  }
0x50: {  	_ =	swait.ge [sflag:s23], $0x80  }
0x51: {  	[sflag:s23] =	ssyncset.done $0x0  }
0x52: {  	[sflag:s23] =	ssyncadd.s32 $0xFFFFFF80  }
0x53: {  	_ =	swait.ge [sflag:s23], $0x80  }
0x54: {  	[sflag:s23] =	ssyncset.done $0x0  }
0x55: {  	[sflag:s23] =	ssyncadd.s32 $0xFFFFFF80  }
0x56: {  	_ =	swait.ge [sflag:s23], $0x80  }
0x57: {  	s26 =	ssub.s32 $0x2, s25;
	[sflag:s23] =	ssyncset.done $0x0  }
0x58: {  	s28 =	sshrl.u32 s26, $0x1;
	[sflag:s23] =	ssyncadd.s32 $0xFFFFFF80  }
0x59: {  	s26 =	ssub.s32 s26, s28;
	_ =	swait.ge [sflag:s23], $0x80  }
0x5a: {  	s25 =	sor.u32 s1, s25;
	s31 =	smax.u32 s26, $0x1;
	[sflag:s23] =	ssyncset.done $0x0  }
0x5b: {  	p0 =	sne.s32 s25, $0x0;
	s29 =	sadd.s32 $0xFFFFFFFF, s31;
	[sflag:s23] =	ssyncadd.s32 $0xFFFFFF80  }
0x5c: {  	s24 =	sadd.s32 $0x6E00, s24;
	p1 =	sne.s32 s29, $0x0;
	_ =	swait.ge [sflag:s23], $0x80  }
.Ltmp0:
0x5d: {  	s28 =	simm.s32 @!p0 $0x800;
	[sflag:s23] =	ssyncset.done $0x0;
	(pc) =	sbr.rel @!p1 .LBB2_2-.Ltmp0, $4  }
0x5e: {  	s25 =	simm.s32 @!p0 $0x2;
	s26 =	simm.s32 @!p0 $0x0;
	[sflag:s23] =	ssyncadd.s32 $0xFFFFFF80  }
0x5f: {  	[hbm4b:s24+s26] =	stream.linear.scatter @!p0 [tilespmem:s28], [sflag:$0x2], $0x8, $0x38;
	[tilespmem:$0x880] =	vst v63  }
0x60: {  	_ =	swait.ge @!p0 [sflag:s25], $0x8  }
0x61: {  	[sflag:s25] =	ssyncset.done @!p0 $0x0  }
.LBB2_1:
0x62: {  	s29 =	sadd.s32 $0xFFFFFFFF, s29;
	[sflag:s25] =	ssyncadd.s32 @!p0 $0xFFFFFFF8  }
0x63: {  	[tilespmem:s3], [sflag:$0x2] =	stream.linear.gather [hbm4b:s4+s3], $0x800, $0x38;
	[tilespmem:$0x880] =	vst v63  }
0x64: {  	p1 =	sne.s32 s29, $0x0;
	_ =	swait.ge [sflag:s5], $0x800  }
0x65: {  	[sflag:s5] =	ssyncset.done $0x0  }
0x66: {  	[sflag:s5] =	ssyncadd.s32 $0xFFFFF800  }
0x67: {  	[tilespmem:s7], [sflag:$0x2] =	stream.linear.gather [hbm4b:s6+s3], $0x80, $0x38;
	[tilespmem:$0x880] =	vst v63  }
0x68: {  	_ =	swait.ge [sflag:s5], $0x80  }
0x69: {  	[sflag:s5] =	ssyncset.done $0x0  }
0x6a: {  	[sflag:s5] =	ssyncadd.s32 $0xFFFFFF80  }
0x6b: {  	[hbm4b:s2+s8] =	stream.indirect.scatter [tilespmem:s7], [sflag:$0x1], $0x1, s3, s8, $0xb8;
	[tilespmem:$0x880] =	vst v63  }
0x6c: {  	_ = 	snop  }
0x6d: {  	[hbm4b:s2+s8] =	stream.indirect.scatter [tilespmem:s7], [sflag:$0x1], $0x1, s8, s8, $0xb8;
	[tilespmem:$0x880] =	vst v63  }
0x6e: {  	_ = 	snop  }
0x6f: {  	[hbm4b:s2+s8] =	stream.indirect.scatter [tilespmem:s7], [sflag:$0x1], $0x1, s9, s8, $0xb8;
	[tilespmem:$0x880] =	vst v63  }
0x70: {  	_ = 	snop  }
0x71: {  	[hbm4b:s2+s8] =	stream.indirect.scatter [tilespmem:s7], [sflag:$0x1], $0x1, s10, s8, $0xb8;
	[tilespmem:$0x880] =	vst v63  }
0x72: {  	_ = 	snop  }
0x73: {  	[hbm4b:s2+s8] =	stream.indirect.scatter [tilespmem:s7], [sflag:$0x1], $0x1, s11, s8, $0xb8;
	[tilespmem:$0x880] =	vst v63  }
0x74: {  	_ = 	snop  }
0x75: {  	[hbm4b:s2+s8] =	stream.indirect.scatter [tilespmem:s7], [sflag:$0x1], $0x1, s12, s8, $0xb8;
	[tilespmem:$0x880] =	vst v63  }
0x76: {  	_ = 	snop  }
0x77: {  	[hbm4b:s2+s8] =	stream.indirect.scatter [tilespmem:s7], [sflag:$0x1], $0x1, s13, s8, $0xb8;
	[tilespmem:$0x880] =	vst v63  }
0x78: {  	_ = 	snop  }
0x79: {  	[hbm4b:s2+s8] =	stream.indirect.scatter [tilespmem:s7], [sflag:$0x1], $0x1, s14, s8, $0xb8;
	[tilespmem:$0x880] =	vst v63  }
0x7a: {  	_ = 	snop  }
0x7b: {  	[hbm4b:s2+s8] =	stream.indirect.scatter [tilespmem:s7], [sflag:$0x1], $0x1, s15, s8, $0xb8;
	[tilespmem:$0x880] =	vst v63  }
0x7c: {  	_ = 	snop  }
0x7d: {  	[hbm4b:s2+s8] =	stream.indirect.scatter [tilespmem:s7], [sflag:$0x1], $0x1, s16, s8, $0xb8;
	[tilespmem:$0x880] =	vst v63  }
0x7e: {  	_ = 	snop  }
0x7f: {  	[hbm4b:s2+s8] =	stream.indirect.scatter [tilespmem:s7], [sflag:$0x1], $0x1, s17, s8, $0xb8;
	[tilespmem:$0x880] =	vst v63  }
0x80: {  	_ = 	snop  }
0x81: {  	[hbm4b:s2+s8] =	stream.indirect.scatter [tilespmem:s7], [sflag:$0x1], $0x1, s18, s8, $0xb8;
	[tilespmem:$0x880] =	vst v63  }
0x82: {  	_ = 	snop  }
0x83: {  	[hbm4b:s2+s8] =	stream.indirect.scatter [tilespmem:s7], [sflag:$0x1], $0x1, s19, s8, $0xb8;
	[tilespmem:$0x880] =	vst v63  }
0x84: {  	_ = 	snop  }
0x85: {  	[hbm4b:s2+s8] =	stream.indirect.scatter [tilespmem:s7], [sflag:$0x1], $0x1, s20, s8, $0xb8;
	[tilespmem:$0x880] =	vst v63  }
0x86: {  	_ = 	snop  }
0x87: {  	[hbm4b:s2+s8] =	stream.indirect.scatter [tilespmem:s7], [sflag:$0x1], $0x1, s21, s8, $0xb8;
	[tilespmem:$0x880] =	vst v63  }
0x88: {  	_ = 	snop  }
0x89: {  	[hbm4b:s2+s8] =	stream.indirect.scatter [tilespmem:s7], [sflag:$0x1], $0x1, s22, s8, $0xb8;
	[tilespmem:$0x880] =	vst v63  }
0x8a: {  	_ =	swait.ge [sflag:s23], $0x80  }
0x8b: {  	[sflag:s23] =	ssyncset.done $0x0  }
0x8c: {  	[sflag:s23] =	ssyncadd.s32 $0xFFFFFF80  }
0x8d: {  	_ =	swait.ge [sflag:s23], $0x80  }
0x8e: {  	[sflag:s23] =	ssyncset.done $0x0  }
0x8f: {  	[sflag:s23] =	ssyncadd.s32 $0xFFFFFF80  }
0x90: {  	_ =	swait.ge [sflag:s23], $0x80  }
0x91: {  	[sflag:s23] =	ssyncset.done $0x0  }
0x92: {  	[sflag:s23] =	ssyncadd.s32 $0xFFFFFF80  }
0x93: {  	_ =	swait.ge [sflag:s23], $0x80  }
0x94: {  	[sflag:s23] =	ssyncset.done $0x0  }
0x95: {  	[sflag:s23] =	ssyncadd.s32 $0xFFFFFF80  }
0x96: {  	_ =	swait.ge [sflag:s23], $0x80  }
0x97: {  	[sflag:s23] =	ssyncset.done $0x0  }
0x98: {  	[sflag:s23] =	ssyncadd.s32 $0xFFFFFF80  }
0x99: {  	_ =	swait.ge [sflag:s23], $0x80  }
0x9a: {  	[sflag:s23] =	ssyncset.done $0x0  }
0x9b: {  	[sflag:s23] =	ssyncadd.s32 $0xFFFFFF80  }
0x9c: {  	_ =	swait.ge [sflag:s23], $0x80  }
0x9d: {  	[sflag:s23] =	ssyncset.done $0x0  }
0x9e: {  	[sflag:s23] =	ssyncadd.s32 $0xFFFFFF80  }
0x9f: {  	_ =	swait.ge [sflag:s23], $0x80  }
0xa0: {  	[sflag:s23] =	ssyncset.done $0x0  }
0xa1: {  	[sflag:s23] =	ssyncadd.s32 $0xFFFFFF80  }
0xa2: {  	_ =	swait.ge [sflag:s23], $0x80  }
0xa3: {  	[sflag:s23] =	ssyncset.done $0x0  }
0xa4: {  	[sflag:s23] =	ssyncadd.s32 $0xFFFFFF80  }
0xa5: {  	_ =	swait.ge [sflag:s23], $0x80  }
0xa6: {  	[sflag:s23] =	ssyncset.done $0x0  }
0xa7: {  	[sflag:s23] =	ssyncadd.s32 $0xFFFFFF80  }
0xa8: {  	_ =	swait.ge [sflag:s23], $0x80  }
0xa9: {  	[sflag:s23] =	ssyncset.done $0x0  }
0xaa: {  	[sflag:s23] =	ssyncadd.s32 $0xFFFFFF80  }
0xab: {  	_ =	swait.ge [sflag:s23], $0x80  }
0xac: {  	[sflag:s23] =	ssyncset.done $0x0  }
0xad: {  	[sflag:s23] =	ssyncadd.s32 $0xFFFFFF80  }
0xae: {  	_ =	swait.ge [sflag:s23], $0x80  }
0xaf: {  	[sflag:s23] =	ssyncset.done $0x0  }
0xb0: {  	[sflag:s23] =	ssyncadd.s32 $0xFFFFFF80  }
0xb1: {  	_ =	swait.ge [sflag:s23], $0x80  }
0xb2: {  	[sflag:s23] =	ssyncset.done $0x0  }
0xb3: {  	[sflag:s23] =	ssyncadd.s32 $0xFFFFFF80  }
0xb4: {  	_ =	swait.ge [sflag:s23], $0x80  }
0xb5: {  	[sflag:s23] =	ssyncset.done $0x0  }
0xb6: {  	[sflag:s23] =	ssyncadd.s32 $0xFFFFFF80  }
0xb7: {  	_ =	swait.ge [sflag:s23], $0x80  }
.Ltmp1:
0xb8: {  	[sflag:s23] =	ssyncset.done $0x0;
	(pc) =	sbr.rel @p1 .LBB2_1-.Ltmp1, $4  }
0xb9: {  	[sflag:s23] =	ssyncadd.s32 $0xFFFFFF80  }
0xba: {  	[hbm4b:s24+s26] =	stream.linear.scatter @!p0 [tilespmem:s28], [sflag:$0x2], $0x8, $0x38;
	[tilespmem:$0x880] =	vst v63  }
0xbb: {  	_ =	swait.ge @!p0 [sflag:s25], $0x8  }
0xbc: {  	[sflag:s25] =	ssyncset.done @!p0 $0x0  }
.LBB2_2:
0xbd: {  	[sflag:s25] =	ssyncadd.s32 @!p0 $0xFFFFFFF8  }
0xbe: {  	_ =	sfence.sel $0x180000  }
0xbf: {  	[bflag:$0x0] =	sbarrier.arrive $0xFFFF  }
0xc0: {  	p0 =	sne.s32 s1, $0x0;
	_ =	strace $0x9000004A  }
0xc1: {  	s0 =	sadd.s32 @!p0 $0x100000, s0;
	[bflag:$0x2] =	sbarrier.arrive $0xFFFF  }
0xc2: {  	[sflag:s0] =	ssyncadd.tile.s32 @!p0 $0x1;
	_ =	shalt  }
.Lfunc_end2:
_tile_overlayer_lowered:
.L_overlay_start_2:
0xc3: {  	(tag) =	ssettag $0x2  }
0xc4: {  	s0 =	rddreg [dreg:$0x0];
	s2 =	stileid.u32  }
0xc5: {  	s1 =	rddreg [dreg:$0x1];
	p0 =	sne.s32 s2, $0x0  }
0xc6: {  	s3 =	rddreg [dreg:$0x2];
	[bflag:$0x3] =	sbarrier.arrive $0xFFFF;
	s2 =	simm.s32 @!p0 $0x1C02  }
0xc7: {  	[timem:s3], [sflag:s2] =	dma.local @!p0 [hbm:s0], s1  }
0xc8: {  	s0 =	simm.s32 @!p0 $0x2  }
0xc9: {  	_ =	swait.ge @!p0 [sflag:s0], s1  }
0xca: {  	s1 =	ssub.s32 @!p0 $0x0, s1;
	[sflag:s0] =	ssyncset.done @!p0 $0x0  }
0xcb: {  	[sflag:s0] =	ssyncadd.s32 @!p0 s1  }
0xcc: {  	[bflag:$0x3] =	sbarrier.arrive $0xFFFF  }
0xcd: {  	_ =	shalt  }

</sc_bundles>
